<compile_context>
chip_gen: v7x
topology: tpu7x:2x2x1
jax: 0.10.2.dev20260603
libtpu: 0.0.44.dev20260713+nightly
codegen_flags: <defaults>
</compile_context>

<pallas_src>
import functools
import numpy as np
import jax
import jax.numpy as jnp
from jax import lax
from jax.experimental import pallas as pl
from jax.experimental.pallas import tpu as pltpu, tpu_sc as plsc

NIN = 1024
NOUT = 1024
DEPTH = 10
SPLIT = 8
NSH = 2 ** SPLIT
BLK = 1024

_n = np.arange(NSH)
_d = np.where(_n < NSH - 1, np.floor(np.log2(_n + 1)).astype(np.int64), 0).astype(np.int32)
_SH_np = np.where(_n < NSH - 1, DEPTH - _d, 0).astype(np.int32)
_R_np = np.where(_n < NSH - 1, _n + 1 - (1 << _d), -1).astype(np.int32)
_E_np = np.zeros((16, NSH), np.float32)
_E_np[_d[:NSH - 1], _n[:NSH - 1]] = 1.0


def _tc_body(x_ref, w_ref, e_ref, sh_ref, r_ref, ytab_ref, o_ref, wo_ref, io_ref):
    xb = x_ref[...]
    lam = jnp.dot(xb, w_ref[...], preferred_element_type=jnp.float32)
    bits = (lam > 0).astype(jnp.int32)
    col = lax.broadcasted_iota(jnp.int32, (1, 16), 1)
    pw = jnp.where(col < DEPTH, lax.shift_right_logical(512, col), 0)
    p = jnp.sum(bits * pw, axis=1, keepdims=True)
    lsel = jnp.dot(lam, e_ref[...], preferred_element_type=jnp.float32)
    t = lax.shift_right_logical(p, sh_ref[...])
    S = jnp.where(t == r_ref[...], lsel, 0.0).astype(jnp.bfloat16)
    o_ref[...] = jnp.dot(S, ytab_ref[...], preferred_element_type=jnp.float32)
    col32 = lax.broadcasted_iota(jnp.int32, (1, 32), 1)
    wo_ref[...] = jnp.where(col32 < 16, lam[:, 8:9], lam[:, 9:10])
    idx8 = lax.shift_right_logical(p, 2) + 255
    idx9 = lax.shift_right_logical(p, 1) + 511
    col2 = lax.broadcasted_iota(jnp.int32, (1, 2), 1)
    io_ref[...] = jnp.where(col2 == 0, idx8, idx9)


def _tc_call(x2, wT, ytab_s, nb):
    e = jnp.asarray(_E_np)
    sh = jnp.asarray(_SH_np).reshape(1, NSH)
    r = jnp.asarray(_R_np).reshape(1, NSH)
    return pl.pallas_call(
        _tc_body,
        grid=(nb // BLK,),
        in_specs=[
            pl.BlockSpec((BLK, NIN), lambda i: (i, 0)),
            pl.BlockSpec((NIN, 16), lambda i: (0, 0)),
            pl.BlockSpec((16, NSH), lambda i: (0, 0)),
            pl.BlockSpec((1, NSH), lambda i: (0, 0)),
            pl.BlockSpec((1, NSH), lambda i: (0, 0)),
            pl.BlockSpec((NSH, NOUT), lambda i: (0, 0)),
        ],
        out_specs=[
            pl.BlockSpec((BLK, NOUT), lambda i: (i, 0)),
            pl.BlockSpec((BLK, 32), lambda i: (i, 0)),
            pl.BlockSpec((BLK, 2), lambda i: (i, 0)),
        ],
        out_shape=[
            jax.ShapeDtypeStruct((nb, NOUT), jnp.float32),
            jax.ShapeDtypeStruct((nb, 32), jnp.float32),
            jax.ShapeDtypeStruct((nb, 2), jnp.int32),
        ],
    )(x2, wT, e, sh, r, ytab_s)


_NW = 32
_TPW = 256
_CH = 16


_NCHUNK = _TPW // _CH


def _sc_body(ys_hbm, w_hbm, idx_hbm, ytab_hbm, out_hbm,
             w_v, idx_v, idxc0, idxc1, rows0, rows1, acc0, acc1,
             semg0, semg1, sema0, sema1, semo0, semo1):
    wid = lax.axis_index("s") * 2 + lax.axis_index("c")
    base = wid * _TPW
    pltpu.sync_copy(w_hbm.at[pl.ds(base * 32, _TPW * 32)], w_v)
    pltpu.sync_copy(idx_hbm.at[pl.ds(base * 2, _TPW * 2)], idx_v)

    idxc = (idxc0, idxc1)
    rows = (rows0, rows1)
    acc = (acc0, acc1)
    semg = (semg0, semg1)
    sema = (sema0, sema1)
    semo = (semo0, semo1)

    def issue(c, b):
        idxc[b][pl.ds(0, 16)] = idx_v[pl.ds(c * 32, 16)]
        idxc[b][pl.ds(16, 16)] = idx_v[pl.ds(c * 32 + 16, 16)]
        pltpu.async_copy(ytab_hbm.at[idxc[b]], rows[b], semg[b])
        pltpu.async_copy(ys_hbm.at[pl.ds(base + c * _CH, _CH)], acc[b], sema[b])

    def wait_in(c, b):
        pltpu.make_async_copy(ytab_hbm.at[idxc[b]], rows[b], semg[b]).wait()
        pltpu.make_async_copy(ys_hbm.at[pl.ds(base + c * _CH, _CH)], acc[b],
                              sema[b]).wait()

    def wait_out(c, b):
        pltpu.make_async_copy(acc[b], out_hbm.at[pl.ds(base + c * _CH, _CH)],
                              semo[b]).wait()

    def combine(c, b):
        def token(t, carry2):
            w8 = w_v[pl.ds((c * _CH + t) * 32, 16)]
            w9 = w_v[pl.ds((c * _CH + t) * 32 + 16, 16)]
            for g in range(NOUT // 16 // 16):
                vals = []
                for k in range(16):
                    sl = pl.ds((g * 16 + k) * 16, 16)
                    vals.append(w8 * rows[b][2 * t, sl]
                                + w9 * rows[b][2 * t + 1, sl])
                for k in range(16):
                    sl = pl.ds((g * 16 + k) * 16, 16)
                    plsc.addupdate(acc[b].at[t, sl], vals[k])
            return carry2

        lax.fori_loop(0, _CH, token, 0)
        pltpu.async_copy(acc[b], out_hbm.at[pl.ds(base + c * _CH, _CH)], semo[b])

    issue(0, 0)

    def pair(c2, carry):
        c = 2 * c2
        @pl.when(c2 > 0)
        def _():
            wait_out(c - 1, 1)
        issue(c + 1, 1)
        wait_in(c, 0)
        combine(c, 0)
        @pl.when(c2 < _NCHUNK // 2 - 1)
        def _():
            wait_out(c, 0)
            issue(c + 2, 0)
        wait_in(c + 1, 1)
        combine(c + 1, 1)
        return carry

    lax.fori_loop(0, _NCHUNK // 2, pair, 0)
    wait_out(_NCHUNK - 2, 0)
    wait_out(_NCHUNK - 1, 1)


def kernel(x, W_sel, Y):
    orig_shape = x.shape
    x2 = x.reshape(-1, NIN) if x.ndim == 3 else x
    nb = x2.shape[0]
    wT = jnp.zeros((NIN, 16), jnp.float32).at[:, :DEPTH].set(W_sel.T)
    ytab_s = jnp.concatenate([Y[:NSH - 1], jnp.zeros((1, NOUT), Y.dtype)],
                             axis=0).astype(jnp.bfloat16)

    y_shallow, w_bcast, idx_pair = _tc_call(x2, wT, ytab_s, nb)

    mesh = plsc.VectorSubcoreMesh(core_axis_name="c", subcore_axis_name="s")
    sc = functools.partial(
        pl.kernel,
        out_type=jax.ShapeDtypeStruct((nb, NOUT), jnp.float32),
        mesh=mesh,
        scratch_types=[
            pltpu.VMEM((_TPW * 32,), jnp.float32),
            pltpu.VMEM((_TPW * 2,), jnp.int32),
            pltpu.VMEM((2 * _CH,), jnp.int32),
            pltpu.VMEM((2 * _CH,), jnp.int32),
            pltpu.VMEM((2 * _CH, NOUT), jnp.float32),
            pltpu.VMEM((2 * _CH, NOUT), jnp.float32),
            pltpu.VMEM((_CH, NOUT), jnp.float32),
            pltpu.VMEM((_CH, NOUT), jnp.float32),
            pltpu.SemaphoreType.DMA,
            pltpu.SemaphoreType.DMA,
            pltpu.SemaphoreType.DMA,
            pltpu.SemaphoreType.DMA,
            pltpu.SemaphoreType.DMA,
            pltpu.SemaphoreType.DMA,
        ],
    )(_sc_body)
    y = sc(y_shallow, w_bcast.reshape(-1), idx_pair.reshape(-1), Y)

    if orig_shape[1] != NIN:
        y = y.reshape(orig_shape[0], orig_shape[1], NOUT)
    return y

# --- scband reference (transcript-rebuilt; emitter-appended) ---
"""Pipeline reference for scband-fff-v2-17222818857440 (READ-ONLY COPY).

The authoritative reference and input builder live on the scoring server;
editing this copy changes nothing except your own understanding.
"""

import jax, jax.numpy as jnp
import numpy as np

NIN = 1024
NOUT = 1024
DEPTH = int(np.floor(np.log2(NIN)))  # 10
NNODES = 2 ** DEPTH - 1  # 1023


def setup_inputs(seed: int = 0) -> dict:
    key = jax.random.key(seed)
    k1, k2, k3 = jax.random.split(key, 3)
    x = jax.random.normal(k1, (4, 2048, NIN), dtype=jnp.float32)
    # torch Linear(nIn, depth, bias=False) weight has shape [depth, nIn]
    W_sel = jax.random.normal(k2, (DEPTH, NIN), dtype=jnp.float32) * (1.0 / np.sqrt(NIN))
    Y = jax.random.normal(k3, (NNODES, NOUT), dtype=jnp.float32)
    Y = Y / jnp.linalg.norm(Y, axis=-1, keepdims=True)
    return {"x": x, "W_sel": W_sel, "Y": Y}


def reference(x, W_sel, Y):
    orig_shape = x.shape
    if x.ndim == 3:
        x2 = x.reshape(-1, NIN)
    else:
        x2 = x
    lam = x2 @ W_sel.T  # [B, depth]
    branch = (lam > 0).astype(jnp.int32)  # [B, depth]
    nb = lam.shape[0]
    cur = jnp.zeros((nb,), dtype=jnp.int32)
    idx_cols = []
    for i in range(DEPTH):
        idx_cols.append(cur)
        cur = cur * 2 + 1 + branch[:, i]
    indices = jnp.stack(idx_cols, axis=1)  # [B, depth] int32, values < NNODES
    Ysel = jnp.take(Y, indices, axis=0)  # [B, depth, nOut] gather
    y = jnp.einsum('bi,bij->bj', lam, Ysel)  # [B, nOut]
    if orig_shape[1] != NIN:
        y = y.reshape(orig_shape[0], orig_shape[1], NOUT)
    return y

if __name__ == "__main__":
    import jax
    _d = setup_inputs()
    print(jax.jit(kernel)(*tuple(_d.values())))

</pallas_src>

<mosaic_0001>
#map = affine_map<(d0, d1) -> (0, 0)>
#map1 = affine_map<(d0, d1) -> (0)>
module attributes {stable_mosaic.version = 14 : i64} {
  func.func @_sc_body(%arg0: i32, %arg1: i32, %arg2: memref<8192x1024xf32, #tpu.memory_space<hbm>>, %arg3: memref<262144xf32, #tpu.memory_space<hbm>>, %arg4: memref<16384xi32, #tpu.memory_space<hbm>>, %arg5: memref<1023x1024xf32, #tpu.memory_space<hbm>>, %arg6: memref<8192x1024xf32, #tpu.memory_space<hbm>>, %arg7: memref<8192xf32, #tpu.memory_space<vmem>>, %arg8: memref<512xi32, #tpu.memory_space<vmem>>, %arg9: memref<32xi32, #tpu.memory_space<vmem>>, %arg10: memref<32xi32, #tpu.memory_space<vmem>>, %arg11: memref<32x1024xf32, #tpu.memory_space<vmem>>, %arg12: memref<32x1024xf32, #tpu.memory_space<vmem>>, %arg13: memref<16x1024xf32, #tpu.memory_space<vmem>>, %arg14: memref<16x1024xf32, #tpu.memory_space<vmem>>, %arg15: memref<!tpu.dma_semaphore, #tpu.memory_space<semaphore_mem>>, %arg16: memref<!tpu.dma_semaphore, #tpu.memory_space<semaphore_mem>>, %arg17: memref<!tpu.dma_semaphore, #tpu.memory_space<semaphore_mem>>, %arg18: memref<!tpu.dma_semaphore, #tpu.memory_space<semaphore_mem>>, %arg19: memref<!tpu.dma_semaphore, #tpu.memory_space<semaphore_mem>>, %arg20: memref<!tpu.dma_semaphore, #tpu.memory_space<semaphore_mem>>) attributes {dimension_semantics = [#tpu.dimension_semantics<core_parallel>, #tpu.dimension_semantics<subcore_parallel>], iteration_bounds = array<i64: 2, 16>, scalar_prefetch = 0 : i64, scratch_operands = 14 : i64, tpu.core_type = #tpu.core_type<sc_vector_subcore>, window_params = [{transform_indices = #map}, {transform_indices = #map1}, {transform_indices = #map1}, {transform_indices = #map}, {transform_indices = #map}]} {
    %mul3A = arith.constant 2 : i32
    %mul3A_0 = arith.muli %arg1, %mul3A : i32
    %add3A = arith.addi %mul3A_0, %arg0 : i32
    %mul3A_1 = arith.constant 256 : i32
    %mul3A_2 = arith.muli %add3A, %mul3A_1 : i32
    %mul3A_3 = arith.constant 32 : i32
    %mul3A_4 = arith.muli %mul3A_2, %mul3A_3 : i32
    "tpu.region"() ({
      %run_scoped3A = tpu.sem_alloc : memref<!tpu.dma_semaphore, #tpu.memory_space<semaphore_mem>>
      %dma_start3A_43 = tpu.memref_slice %arg3[%mul3A_4] : memref<262144xf32, #tpu.memory_space<hbm>> -> memref<8192xf32, #tpu.memory_space<hbm>>
      %dma_start3A_44 = tpu.memref_slice %arg3[%mul3A_4] : memref<262144xf32, #tpu.memory_space<hbm>> -> memref<8192xf32, #tpu.memory_space<hbm>>
      tpu.enqueue_dma source(%dma_start3A_44 : memref<8192xf32, #tpu.memory_space<hbm>>) target(%arg7 : memref<8192xf32, #tpu.memory_space<vmem>>) target_semaphore(%run_scoped3A : memref<!tpu.dma_semaphore, #tpu.memory_space<semaphore_mem>>)
      %dma_wait3A_45 = tpu.memref_slice %arg3[%mul3A_4] : memref<262144xf32, #tpu.memory_space<hbm>> -> memref<8192xf32, #tpu.memory_space<hbm>>
      %dma_wait3A_46 = tpu.memref_slice %arg3[%mul3A_4] : memref<262144xf32, #tpu.memory_space<hbm>> -> memref<8192xf32, #tpu.memory_space<hbm>>
      tpu.wait_dma2 semaphore(%run_scoped3A : memref<!tpu.dma_semaphore, #tpu.memory_space<semaphore_mem>>) src(%dma_wait3A_46 : memref<8192xf32, #tpu.memory_space<hbm>>) dst(%arg7 : memref<8192xf32, #tpu.memory_space<vmem>>)
      tpu.yield
    }) : () -> ()
    %mul3A_5 = arith.constant 2 : i32
    %mul3A_6 = arith.muli %mul3A_2, %mul3A_5 : i32
    "tpu.region"() ({
      %run_scoped3A = tpu.sem_alloc : memref<!tpu.dma_semaphore, #tpu.memory_space<semaphore_mem>>
      %dma_start3A_43 = tpu.memref_slice %arg4[%mul3A_6] : memref<16384xi32, #tpu.memory_space<hbm>> -> memref<512xi32, #tpu.memory_space<hbm>>
      %dma_start3A_44 = tpu.memref_slice %arg4[%mul3A_6] : memref<16384xi32, #tpu.memory_space<hbm>> -> memref<512xi32, #tpu.memory_space<hbm>>
      tpu.enqueue_dma source(%dma_start3A_44 : memref<512xi32, #tpu.memory_space<hbm>>) target(%arg8 : memref<512xi32, #tpu.memory_space<vmem>>) target_semaphore(%run_scoped3A : memref<!tpu.dma_semaphore, #tpu.memory_space<semaphore_mem>>)
      %dma_wait3A_45 = tpu.memref_slice %arg4[%mul3A_6] : memref<16384xi32, #tpu.memory_space<hbm>> -> memref<512xi32, #tpu.memory_space<hbm>>
      %dma_wait3A_46 = tpu.memref_slice %arg4[%mul3A_6] : memref<16384xi32, #tpu.memory_space<hbm>> -> memref<512xi32, #tpu.memory_space<hbm>>
      tpu.wait_dma2 semaphore(%run_scoped3A : memref<!tpu.dma_semaphore, #tpu.memory_space<semaphore_mem>>) src(%dma_wait3A_46 : memref<512xi32, #tpu.memory_space<hbm>>) dst(%arg8 : memref<512xi32, #tpu.memory_space<vmem>>)
      tpu.yield
    }) : () -> ()
    %get3A = arith.constant 0 : index
    %get3A_7 = tpu.vector_load %arg8[%get3A] {strides = array<i32>} : memref<512xi32, #tpu.memory_space<vmem>>, vector<16xi32>,
    %get3A_8 = vector.shape_cast %get3A_7 : vector<16xi32> to vector<16xi32>
    %swap3A = arith.constant 0 : index
    %swap3A_9 = tpu.vector_load %arg9[%swap3A] {strides = array<i32>} : memref<32xi32, #tpu.memory_space<vmem>>, vector<16xi32>,
    %swap3A_10 = vector.shape_cast %swap3A_9 : vector<16xi32> to vector<16xi32>
    %swap3A_11 = vector.shape_cast %get3A_8 : vector<16xi32> to vector<16xi32>
    tpu.vector_store %arg9[%swap3A], %swap3A_11 {strides = array<i32>} : memref<32xi32, #tpu.memory_space<vmem>>, vector<16xi32>,
    %get3A_12 = arith.constant 16 : index
    %get3A_13 = tpu.vector_load %arg8[%get3A_12] {strides = array<i32>} : memref<512xi32, #tpu.memory_space<vmem>>, vector<16xi32>,
    %get3A_14 = vector.shape_cast %get3A_13 : vector<16xi32> to vector<16xi32>
    %swap3A_15 = arith.constant 16 : index
    %swap3A_16 = tpu.vector_load %arg9[%swap3A_15] {strides = array<i32>} : memref<32xi32, #tpu.memory_space<vmem>>, vector<16xi32>,
    %swap3A_17 = vector.shape_cast %swap3A_16 : vector<16xi32> to vector<16xi32>
    %swap3A_18 = vector.shape_cast %get3A_14 : vector<16xi32> to vector<16xi32>
    tpu.vector_store %arg9[%swap3A_15], %swap3A_18 {strides = array<i32>} : memref<32xi32, #tpu.memory_space<vmem>>, vector<16xi32>,
    %dma_start3A = arith.constant 0 : i32
    %dma_start3A_19 = arith.constant 0 : i32
    %dma_start3A_20 = tpu.memref_slice %arg5[%dma_start3A, %dma_start3A_19] : memref<1023x1024xf32, #tpu.memory_space<hbm>> -> memref<1023x1024xf32, #tpu.memory_space<hbm>>
    tpu.enqueue_indirect_dma source(%dma_start3A_20 : memref<1023x1024xf32, #tpu.memory_space<hbm>>) target(%arg11 : memref<32x1024xf32, #tpu.memory_space<vmem>>) offsets(%arg9 : memref<32xi32, #tpu.memory_space<vmem>>) semaphore(%arg15 : memref<!tpu.dma_semaphore, #tpu.memory_space<semaphore_mem>>)
    %add3A_21 = arith.constant 0 : i32
    %add3A_22 = arith.addi %mul3A_2, %add3A_21 : i32
    %dma_start3A_23 = arith.constant 0 : i32
    %dma_start3A_24 = tpu.memref_slice %arg2[%add3A_22, %dma_start3A_23] : memref<8192x1024xf32, #tpu.memory_space<hbm>> -> memref<16x1024xf32, #tpu.memory_space<hbm>>
    %dma_start3A_25 = arith.constant 0 : i32
    %dma_start3A_26 = tpu.memref_slice %arg2[%add3A_22, %dma_start3A_25] : memref<8192x1024xf32, #tpu.memory_space<hbm>> -> memref<16x1024xf32, #tpu.memory_space<hbm>>
    tpu.enqueue_dma source(%dma_start3A_26 : memref<16x1024xf32, #tpu.memory_space<hbm>>) target(%arg13 : memref<16x1024xf32, #tpu.memory_space<vmem>>) target_semaphore(%arg17 : memref<!tpu.dma_semaphore, #tpu.memory_space<semaphore_mem>>)
    %scan3A = arith.constant 0 : i32
    %scan3A_27 = arith.constant 0 : i32
    %scan3A_28 = arith.constant 8 : i32
    %scan3A_29 = arith.addi %scan3A_27, %scan3A_28 : i32
    %scan3A_30 = arith.constant 1 : i32
    scf.for %scan3A_43 = %scan3A_27 to %scan3A_29 step %scan3A_30  : i32 {
      %mul3A_44 = arith.constant 2 : i32
      %mul3A_45 = arith.muli %mul3A_44, %scan3A_43 : i32
      %gt3A = arith.constant 0 : i32
      %gt3A_46 = arith.cmpi sgt, %scan3A_43, %gt3A : i32
      %convert_element_type3A = arith.extui %gt3A_46 : i1 to i32
      %cond3A = arith.constant 0 : i32
      %cond3A_47 = arith.cmpi ne, %convert_element_type3A, %cond3A : i32
      scf.if %cond3A_47 {
        %sub3A = arith.constant 1 : i32
        %sub3A_134 = arith.subi %mul3A_45, %sub3A : i32
        %mul3A_135 = arith.constant 16 : i32
        %mul3A_136 = arith.muli %sub3A_134, %mul3A_135 : i32
        %add3A_137 = arith.addi %mul3A_2, %mul3A_136 : i32
        %dma_wait3A_138 = arith.constant 0 : i32
        %dma_wait3A_139 = tpu.memref_slice %arg6[%add3A_137, %dma_wait3A_138] : memref<8192x1024xf32, #tpu.memory_space<hbm>> -> memref<16x1024xf32, #tpu.memory_space<hbm>>
        %dma_wait3A_140 = arith.constant 0 : i32
        %dma_wait3A_141 = tpu.memref_slice %arg6[%add3A_137, %dma_wait3A_140] : memref<8192x1024xf32, #tpu.memory_space<hbm>> -> memref<16x1024xf32, #tpu.memory_space<hbm>>
        tpu.wait_dma2 semaphore(%arg20 : memref<!tpu.dma_semaphore, #tpu.memory_space<semaphore_mem>>) src(%arg14 : memref<16x1024xf32, #tpu.memory_space<vmem>>) dst(%dma_wait3A_141 : memref<16x1024xf32, #tpu.memory_space<hbm>>)
      } else {
      }
      %add3A_48 = arith.constant 1 : i32
      %add3A_49 = arith.addi %mul3A_45, %add3A_48 : i32
      %mul3A_50 = arith.constant 32 : i32
      %mul3A_51 = arith.muli %add3A_49, %mul3A_50 : i32
      %get3A_52 = arith.index_cast %mul3A_51 : i32 to index
      %get3A_53 = tpu.vector_load %arg8[%get3A_52] {strides = array<i32>} : memref<512xi32, #tpu.memory_space<vmem>>, vector<16xi32>,
      %get3A_54 = vector.shape_cast %get3A_53 : vector<16xi32> to vector<16xi32>
      %swap3A_55 = arith.constant 0 : index
      %swap3A_56 = tpu.vector_load %arg10[%swap3A_55] {strides = array<i32>} : memref<32xi32, #tpu.memory_space<vmem>>, vector<16xi32>,
      %swap3A_57 = vector.shape_cast %swap3A_56 : vector<16xi32> to vector<16xi32>
      %swap3A_58 = vector.shape_cast %get3A_54 : vector<16xi32> to vector<16xi32>
      tpu.vector_store %arg10[%swap3A_55], %swap3A_58 {strides = array<i32>} : memref<32xi32, #tpu.memory_space<vmem>>, vector<16xi32>,
      %mul3A_59 = arith.constant 32 : i32
      %mul3A_60 = arith.muli %add3A_49, %mul3A_59 : i32
      %add3A_61 = arith.constant 16 : i32
      %add3A_62 = arith.addi %mul3A_60, %add3A_61 : i32
      %get3A_63 = arith.index_cast %add3A_62 : i32 to index
      %get3A_64 = tpu.vector_load %arg8[%get3A_63] {strides = array<i32>} : memref<512xi32, #tpu.memory_space<vmem>>, vector<16xi32>,
      %get3A_65 = vector.shape_cast %get3A_64 : vector<16xi32> to vector<16xi32>
      %swap3A_66 = arith.constant 16 : index
      %swap3A_67 = tpu.vector_load %arg10[%swap3A_66] {strides = array<i32>} : memref<32xi32, #tpu.memory_space<vmem>>, vector<16xi32>,
      %swap3A_68 = vector.shape_cast %swap3A_67 : vector<16xi32> to vector<16xi32>
      %swap3A_69 = vector.shape_cast %get3A_65 : vector<16xi32> to vector<16xi32>
      tpu.vector_store %arg10[%swap3A_66], %swap3A_69 {strides = array<i32>} : memref<32xi32, #tpu.memory_space<vmem>>, vector<16xi32>,
      %dma_start3A_70 = arith.constant 0 : i32
      %dma_start3A_71 = arith.constant 0 : i32
      %dma_start3A_72 = tpu.memref_slice %arg5[%dma_start3A_70, %dma_start3A_71] : memref<1023x1024xf32, #tpu.memory_space<hbm>> -> memref<1023x1024xf32, #tpu.memory_space<hbm>>
      tpu.enqueue_indirect_dma source(%dma_start3A_72 : memref<1023x1024xf32, #tpu.memory_space<hbm>>) target(%arg12 : memref<32x1024xf32, #tpu.memory_space<vmem>>) offsets(%arg10 : memref<32xi32, #tpu.memory_space<vmem>>) semaphore(%arg16 : memref<!tpu.dma_semaphore, #tpu.memory_space<semaphore_mem>>)
      %mul3A_73 = arith.constant 16 : i32
      %mul3A_74 = arith.muli %add3A_49, %mul3A_73 : i32
      %add3A_75 = arith.addi %mul3A_2, %mul3A_74 : i32
      %dma_start3A_76 = arith.constant 0 : i32
      %dma_start3A_77 = tpu.memref_slice %arg2[%add3A_75, %dma_start3A_76] : memref<8192x1024xf32, #tpu.memory_space<hbm>> -> memref<16x1024xf32, #tpu.memory_space<hbm>>
      %dma_start3A_78 = arith.constant 0 : i32
      %dma_start3A_79 = tpu.memref_slice %arg2[%add3A_75, %dma_start3A_78] : memref<8192x1024xf32, #tpu.memory_space<hbm>> -> memref<16x1024xf32, #tpu.memory_space<hbm>>
      tpu.enqueue_dma source(%dma_start3A_79 : memref<16x1024xf32, #tpu.memory_space<hbm>>) target(%arg14 : memref<16x1024xf32, #tpu.memory_space<vmem>>) target_semaphore(%arg18 : memref<!tpu.dma_semaphore, #tpu.memory_space<semaphore_mem>>)
      %dma_wait3A_80 = arith.constant 0 : i32
      %dma_wait3A_81 = arith.constant 0 : i32
      %dma_wait3A_82 = tpu.memref_slice %arg5[%dma_wait3A_80, %dma_wait3A_81] : memref<1023x1024xf32, #tpu.memory_space<hbm>> -> memref<1023x1024xf32, #tpu.memory_space<hbm>>
      tpu.wait_indirect_dma semaphore(%arg15 : memref<!tpu.dma_semaphore, #tpu.memory_space<semaphore_mem>>) src(%dma_wait3A_82 : memref<1023x1024xf32, #tpu.memory_space<hbm>>) dst(%arg11 : memref<32x1024xf32, #tpu.memory_space<vmem>>)
      %mul3A_83 = arith.constant 16 : i32
      %mul3A_84 = arith.muli %mul3A_45, %mul3A_83 : i32
      %add3A_85 = arith.addi %mul3A_2, %mul3A_84 : i32
      %dma_wait3A_86 = arith.constant 0 : i32
      %dma_wait3A_87 = tpu.memref_slice %arg2[%add3A_85, %dma_wait3A_86] : memref<8192x1024xf32, #tpu.memory_space<hbm>> -> memref<16x1024xf32, #tpu.memory_space<hbm>>
      %dma_wait3A_88 = arith.constant 0 : i32
      %dma_wait3A_89 = tpu.memref_slice %arg2[%add3A_85, %dma_wait3A_88] : memref<8192x1024xf32, #tpu.memory_space<hbm>> -> memref<16x1024xf32, #tpu.memory_space<hbm>>
      tpu.wait_dma2 semaphore(%arg17 : memref<!tpu.dma_semaphore, #tpu.memory_space<semaphore_mem>>) src(%dma_wait3A_89 : memref<16x1024xf32, #tpu.memory_space<hbm>>) dst(%arg13 : memref<16x1024xf32, #tpu.memory_space<vmem>>)
      %scan3A_90 = arith.constant 0 : i32
      %scan3A_91 = arith.constant 0 : i32
      %scan3A_92 = arith.constant 16 : i32
      %scan3A_93 = arith.addi %scan3A_91, %scan3A_92 : i32
      %scan3A_94 = arith.constant 1 : i32
      scf.for %scan3A_134 = %scan3A_91 to %scan3A_93 step %scan3A_94  : i32 {
        %mul3A_135 = arith.constant 16 : i32
        %mul3A_136 = arith.muli %mul3A_45, %mul3A_135 : i32
        %add3A_137 = arith.addi %mul3A_136, %scan3A_134 : i32
        %mul3A_138 = arith.constant 32 : i32
        %mul3A_139 = arith.muli %add3A_137, %mul3A_138 : i32
        %get3A_140 = arith.index_cast %mul3A_139 : i32 to index
        %get3A_141 = tpu.vector_load %arg7[%get3A_140] {strides = array<i32>} : memref<8192xf32, #tpu.memory_space<vmem>>, vector<16xf32>,
        %get3A_142 = vector.shape_cast %get3A_141 : vector<16xf32> to vector<16xf32>
        %mul3A_143 = arith.constant 16 : i32
        %mul3A_144 = arith.muli %mul3A_45, %mul3A_143 : i32
        %add3A_145 = arith.addi %mul3A_144, %scan3A_134 : i32
        %mul3A_146 = arith.constant 32 : i32
        %mul3A_147 = arith.muli %add3A_145, %mul3A_146 : i32
        %add3A_148 = arith.constant 16 : i32
        %add3A_149 = arith.addi %mul3A_147, %add3A_148 : i32
        %get3A_150 = arith.index_cast %add3A_149 : i32 to index
        %get3A_151 = tpu.vector_load %arg7[%get3A_150] {strides = array<i32>} : memref<8192xf32, #tpu.memory_space<vmem>>, vector<16xf32>,
        %get3A_152 = vector.shape_cast %get3A_151 : vector<16xf32> to vector<16xf32>
        %mul3A_153 = arith.constant 2 : i32
        %mul3A_154 = arith.muli %mul3A_153, %scan3A_134 : i32
        %get3A_155 = arith.index_cast %mul3A_154 : i32 to index
        %get3A_156 = arith.constant 0 : index
        %get3A_157 = tpu.vector_load %arg11[%get3A_155, %get3A_156] {strides = array<i32>} : memref<32x1024xf32, #tpu.memory_space<vmem>>, vector<1x16xf32>,
        %get3A_158 = vector.shape_cast %get3A_157 : vector<1x16xf32> to vector<16xf32>
        %mul3A_159 = arith.mulf %get3A_142, %get3A_158 : vector<16xf32>
        %mul3A_160 = arith.constant 2 : i32
        %mul3A_161 = arith.muli %mul3A_160, %scan3A_134 : i32
        %add3A_162 = arith.constant 1 : i32
        %add3A_163 = arith.addi %mul3A_161, %add3A_162 : i32
        %get3A_164 = arith.index_cast %add3A_163 : i32 to index
        %get3A_165 = arith.constant 0 : index
        %get3A_166 = tpu.vector_load %arg11[%get3A_164, %get3A_165] {strides = array<i32>} : memref<32x1024xf32, #tpu.memory_space<vmem>>, vector<1x16xf32>,
        %get3A_167 = vector.shape_cast %get3A_166 : vector<1x16xf32> to vector<16xf32>
        %mul3A_168 = arith.mulf %get3A_152, %get3A_167 : vector<16xf32>
        %add3A_169 = arith.addf %mul3A_159, %mul3A_168 : vector<16xf32>
        %mul3A_170 = arith.constant 2 : i32
        %mul3A_171 = arith.muli %mul3A_170, %scan3A_134 : i32
        %get3A_172 = arith.index_cast %mul3A_171 : i32 to index
        %get3A_173 = arith.constant 16 : index
        %get3A_174 = tpu.vector_load %arg11[%get3A_172, %get3A_173] {strides = array<i32>} : memref<32x1024xf32, #tpu.memory_space<vmem>>, vector<1x16xf32>,
        %get3A_175 = vector.shape_cast %get3A_174 : vector<1x16xf32> to vector<16xf32>
        %mul3A_176 = arith.mulf %get3A_142, %get3A_175 : vector<16xf32>
        %mul3A_177 = arith.constant 2 : i32
        %mul3A_178 = arith.muli %mul3A_177, %scan3A_134 : i32
        %add3A_179 = arith.constant 1 : i32
        %add3A_180 = arith.addi %mul3A_178, %add3A_179 : i32
        %get3A_181 = arith.index_cast %add3A_180 : i32 to index
        %get3A_182 = arith.constant 16 : index
        %get3A_183 = tpu.vector_load %arg11[%get3A_181, %get3A_182] {strides = array<i32>} : memref<32x1024xf32, #tpu.memory_space<vmem>>, vector<1x16xf32>,
        %get3A_184 = vector.shape_cast %get3A_183 : vector<1x16xf32> to vector<16xf32>
        %mul3A_185 = arith.mulf %get3A_152, %get3A_184 : vector<16xf32>
        %add3A_186 = arith.addf %mul3A_176, %mul3A_185 : vector<16xf32>
        %mul3A_187 = arith.constant 2 : i32
        %mul3A_188 = arith.muli %mul3A_187, %scan3A_134 : i32
        %get3A_189 = arith.index_cast %mul3A_188 : i32 to index
        %get3A_190 = arith.constant 32 : index
        %get3A_191 = tpu.vector_load %arg11[%get3A_189, %get3A_190] {strides = array<i32>} : memref<32x1024xf32, #tpu.memory_space<vmem>>, vector<1x16xf32>,
        %get3A_192 = vector.shape_cast %get3A_191 : vector<1x16xf32> to vector<16xf32>
        %mul3A_193 = arith.mulf %get3A_142, %get3A_192 : vector<16xf32>
        %mul3A_194 = arith.constant 2 : i32
        %mul3A_195 = arith.muli %mul3A_194, %scan3A_134 : i32
        %add3A_196 = arith.constant 1 : i32
        %add3A_197 = arith.addi %mul3A_195, %add3A_196 : i32
        %get3A_198 = arith.index_cast %add3A_197 : i32 to index
        %get3A_199 = arith.constant 32 : index
        %get3A_200 = tpu.vector_load %arg11[%get3A_198, %get3A_199] {strides = array<i32>} : memref<32x1024xf32, #tpu.memory_space<vmem>>, vector<1x16xf32>,
        %get3A_201 = vector.shape_cast %get3A_200 : vector<1x16xf32> to vector<16xf32>
        %mul3A_202 = arith.mulf %get3A_152, %get3A_201 : vector<16xf32>
        %add3A_203 = arith.addf %mul3A_193, %mul3A_202 : vector<16xf32>
        %mul3A_204 = arith.constant 2 : i32
        %mul3A_205 = arith.muli %mul3A_204, %scan3A_134 : i32
        %get3A_206 = arith.index_cast %mul3A_205 : i32 to index
        %get3A_207 = arith.constant 48 : index
        %get3A_208 = tpu.vector_load %arg11[%get3A_206, %get3A_207] {strides = array<i32>} : memref<32x1024xf32, #tpu.memory_space<vmem>>, vector<1x16xf32>,
        %get3A_209 = vector.shape_cast %get3A_208 : vector<1x16xf32> to vector<16xf32>
        %mul3A_210 = arith.mulf %get3A_142, %get3A_209 : vector<16xf32>
        %mul3A_211 = arith.constant 2 : i32
        %mul3A_212 = arith.muli %mul3A_211, %scan3A_134 : i32
        %add3A_213 = arith.constant 1 : i32
        %add3A_214 = arith.addi %mul3A_212, %add3A_213 : i32
        %get3A_215 = arith.index_cast %add3A_214 : i32 to index
        %get3A_216 = arith.constant 48 : index
        %get3A_217 = tpu.vector_load %arg11[%get3A_215, %get3A_216] {strides = array<i32>} : memref<32x1024xf32, #tpu.memory_space<vmem>>, vector<1x16xf32>,
        %get3A_218 = vector.shape_cast %get3A_217 : vector<1x16xf32> to vector<16xf32>
        %mul3A_219 = arith.mulf %get3A_152, %get3A_218 : vector<16xf32>
        %add3A_220 = arith.addf %mul3A_210, %mul3A_219 : vector<16xf32>
        %mul3A_221 = arith.constant 2 : i32
        %mul3A_222 = arith.muli %mul3A_221, %scan3A_134 : i32
        %get3A_223 = arith.index_cast %mul3A_222 : i32 to index
        %get3A_224 = arith.constant 64 : index
        %get3A_225 = tpu.vector_load %arg11[%get3A_223, %get3A_224] {strides = array<i32>} : memref<32x1024xf32, #tpu.memory_space<vmem>>, vector<1x16xf32>,
        %get3A_226 = vector.shape_cast %get3A_225 : vector<1x16xf32> to vector<16xf32>
        %mul3A_227 = arith.mulf %get3A_142, %get3A_226 : vector<16xf32>
        %mul3A_228 = arith.constant 2 : i32
        %mul3A_229 = arith.muli %mul3A_228, %scan3A_134 : i32
        %add3A_230 = arith.constant 1 : i32
        %add3A_231 = arith.addi %mul3A_229, %add3A_230 : i32
        %get3A_232 = arith.index_cast %add3A_231 : i32 to index
        %get3A_233 = arith.constant 64 : index
        %get3A_234 = tpu.vector_load %arg11[%get3A_232, %get3A_233] {strides = array<i32>} : memref<32x1024xf32, #tpu.memory_space<vmem>>, vector<1x16xf32>,
        %get3A_235 = vector.shape_cast %get3A_234 : vector<1x16xf32> to vector<16xf32>
        %mul3A_236 = arith.mulf %get3A_152, %get3A_235 : vector<16xf32>
        %add3A_237 = arith.addf %mul3A_227, %mul3A_236 : vector<16xf32>
        %mul3A_238 = arith.constant 2 : i32
        %mul3A_239 = arith.muli %mul3A_238, %scan3A_134 : i32
        %get3A_240 = arith.index_cast %mul3A_239 : i32 to index
        %get3A_241 = arith.constant 80 : index
        %get3A_242 = tpu.vector_load %arg11[%get3A_240, %get3A_241] {strides = array<i32>} : memref<32x1024xf32, #tpu.memory_space<vmem>>, vector<1x16xf32>,
        %get3A_243 = vector.shape_cast %get3A_242 : vector<1x16xf32> to vector<16xf32>
        %mul3A_244 = arith.mulf %get3A_142, %get3A_243 : vector<16xf32>
        %mul3A_245 = arith.constant 2 : i32
        %mul3A_246 = arith.muli %mul3A_245, %scan3A_134 : i32
        %add3A_247 = arith.constant 1 : i32
        %add3A_248 = arith.addi %mul3A_246, %add3A_247 : i32
        %get3A_249 = arith.index_cast %add3A_248 : i32 to index
        %get3A_250 = arith.constant 80 : index
        %get3A_251 = tpu.vector_load %arg11[%get3A_249, %get3A_250] {strides = array<i32>} : memref<32x1024xf32, #tpu.memory_space<vmem>>, vector<1x16xf32>,
        %get3A_252 = vector.shape_cast %get3A_251 : vector<1x16xf32> to vector<16xf32>
        %mul3A_253 = arith.mulf %get3A_152, %get3A_252 : vector<16xf32>
        %add3A_254 = arith.addf %mul3A_244, %mul3A_253 : vector<16xf32>
        %mul3A_255 = arith.constant 2 : i32
        %mul3A_256 = arith.muli %mul3A_255, %scan3A_134 : i32
        %get3A_257 = arith.index_cast %mul3A_256 : i32 to index
        %get3A_258 = arith.constant 96 : index
        %get3A_259 = tpu.vector_load %arg11[%get3A_257, %get3A_258] {strides = array<i32>} : memref<32x1024xf32, #tpu.memory_space<vmem>>, vector<1x16xf32>,
        %get3A_260 = vector.shape_cast %get3A_259 : vector<1x16xf32> to vector<16xf32>
        %mul3A_261 = arith.mulf %get3A_142, %get3A_260 : vector<16xf32>
        %mul3A_262 = arith.constant 2 : i32
        %mul3A_263 = arith.muli %mul3A_262, %scan3A_134 : i32
        %add3A_264 = arith.constant 1 : i32
        %add3A_265 = arith.addi %mul3A_263, %add3A_264 : i32
        %get3A_266 = arith.index_cast %add3A_265 : i32 to index
        %get3A_267 = arith.constant 96 : index
        %get3A_268 = tpu.vector_load %arg11[%get3A_266, %get3A_267] {strides = array<i32>} : memref<32x1024xf32, #tpu.memory_space<vmem>>, vector<1x16xf32>,
        %get3A_269 = vector.shape_cast %get3A_268 : vector<1x16xf32> to vector<16xf32>
        %mul3A_270 = arith.mulf %get3A_152, %get3A_269 : vector<16xf32>
        %add3A_271 = arith.addf %mul3A_261, %mul3A_270 : vector<16xf32>
        %mul3A_272 = arith.constant 2 : i32
        %mul3A_273 = arith.muli %mul3A_272, %scan3A_134 : i32
        %get3A_274 = arith.index_cast %mul3A_273 : i32 to index
        %get3A_275 = arith.constant 112 : index
        %get3A_276 = tpu.vector_load %arg11[%get3A_274, %get3A_275] {strides = array<i32>} : memref<32x1024xf32, #tpu.memory_space<vmem>>, vector<1x16xf32>,
        %get3A_277 = vector.shape_cast %get3A_276 : vector<1x16xf32> to vector<16xf32>
        %mul3A_278 = arith.mulf %get3A_142, %get3A_277 : vector<16xf32>
        %mul3A_279 = arith.constant 2 : i32
        %mul3A_280 = arith.muli %mul3A_279, %scan3A_134 : i32
        %add3A_281 = arith.constant 1 : i32
        %add3A_282 = arith.addi %mul3A_280, %add3A_281 : i32
        %get3A_283 = arith.index_cast %add3A_282 : i32 to index
        %get3A_284 = arith.constant 112 : index
        %get3A_285 = tpu.vector_load %arg11[%get3A_283, %get3A_284] {strides = array<i32>} : memref<32x1024xf32, #tpu.memory_space<vmem>>, vector<1x16xf32>,
        %get3A_286 = vector.shape_cast %get3A_285 : vector<1x16xf32> to vector<16xf32>
        %mul3A_287 = arith.mulf %get3A_152, %get3A_286 : vector<16xf32>
        %add3A_288 = arith.addf %mul3A_278, %mul3A_287 : vector<16xf32>
        %mul3A_289 = arith.constant 2 : i32
        %mul3A_290 = arith.muli %mul3A_289, %scan3A_134 : i32
        %get3A_291 = arith.index_cast %mul3A_290 : i32 to index
        %get3A_292 = arith.constant 128 : index
        %get3A_293 = tpu.vector_load %arg11[%get3A_291, %get3A_292] {strides = array<i32>} : memref<32x1024xf32, #tpu.memory_space<vmem>>, vector<1x16xf32>,
        %get3A_294 = vector.shape_cast %get3A_293 : vector<1x16xf32> to vector<16xf32>
        %mul3A_295 = arith.mulf %get3A_142, %get3A_294 : vector<16xf32>
        %mul3A_296 = arith.constant 2 : i32
        %mul3A_297 = arith.muli %mul3A_296, %scan3A_134 : i32
        %add3A_298 = arith.constant 1 : i32
        %add3A_299 = arith.addi %mul3A_297, %add3A_298 : i32
        %get3A_300 = arith.index_cast %add3A_299 : i32 to index
        %get3A_301 = arith.constant 128 : index
        %get3A_302 = tpu.vector_load %arg11[%get3A_300, %get3A_301] {strides = array<i32>} : memref<32x1024xf32, #tpu.memory_space<vmem>>, vector<1x16xf32>,
        %get3A_303 = vector.shape_cast %get3A_302 : vector<1x16xf32> to vector<16xf32>
        %mul3A_304 = arith.mulf %get3A_152, %get3A_303 : vector<16xf32>
        %add3A_305 = arith.addf %mul3A_295, %mul3A_304 : vector<16xf32>
        %mul3A_306 = arith.constant 2 : i32
        %mul3A_307 = arith.muli %mul3A_306, %scan3A_134 : i32
        %get3A_308 = arith.index_cast %mul3A_307 : i32 to index
        %get3A_309 = arith.constant 144 : index
        %get3A_310 = tpu.vector_load %arg11[%get3A_308, %get3A_309] {strides = array<i32>} : memref<32x1024xf32, #tpu.memory_space<vmem>>, vector<1x16xf32>,
        %get3A_311 = vector.shape_cast %get3A_310 : vector<1x16xf32> to vector<16xf32>
        %mul3A_312 = arith.mulf %get3A_142, %get3A_311 : vector<16xf32>
        %mul3A_313 = arith.constant 2 : i32
        %mul3A_314 = arith.muli %mul3A_313, %scan3A_134 : i32
        %add3A_315 = arith.constant 1 : i32
        %add3A_316 = arith.addi %mul3A_314, %add3A_315 : i32
        %get3A_317 = arith.index_cast %add3A_316 : i32 to index
        %get3A_318 = arith.constant 144 : index
        %get3A_319 = tpu.vector_load %arg11[%get3A_317, %get3A_318] {strides = array<i32>} : memref<32x1024xf32, #tpu.memory_space<vmem>>, vector<1x16xf32>,
        %get3A_320 = vector.shape_cast %get3A_319 : vector<1x16xf32> to vector<16xf32>
        %mul3A_321 = arith.mulf %get3A_152, %get3A_320 : vector<16xf32>
        %add3A_322 = arith.addf %mul3A_312, %mul3A_321 : vector<16xf32>
        %mul3A_323 = arith.constant 2 : i32
        %mul3A_324 = arith.muli %mul3A_323, %scan3A_134 : i32
        %get3A_325 = arith.index_cast %mul3A_324 : i32 to index
        %get3A_326 = arith.constant 160 : index
        %get3A_327 = tpu.vector_load %arg11[%get3A_325, %get3A_326] {strides = array<i32>} : memref<32x1024xf32, #tpu.memory_space<vmem>>, vector<1x16xf32>,
        %get3A_328 = vector.shape_cast %get3A_327 : vector<1x16xf32> to vector<16xf32>
        %mul3A_329 = arith.mulf %get3A_142, %get3A_328 : vector<16xf32>
        %mul3A_330 = arith.constant 2 : i32
        %mul3A_331 = arith.muli %mul3A_330, %scan3A_134 : i32
        %add3A_332 = arith.constant 1 : i32
        %add3A_333 = arith.addi %mul3A_331, %add3A_332 : i32
        %get3A_334 = arith.index_cast %add3A_333 : i32 to index
        %get3A_335 = arith.constant 160 : index
        %get3A_336 = tpu.vector_load %arg11[%get3A_334, %get3A_335] {strides = array<i32>} : memref<32x1024xf32, #tpu.memory_space<vmem>>, vector<1x16xf32>,
        %get3A_337 = vector.shape_cast %get3A_336 : vector<1x16xf32> to vector<16xf32>
        %mul3A_338 = arith.mulf %get3A_152, %get3A_337 : vector<16xf32>
        %add3A_339 = arith.addf %mul3A_329, %mul3A_338 : vector<16xf32>
        %mul3A_340 = arith.constant 2 : i32
        %mul3A_341 = arith.muli %mul3A_340, %scan3A_134 : i32
        %get3A_342 = arith.index_cast %mul3A_341 : i32 to index
        %get3A_343 = arith.constant 176 : index
        %get3A_344 = tpu.vector_load %arg11[%get3A_342, %get3A_343] {strides = array<i32>} : memref<32x1024xf32, #tpu.memory_space<vmem>>, vector<1x16xf32>,
        %get3A_345 = vector.shape_cast %get3A_344 : vector<1x16xf32> to vector<16xf32>
        %mul3A_346 = arith.mulf %get3A_142, %get3A_345 : vector<16xf32>
        %mul3A_347 = arith.constant 2 : i32
        %mul3A_348 = arith.muli %mul3A_347, %scan3A_134 : i32
        %add3A_349 = arith.constant 1 : i32
        %add3A_350 = arith.addi %mul3A_348, %add3A_349 : i32
        %get3A_351 = arith.index_cast %add3A_350 : i32 to index
        %get3A_352 = arith.constant 176 : index
        %get3A_353 = tpu.vector_load %arg11[%get3A_351, %get3A_352] {strides = array<i32>} : memref<32x1024xf32, #tpu.memory_space<vmem>>, vector<1x16xf32>,
        %get3A_354 = vector.shape_cast %get3A_353 : vector<1x16xf32> to vector<16xf32>
        %mul3A_355 = arith.mulf %get3A_152, %get3A_354 : vector<16xf32>
        %add3A_356 = arith.addf %mul3A_346, %mul3A_355 : vector<16xf32>
        %mul3A_357 = arith.constant 2 : i32
        %mul3A_358 = arith.muli %mul3A_357, %scan3A_134 : i32
        %get3A_359 = arith.index_cast %mul3A_358 : i32 to index
        %get3A_360 = arith.constant 192 : index
        %get3A_361 = tpu.vector_load %arg11[%get3A_359, %get3A_360] {strides = array<i32>} : memref<32x1024xf32, #tpu.memory_space<vmem>>, vector<1x16xf32>,
        %get3A_362 = vector.shape_cast %get3A_361 : vector<1x16xf32> to vector<16xf32>
        %mul3A_363 = arith.mulf %get3A_142, %get3A_362 : vector<16xf32>
        %mul3A_364 = arith.constant 2 : i32
        %mul3A_365 = arith.muli %mul3A_364, %scan3A_134 : i32
        %add3A_366 = arith.constant 1 : i32
        %add3A_367 = arith.addi %mul3A_365, %add3A_366 : i32
        %get3A_368 = arith.index_cast %add3A_367 : i32 to index
        %get3A_369 = arith.constant 192 : index
        %get3A_370 = tpu.vector_load %arg11[%get3A_368, %get3A_369] {strides = array<i32>} : memref<32x1024xf32, #tpu.memory_space<vmem>>, vector<1x16xf32>,
        %get3A_371 = vector.shape_cast %get3A_370 : vector<1x16xf32> to vector<16xf32>
        %mul3A_372 = arith.mulf %get3A_152, %get3A_371 : vector<16xf32>
        %add3A_373 = arith.addf %mul3A_363, %mul3A_372 : vector<16xf32>
        %mul3A_374 = arith.constant 2 : i32
        %mul3A_375 = arith.muli %mul3A_374, %scan3A_134 : i32
        %get3A_376 = arith.index_cast %mul3A_375 : i32 to index
        %get3A_377 = arith.constant 208 : index
        %get3A_378 = tpu.vector_load %arg11[%get3A_376, %get3A_377] {strides = array<i32>} : memref<32x1024xf32, #tpu.memory_space<vmem>>, vector<1x16xf32>,
        %get3A_379 = vector.shape_cast %get3A_378 : vector<1x16xf32> to vector<16xf32>
        %mul3A_380 = arith.mulf %get3A_142, %get3A_379 : vector<16xf32>
        %mul3A_381 = arith.constant 2 : i32
        %mul3A_382 = arith.muli %mul3A_381, %scan3A_134 : i32
        %add3A_383 = arith.constant 1 : i32
        %add3A_384 = arith.addi %mul3A_382, %add3A_383 : i32
        %get3A_385 = arith.index_cast %add3A_384 : i32 to index
        %get3A_386 = arith.constant 208 : index
        %get3A_387 = tpu.vector_load %arg11[%get3A_385, %get3A_386] {strides = array<i32>} : memref<32x1024xf32, #tpu.memory_space<vmem>>, vector<1x16xf32>,
        %get3A_388 = vector.shape_cast %get3A_387 : vector<1x16xf32> to vector<16xf32>
        %mul3A_389 = arith.mulf %get3A_152, %get3A_388 : vector<16xf32>
        %add3A_390 = arith.addf %mul3A_380, %mul3A_389 : vector<16xf32>
        %mul3A_391 = arith.constant 2 : i32
        %mul3A_392 = arith.muli %mul3A_391, %scan3A_134 : i32
        %get3A_393 = arith.index_cast %mul3A_392 : i32 to index
        %get3A_394 = arith.constant 224 : index
        %get3A_395 = tpu.vector_load %arg11[%get3A_393, %get3A_394] {strides = array<i32>} : memref<32x1024xf32, #tpu.memory_space<vmem>>, vector<1x16xf32>,
        %get3A_396 = vector.shape_cast %get3A_395 : vector<1x16xf32> to vector<16xf32>
        %mul3A_397 = arith.mulf %get3A_142, %get3A_396 : vector<16xf32>
        %mul3A_398 = arith.constant 2 : i32
        %mul3A_399 = arith.muli %mul3A_398, %scan3A_134 : i32
        %add3A_400 = arith.constant 1 : i32
        %add3A_401 = arith.addi %mul3A_399, %add3A_400 : i32
        %get3A_402 = arith.index_cast %add3A_401 : i32 to index
        %get3A_403 = arith.constant 224 : index
        %get3A_404 = tpu.vector_load %arg11[%get3A_402, %get3A_403] {strides = array<i32>} : memref<32x1024xf32, #tpu.memory_space<vmem>>, vector<1x16xf32>,
        %get3A_405 = vector.shape_cast %get3A_404 : vector<1x16xf32> to vector<16xf32>
        %mul3A_406 = arith.mulf %get3A_152, %get3A_405 : vector<16xf32>
        %add3A_407 = arith.addf %mul3A_397, %mul3A_406 : vector<16xf32>
        %mul3A_408 = arith.constant 2 : i32
        %mul3A_409 = arith.muli %mul3A_408, %scan3A_134 : i32
        %get3A_410 = arith.index_cast %mul3A_409 : i32 to index
        %get3A_411 = arith.constant 240 : index
        %get3A_412 = tpu.vector_load %arg11[%get3A_410, %get3A_411] {strides = array<i32>} : memref<32x1024xf32, #tpu.memory_space<vmem>>, vector<1x16xf32>,
        %get3A_413 = vector.shape_cast %get3A_412 : vector<1x16xf32> to vector<16xf32>
        %mul3A_414 = arith.mulf %get3A_142, %get3A_413 : vector<16xf32>
        %mul3A_415 = arith.constant 2 : i32
        %mul3A_416 = arith.muli %mul3A_415, %scan3A_134 : i32
        %add3A_417 = arith.constant 1 : i32
        %add3A_418 = arith.addi %mul3A_416, %add3A_417 : i32
        %get3A_419 = arith.index_cast %add3A_418 : i32 to index
        %get3A_420 = arith.constant 240 : index
        %get3A_421 = tpu.vector_load %arg11[%get3A_419, %get3A_420] {strides = array<i32>} : memref<32x1024xf32, #tpu.memory_space<vmem>>, vector<1x16xf32>,
        %get3A_422 = vector.shape_cast %get3A_421 : vector<1x16xf32> to vector<16xf32>
        %mul3A_423 = arith.mulf %get3A_152, %get3A_422 : vector<16xf32>
        %add3A_424 = arith.addf %mul3A_414, %mul3A_423 : vector<16xf32>
        %swap3A_425 = arith.index_cast %scan3A_134 : i32 to index
        %swap3A_426 = arith.constant 0 : index
        %swap3A_427 = tpu.vector_load %arg13[%swap3A_425, %swap3A_426] {strides = array<i32>} : memref<16x1024xf32, #tpu.memory_space<vmem>>, vector<1x16xf32>,
        %swap3A_428 = vector.shape_cast %swap3A_427 : vector<1x16xf32> to vector<16xf32>
        %swap3A_429 = vector.shape_cast %add3A_169 : vector<16xf32> to vector<1x16xf32>
        tpu.vector_store %arg13[%swap3A_425, %swap3A_426], %swap3A_429 {add = true, strides = array<i32>} : memref<16x1024xf32, #tpu.memory_space<vmem>>, vector<1x16xf32>,
        %swap3A_430 = arith.index_cast %scan3A_134 : i32 to index
        %swap3A_431 = arith.constant 16 : index
        %swap3A_432 = tpu.vector_load %arg13[%swap3A_430, %swap3A_431] {strides = array<i32>} : memref<16x1024xf32, #tpu.memory_space<vmem>>, vector<1x16xf32>,
        %swap3A_433 = vector.shape_cast %swap3A_432 : vector<1x16xf32> to vector<16xf32>
        %swap3A_434 = vector.shape_cast %add3A_186 : vector<16xf32> to vector<1x16xf32>
        tpu.vector_store %arg13[%swap3A_430, %swap3A_431], %swap3A_434 {add = true, strides = array<i32>} : memref<16x1024xf32, #tpu.memory_space<vmem>>, vector<1x16xf32>,
        %swap3A_435 = arith.index_cast %scan3A_134 : i32 to index
        %swap3A_436 = arith.constant 32 : index
        %swap3A_437 = tpu.vector_load %arg13[%swap3A_435, %swap3A_436] {strides = array<i32>} : memref<16x1024xf32, #tpu.memory_space<vmem>>, vector<1x16xf32>,
        %swap3A_438 = vector.shape_cast %swap3A_437 : vector<1x16xf32> to vector<16xf32>
        %swap3A_439 = vector.shape_cast %add3A_203 : vector<16xf32> to vector<1x16xf32>
        tpu.vector_store %arg13[%swap3A_435, %swap3A_436], %swap3A_439 {add = true, strides = array<i32>} : memref<16x1024xf32, #tpu.memory_space<vmem>>, vector<1x16xf32>,
        %swap3A_440 = arith.index_cast %scan3A_134 : i32 to index
        %swap3A_441 = arith.constant 48 : index
        %swap3A_442 = tpu.vector_load %arg13[%swap3A_440, %swap3A_441] {strides = array<i32>} : memref<16x1024xf32, #tpu.memory_space<vmem>>, vector<1x16xf32>,
        %swap3A_443 = vector.shape_cast %swap3A_442 : vector<1x16xf32> to vector<16xf32>
        %swap3A_444 = vector.shape_cast %add3A_220 : vector<16xf32> to vector<1x16xf32>
        tpu.vector_store %arg13[%swap3A_440, %swap3A_441], %swap3A_444 {add = true, strides = array<i32>} : memref<16x1024xf32, #tpu.memory_space<vmem>>, vector<1x16xf32>,
        %swap3A_445 = arith.index_cast %scan3A_134 : i32 to index
        %swap3A_446 = arith.constant 64 : index
        %swap3A_447 = tpu.vector_load %arg13[%swap3A_445, %swap3A_446] {strides = array<i32>} : memref<16x1024xf32, #tpu.memory_space<vmem>>, vector<1x16xf32>,
        %swap3A_448 = vector.shape_cast %swap3A_447 : vector<1x16xf32> to vector<16xf32>
        %swap3A_449 = vector.shape_cast %add3A_237 : vector<16xf32> to vector<1x16xf32>
        tpu.vector_store %arg13[%swap3A_445, %swap3A_446], %swap3A_449 {add = true, strides = array<i32>} : memref<16x1024xf32, #tpu.memory_space<vmem>>, vector<1x16xf32>,
        %swap3A_450 = arith.index_cast %scan3A_134 : i32 to index
        %swap3A_451 = arith.constant 80 : index
        %swap3A_452 = tpu.vector_load %arg13[%swap3A_450, %swap3A_451] {strides = array<i32>} : memref<16x1024xf32, #tpu.memory_space<vmem>>, vector<1x16xf32>,
        %swap3A_453 = vector.shape_cast %swap3A_452 : vector<1x16xf32> to vector<16xf32>
        %swap3A_454 = vector.shape_cast %add3A_254 : vector<16xf32> to vector<1x16xf32>
        tpu.vector_store %arg13[%swap3A_450, %swap3A_451], %swap3A_454 {add = true, strides = array<i32>} : memref<16x1024xf32, #tpu.memory_space<vmem>>, vector<1x16xf32>,
        %swap3A_455 = arith.index_cast %scan3A_134 : i32 to index
        %swap3A_456 = arith.constant 96 : index
        %swap3A_457 = tpu.vector_load %arg13[%swap3A_455, %swap3A_456] {strides = array<i32>} : memref<16x1024xf32, #tpu.memory_space<vmem>>, vector<1x16xf32>,
        %swap3A_458 = vector.shape_cast %swap3A_457 : vector<1x16xf32> to vector<16xf32>
        %swap3A_459 = vector.shape_cast %add3A_271 : vector<16xf32> to vector<1x16xf32>
        tpu.vector_store %arg13[%swap3A_455, %swap3A_456], %swap3A_459 {add = true, strides = array<i32>} : memref<16x1024xf32, #tpu.memory_space<vmem>>, vector<1x16xf32>,
        %swap3A_460 = arith.index_cast %scan3A_134 : i32 to index
        %swap3A_461 = arith.constant 112 : index
        %swap3A_462 = tpu.vector_load %arg13[%swap3A_460, %swap3A_461] {strides = array<i32>} : memref<16x1024xf32, #tpu.memory_space<vmem>>, vector<1x16xf32>,
        %swap3A_463 = vector.shape_cast %swap3A_462 : vector<1x16xf32> to vector<16xf32>
        %swap3A_464 = vector.shape_cast %add3A_288 : vector<16xf32> to vector<1x16xf32>
        tpu.vector_store %arg13[%swap3A_460, %swap3A_461], %swap3A_464 {add = true, strides = array<i32>} : memref<16x1024xf32, #tpu.memory_space<vmem>>, vector<1x16xf32>,
        %swap3A_465 = arith.index_cast %scan3A_134 : i32 to index
        %swap3A_466 = arith.constant 128 : index
        %swap3A_467 = tpu.vector_load %arg13[%swap3A_465, %swap3A_466] {strides = array<i32>} : memref<16x1024xf32, #tpu.memory_space<vmem>>, vector<1x16xf32>,
        %swap3A_468 = vector.shape_cast %swap3A_467 : vector<1x16xf32> to vector<16xf32>
        %swap3A_469 = vector.shape_cast %add3A_305 : vector<16xf32> to vector<1x16xf32>
        tpu.vector_store %arg13[%swap3A_465, %swap3A_466], %swap3A_469 {add = true, strides = array<i32>} : memref<16x1024xf32, #tpu.memory_space<vmem>>, vector<1x16xf32>,
        %swap3A_470 = arith.index_cast %scan3A_134 : i32 to index
        %swap3A_471 = arith.constant 144 : index
        %swap3A_472 = tpu.vector_load %arg13[%swap3A_470, %swap3A_471] {strides = array<i32>} : memref<16x1024xf32, #tpu.memory_space<vmem>>, vector<1x16xf32>,
        %swap3A_473 = vector.shape_cast %swap3A_472 : vector<1x16xf32> to vector<16xf32>
        %swap3A_474 = vector.shape_cast %add3A_322 : vector<16xf32> to vector<1x16xf32>
        tpu.vector_store %arg13[%swap3A_470, %swap3A_471], %swap3A_474 {add = true, strides = array<i32>} : memref<16x1024xf32, #tpu.memory_space<vmem>>, vector<1x16xf32>,
        %swap3A_475 = arith.index_cast %scan3A_134 : i32 to index
        %swap3A_476 = arith.constant 160 : index
        %swap3A_477 = tpu.vector_load %arg13[%swap3A_475, %swap3A_476] {strides = array<i32>} : memref<16x1024xf32, #tpu.memory_space<vmem>>, vector<1x16xf32>,
        %swap3A_478 = vector.shape_cast %swap3A_477 : vector<1x16xf32> to vector<16xf32>
        %swap3A_479 = vector.shape_cast %add3A_339 : vector<16xf32> to vector<1x16xf32>
        tpu.vector_store %arg13[%swap3A_475, %swap3A_476], %swap3A_479 {add = true, strides = array<i32>} : memref<16x1024xf32, #tpu.memory_space<vmem>>, vector<1x16xf32>,
        %swap3A_480 = arith.index_cast %scan3A_134 : i32 to index
        %swap3A_481 = arith.constant 176 : index
        %swap3A_482 = tpu.vector_load %arg13[%swap3A_480, %swap3A_481] {strides = array<i32>} : memref<16x1024xf32, #tpu.memory_space<vmem>>, vector<1x16xf32>,
        %swap3A_483 = vector.shape_cast %swap3A_482 : vector<1x16xf32> to vector<16xf32>
        %swap3A_484 = vector.shape_cast %add3A_356 : vector<16xf32> to vector<1x16xf32>
        tpu.vector_store %arg13[%swap3A_480, %swap3A_481], %swap3A_484 {add = true, strides = array<i32>} : memref<16x1024xf32, #tpu.memory_space<vmem>>, vector<1x16xf32>,
        %swap3A_485 = arith.index_cast %scan3A_134 : i32 to index
        %swap3A_486 = arith.constant 192 : index
        %swap3A_487 = tpu.vector_load %arg13[%swap3A_485, %swap3A_486] {strides = array<i32>} : memref<16x1024xf32, #tpu.memory_space<vmem>>, vector<1x16xf32>,
        %swap3A_488 = vector.shape_cast %swap3A_487 : vector<1x16xf32> to vector<16xf32>
        %swap3A_489 = vector.shape_cast %add3A_373 : vector<16xf32> to vector<1x16xf32>
        tpu.vector_store %arg13[%swap3A_485, %swap3A_486], %swap3A_489 {add = true, strides = array<i32>} : memref<16x1024xf32, #tpu.memory_space<vmem>>, vector<1x16xf32>,
        %swap3A_490 = arith.index_cast %scan3A_134 : i32 to index
        %swap3A_491 = arith.constant 208 : index
        %swap3A_492 = tpu.vector_load %arg13[%swap3A_490, %swap3A_491] {strides = array<i32>} : memref<16x1024xf32, #tpu.memory_space<vmem>>, vector<1x16xf32>,
        %swap3A_493 = vector.shape_cast %swap3A_492 : vector<1x16xf32> to vector<16xf32>
        %swap3A_494 = vector.shape_cast %add3A_390 : vector<16xf32> to vector<1x16xf32>
        tpu.vector_store %arg13[%swap3A_490, %swap3A_491], %swap3A_494 {add = true, strides = array<i32>} : memref<16x1024xf32, #tpu.memory_space<vmem>>, vector<1x16xf32>,
        %swap3A_495 = arith.index_cast %scan3A_134 : i32 to index
        %swap3A_496 = arith.constant 224 : index
        %swap3A_497 = tpu.vector_load %arg13[%swap3A_495, %swap3A_496] {strides = array<i32>} : memref<16x1024xf32, #tpu.memory_space<vmem>>, vector<1x16xf32>,
        %swap3A_498 = vector.shape_cast %swap3A_497 : vector<1x16xf32> to vector<16xf32>
        %swap3A_499 = vector.shape_cast %add3A_407 : vector<16xf32> to vector<1x16xf32>
        tpu.vector_store %arg13[%swap3A_495, %swap3A_496], %swap3A_499 {add = true, strides = array<i32>} : memref<16x1024xf32, #tpu.memory_space<vmem>>, vector<1x16xf32>,
        %swap3A_500 = arith.index_cast %scan3A_134 : i32 to index
        %swap3A_501 = arith.constant 240 : index
        %swap3A_502 = tpu.vector_load %arg13[%swap3A_500, %swap3A_501] {strides = array<i32>} : memref<16x1024xf32, #tpu.memory_space<vmem>>, vector<1x16xf32>,
        %swap3A_503 = vector.shape_cast %swap3A_502 : vector<1x16xf32> to vector<16xf32>
        %swap3A_504 = vector.shape_cast %add3A_424 : vector<16xf32> to vector<1x16xf32>
        tpu.vector_store %arg13[%swap3A_500, %swap3A_501], %swap3A_504 {add = true, strides = array<i32>} : memref<16x1024xf32, #tpu.memory_space<vmem>>, vector<1x16xf32>,
        %mul3A_505 = arith.constant 2 : i32
        %mul3A_506 = arith.muli %mul3A_505, %scan3A_134 : i32
        %get3A_507 = arith.index_cast %mul3A_506 : i32 to index
        %get3A_508 = arith.constant 256 : index
        %get3A_509 = tpu.vector_load %arg11[%get3A_507, %get3A_508] {strides = array<i32>} : memref<32x1024xf32, #tpu.memory_space<vmem>>, vector<1x16xf32>,
        %get3A_510 = vector.shape_cast %get3A_509 : vector<1x16xf32> to vector<16xf32>
        %mul3A_511 = arith.mulf %get3A_142, %get3A_510 : vector<16xf32>
        %mul3A_512 = arith.constant 2 : i32
        %mul3A_513 = arith.muli %mul3A_512, %scan3A_134 : i32
        %add3A_514 = arith.constant 1 : i32
        %add3A_515 = arith.addi %mul3A_513, %add3A_514 : i32
        %get3A_516 = arith.index_cast %add3A_515 : i32 to index
        %get3A_517 = arith.constant 256 : index
        %get3A_518 = tpu.vector_load %arg11[%get3A_516, %get3A_517] {strides = array<i32>} : memref<32x1024xf32, #tpu.memory_space<vmem>>, vector<1x16xf32>,
        %get3A_519 = vector.shape_cast %get3A_518 : vector<1x16xf32> to vector<16xf32>
        %mul3A_520 = arith.mulf %get3A_152, %get3A_519 : vector<16xf32>
        %add3A_521 = arith.addf %mul3A_511, %mul3A_520 : vector<16xf32>
        %mul3A_522 = arith.constant 2 : i32
        %mul3A_523 = arith.muli %mul3A_522, %scan3A_134 : i32
        %get3A_524 = arith.index_cast %mul3A_523 : i32 to index
        %get3A_525 = arith.constant 272 : index
        %get3A_526 = tpu.vector_load %arg11[%get3A_524, %get3A_525] {strides = array<i32>} : memref<32x1024xf32, #tpu.memory_space<vmem>>, vector<1x16xf32>,
        %get3A_527 = vector.shape_cast %get3A_526 : vector<1x16xf32> to vector<16xf32>
        %mul3A_528 = arith.mulf %get3A_142, %get3A_527 : vector<16xf32>
        %mul3A_529 = arith.constant 2 : i32
        %mul3A_530 = arith.muli %mul3A_529, %scan3A_134 : i32
        %add3A_531 = arith.constant 1 : i32
        %add3A_532 = arith.addi %mul3A_530, %add3A_531 : i32
        %get3A_533 = arith.index_cast %add3A_532 : i32 to index
        %get3A_534 = arith.constant 272 : index
        %get3A_535 = tpu.vector_load %arg11[%get3A_533, %get3A_534] {strides = array<i32>} : memref<32x1024xf32, #tpu.memory_space<vmem>>, vector<1x16xf32>,
        %get3A_536 = vector.shape_cast %get3A_535 : vector<1x16xf32> to vector<16xf32>
        %mul3A_537 = arith.mulf %get3A_152, %get3A_536 : vector<16xf32>
        %add3A_538 = arith.addf %mul3A_528, %mul3A_537 : vector<16xf32>
        %mul3A_539 = arith.constant 2 : i32
        %mul3A_540 = arith.muli %mul3A_539, %scan3A_134 : i32
        %get3A_541 = arith.index_cast %mul3A_540 : i32 to index
        %get3A_542 = arith.constant 288 : index
        %get3A_543 = tpu.vector_load %arg11[%get3A_541, %get3A_542] {strides = array<i32>} : memref<32x1024xf32, #tpu.memory_space<vmem>>, vector<1x16xf32>,
        %get3A_544 = vector.shape_cast %get3A_543 : vector<1x16xf32> to vector<16xf32>
        %mul3A_545 = arith.mulf %get3A_142, %get3A_544 : vector<16xf32>
        %mul3A_546 = arith.constant 2 : i32
        %mul3A_547 = arith.muli %mul3A_546, %scan3A_134 : i32
        %add3A_548 = arith.constant 1 : i32
        %add3A_549 = arith.addi %mul3A_547, %add3A_548 : i32
        %get3A_550 = arith.index_cast %add3A_549 : i32 to index
        %get3A_551 = arith.constant 288 : index
        %get3A_552 = tpu.vector_load %arg11[%get3A_550, %get3A_551] {strides = array<i32>} : memref<32x1024xf32, #tpu.memory_space<vmem>>, vector<1x16xf32>,
        %get3A_553 = vector.shape_cast %get3A_552 : vector<1x16xf32> to vector<16xf32>
        %mul3A_554 = arith.mulf %get3A_152, %get3A_553 : vector<16xf32>
        %add3A_555 = arith.addf %mul3A_545, %mul3A_554 : vector<16xf32>
        %mul3A_556 = arith.constant 2 : i32
        %mul3A_557 = arith.muli %mul3A_556, %scan3A_134 : i32
        %get3A_558 = arith.index_cast %mul3A_557 : i32 to index
        %get3A_559 = arith.constant 304 : index
        %get3A_560 = tpu.vector_load %arg11[%get3A_558, %get3A_559] {strides = array<i32>} : memref<32x1024xf32, #tpu.memory_space<vmem>>, vector<1x16xf32>,
        %get3A_561 = vector.shape_cast %get3A_560 : vector<1x16xf32> to vector<16xf32>
        %mul3A_562 = arith.mulf %get3A_142, %get3A_561 : vector<16xf32>
        %mul3A_563 = arith.constant 2 : i32
        %mul3A_564 = arith.muli %mul3A_563, %scan3A_134 : i32
        %add3A_565 = arith.constant 1 : i32
        %add3A_566 = arith.addi %mul3A_564, %add3A_565 : i32
        %get3A_567 = arith.index_cast %add3A_566 : i32 to index
        %get3A_568 = arith.constant 304 : index
        %get3A_569 = tpu.vector_load %arg11[%get3A_567, %get3A_568] {strides = array<i32>} : memref<32x1024xf32, #tpu.memory_space<vmem>>, vector<1x16xf32>,
        %get3A_570 = vector.shape_cast %get3A_569 : vector<1x16xf32> to vector<16xf32>
        %mul3A_571 = arith.mulf %get3A_152, %get3A_570 : vector<16xf32>
        %add3A_572 = arith.addf %mul3A_562, %mul3A_571 : vector<16xf32>
        %mul3A_573 = arith.constant 2 : i32
        %mul3A_574 = arith.muli %mul3A_573, %scan3A_134 : i32
        %get3A_575 = arith.index_cast %mul3A_574 : i32 to index
        %get3A_576 = arith.constant 320 : index
        %get3A_577 = tpu.vector_load %arg11[%get3A_575, %get3A_576] {strides = array<i32>} : memref<32x1024xf32, #tpu.memory_space<vmem>>, vector<1x16xf32>,
        %get3A_578 = vector.shape_cast %get3A_577 : vector<1x16xf32> to vector<16xf32>
        %mul3A_579 = arith.mulf %get3A_142, %get3A_578 : vector<16xf32>
        %mul3A_580 = arith.constant 2 : i32
        %mul3A_581 = arith.muli %mul3A_580, %scan3A_134 : i32
        %add3A_582 = arith.constant 1 : i32
        %add3A_583 = arith.addi %mul3A_581, %add3A_582 : i32
        %get3A_584 = arith.index_cast %add3A_583 : i32 to index
        %get3A_585 = arith.constant 320 : index
        %get3A_586 = tpu.vector_load %arg11[%get3A_584, %get3A_585] {strides = array<i32>} : memref<32x1024xf32, #tpu.memory_space<vmem>>, vector<1x16xf32>,
        %get3A_587 = vector.shape_cast %get3A_586 : vector<1x16xf32> to vector<16xf32>
        %mul3A_588 = arith.mulf %get3A_152, %get3A_587 : vector<16xf32>
        %add3A_589 = arith.addf %mul3A_579, %mul3A_588 : vector<16xf32>
        %mul3A_590 = arith.constant 2 : i32
        %mul3A_591 = arith.muli %mul3A_590, %scan3A_134 : i32
        %get3A_592 = arith.index_cast %mul3A_591 : i32 to index
        %get3A_593 = arith.constant 336 : index
        %get3A_594 = tpu.vector_load %arg11[%get3A_592, %get3A_593] {strides = array<i32>} : memref<32x1024xf32, #tpu.memory_space<vmem>>, vector<1x16xf32>,
        %get3A_595 = vector.shape_cast %get3A_594 : vector<1x16xf32> to vector<16xf32>
        %mul3A_596 = arith.mulf %get3A_142, %get3A_595 : vector<16xf32>
        %mul3A_597 = arith.constant 2 : i32
        %mul3A_598 = arith.muli %mul3A_597, %scan3A_134 : i32
        %add3A_599 = arith.constant 1 : i32
        %add3A_600 = arith.addi %mul3A_598, %add3A_599 : i32
        %get3A_601 = arith.index_cast %add3A_600 : i32 to index
        %get3A_602 = arith.constant 336 : index
        %get3A_603 = tpu.vector_load %arg11[%get3A_601, %get3A_602] {strides = array<i32>} : memref<32x1024xf32, #tpu.memory_space<vmem>>, vector<1x16xf32>,
        %get3A_604 = vector.shape_cast %get3A_603 : vector<1x16xf32> to vector<16xf32>
        %mul3A_605 = arith.mulf %get3A_152, %get3A_604 : vector<16xf32>
        %add3A_606 = arith.addf %mul3A_596, %mul3A_605 : vector<16xf32>
        %mul3A_607 = arith.constant 2 : i32
        %mul3A_608 = arith.muli %mul3A_607, %scan3A_134 : i32
        %get3A_609 = arith.index_cast %mul3A_608 : i32 to index
        %get3A_610 = arith.constant 352 : index
        %get3A_611 = tpu.vector_load %arg11[%get3A_609, %get3A_610] {strides = array<i32>} : memref<32x1024xf32, #tpu.memory_space<vmem>>, vector<1x16xf32>,
        %get3A_612 = vector.shape_cast %get3A_611 : vector<1x16xf32> to vector<16xf32>
        %mul3A_613 = arith.mulf %get3A_142, %get3A_612 : vector<16xf32>
        %mul3A_614 = arith.constant 2 : i32
        %mul3A_615 = arith.muli %mul3A_614, %scan3A_134 : i32
        %add3A_616 = arith.constant 1 : i32
        %add3A_617 = arith.addi %mul3A_615, %add3A_616 : i32
        %get3A_618 = arith.index_cast %add3A_617 : i32 to index
        %get3A_619 = arith.constant 352 : index
        %get3A_620 = tpu.vector_load %arg11[%get3A_618, %get3A_619] {strides = array<i32>} : memref<32x1024xf32, #tpu.memory_space<vmem>>, vector<1x16xf32>,
        %get3A_621 = vector.shape_cast %get3A_620 : vector<1x16xf32> to vector<16xf32>
        %mul3A_622 = arith.mulf %get3A_152, %get3A_621 : vector<16xf32>
        %add3A_623 = arith.addf %mul3A_613, %mul3A_622 : vector<16xf32>
        %mul3A_624 = arith.constant 2 : i32
        %mul3A_625 = arith.muli %mul3A_624, %scan3A_134 : i32
        %get3A_626 = arith.index_cast %mul3A_625 : i32 to index
        %get3A_627 = arith.constant 368 : index
        %get3A_628 = tpu.vector_load %arg11[%get3A_626, %get3A_627] {strides = array<i32>} : memref<32x1024xf32, #tpu.memory_space<vmem>>, vector<1x16xf32>,
        %get3A_629 = vector.shape_cast %get3A_628 : vector<1x16xf32> to vector<16xf32>
        %mul3A_630 = arith.mulf %get3A_142, %get3A_629 : vector<16xf32>
        %mul3A_631 = arith.constant 2 : i32
        %mul3A_632 = arith.muli %mul3A_631, %scan3A_134 : i32
        %add3A_633 = arith.constant 1 : i32
        %add3A_634 = arith.addi %mul3A_632, %add3A_633 : i32
        %get3A_635 = arith.index_cast %add3A_634 : i32 to index
        %get3A_636 = arith.constant 368 : index
        %get3A_637 = tpu.vector_load %arg11[%get3A_635, %get3A_636] {strides = array<i32>} : memref<32x1024xf32, #tpu.memory_space<vmem>>, vector<1x16xf32>,
        %get3A_638 = vector.shape_cast %get3A_637 : vector<1x16xf32> to vector<16xf32>
        %mul3A_639 = arith.mulf %get3A_152, %get3A_638 : vector<16xf32>
        %add3A_640 = arith.addf %mul3A_630, %mul3A_639 : vector<16xf32>
        %mul3A_641 = arith.constant 2 : i32
        %mul3A_642 = arith.muli %mul3A_641, %scan3A_134 : i32
        %get3A_643 = arith.index_cast %mul3A_642 : i32 to index
        %get3A_644 = arith.constant 384 : index
        %get3A_645 = tpu.vector_load %arg11[%get3A_643, %get3A_644] {strides = array<i32>} : memref<32x1024xf32, #tpu.memory_space<vmem>>, vector<1x16xf32>,
        %get3A_646 = vector.shape_cast %get3A_645 : vector<1x16xf32> to vector<16xf32>
        %mul3A_647 = arith.mulf %get3A_142, %get3A_646 : vector<16xf32>
        %mul3A_648 = arith.constant 2 : i32
        %mul3A_649 = arith.muli %mul3A_648, %scan3A_134 : i32
        %add3A_650 = arith.constant 1 : i32
        %add3A_651 = arith.addi %mul3A_649, %add3A_650 : i32
        %get3A_652 = arith.index_cast %add3A_651 : i32 to index
        %get3A_653 = arith.constant 384 : index
        %get3A_654 = tpu.vector_load %arg11[%get3A_652, %get3A_653] {strides = array<i32>} : memref<32x1024xf32, #tpu.memory_space<vmem>>, vector<1x16xf32>,
        %get3A_655 = vector.shape_cast %get3A_654 : vector<1x16xf32> to vector<16xf32>
        %mul3A_656 = arith.mulf %get3A_152, %get3A_655 : vector<16xf32>
        %add3A_657 = arith.addf %mul3A_647, %mul3A_656 : vector<16xf32>
        %mul3A_658 = arith.constant 2 : i32
        %mul3A_659 = arith.muli %mul3A_658, %scan3A_134 : i32
        %get3A_660 = arith.index_cast %mul3A_659 : i32 to index
        %get3A_661 = arith.constant 400 : index
        %get3A_662 = tpu.vector_load %arg11[%get3A_660, %get3A_661] {strides = array<i32>} : memref<32x1024xf32, #tpu.memory_space<vmem>>, vector<1x16xf32>,
        %get3A_663 = vector.shape_cast %get3A_662 : vector<1x16xf32> to vector<16xf32>
        %mul3A_664 = arith.mulf %get3A_142, %get3A_663 : vector<16xf32>
        %mul3A_665 = arith.constant 2 : i32
        %mul3A_666 = arith.muli %mul3A_665, %scan3A_134 : i32
        %add3A_667 = arith.constant 1 : i32
        %add3A_668 = arith.addi %mul3A_666, %add3A_667 : i32
        %get3A_669 = arith.index_cast %add3A_668 : i32 to index
        %get3A_670 = arith.constant 400 : index
        %get3A_671 = tpu.vector_load %arg11[%get3A_669, %get3A_670] {strides = array<i32>} : memref<32x1024xf32, #tpu.memory_space<vmem>>, vector<1x16xf32>,
        %get3A_672 = vector.shape_cast %get3A_671 : vector<1x16xf32> to vector<16xf32>
        %mul3A_673 = arith.mulf %get3A_152, %get3A_672 : vector<16xf32>
        %add3A_674 = arith.addf %mul3A_664, %mul3A_673 : vector<16xf32>
        %mul3A_675 = arith.constant 2 : i32
        %mul3A_676 = arith.muli %mul3A_675, %scan3A_134 : i32
        %get3A_677 = arith.index_cast %mul3A_676 : i32 to index
        %get3A_678 = arith.constant 416 : index
        %get3A_679 = tpu.vector_load %arg11[%get3A_677, %get3A_678] {strides = array<i32>} : memref<32x1024xf32, #tpu.memory_space<vmem>>, vector<1x16xf32>,
        %get3A_680 = vector.shape_cast %get3A_679 : vector<1x16xf32> to vector<16xf32>
        %mul3A_681 = arith.mulf %get3A_142, %get3A_680 : vector<16xf32>
        %mul3A_682 = arith.constant 2 : i32
        %mul3A_683 = arith.muli %mul3A_682, %scan3A_134 : i32
        %add3A_684 = arith.constant 1 : i32
        %add3A_685 = arith.addi %mul3A_683, %add3A_684 : i32
        %get3A_686 = arith.index_cast %add3A_685 : i32 to index
        %get3A_687 = arith.constant 416 : index
        %get3A_688 = tpu.vector_load %arg11[%get3A_686, %get3A_687] {strides = array<i32>} : memref<32x1024xf32, #tpu.memory_space<vmem>>, vector<1x16xf32>,
        %get3A_689 = vector.shape_cast %get3A_688 : vector<1x16xf32> to vector<16xf32>
        %mul3A_690 = arith.mulf %get3A_152, %get3A_689 : vector<16xf32>
        %add3A_691 = arith.addf %mul3A_681, %mul3A_690 : vector<16xf32>
        %mul3A_692 = arith.constant 2 : i32
        %mul3A_693 = arith.muli %mul3A_692, %scan3A_134 : i32
        %get3A_694 = arith.index_cast %mul3A_693 : i32 to index
        %get3A_695 = arith.constant 432 : index
        %get3A_696 = tpu.vector_load %arg11[%get3A_694, %get3A_695] {strides = array<i32>} : memref<32x1024xf32, #tpu.memory_space<vmem>>, vector<1x16xf32>,
        %get3A_697 = vector.shape_cast %get3A_696 : vector<1x16xf32> to vector<16xf32>
        %mul3A_698 = arith.mulf %get3A_142, %get3A_697 : vector<16xf32>
        %mul3A_699 = arith.constant 2 : i32
        %mul3A_700 = arith.muli %mul3A_699, %scan3A_134 : i32
        %add3A_701 = arith.constant 1 : i32
        %add3A_702 = arith.addi %mul3A_700, %add3A_701 : i32
        %get3A_703 = arith.index_cast %add3A_702 : i32 to index
        %get3A_704 = arith.constant 432 : index
        %get3A_705 = tpu.vector_load %arg11[%get3A_703, %get3A_704] {strides = array<i32>} : memref<32x1024xf32, #tpu.memory_space<vmem>>, vector<1x16xf32>,
        %get3A_706 = vector.shape_cast %get3A_705 : vector<1x16xf32> to vector<16xf32>
        %mul3A_707 = arith.mulf %get3A_152, %get3A_706 : vector<16xf32>
        %add3A_708 = arith.addf %mul3A_698, %mul3A_707 : vector<16xf32>
        %mul3A_709 = arith.constant 2 : i32
        %mul3A_710 = arith.muli %mul3A_709, %scan3A_134 : i32
        %get3A_711 = arith.index_cast %mul3A_710 : i32 to index
        %get3A_712 = arith.constant 448 : index
        %get3A_713 = tpu.vector_load %arg11[%get3A_711, %get3A_712] {strides = array<i32>} : memref<32x1024xf32, #tpu.memory_space<vmem>>, vector<1x16xf32>,
        %get3A_714 = vector.shape_cast %get3A_713 : vector<1x16xf32> to vector<16xf32>
        %mul3A_715 = arith.mulf %get3A_142, %get3A_714 : vector<16xf32>
        %mul3A_716 = arith.constant 2 : i32
        %mul3A_717 = arith.muli %mul3A_716, %scan3A_134 : i32
        %add3A_718 = arith.constant 1 : i32
        %add3A_719 = arith.addi %mul3A_717, %add3A_718 : i32
        %get3A_720 = arith.index_cast %add3A_719 : i32 to index
        %get3A_721 = arith.constant 448 : index
        %get3A_722 = tpu.vector_load %arg11[%get3A_720, %get3A_721] {strides = array<i32>} : memref<32x1024xf32, #tpu.memory_space<vmem>>, vector<1x16xf32>,
        %get3A_723 = vector.shape_cast %get3A_722 : vector<1x16xf32> to vector<16xf32>
        %mul3A_724 = arith.mulf %get3A_152, %get3A_723 : vector<16xf32>
        %add3A_725 = arith.addf %mul3A_715, %mul3A_724 : vector<16xf32>
        %mul3A_726 = arith.constant 2 : i32
        %mul3A_727 = arith.muli %mul3A_726, %scan3A_134 : i32
        %get3A_728 = arith.index_cast %mul3A_727 : i32 to index
        %get3A_729 = arith.constant 464 : index
        %get3A_730 = tpu.vector_load %arg11[%get3A_728, %get3A_729] {strides = array<i32>} : memref<32x1024xf32, #tpu.memory_space<vmem>>, vector<1x16xf32>,
        %get3A_731 = vector.shape_cast %get3A_730 : vector<1x16xf32> to vector<16xf32>
        %mul3A_732 = arith.mulf %get3A_142, %get3A_731 : vector<16xf32>
        %mul3A_733 = arith.constant 2 : i32
        %mul3A_734 = arith.muli %mul3A_733, %scan3A_134 : i32
        %add3A_735 = arith.constant 1 : i32
        %add3A_736 = arith.addi %mul3A_734, %add3A_735 : i32
        %get3A_737 = arith.index_cast %add3A_736 : i32 to index
        %get3A_738 = arith.constant 464 : index
        %get3A_739 = tpu.vector_load %arg11[%get3A_737, %get3A_738] {strides = array<i32>} : memref<32x1024xf32, #tpu.memory_space<vmem>>, vector<1x16xf32>,
        %get3A_740 = vector.shape_cast %get3A_739 : vector<1x16xf32> to vector<16xf32>
        %mul3A_741 = arith.mulf %get3A_152, %get3A_740 : vector<16xf32>
        %add3A_742 = arith.addf %mul3A_732, %mul3A_741 : vector<16xf32>
        %mul3A_743 = arith.constant 2 : i32
        %mul3A_744 = arith.muli %mul3A_743, %scan3A_134 : i32
        %get3A_745 = arith.index_cast %mul3A_744 : i32 to index
        %get3A_746 = arith.constant 480 : index
        %get3A_747 = tpu.vector_load %arg11[%get3A_745, %get3A_746] {strides = array<i32>} : memref<32x1024xf32, #tpu.memory_space<vmem>>, vector<1x16xf32>,
        %get3A_748 = vector.shape_cast %get3A_747 : vector<1x16xf32> to vector<16xf32>
        %mul3A_749 = arith.mulf %get3A_142, %get3A_748 : vector<16xf32>
        %mul3A_750 = arith.constant 2 : i32
        %mul3A_751 = arith.muli %mul3A_750, %scan3A_134 : i32
        %add3A_752 = arith.constant 1 : i32
        %add3A_753 = arith.addi %mul3A_751, %add3A_752 : i32
        %get3A_754 = arith.index_cast %add3A_753 : i32 to index
        %get3A_755 = arith.constant 480 : index
        %get3A_756 = tpu.vector_load %arg11[%get3A_754, %get3A_755] {strides = array<i32>} : memref<32x1024xf32, #tpu.memory_space<vmem>>, vector<1x16xf32>,
        %get3A_757 = vector.shape_cast %get3A_756 : vector<1x16xf32> to vector<16xf32>
        %mul3A_758 = arith.mulf %get3A_152, %get3A_757 : vector<16xf32>
        %add3A_759 = arith.addf %mul3A_749, %mul3A_758 : vector<16xf32>
        %mul3A_760 = arith.constant 2 : i32
        %mul3A_761 = arith.muli %mul3A_760, %scan3A_134 : i32
        %get3A_762 = arith.index_cast %mul3A_761 : i32 to index
        %get3A_763 = arith.constant 496 : index
        %get3A_764 = tpu.vector_load %arg11[%get3A_762, %get3A_763] {strides = array<i32>} : memref<32x1024xf32, #tpu.memory_space<vmem>>, vector<1x16xf32>,
        %get3A_765 = vector.shape_cast %get3A_764 : vector<1x16xf32> to vector<16xf32>
        %mul3A_766 = arith.mulf %get3A_142, %get3A_765 : vector<16xf32>
        %mul3A_767 = arith.constant 2 : i32
        %mul3A_768 = arith.muli %mul3A_767, %scan3A_134 : i32
        %add3A_769 = arith.constant 1 : i32
        %add3A_770 = arith.addi %mul3A_768, %add3A_769 : i32
        %get3A_771 = arith.index_cast %add3A_770 : i32 to index
        %get3A_772 = arith.constant 496 : index
        %get3A_773 = tpu.vector_load %arg11[%get3A_771, %get3A_772] {strides = array<i32>} : memref<32x1024xf32, #tpu.memory_space<vmem>>, vector<1x16xf32>,
        %get3A_774 = vector.shape_cast %get3A_773 : vector<1x16xf32> to vector<16xf32>
        %mul3A_775 = arith.mulf %get3A_152, %get3A_774 : vector<16xf32>
        %add3A_776 = arith.addf %mul3A_766, %mul3A_775 : vector<16xf32>
        %swap3A_777 = arith.index_cast %scan3A_134 : i32 to index
        %swap3A_778 = arith.constant 256 : index
        %swap3A_779 = tpu.vector_load %arg13[%swap3A_777, %swap3A_778] {strides = array<i32>} : memref<16x1024xf32, #tpu.memory_space<vmem>>, vector<1x16xf32>,
        %swap3A_780 = vector.shape_cast %swap3A_779 : vector<1x16xf32> to vector<16xf32>
        %swap3A_781 = vector.shape_cast %add3A_521 : vector<16xf32> to vector<1x16xf32>
        tpu.vector_store %arg13[%swap3A_777, %swap3A_778], %swap3A_781 {add = true, strides = array<i32>} : memref<16x1024xf32, #tpu.memory_space<vmem>>, vector<1x16xf32>,
        %swap3A_782 = arith.index_cast %scan3A_134 : i32 to index
        %swap3A_783 = arith.constant 272 : index
        %swap3A_784 = tpu.vector_load %arg13[%swap3A_782, %swap3A_783] {strides = array<i32>} : memref<16x1024xf32, #tpu.memory_space<vmem>>, vector<1x16xf32>,
        %swap3A_785 = vector.shape_cast %swap3A_784 : vector<1x16xf32> to vector<16xf32>
        %swap3A_786 = vector.shape_cast %add3A_538 : vector<16xf32> to vector<1x16xf32>
        tpu.vector_store %arg13[%swap3A_782, %swap3A_783], %swap3A_786 {add = true, strides = array<i32>} : memref<16x1024xf32, #tpu.memory_space<vmem>>, vector<1x16xf32>,
        %swap3A_787 = arith.index_cast %scan3A_134 : i32 to index
        %swap3A_788 = arith.constant 288 : index
        %swap3A_789 = tpu.vector_load %arg13[%swap3A_787, %swap3A_788] {strides = array<i32>} : memref<16x1024xf32, #tpu.memory_space<vmem>>, vector<1x16xf32>,
        %swap3A_790 = vector.shape_cast %swap3A_789 : vector<1x16xf32> to vector<16xf32>
        %swap3A_791 = vector.shape_cast %add3A_555 : vector<16xf32> to vector<1x16xf32>
        tpu.vector_store %arg13[%swap3A_787, %swap3A_788], %swap3A_791 {add = true, strides = array<i32>} : memref<16x1024xf32, #tpu.memory_space<vmem>>, vector<1x16xf32>,
        %swap3A_792 = arith.index_cast %scan3A_134 : i32 to index
        %swap3A_793 = arith.constant 304 : index
        %swap3A_794 = tpu.vector_load %arg13[%swap3A_792, %swap3A_793] {strides = array<i32>} : memref<16x1024xf32, #tpu.memory_space<vmem>>, vector<1x16xf32>,
        %swap3A_795 = vector.shape_cast %swap3A_794 : vector<1x16xf32> to vector<16xf32>
        %swap3A_796 = vector.shape_cast %add3A_572 : vector<16xf32> to vector<1x16xf32>
        tpu.vector_store %arg13[%swap3A_792, %swap3A_793], %swap3A_796 {add = true, strides = array<i32>} : memref<16x1024xf32, #tpu.memory_space<vmem>>, vector<1x16xf32>,
        %swap3A_797 = arith.index_cast %scan3A_134 : i32 to index
        %swap3A_798 = arith.constant 320 : index
        %swap3A_799 = tpu.vector_load %arg13[%swap3A_797, %swap3A_798] {strides = array<i32>} : memref<16x1024xf32, #tpu.memory_space<vmem>>, vector<1x16xf32>,
        %swap3A_800 = vector.shape_cast %swap3A_799 : vector<1x16xf32> to vector<16xf32>
        %swap3A_801 = vector.shape_cast %add3A_589 : vector<16xf32> to vector<1x16xf32>
        tpu.vector_store %arg13[%swap3A_797, %swap3A_798], %swap3A_801 {add = true, strides = array<i32>} : memref<16x1024xf32, #tpu.memory_space<vmem>>, vector<1x16xf32>,
        %swap3A_802 = arith.index_cast %scan3A_134 : i32 to index
        %swap3A_803 = arith.constant 336 : index
        %swap3A_804 = tpu.vector_load %arg13[%swap3A_802, %swap3A_803] {strides = array<i32>} : memref<16x1024xf32, #tpu.memory_space<vmem>>, vector<1x16xf32>,
        %swap3A_805 = vector.shape_cast %swap3A_804 : vector<1x16xf32> to vector<16xf32>
        %swap3A_806 = vector.shape_cast %add3A_606 : vector<16xf32> to vector<1x16xf32>
        tpu.vector_store %arg13[%swap3A_802, %swap3A_803], %swap3A_806 {add = true, strides = array<i32>} : memref<16x1024xf32, #tpu.memory_space<vmem>>, vector<1x16xf32>,
        %swap3A_807 = arith.index_cast %scan3A_134 : i32 to index
        %swap3A_808 = arith.constant 352 : index
        %swap3A_809 = tpu.vector_load %arg13[%swap3A_807, %swap3A_808] {strides = array<i32>} : memref<16x1024xf32, #tpu.memory_space<vmem>>, vector<1x16xf32>,
        %swap3A_810 = vector.shape_cast %swap3A_809 : vector<1x16xf32> to vector<16xf32>
        %swap3A_811 = vector.shape_cast %add3A_623 : vector<16xf32> to vector<1x16xf32>
        tpu.vector_store %arg13[%swap3A_807, %swap3A_808], %swap3A_811 {add = true, strides = array<i32>} : memref<16x1024xf32, #tpu.memory_space<vmem>>, vector<1x16xf32>,
        %swap3A_812 = arith.index_cast %scan3A_134 : i32 to index
        %swap3A_813 = arith.constant 368 : index
        %swap3A_814 = tpu.vector_load %arg13[%swap3A_812, %swap3A_813] {strides = array<i32>} : memref<16x1024xf32, #tpu.memory_space<vmem>>, vector<1x16xf32>,
        %swap3A_815 = vector.shape_cast %swap3A_814 : vector<1x16xf32> to vector<16xf32>
        %swap3A_816 = vector.shape_cast %add3A_640 : vector<16xf32> to vector<1x16xf32>
        tpu.vector_store %arg13[%swap3A_812, %swap3A_813], %swap3A_816 {add = true, strides = array<i32>} : memref<16x1024xf32, #tpu.memory_space<vmem>>, vector<1x16xf32>,
        %swap3A_817 = arith.index_cast %scan3A_134 : i32 to index
        %swap3A_818 = arith.constant 384 : index
        %swap3A_819 = tpu.vector_load %arg13[%swap3A_817, %swap3A_818] {strides = array<i32>} : memref<16x1024xf32, #tpu.memory_space<vmem>>, vector<1x16xf32>,
        %swap3A_820 = vector.shape_cast %swap3A_819 : vector<1x16xf32> to vector<16xf32>
        %swap3A_821 = vector.shape_cast %add3A_657 : vector<16xf32> to vector<1x16xf32>
        tpu.vector_store %arg13[%swap3A_817, %swap3A_818], %swap3A_821 {add = true, strides = array<i32>} : memref<16x1024xf32, #tpu.memory_space<vmem>>, vector<1x16xf32>,
        %swap3A_822 = arith.index_cast %scan3A_134 : i32 to index
        %swap3A_823 = arith.constant 400 : index
        %swap3A_824 = tpu.vector_load %arg13[%swap3A_822, %swap3A_823] {strides = array<i32>} : memref<16x1024xf32, #tpu.memory_space<vmem>>, vector<1x16xf32>,
        %swap3A_825 = vector.shape_cast %swap3A_824 : vector<1x16xf32> to vector<16xf32>
        %swap3A_826 = vector.shape_cast %add3A_674 : vector<16xf32> to vector<1x16xf32>
        tpu.vector_store %arg13[%swap3A_822, %swap3A_823], %swap3A_826 {add = true, strides = array<i32>} : memref<16x1024xf32, #tpu.memory_space<vmem>>, vector<1x16xf32>,
        %swap3A_827 = arith.index_cast %scan3A_134 : i32 to index
        %swap3A_828 = arith.constant 416 : index
        %swap3A_829 = tpu.vector_load %arg13[%swap3A_827, %swap3A_828] {strides = array<i32>} : memref<16x1024xf32, #tpu.memory_space<vmem>>, vector<1x16xf32>,
        %swap3A_830 = vector.shape_cast %swap3A_829 : vector<1x16xf32> to vector<16xf32>
        %swap3A_831 = vector.shape_cast %add3A_691 : vector<16xf32> to vector<1x16xf32>
        tpu.vector_store %arg13[%swap3A_827, %swap3A_828], %swap3A_831 {add = true, strides = array<i32>} : memref<16x1024xf32, #tpu.memory_space<vmem>>, vector<1x16xf32>,
        %swap3A_832 = arith.index_cast %scan3A_134 : i32 to index
        %swap3A_833 = arith.constant 432 : index
        %swap3A_834 = tpu.vector_load %arg13[%swap3A_832, %swap3A_833] {strides = array<i32>} : memref<16x1024xf32, #tpu.memory_space<vmem>>, vector<1x16xf32>,
        %swap3A_835 = vector.shape_cast %swap3A_834 : vector<1x16xf32> to vector<16xf32>
        %swap3A_836 = vector.shape_cast %add3A_708 : vector<16xf32> to vector<1x16xf32>
        tpu.vector_store %arg13[%swap3A_832, %swap3A_833], %swap3A_836 {add = true, strides = array<i32>} : memref<16x1024xf32, #tpu.memory_space<vmem>>, vector<1x16xf32>,
        %swap3A_837 = arith.index_cast %scan3A_134 : i32 to index
        %swap3A_838 = arith.constant 448 : index
        %swap3A_839 = tpu.vector_load %arg13[%swap3A_837, %swap3A_838] {strides = array<i32>} : memref<16x1024xf32, #tpu.memory_space<vmem>>, vector<1x16xf32>,
        %swap3A_840 = vector.shape_cast %swap3A_839 : vector<1x16xf32> to vector<16xf32>
        %swap3A_841 = vector.shape_cast %add3A_725 : vector<16xf32> to vector<1x16xf32>
        tpu.vector_store %arg13[%swap3A_837, %swap3A_838], %swap3A_841 {add = true, strides = array<i32>} : memref<16x1024xf32, #tpu.memory_space<vmem>>, vector<1x16xf32>,
        %swap3A_842 = arith.index_cast %scan3A_134 : i32 to index
        %swap3A_843 = arith.constant 464 : index
        %swap3A_844 = tpu.vector_load %arg13[%swap3A_842, %swap3A_843] {strides = array<i32>} : memref<16x1024xf32, #tpu.memory_space<vmem>>, vector<1x16xf32>,
        %swap3A_845 = vector.shape_cast %swap3A_844 : vector<1x16xf32> to vector<16xf32>
        %swap3A_846 = vector.shape_cast %add3A_742 : vector<16xf32> to vector<1x16xf32>
        tpu.vector_store %arg13[%swap3A_842, %swap3A_843], %swap3A_846 {add = true, strides = array<i32>} : memref<16x1024xf32, #tpu.memory_space<vmem>>, vector<1x16xf32>,
        %swap3A_847 = arith.index_cast %scan3A_134 : i32 to index
        %swap3A_848 = arith.constant 480 : index
        %swap3A_849 = tpu.vector_load %arg13[%swap3A_847, %swap3A_848] {strides = array<i32>} : memref<16x1024xf32, #tpu.memory_space<vmem>>, vector<1x16xf32>,
        %swap3A_850 = vector.shape_cast %swap3A_849 : vector<1x16xf32> to vector<16xf32>
        %swap3A_851 = vector.shape_cast %add3A_759 : vector<16xf32> to vector<1x16xf32>
        tpu.vector_store %arg13[%swap3A_847, %swap3A_848], %swap3A_851 {add = true, strides = array<i32>} : memref<16x1024xf32, #tpu.memory_space<vmem>>, vector<1x16xf32>,
        %swap3A_852 = arith.index_cast %scan3A_134 : i32 to index
        %swap3A_853 = arith.constant 496 : index
        %swap3A_854 = tpu.vector_load %arg13[%swap3A_852, %swap3A_853] {strides = array<i32>} : memref<16x1024xf32, #tpu.memory_space<vmem>>, vector<1x16xf32>,
        %swap3A_855 = vector.shape_cast %swap3A_854 : vector<1x16xf32> to vector<16xf32>
        %swap3A_856 = vector.shape_cast %add3A_776 : vector<16xf32> to vector<1x16xf32>
        tpu.vector_store %arg13[%swap3A_852, %swap3A_853], %swap3A_856 {add = true, strides = array<i32>} : memref<16x1024xf32, #tpu.memory_space<vmem>>, vector<1x16xf32>,
        %mul3A_857 = arith.constant 2 : i32
        %mul3A_858 = arith.muli %mul3A_857, %scan3A_134 : i32
        %get3A_859 = arith.index_cast %mul3A_858 : i32 to index
        %get3A_860 = arith.constant 512 : index
        %get3A_861 = tpu.vector_load %arg11[%get3A_859, %get3A_860] {strides = array<i32>} : memref<32x1024xf32, #tpu.memory_space<vmem>>, vector<1x16xf32>,
        %get3A_862 = vector.shape_cast %get3A_861 : vector<1x16xf32> to vector<16xf32>
        %mul3A_863 = arith.mulf %get3A_142, %get3A_862 : vector<16xf32>
        %mul3A_864 = arith.constant 2 : i32
        %mul3A_865 = arith.muli %mul3A_864, %scan3A_134 : i32
        %add3A_866 = arith.constant 1 : i32
        %add3A_867 = arith.addi %mul3A_865, %add3A_866 : i32
        %get3A_868 = arith.index_cast %add3A_867 : i32 to index
        %get3A_869 = arith.constant 512 : index
        %get3A_870 = tpu.vector_load %arg11[%get3A_868, %get3A_869] {strides = array<i32>} : memref<32x1024xf32, #tpu.memory_space<vmem>>, vector<1x16xf32>,
        %get3A_871 = vector.shape_cast %get3A_870 : vector<1x16xf32> to vector<16xf32>
        %mul3A_872 = arith.mulf %get3A_152, %get3A_871 : vector<16xf32>
        %add3A_873 = arith.addf %mul3A_863, %mul3A_872 : vector<16xf32>
        %mul3A_874 = arith.constant 2 : i32
        %mul3A_875 = arith.muli %mul3A_874, %scan3A_134 : i32
        %get3A_876 = arith.index_cast %mul3A_875 : i32 to index
        %get3A_877 = arith.constant 528 : index
        %get3A_878 = tpu.vector_load %arg11[%get3A_876, %get3A_877] {strides = array<i32>} : memref<32x1024xf32, #tpu.memory_space<vmem>>, vector<1x16xf32>,
        %get3A_879 = vector.shape_cast %get3A_878 : vector<1x16xf32> to vector<16xf32>
        %mul3A_880 = arith.mulf %get3A_142, %get3A_879 : vector<16xf32>
        %mul3A_881 = arith.constant 2 : i32
        %mul3A_882 = arith.muli %mul3A_881, %scan3A_134 : i32
        %add3A_883 = arith.constant 1 : i32
        %add3A_884 = arith.addi %mul3A_882, %add3A_883 : i32
        %get3A_885 = arith.index_cast %add3A_884 : i32 to index
        %get3A_886 = arith.constant 528 : index
        %get3A_887 = tpu.vector_load %arg11[%get3A_885, %get3A_886] {strides = array<i32>} : memref<32x1024xf32, #tpu.memory_space<vmem>>, vector<1x16xf32>,
        %get3A_888 = vector.shape_cast %get3A_887 : vector<1x16xf32> to vector<16xf32>
        %mul3A_889 = arith.mulf %get3A_152, %get3A_888 : vector<16xf32>
        %add3A_890 = arith.addf %mul3A_880, %mul3A_889 : vector<16xf32>
        %mul3A_891 = arith.constant 2 : i32
        %mul3A_892 = arith.muli %mul3A_891, %scan3A_134 : i32
        %get3A_893 = arith.index_cast %mul3A_892 : i32 to index
        %get3A_894 = arith.constant 544 : index
        %get3A_895 = tpu.vector_load %arg11[%get3A_893, %get3A_894] {strides = array<i32>} : memref<32x1024xf32, #tpu.memory_space<vmem>>, vector<1x16xf32>,
        %get3A_896 = vector.shape_cast %get3A_895 : vector<1x16xf32> to vector<16xf32>
        %mul3A_897 = arith.mulf %get3A_142, %get3A_896 : vector<16xf32>
        %mul3A_898 = arith.constant 2 : i32
        %mul3A_899 = arith.muli %mul3A_898, %scan3A_134 : i32
        %add3A_900 = arith.constant 1 : i32
        %add3A_901 = arith.addi %mul3A_899, %add3A_900 : i32
        %get3A_902 = arith.index_cast %add3A_901 : i32 to index
        %get3A_903 = arith.constant 544 : index
        %get3A_904 = tpu.vector_load %arg11[%get3A_902, %get3A_903] {strides = array<i32>} : memref<32x1024xf32, #tpu.memory_space<vmem>>, vector<1x16xf32>,
        %get3A_905 = vector.shape_cast %get3A_904 : vector<1x16xf32> to vector<16xf32>
        %mul3A_906 = arith.mulf %get3A_152, %get3A_905 : vector<16xf32>
        %add3A_907 = arith.addf %mul3A_897, %mul3A_906 : vector<16xf32>
        %mul3A_908 = arith.constant 2 : i32
        %mul3A_909 = arith.muli %mul3A_908, %scan3A_134 : i32
        %get3A_910 = arith.index_cast %mul3A_909 : i32 to index
        %get3A_911 = arith.constant 560 : index
        %get3A_912 = tpu.vector_load %arg11[%get3A_910, %get3A_911] {strides = array<i32>} : memref<32x1024xf32, #tpu.memory_space<vmem>>, vector<1x16xf32>,
        %get3A_913 = vector.shape_cast %get3A_912 : vector<1x16xf32> to vector<16xf32>
        %mul3A_914 = arith.mulf %get3A_142, %get3A_913 : vector<16xf32>
        %mul3A_915 = arith.constant 2 : i32
        %mul3A_916 = arith.muli %mul3A_915, %scan3A_134 : i32
        %add3A_917 = arith.constant 1 : i32
        %add3A_918 = arith.addi %mul3A_916, %add3A_917 : i32
        %get3A_919 = arith.index_cast %add3A_918 : i32 to index
        %get3A_920 = arith.constant 560 : index
        %get3A_921 = tpu.vector_load %arg11[%get3A_919, %get3A_920] {strides = array<i32>} : memref<32x1024xf32, #tpu.memory_space<vmem>>, vector<1x16xf32>,
        %get3A_922 = vector.shape_cast %get3A_921 : vector<1x16xf32> to vector<16xf32>
        %mul3A_923 = arith.mulf %get3A_152, %get3A_922 : vector<16xf32>
        %add3A_924 = arith.addf %mul3A_914, %mul3A_923 : vector<16xf32>
        %mul3A_925 = arith.constant 2 : i32
        %mul3A_926 = arith.muli %mul3A_925, %scan3A_134 : i32
        %get3A_927 = arith.index_cast %mul3A_926 : i32 to index
        %get3A_928 = arith.constant 576 : index
        %get3A_929 = tpu.vector_load %arg11[%get3A_927, %get3A_928] {strides = array<i32>} : memref<32x1024xf32, #tpu.memory_space<vmem>>, vector<1x16xf32>,
        %get3A_930 = vector.shape_cast %get3A_929 : vector<1x16xf32> to vector<16xf32>
        %mul3A_931 = arith.mulf %get3A_142, %get3A_930 : vector<16xf32>
        %mul3A_932 = arith.constant 2 : i32
        %mul3A_933 = arith.muli %mul3A_932, %scan3A_134 : i32
        %add3A_934 = arith.constant 1 : i32
        %add3A_935 = arith.addi %mul3A_933, %add3A_934 : i32
        %get3A_936 = arith.index_cast %add3A_935 : i32 to index
        %get3A_937 = arith.constant 576 : index
        %get3A_938 = tpu.vector_load %arg11[%get3A_936, %get3A_937] {strides = array<i32>} : memref<32x1024xf32, #tpu.memory_space<vmem>>, vector<1x16xf32>,
        %get3A_939 = vector.shape_cast %get3A_938 : vector<1x16xf32> to vector<16xf32>
        %mul3A_940 = arith.mulf %get3A_152, %get3A_939 : vector<16xf32>
        %add3A_941 = arith.addf %mul3A_931, %mul3A_940 : vector<16xf32>
        %mul3A_942 = arith.constant 2 : i32
        %mul3A_943 = arith.muli %mul3A_942, %scan3A_134 : i32
        %get3A_944 = arith.index_cast %mul3A_943 : i32 to index
        %get3A_945 = arith.constant 592 : index
        %get3A_946 = tpu.vector_load %arg11[%get3A_944, %get3A_945] {strides = array<i32>} : memref<32x1024xf32, #tpu.memory_space<vmem>>, vector<1x16xf32>,
        %get3A_947 = vector.shape_cast %get3A_946 : vector<1x16xf32> to vector<16xf32>
        %mul3A_948 = arith.mulf %get3A_142, %get3A_947 : vector<16xf32>
        %mul3A_949 = arith.constant 2 : i32
        %mul3A_950 = arith.muli %mul3A_949, %scan3A_134 : i32
        %add3A_951 = arith.constant 1 : i32
        %add3A_952 = arith.addi %mul3A_950, %add3A_951 : i32
        %get3A_953 = arith.index_cast %add3A_952 : i32 to index
        %get3A_954 = arith.constant 592 : index
        %get3A_955 = tpu.vector_load %arg11[%get3A_953, %get3A_954] {strides = array<i32>} : memref<32x1024xf32, #tpu.memory_space<vmem>>, vector<1x16xf32>,
        %get3A_956 = vector.shape_cast %get3A_955 : vector<1x16xf32> to vector<16xf32>
        %mul3A_957 = arith.mulf %get3A_152, %get3A_956 : vector<16xf32>
        %add3A_958 = arith.addf %mul3A_948, %mul3A_957 : vector<16xf32>
        %mul3A_959 = arith.constant 2 : i32
        %mul3A_960 = arith.muli %mul3A_959, %scan3A_134 : i32
        %get3A_961 = arith.index_cast %mul3A_960 : i32 to index
        %get3A_962 = arith.constant 608 : index
        %get3A_963 = tpu.vector_load %arg11[%get3A_961, %get3A_962] {strides = array<i32>} : memref<32x1024xf32, #tpu.memory_space<vmem>>, vector<1x16xf32>,
        %get3A_964 = vector.shape_cast %get3A_963 : vector<1x16xf32> to vector<16xf32>
        %mul3A_965 = arith.mulf %get3A_142, %get3A_964 : vector<16xf32>
        %mul3A_966 = arith.constant 2 : i32
        %mul3A_967 = arith.muli %mul3A_966, %scan3A_134 : i32
        %add3A_968 = arith.constant 1 : i32
        %add3A_969 = arith.addi %mul3A_967, %add3A_968 : i32
        %get3A_970 = arith.index_cast %add3A_969 : i32 to index
        %get3A_971 = arith.constant 608 : index
        %get3A_972 = tpu.vector_load %arg11[%get3A_970, %get3A_971] {strides = array<i32>} : memref<32x1024xf32, #tpu.memory_space<vmem>>, vector<1x16xf32>,
        %get3A_973 = vector.shape_cast %get3A_972 : vector<1x16xf32> to vector<16xf32>
        %mul3A_974 = arith.mulf %get3A_152, %get3A_973 : vector<16xf32>
        %add3A_975 = arith.addf %mul3A_965, %mul3A_974 : vector<16xf32>
        %mul3A_976 = arith.constant 2 : i32
        %mul3A_977 = arith.muli %mul3A_976, %scan3A_134 : i32
        %get3A_978 = arith.index_cast %mul3A_977 : i32 to index
        %get3A_979 = arith.constant 624 : index
        %get3A_980 = tpu.vector_load %arg11[%get3A_978, %get3A_979] {strides = array<i32>} : memref<32x1024xf32, #tpu.memory_space<vmem>>, vector<1x16xf32>,
        %get3A_981 = vector.shape_cast %get3A_980 : vector<1x16xf32> to vector<16xf32>
        %mul3A_982 = arith.mulf %get3A_142, %get3A_981 : vector<16xf32>
        %mul3A_983 = arith.constant 2 : i32
        %mul3A_984 = arith.muli %mul3A_983, %scan3A_134 : i32
        %add3A_985 = arith.constant 1 : i32
        %add3A_986 = arith.addi %mul3A_984, %add3A_985 : i32
        %get3A_987 = arith.index_cast %add3A_986 : i32 to index
        %get3A_988 = arith.constant 624 : index
        %get3A_989 = tpu.vector_load %arg11[%get3A_987, %get3A_988] {strides = array<i32>} : memref<32x1024xf32, #tpu.memory_space<vmem>>, vector<1x16xf32>,
        %get3A_990 = vector.shape_cast %get3A_989 : vector<1x16xf32> to vector<16xf32>
        %mul3A_991 = arith.mulf %get3A_152, %get3A_990 : vector<16xf32>
        %add3A_992 = arith.addf %mul3A_982, %mul3A_991 : vector<16xf32>
        %mul3A_993 = arith.constant 2 : i32
        %mul3A_994 = arith.muli %mul3A_993, %scan3A_134 : i32
        %get3A_995 = arith.index_cast %mul3A_994 : i32 to index
        %get3A_996 = arith.constant 640 : index
        %get3A_997 = tpu.vector_load %arg11[%get3A_995, %get3A_996] {strides = array<i32>} : memref<32x1024xf32, #tpu.memory_space<vmem>>, vector<1x16xf32>,
        %get3A_998 = vector.shape_cast %get3A_997 : vector<1x16xf32> to vector<16xf32>
        %mul3A_999 = arith.mulf %get3A_142, %get3A_998 : vector<16xf32>
        %mul3A_1000 = arith.constant 2 : i32
        %mul3A_1001 = arith.muli %mul3A_1000, %scan3A_134 : i32
        %add3A_1002 = arith.constant 1 : i32
        %add3A_1003 = arith.addi %mul3A_1001, %add3A_1002 : i32
        %get3A_1004 = arith.index_cast %add3A_1003 : i32 to index
        %get3A_1005 = arith.constant 640 : index
        %get3A_1006 = tpu.vector_load %arg11[%get3A_1004, %get3A_1005] {strides = array<i32>} : memref<32x1024xf32, #tpu.memory_space<vmem>>, vector<1x16xf32>,
        %get3A_1007 = vector.shape_cast %get3A_1006 : vector<1x16xf32> to vector<16xf32>
        %mul3A_1008 = arith.mulf %get3A_152, %get3A_1007 : vector<16xf32>
        %add3A_1009 = arith.addf %mul3A_999, %mul3A_1008 : vector<16xf32>
        %mul3A_1010 = arith.constant 2 : i32
        %mul3A_1011 = arith.muli %mul3A_1010, %scan3A_134 : i32
        %get3A_1012 = arith.index_cast %mul3A_1011 : i32 to index
        %get3A_1013 = arith.constant 656 : index
        %get3A_1014 = tpu.vector_load %arg11[%get3A_1012, %get3A_1013] {strides = array<i32>} : memref<32x1024xf32, #tpu.memory_space<vmem>>, vector<1x16xf32>,
        %get3A_1015 = vector.shape_cast %get3A_1014 : vector<1x16xf32> to vector<16xf32>
        %mul3A_1016 = arith.mulf %get3A_142, %get3A_1015 : vector<16xf32>
        %mul3A_1017 = arith.constant 2 : i32
        %mul3A_1018 = arith.muli %mul3A_1017, %scan3A_134 : i32
        %add3A_1019 = arith.constant 1 : i32
        %add3A_1020 = arith.addi %mul3A_1018, %add3A_1019 : i32
        %get3A_1021 = arith.index_cast %add3A_1020 : i32 to index
        %get3A_1022 = arith.constant 656 : index
        %get3A_1023 = tpu.vector_load %arg11[%get3A_1021, %get3A_1022] {strides = array<i32>} : memref<32x1024xf32, #tpu.memory_space<vmem>>, vector<1x16xf32>,
        %get3A_1024 = vector.shape_cast %get3A_1023 : vector<1x16xf32> to vector<16xf32>
        %mul3A_1025 = arith.mulf %get3A_152, %get3A_1024 : vector<16xf32>
        %add3A_1026 = arith.addf %mul3A_1016, %mul3A_1025 : vector<16xf32>
        %mul3A_1027 = arith.constant 2 : i32
        %mul3A_1028 = arith.muli %mul3A_1027, %scan3A_134 : i32
        %get3A_1029 = arith.index_cast %mul3A_1028 : i32 to index
        %get3A_1030 = arith.constant 672 : index
        %get3A_1031 = tpu.vector_load %arg11[%get3A_1029, %get3A_1030] {strides = array<i32>} : memref<32x1024xf32, #tpu.memory_space<vmem>>, vector<1x16xf32>,
        %get3A_1032 = vector.shape_cast %get3A_1031 : vector<1x16xf32> to vector<16xf32>
        %mul3A_1033 = arith.mulf %get3A_142, %get3A_1032 : vector<16xf32>
        %mul3A_1034 = arith.constant 2 : i32
        %mul3A_1035 = arith.muli %mul3A_1034, %scan3A_134 : i32
        %add3A_1036 = arith.constant 1 : i32
        %add3A_1037 = arith.addi %mul3A_1035, %add3A_1036 : i32
        %get3A_1038 = arith.index_cast %add3A_1037 : i32 to index
        %get3A_1039 = arith.constant 672 : index
        %get3A_1040 = tpu.vector_load %arg11[%get3A_1038, %get3A_1039] {strides = array<i32>} : memref<32x1024xf32, #tpu.memory_space<vmem>>, vector<1x16xf32>,
        %get3A_1041 = vector.shape_cast %get3A_1040 : vector<1x16xf32> to vector<16xf32>
        %mul3A_1042 = arith.mulf %get3A_152, %get3A_1041 : vector<16xf32>
        %add3A_1043 = arith.addf %mul3A_1033, %mul3A_1042 : vector<16xf32>
        %mul3A_1044 = arith.constant 2 : i32
        %mul3A_1045 = arith.muli %mul3A_1044, %scan3A_134 : i32
        %get3A_1046 = arith.index_cast %mul3A_1045 : i32 to index
        %get3A_1047 = arith.constant 688 : index
        %get3A_1048 = tpu.vector_load %arg11[%get3A_1046, %get3A_1047] {strides = array<i32>} : memref<32x1024xf32, #tpu.memory_space<vmem>>, vector<1x16xf32>,
        %get3A_1049 = vector.shape_cast %get3A_1048 : vector<1x16xf32> to vector<16xf32>
        %mul3A_1050 = arith.mulf %get3A_142, %get3A_1049 : vector<16xf32>
        %mul3A_1051 = arith.constant 2 : i32
        %mul3A_1052 = arith.muli %mul3A_1051, %scan3A_134 : i32
        %add3A_1053 = arith.constant 1 : i32
        %add3A_1054 = arith.addi %mul3A_1052, %add3A_1053 : i32
        %get3A_1055 = arith.index_cast %add3A_1054 : i32 to index
        %get3A_1056 = arith.constant 688 : index
        %get3A_1057 = tpu.vector_load %arg11[%get3A_1055, %get3A_1056] {strides = array<i32>} : memref<32x1024xf32, #tpu.memory_space<vmem>>, vector<1x16xf32>,
        %get3A_1058 = vector.shape_cast %get3A_1057 : vector<1x16xf32> to vector<16xf32>
        %mul3A_1059 = arith.mulf %get3A_152, %get3A_1058 : vector<16xf32>
        %add3A_1060 = arith.addf %mul3A_1050, %mul3A_1059 : vector<16xf32>
        %mul3A_1061 = arith.constant 2 : i32
        %mul3A_1062 = arith.muli %mul3A_1061, %scan3A_134 : i32
        %get3A_1063 = arith.index_cast %mul3A_1062 : i32 to index
        %get3A_1064 = arith.constant 704 : index
        %get3A_1065 = tpu.vector_load %arg11[%get3A_1063, %get3A_1064] {strides = array<i32>} : memref<32x1024xf32, #tpu.memory_space<vmem>>, vector<1x16xf32>,
        %get3A_1066 = vector.shape_cast %get3A_1065 : vector<1x16xf32> to vector<16xf32>
        %mul3A_1067 = arith.mulf %get3A_142, %get3A_1066 : vector<16xf32>
        %mul3A_1068 = arith.constant 2 : i32
        %mul3A_1069 = arith.muli %mul3A_1068, %scan3A_134 : i32
        %add3A_1070 = arith.constant 1 : i32
        %add3A_1071 = arith.addi %mul3A_1069, %add3A_1070 : i32
        %get3A_1072 = arith.index_cast %add3A_1071 : i32 to index
        %get3A_1073 = arith.constant 704 : index
        %get3A_1074 = tpu.vector_load %arg11[%get3A_1072, %get3A_1073] {strides = array<i32>} : memref<32x1024xf32, #tpu.memory_space<vmem>>, vector<1x16xf32>,
        %get3A_1075 = vector.shape_cast %get3A_1074 : vector<1x16xf32> to vector<16xf32>
        %mul3A_1076 = arith.mulf %get3A_152, %get3A_1075 : vector<16xf32>
        %add3A_1077 = arith.addf %mul3A_1067, %mul3A_1076 : vector<16xf32>
        %mul3A_1078 = arith.constant 2 : i32
        %mul3A_1079 = arith.muli %mul3A_1078, %scan3A_134 : i32
        %get3A_1080 = arith.index_cast %mul3A_1079 : i32 to index
        %get3A_1081 = arith.constant 720 : index
        %get3A_1082 = tpu.vector_load %arg11[%get3A_1080, %get3A_1081] {strides = array<i32>} : memref<32x1024xf32, #tpu.memory_space<vmem>>, vector<1x16xf32>,
        %get3A_1083 = vector.shape_cast %get3A_1082 : vector<1x16xf32> to vector<16xf32>
        %mul3A_1084 = arith.mulf %get3A_142, %get3A_1083 : vector<16xf32>
        %mul3A_1085 = arith.constant 2 : i32
        %mul3A_1086 = arith.muli %mul3A_1085, %scan3A_134 : i32
        %add3A_1087 = arith.constant 1 : i32
        %add3A_1088 = arith.addi %mul3A_1086, %add3A_1087 : i32
        %get3A_1089 = arith.index_cast %add3A_1088 : i32 to index
        %get3A_1090 = arith.constant 720 : index
        %get3A_1091 = tpu.vector_load %arg11[%get3A_1089, %get3A_1090] {strides = array<i32>} : memref<32x1024xf32, #tpu.memory_space<vmem>>, vector<1x16xf32>,
        %get3A_1092 = vector.shape_cast %get3A_1091 : vector<1x16xf32> to vector<16xf32>
        %mul3A_1093 = arith.mulf %get3A_152, %get3A_1092 : vector<16xf32>
        %add3A_1094 = arith.addf %mul3A_1084, %mul3A_1093 : vector<16xf32>
        %mul3A_1095 = arith.constant 2 : i32
        %mul3A_1096 = arith.muli %mul3A_1095, %scan3A_134 : i32
        %get3A_1097 = arith.index_cast %mul3A_1096 : i32 to index
        %get3A_1098 = arith.constant 736 : index
        %get3A_1099 = tpu.vector_load %arg11[%get3A_1097, %get3A_1098] {strides = array<i32>} : memref<32x1024xf32, #tpu.memory_space<vmem>>, vector<1x16xf32>,
        %get3A_1100 = vector.shape_cast %get3A_1099 : vector<1x16xf32> to vector<16xf32>
        %mul3A_1101 = arith.mulf %get3A_142, %get3A_1100 : vector<16xf32>
        %mul3A_1102 = arith.constant 2 : i32
        %mul3A_1103 = arith.muli %mul3A_1102, %scan3A_134 : i32
        %add3A_1104 = arith.constant 1 : i32
        %add3A_1105 = arith.addi %mul3A_1103, %add3A_1104 : i32
        %get3A_1106 = arith.index_cast %add3A_1105 : i32 to index
        %get3A_1107 = arith.constant 736 : index
        %get3A_1108 = tpu.vector_load %arg11[%get3A_1106, %get3A_1107] {strides = array<i32>} : memref<32x1024xf32, #tpu.memory_space<vmem>>, vector<1x16xf32>,
        %get3A_1109 = vector.shape_cast %get3A_1108 : vector<1x16xf32> to vector<16xf32>
        %mul3A_1110 = arith.mulf %get3A_152, %get3A_1109 : vector<16xf32>
        %add3A_1111 = arith.addf %mul3A_1101, %mul3A_1110 : vector<16xf32>
        %mul3A_1112 = arith.constant 2 : i32
        %mul3A_1113 = arith.muli %mul3A_1112, %scan3A_134 : i32
        %get3A_1114 = arith.index_cast %mul3A_1113 : i32 to index
        %get3A_1115 = arith.constant 752 : index
        %get3A_1116 = tpu.vector_load %arg11[%get3A_1114, %get3A_1115] {strides = array<i32>} : memref<32x1024xf32, #tpu.memory_space<vmem>>, vector<1x16xf32>,
        %get3A_1117 = vector.shape_cast %get3A_1116 : vector<1x16xf32> to vector<16xf32>
        %mul3A_1118 = arith.mulf %get3A_142, %get3A_1117 : vector<16xf32>
        %mul3A_1119 = arith.constant 2 : i32
        %mul3A_1120 = arith.muli %mul3A_1119, %scan3A_134 : i32
        %add3A_1121 = arith.constant 1 : i32
        %add3A_1122 = arith.addi %mul3A_1120, %add3A_1121 : i32
        %get3A_1123 = arith.index_cast %add3A_1122 : i32 to index
        %get3A_1124 = arith.constant 752 : index
        %get3A_1125 = tpu.vector_load %arg11[%get3A_1123, %get3A_1124] {strides = array<i32>} : memref<32x1024xf32, #tpu.memory_space<vmem>>, vector<1x16xf32>,
        %get3A_1126 = vector.shape_cast %get3A_1125 : vector<1x16xf32> to vector<16xf32>
        %mul3A_1127 = arith.mulf %get3A_152, %get3A_1126 : vector<16xf32>
        %add3A_1128 = arith.addf %mul3A_1118, %mul3A_1127 : vector<16xf32>
        %swap3A_1129 = arith.index_cast %scan3A_134 : i32 to index
        %swap3A_1130 = arith.constant 512 : index
        %swap3A_1131 = tpu.vector_load %arg13[%swap3A_1129, %swap3A_1130] {strides = array<i32>} : memref<16x1024xf32, #tpu.memory_space<vmem>>, vector<1x16xf32>,
        %swap3A_1132 = vector.shape_cast %swap3A_1131 : vector<1x16xf32> to vector<16xf32>
        %swap3A_1133 = vector.shape_cast %add3A_873 : vector<16xf32> to vector<1x16xf32>
        tpu.vector_store %arg13[%swap3A_1129, %swap3A_1130], %swap3A_1133 {add = true, strides = array<i32>} : memref<16x1024xf32, #tpu.memory_space<vmem>>, vector<1x16xf32>,
        %swap3A_1134 = arith.index_cast %scan3A_134 : i32 to index
        %swap3A_1135 = arith.constant 528 : index
        %swap3A_1136 = tpu.vector_load %arg13[%swap3A_1134, %swap3A_1135] {strides = array<i32>} : memref<16x1024xf32, #tpu.memory_space<vmem>>, vector<1x16xf32>,
        %swap3A_1137 = vector.shape_cast %swap3A_1136 : vector<1x16xf32> to vector<16xf32>
        %swap3A_1138 = vector.shape_cast %add3A_890 : vector<16xf32> to vector<1x16xf32>
        tpu.vector_store %arg13[%swap3A_1134, %swap3A_1135], %swap3A_1138 {add = true, strides = array<i32>} : memref<16x1024xf32, #tpu.memory_space<vmem>>, vector<1x16xf32>,
        %swap3A_1139 = arith.index_cast %scan3A_134 : i32 to index
        %swap3A_1140 = arith.constant 544 : index
        %swap3A_1141 = tpu.vector_load %arg13[%swap3A_1139, %swap3A_1140] {strides = array<i32>} : memref<16x1024xf32, #tpu.memory_space<vmem>>, vector<1x16xf32>,
        %swap3A_1142 = vector.shape_cast %swap3A_1141 : vector<1x16xf32> to vector<16xf32>
        %swap3A_1143 = vector.shape_cast %add3A_907 : vector<16xf32> to vector<1x16xf32>
        tpu.vector_store %arg13[%swap3A_1139, %swap3A_1140], %swap3A_1143 {add = true, strides = array<i32>} : memref<16x1024xf32, #tpu.memory_space<vmem>>, vector<1x16xf32>,
        %swap3A_1144 = arith.index_cast %scan3A_134 : i32 to index
        %swap3A_1145 = arith.constant 560 : index
        %swap3A_1146 = tpu.vector_load %arg13[%swap3A_1144, %swap3A_1145] {strides = array<i32>} : memref<16x1024xf32, #tpu.memory_space<vmem>>, vector<1x16xf32>,
        %swap3A_1147 = vector.shape_cast %swap3A_1146 : vector<1x16xf32> to vector<16xf32>
        %swap3A_1148 = vector.shape_cast %add3A_924 : vector<16xf32> to vector<1x16xf32>
        tpu.vector_store %arg13[%swap3A_1144, %swap3A_1145], %swap3A_1148 {add = true, strides = array<i32>} : memref<16x1024xf32, #tpu.memory_space<vmem>>, vector<1x16xf32>,
        %swap3A_1149 = arith.index_cast %scan3A_134 : i32 to index
        %swap3A_1150 = arith.constant 576 : index
        %swap3A_1151 = tpu.vector_load %arg13[%swap3A_1149, %swap3A_1150] {strides = array<i32>} : memref<16x1024xf32, #tpu.memory_space<vmem>>, vector<1x16xf32>,
        %swap3A_1152 = vector.shape_cast %swap3A_1151 : vector<1x16xf32> to vector<16xf32>
        %swap3A_1153 = vector.shape_cast %add3A_941 : vector<16xf32> to vector<1x16xf32>
        tpu.vector_store %arg13[%swap3A_1149, %swap3A_1150], %swap3A_1153 {add = true, strides = array<i32>} : memref<16x1024xf32, #tpu.memory_space<vmem>>, vector<1x16xf32>,
        %swap3A_1154 = arith.index_cast %scan3A_134 : i32 to index
        %swap3A_1155 = arith.constant 592 : index
        %swap3A_1156 = tpu.vector_load %arg13[%swap3A_1154, %swap3A_1155] {strides = array<i32>} : memref<16x1024xf32, #tpu.memory_space<vmem>>, vector<1x16xf32>,
        %swap3A_1157 = vector.shape_cast %swap3A_1156 : vector<1x16xf32> to vector<16xf32>
        %swap3A_1158 = vector.shape_cast %add3A_958 : vector<16xf32> to vector<1x16xf32>
        tpu.vector_store %arg13[%swap3A_1154, %swap3A_1155], %swap3A_1158 {add = true, strides = array<i32>} : memref<16x1024xf32, #tpu.memory_space<vmem>>, vector<1x16xf32>,
        %swap3A_1159 = arith.index_cast %scan3A_134 : i32 to index
        %swap3A_1160 = arith.constant 608 : index
        %swap3A_1161 = tpu.vector_load %arg13[%swap3A_1159, %swap3A_1160] {strides = array<i32>} : memref<16x1024xf32, #tpu.memory_space<vmem>>, vector<1x16xf32>,
        %swap3A_1162 = vector.shape_cast %swap3A_1161 : vector<1x16xf32> to vector<16xf32>
        %swap3A_1163 = vector.shape_cast %add3A_975 : vector<16xf32> to vector<1x16xf32>
        tpu.vector_store %arg13[%swap3A_1159, %swap3A_1160], %swap3A_1163 {add = true, strides = array<i32>} : memref<16x1024xf32, #tpu.memory_space<vmem>>, vector<1x16xf32>,
        %swap3A_1164 = arith.index_cast %scan3A_134 : i32 to index
        %swap3A_1165 = arith.constant 624 : index
        %swap3A_1166 = tpu.vector_load %arg13[%swap3A_1164, %swap3A_1165] {strides = array<i32>} : memref<16x1024xf32, #tpu.memory_space<vmem>>, vector<1x16xf32>,
        %swap3A_1167 = vector.shape_cast %swap3A_1166 : vector<1x16xf32> to vector<16xf32>
        %swap3A_1168 = vector.shape_cast %add3A_992 : vector<16xf32> to vector<1x16xf32>
        tpu.vector_store %arg13[%swap3A_1164, %swap3A_1165], %swap3A_1168 {add = true, strides = array<i32>} : memref<16x1024xf32, #tpu.memory_space<vmem>>, vector<1x16xf32>,
        %swap3A_1169 = arith.index_cast %scan3A_134 : i32 to index
        %swap3A_1170 = arith.constant 640 : index
        %swap3A_1171 = tpu.vector_load %arg13[%swap3A_1169, %swap3A_1170] {strides = array<i32>} : memref<16x1024xf32, #tpu.memory_space<vmem>>, vector<1x16xf32>,
        %swap3A_1172 = vector.shape_cast %swap3A_1171 : vector<1x16xf32> to vector<16xf32>
        %swap3A_1173 = vector.shape_cast %add3A_1009 : vector<16xf32> to vector<1x16xf32>
        tpu.vector_store %arg13[%swap3A_1169, %swap3A_1170], %swap3A_1173 {add = true, strides = array<i32>} : memref<16x1024xf32, #tpu.memory_space<vmem>>, vector<1x16xf32>,
        %swap3A_1174 = arith.index_cast %scan3A_134 : i32 to index
        %swap3A_1175 = arith.constant 656 : index
        %swap3A_1176 = tpu.vector_load %arg13[%swap3A_1174, %swap3A_1175] {strides = array<i32>} : memref<16x1024xf32, #tpu.memory_space<vmem>>, vector<1x16xf32>,
        %swap3A_1177 = vector.shape_cast %swap3A_1176 : vector<1x16xf32> to vector<16xf32>
        %swap3A_1178 = vector.shape_cast %add3A_1026 : vector<16xf32> to vector<1x16xf32>
        tpu.vector_store %arg13[%swap3A_1174, %swap3A_1175], %swap3A_1178 {add = true, strides = array<i32>} : memref<16x1024xf32, #tpu.memory_space<vmem>>, vector<1x16xf32>,
        %swap3A_1179 = arith.index_cast %scan3A_134 : i32 to index
        %swap3A_1180 = arith.constant 672 : index
        %swap3A_1181 = tpu.vector_load %arg13[%swap3A_1179, %swap3A_1180] {strides = array<i32>} : memref<16x1024xf32, #tpu.memory_space<vmem>>, vector<1x16xf32>,
        %swap3A_1182 = vector.shape_cast %swap3A_1181 : vector<1x16xf32> to vector<16xf32>
        %swap3A_1183 = vector.shape_cast %add3A_1043 : vector<16xf32> to vector<1x16xf32>
        tpu.vector_store %arg13[%swap3A_1179, %swap3A_1180], %swap3A_1183 {add = true, strides = array<i32>} : memref<16x1024xf32, #tpu.memory_space<vmem>>, vector<1x16xf32>,
        %swap3A_1184 = arith.index_cast %scan3A_134 : i32 to index
        %swap3A_1185 = arith.constant 688 : index
        %swap3A_1186 = tpu.vector_load %arg13[%swap3A_1184, %swap3A_1185] {strides = array<i32>} : memref<16x1024xf32, #tpu.memory_space<vmem>>, vector<1x16xf32>,
        %swap3A_1187 = vector.shape_cast %swap3A_1186 : vector<1x16xf32> to vector<16xf32>
        %swap3A_1188 = vector.shape_cast %add3A_1060 : vector<16xf32> to vector<1x16xf32>
        tpu.vector_store %arg13[%swap3A_1184, %swap3A_1185], %swap3A_1188 {add = true, strides = array<i32>} : memref<16x1024xf32, #tpu.memory_space<vmem>>, vector<1x16xf32>,
        %swap3A_1189 = arith.index_cast %scan3A_134 : i32 to index
        %swap3A_1190 = arith.constant 704 : index
        %swap3A_1191 = tpu.vector_load %arg13[%swap3A_1189, %swap3A_1190] {strides = array<i32>} : memref<16x1024xf32, #tpu.memory_space<vmem>>, vector<1x16xf32>,
        %swap3A_1192 = vector.shape_cast %swap3A_1191 : vector<1x16xf32> to vector<16xf32>
        %swap3A_1193 = vector.shape_cast %add3A_1077 : vector<16xf32> to vector<1x16xf32>
        tpu.vector_store %arg13[%swap3A_1189, %swap3A_1190], %swap3A_1193 {add = true, strides = array<i32>} : memref<16x1024xf32, #tpu.memory_space<vmem>>, vector<1x16xf32>,
        %swap3A_1194 = arith.index_cast %scan3A_134 : i32 to index
        %swap3A_1195 = arith.constant 720 : index
        %swap3A_1196 = tpu.vector_load %arg13[%swap3A_1194, %swap3A_1195] {strides = array<i32>} : memref<16x1024xf32, #tpu.memory_space<vmem>>, vector<1x16xf32>,
        %swap3A_1197 = vector.shape_cast %swap3A_1196 : vector<1x16xf32> to vector<16xf32>
        %swap3A_1198 = vector.shape_cast %add3A_1094 : vector<16xf32> to vector<1x16xf32>
        tpu.vector_store %arg13[%swap3A_1194, %swap3A_1195], %swap3A_1198 {add = true, strides = array<i32>} : memref<16x1024xf32, #tpu.memory_space<vmem>>, vector<1x16xf32>,
        %swap3A_1199 = arith.index_cast %scan3A_134 : i32 to index
        %swap3A_1200 = arith.constant 736 : index
        %swap3A_1201 = tpu.vector_load %arg13[%swap3A_1199, %swap3A_1200] {strides = array<i32>} : memref<16x1024xf32, #tpu.memory_space<vmem>>, vector<1x16xf32>,
        %swap3A_1202 = vector.shape_cast %swap3A_1201 : vector<1x16xf32> to vector<16xf32>
        %swap3A_1203 = vector.shape_cast %add3A_1111 : vector<16xf32> to vector<1x16xf32>
        tpu.vector_store %arg13[%swap3A_1199, %swap3A_1200], %swap3A_1203 {add = true, strides = array<i32>} : memref<16x1024xf32, #tpu.memory_space<vmem>>, vector<1x16xf32>,
        %swap3A_1204 = arith.index_cast %scan3A_134 : i32 to index
        %swap3A_1205 = arith.constant 752 : index
        %swap3A_1206 = tpu.vector_load %arg13[%swap3A_1204, %swap3A_1205] {strides = array<i32>} : memref<16x1024xf32, #tpu.memory_space<vmem>>, vector<1x16xf32>,
        %swap3A_1207 = vector.shape_cast %swap3A_1206 : vector<1x16xf32> to vector<16xf32>
        %swap3A_1208 = vector.shape_cast %add3A_1128 : vector<16xf32> to vector<1x16xf32>
        tpu.vector_store %arg13[%swap3A_1204, %swap3A_1205], %swap3A_1208 {add = true, strides = array<i32>} : memref<16x1024xf32, #tpu.memory_space<vmem>>, vector<1x16xf32>,
        %mul3A_1209 = arith.constant 2 : i32
        %mul3A_1210 = arith.muli %mul3A_1209, %scan3A_134 : i32
        %get3A_1211 = arith.index_cast %mul3A_1210 : i32 to index
        %get3A_1212 = arith.constant 768 : index
        %get3A_1213 = tpu.vector_load %arg11[%get3A_1211, %get3A_1212] {strides = array<i32>} : memref<32x1024xf32, #tpu.memory_space<vmem>>, vector<1x16xf32>,
        %get3A_1214 = vector.shape_cast %get3A_1213 : vector<1x16xf32> to vector<16xf32>
        %mul3A_1215 = arith.mulf %get3A_142, %get3A_1214 : vector<16xf32>
        %mul3A_1216 = arith.constant 2 : i32
        %mul3A_1217 = arith.muli %mul3A_1216, %scan3A_134 : i32
        %add3A_1218 = arith.constant 1 : i32
        %add3A_1219 = arith.addi %mul3A_1217, %add3A_1218 : i32
        %get3A_1220 = arith.index_cast %add3A_1219 : i32 to index
        %get3A_1221 = arith.constant 768 : index
        %get3A_1222 = tpu.vector_load %arg11[%get3A_1220, %get3A_1221] {strides = array<i32>} : memref<32x1024xf32, #tpu.memory_space<vmem>>, vector<1x16xf32>,
        %get3A_1223 = vector.shape_cast %get3A_1222 : vector<1x16xf32> to vector<16xf32>
        %mul3A_1224 = arith.mulf %get3A_152, %get3A_1223 : vector<16xf32>
        %add3A_1225 = arith.addf %mul3A_1215, %mul3A_1224 : vector<16xf32>
        %mul3A_1226 = arith.constant 2 : i32
        %mul3A_1227 = arith.muli %mul3A_1226, %scan3A_134 : i32
        %get3A_1228 = arith.index_cast %mul3A_1227 : i32 to index
        %get3A_1229 = arith.constant 784 : index
        %get3A_1230 = tpu.vector_load %arg11[%get3A_1228, %get3A_1229] {strides = array<i32>} : memref<32x1024xf32, #tpu.memory_space<vmem>>, vector<1x16xf32>,
        %get3A_1231 = vector.shape_cast %get3A_1230 : vector<1x16xf32> to vector<16xf32>
        %mul3A_1232 = arith.mulf %get3A_142, %get3A_1231 : vector<16xf32>
        %mul3A_1233 = arith.constant 2 : i32
        %mul3A_1234 = arith.muli %mul3A_1233, %scan3A_134 : i32
        %add3A_1235 = arith.constant 1 : i32
        %add3A_1236 = arith.addi %mul3A_1234, %add3A_1235 : i32
        %get3A_1237 = arith.index_cast %add3A_1236 : i32 to index
        %get3A_1238 = arith.constant 784 : index
        %get3A_1239 = tpu.vector_load %arg11[%get3A_1237, %get3A_1238] {strides = array<i32>} : memref<32x1024xf32, #tpu.memory_space<vmem>>, vector<1x16xf32>,
        %get3A_1240 = vector.shape_cast %get3A_1239 : vector<1x16xf32> to vector<16xf32>
        %mul3A_1241 = arith.mulf %get3A_152, %get3A_1240 : vector<16xf32>
        %add3A_1242 = arith.addf %mul3A_1232, %mul3A_1241 : vector<16xf32>
        %mul3A_1243 = arith.constant 2 : i32
        %mul3A_1244 = arith.muli %mul3A_1243, %scan3A_134 : i32
        %get3A_1245 = arith.index_cast %mul3A_1244 : i32 to index
        %get3A_1246 = arith.constant 800 : index
        %get3A_1247 = tpu.vector_load %arg11[%get3A_1245, %get3A_1246] {strides = array<i32>} : memref<32x1024xf32, #tpu.memory_space<vmem>>, vector<1x16xf32>,
        %get3A_1248 = vector.shape_cast %get3A_1247 : vector<1x16xf32> to vector<16xf32>
        %mul3A_1249 = arith.mulf %get3A_142, %get3A_1248 : vector<16xf32>
        %mul3A_1250 = arith.constant 2 : i32
        %mul3A_1251 = arith.muli %mul3A_1250, %scan3A_134 : i32
        %add3A_1252 = arith.constant 1 : i32
        %add3A_1253 = arith.addi %mul3A_1251, %add3A_1252 : i32
        %get3A_1254 = arith.index_cast %add3A_1253 : i32 to index
        %get3A_1255 = arith.constant 800 : index
        %get3A_1256 = tpu.vector_load %arg11[%get3A_1254, %get3A_1255] {strides = array<i32>} : memref<32x1024xf32, #tpu.memory_space<vmem>>, vector<1x16xf32>,
        %get3A_1257 = vector.shape_cast %get3A_1256 : vector<1x16xf32> to vector<16xf32>
        %mul3A_1258 = arith.mulf %get3A_152, %get3A_1257 : vector<16xf32>
        %add3A_1259 = arith.addf %mul3A_1249, %mul3A_1258 : vector<16xf32>
        %mul3A_1260 = arith.constant 2 : i32
        %mul3A_1261 = arith.muli %mul3A_1260, %scan3A_134 : i32
        %get3A_1262 = arith.index_cast %mul3A_1261 : i32 to index
        %get3A_1263 = arith.constant 816 : index
        %get3A_1264 = tpu.vector_load %arg11[%get3A_1262, %get3A_1263] {strides = array<i32>} : memref<32x1024xf32, #tpu.memory_space<vmem>>, vector<1x16xf32>,
        %get3A_1265 = vector.shape_cast %get3A_1264 : vector<1x16xf32> to vector<16xf32>
        %mul3A_1266 = arith.mulf %get3A_142, %get3A_1265 : vector<16xf32>
        %mul3A_1267 = arith.constant 2 : i32
        %mul3A_1268 = arith.muli %mul3A_1267, %scan3A_134 : i32
        %add3A_1269 = arith.constant 1 : i32
        %add3A_1270 = arith.addi %mul3A_1268, %add3A_1269 : i32
        %get3A_1271 = arith.index_cast %add3A_1270 : i32 to index
        %get3A_1272 = arith.constant 816 : index
        %get3A_1273 = tpu.vector_load %arg11[%get3A_1271, %get3A_1272] {strides = array<i32>} : memref<32x1024xf32, #tpu.memory_space<vmem>>, vector<1x16xf32>,
        %get3A_1274 = vector.shape_cast %get3A_1273 : vector<1x16xf32> to vector<16xf32>
        %mul3A_1275 = arith.mulf %get3A_152, %get3A_1274 : vector<16xf32>
        %add3A_1276 = arith.addf %mul3A_1266, %mul3A_1275 : vector<16xf32>
        %mul3A_1277 = arith.constant 2 : i32
        %mul3A_1278 = arith.muli %mul3A_1277, %scan3A_134 : i32
        %get3A_1279 = arith.index_cast %mul3A_1278 : i32 to index
        %get3A_1280 = arith.constant 832 : index
        %get3A_1281 = tpu.vector_load %arg11[%get3A_1279, %get3A_1280] {strides = array<i32>} : memref<32x1024xf32, #tpu.memory_space<vmem>>, vector<1x16xf32>,
        %get3A_1282 = vector.shape_cast %get3A_1281 : vector<1x16xf32> to vector<16xf32>
        %mul3A_1283 = arith.mulf %get3A_142, %get3A_1282 : vector<16xf32>
        %mul3A_1284 = arith.constant 2 : i32
        %mul3A_1285 = arith.muli %mul3A_1284, %scan3A_134 : i32
        %add3A_1286 = arith.constant 1 : i32
        %add3A_1287 = arith.addi %mul3A_1285, %add3A_1286 : i32
        %get3A_1288 = arith.index_cast %add3A_1287 : i32 to index
        %get3A_1289 = arith.constant 832 : index
        %get3A_1290 = tpu.vector_load %arg11[%get3A_1288, %get3A_1289] {strides = array<i32>} : memref<32x1024xf32, #tpu.memory_space<vmem>>, vector<1x16xf32>,
        %get3A_1291 = vector.shape_cast %get3A_1290 : vector<1x16xf32> to vector<16xf32>
        %mul3A_1292 = arith.mulf %get3A_152, %get3A_1291 : vector<16xf32>
        %add3A_1293 = arith.addf %mul3A_1283, %mul3A_1292 : vector<16xf32>
        %mul3A_1294 = arith.constant 2 : i32
        %mul3A_1295 = arith.muli %mul3A_1294, %scan3A_134 : i32
        %get3A_1296 = arith.index_cast %mul3A_1295 : i32 to index
        %get3A_1297 = arith.constant 848 : index
        %get3A_1298 = tpu.vector_load %arg11[%get3A_1296, %get3A_1297] {strides = array<i32>} : memref<32x1024xf32, #tpu.memory_space<vmem>>, vector<1x16xf32>,
        %get3A_1299 = vector.shape_cast %get3A_1298 : vector<1x16xf32> to vector<16xf32>
        %mul3A_1300 = arith.mulf %get3A_142, %get3A_1299 : vector<16xf32>
        %mul3A_1301 = arith.constant 2 : i32
        %mul3A_1302 = arith.muli %mul3A_1301, %scan3A_134 : i32
        %add3A_1303 = arith.constant 1 : i32
        %add3A_1304 = arith.addi %mul3A_1302, %add3A_1303 : i32
        %get3A_1305 = arith.index_cast %add3A_1304 : i32 to index
        %get3A_1306 = arith.constant 848 : index
        %get3A_1307 = tpu.vector_load %arg11[%get3A_1305, %get3A_1306] {strides = array<i32>} : memref<32x1024xf32, #tpu.memory_space<vmem>>, vector<1x16xf32>,
        %get3A_1308 = vector.shape_cast %get3A_1307 : vector<1x16xf32> to vector<16xf32>
        %mul3A_1309 = arith.mulf %get3A_152, %get3A_1308 : vector<16xf32>
        %add3A_1310 = arith.addf %mul3A_1300, %mul3A_1309 : vector<16xf32>
        %mul3A_1311 = arith.constant 2 : i32
        %mul3A_1312 = arith.muli %mul3A_1311, %scan3A_134 : i32
        %get3A_1313 = arith.index_cast %mul3A_1312 : i32 to index
        %get3A_1314 = arith.constant 864 : index
        %get3A_1315 = tpu.vector_load %arg11[%get3A_1313, %get3A_1314] {strides = array<i32>} : memref<32x1024xf32, #tpu.memory_space<vmem>>, vector<1x16xf32>,
        %get3A_1316 = vector.shape_cast %get3A_1315 : vector<1x16xf32> to vector<16xf32>
        %mul3A_1317 = arith.mulf %get3A_142, %get3A_1316 : vector<16xf32>
        %mul3A_1318 = arith.constant 2 : i32
        %mul3A_1319 = arith.muli %mul3A_1318, %scan3A_134 : i32
        %add3A_1320 = arith.constant 1 : i32
        %add3A_1321 = arith.addi %mul3A_1319, %add3A_1320 : i32
        %get3A_1322 = arith.index_cast %add3A_1321 : i32 to index
        %get3A_1323 = arith.constant 864 : index
        %get3A_1324 = tpu.vector_load %arg11[%get3A_1322, %get3A_1323] {strides = array<i32>} : memref<32x1024xf32, #tpu.memory_space<vmem>>, vector<1x16xf32>,
        %get3A_1325 = vector.shape_cast %get3A_1324 : vector<1x16xf32> to vector<16xf32>
        %mul3A_1326 = arith.mulf %get3A_152, %get3A_1325 : vector<16xf32>
        %add3A_1327 = arith.addf %mul3A_1317, %mul3A_1326 : vector<16xf32>
        %mul3A_1328 = arith.constant 2 : i32
        %mul3A_1329 = arith.muli %mul3A_1328, %scan3A_134 : i32
        %get3A_1330 = arith.index_cast %mul3A_1329 : i32 to index
        %get3A_1331 = arith.constant 880 : index
        %get3A_1332 = tpu.vector_load %arg11[%get3A_1330, %get3A_1331] {strides = array<i32>} : memref<32x1024xf32, #tpu.memory_space<vmem>>, vector<1x16xf32>,
        %get3A_1333 = vector.shape_cast %get3A_1332 : vector<1x16xf32> to vector<16xf32>
        %mul3A_1334 = arith.mulf %get3A_142, %get3A_1333 : vector<16xf32>
        %mul3A_1335 = arith.constant 2 : i32
        %mul3A_1336 = arith.muli %mul3A_1335, %scan3A_134 : i32
        %add3A_1337 = arith.constant 1 : i32
        %add3A_1338 = arith.addi %mul3A_1336, %add3A_1337 : i32
        %get3A_1339 = arith.index_cast %add3A_1338 : i32 to index
        %get3A_1340 = arith.constant 880 : index
        %get3A_1341 = tpu.vector_load %arg11[%get3A_1339, %get3A_1340] {strides = array<i32>} : memref<32x1024xf32, #tpu.memory_space<vmem>>, vector<1x16xf32>,
        %get3A_1342 = vector.shape_cast %get3A_1341 : vector<1x16xf32> to vector<16xf32>
        %mul3A_1343 = arith.mulf %get3A_152, %get3A_1342 : vector<16xf32>
        %add3A_1344 = arith.addf %mul3A_1334, %mul3A_1343 : vector<16xf32>
        %mul3A_1345 = arith.constant 2 : i32
        %mul3A_1346 = arith.muli %mul3A_1345, %scan3A_134 : i32
        %get3A_1347 = arith.index_cast %mul3A_1346 : i32 to index
        %get3A_1348 = arith.constant 896 : index
        %get3A_1349 = tpu.vector_load %arg11[%get3A_1347, %get3A_1348] {strides = array<i32>} : memref<32x1024xf32, #tpu.memory_space<vmem>>, vector<1x16xf32>,
        %get3A_1350 = vector.shape_cast %get3A_1349 : vector<1x16xf32> to vector<16xf32>
        %mul3A_1351 = arith.mulf %get3A_142, %get3A_1350 : vector<16xf32>
        %mul3A_1352 = arith.constant 2 : i32
        %mul3A_1353 = arith.muli %mul3A_1352, %scan3A_134 : i32
        %add3A_1354 = arith.constant 1 : i32
        %add3A_1355 = arith.addi %mul3A_1353, %add3A_1354 : i32
        %get3A_1356 = arith.index_cast %add3A_1355 : i32 to index
        %get3A_1357 = arith.constant 896 : index
        %get3A_1358 = tpu.vector_load %arg11[%get3A_1356, %get3A_1357] {strides = array<i32>} : memref<32x1024xf32, #tpu.memory_space<vmem>>, vector<1x16xf32>,
        %get3A_1359 = vector.shape_cast %get3A_1358 : vector<1x16xf32> to vector<16xf32>
        %mul3A_1360 = arith.mulf %get3A_152, %get3A_1359 : vector<16xf32>
        %add3A_1361 = arith.addf %mul3A_1351, %mul3A_1360 : vector<16xf32>
        %mul3A_1362 = arith.constant 2 : i32
        %mul3A_1363 = arith.muli %mul3A_1362, %scan3A_134 : i32
        %get3A_1364 = arith.index_cast %mul3A_1363 : i32 to index
        %get3A_1365 = arith.constant 912 : index
        %get3A_1366 = tpu.vector_load %arg11[%get3A_1364, %get3A_1365] {strides = array<i32>} : memref<32x1024xf32, #tpu.memory_space<vmem>>, vector<1x16xf32>,
        %get3A_1367 = vector.shape_cast %get3A_1366 : vector<1x16xf32> to vector<16xf32>
        %mul3A_1368 = arith.mulf %get3A_142, %get3A_1367 : vector<16xf32>
        %mul3A_1369 = arith.constant 2 : i32
        %mul3A_1370 = arith.muli %mul3A_1369, %scan3A_134 : i32
        %add3A_1371 = arith.constant 1 : i32
        %add3A_1372 = arith.addi %mul3A_1370, %add3A_1371 : i32
        %get3A_1373 = arith.index_cast %add3A_1372 : i32 to index
        %get3A_1374 = arith.constant 912 : index
        %get3A_1375 = tpu.vector_load %arg11[%get3A_1373, %get3A_1374] {strides = array<i32>} : memref<32x1024xf32, #tpu.memory_space<vmem>>, vector<1x16xf32>,
        %get3A_1376 = vector.shape_cast %get3A_1375 : vector<1x16xf32> to vector<16xf32>
        %mul3A_1377 = arith.mulf %get3A_152, %get3A_1376 : vector<16xf32>
        %add3A_1378 = arith.addf %mul3A_1368, %mul3A_1377 : vector<16xf32>
        %mul3A_1379 = arith.constant 2 : i32
        %mul3A_1380 = arith.muli %mul3A_1379, %scan3A_134 : i32
        %get3A_1381 = arith.index_cast %mul3A_1380 : i32 to index
        %get3A_1382 = arith.constant 928 : index
        %get3A_1383 = tpu.vector_load %arg11[%get3A_1381, %get3A_1382] {strides = array<i32>} : memref<32x1024xf32, #tpu.memory_space<vmem>>, vector<1x16xf32>,
        %get3A_1384 = vector.shape_cast %get3A_1383 : vector<1x16xf32> to vector<16xf32>
        %mul3A_1385 = arith.mulf %get3A_142, %get3A_1384 : vector<16xf32>
        %mul3A_1386 = arith.constant 2 : i32
        %mul3A_1387 = arith.muli %mul3A_1386, %scan3A_134 : i32
        %add3A_1388 = arith.constant 1 : i32
        %add3A_1389 = arith.addi %mul3A_1387, %add3A_1388 : i32
        %get3A_1390 = arith.index_cast %add3A_1389 : i32 to index
        %get3A_1391 = arith.constant 928 : index
        %get3A_1392 = tpu.vector_load %arg11[%get3A_1390, %get3A_1391] {strides = array<i32>} : memref<32x1024xf32, #tpu.memory_space<vmem>>, vector<1x16xf32>,
        %get3A_1393 = vector.shape_cast %get3A_1392 : vector<1x16xf32> to vector<16xf32>
        %mul3A_1394 = arith.mulf %get3A_152, %get3A_1393 : vector<16xf32>
        %add3A_1395 = arith.addf %mul3A_1385, %mul3A_1394 : vector<16xf32>
        %mul3A_1396 = arith.constant 2 : i32
        %mul3A_1397 = arith.muli %mul3A_1396, %scan3A_134 : i32
        %get3A_1398 = arith.index_cast %mul3A_1397 : i32 to index
        %get3A_1399 = arith.constant 944 : index
        %get3A_1400 = tpu.vector_load %arg11[%get3A_1398, %get3A_1399] {strides = array<i32>} : memref<32x1024xf32, #tpu.memory_space<vmem>>, vector<1x16xf32>,
        %get3A_1401 = vector.shape_cast %get3A_1400 : vector<1x16xf32> to vector<16xf32>
        %mul3A_1402 = arith.mulf %get3A_142, %get3A_1401 : vector<16xf32>
        %mul3A_1403 = arith.constant 2 : i32
        %mul3A_1404 = arith.muli %mul3A_1403, %scan3A_134 : i32
        %add3A_1405 = arith.constant 1 : i32
        %add3A_1406 = arith.addi %mul3A_1404, %add3A_1405 : i32
        %get3A_1407 = arith.index_cast %add3A_1406 : i32 to index
        %get3A_1408 = arith.constant 944 : index
        %get3A_1409 = tpu.vector_load %arg11[%get3A_1407, %get3A_1408] {strides = array<i32>} : memref<32x1024xf32, #tpu.memory_space<vmem>>, vector<1x16xf32>,
        %get3A_1410 = vector.shape_cast %get3A_1409 : vector<1x16xf32> to vector<16xf32>
        %mul3A_1411 = arith.mulf %get3A_152, %get3A_1410 : vector<16xf32>
        %add3A_1412 = arith.addf %mul3A_1402, %mul3A_1411 : vector<16xf32>
        %mul3A_1413 = arith.constant 2 : i32
        %mul3A_1414 = arith.muli %mul3A_1413, %scan3A_134 : i32
        %get3A_1415 = arith.index_cast %mul3A_1414 : i32 to index
        %get3A_1416 = arith.constant 960 : index
        %get3A_1417 = tpu.vector_load %arg11[%get3A_1415, %get3A_1416] {strides = array<i32>} : memref<32x1024xf32, #tpu.memory_space<vmem>>, vector<1x16xf32>,
        %get3A_1418 = vector.shape_cast %get3A_1417 : vector<1x16xf32> to vector<16xf32>
        %mul3A_1419 = arith.mulf %get3A_142, %get3A_1418 : vector<16xf32>
        %mul3A_1420 = arith.constant 2 : i32
        %mul3A_1421 = arith.muli %mul3A_1420, %scan3A_134 : i32
        %add3A_1422 = arith.constant 1 : i32
        %add3A_1423 = arith.addi %mul3A_1421, %add3A_1422 : i32
        %get3A_1424 = arith.index_cast %add3A_1423 : i32 to index
        %get3A_1425 = arith.constant 960 : index
        %get3A_1426 = tpu.vector_load %arg11[%get3A_1424, %get3A_1425] {strides = array<i32>} : memref<32x1024xf32, #tpu.memory_space<vmem>>, vector<1x16xf32>,
        %get3A_1427 = vector.shape_cast %get3A_1426 : vector<1x16xf32> to vector<16xf32>
        %mul3A_1428 = arith.mulf %get3A_152, %get3A_1427 : vector<16xf32>
        %add3A_1429 = arith.addf %mul3A_1419, %mul3A_1428 : vector<16xf32>
        %mul3A_1430 = arith.constant 2 : i32
        %mul3A_1431 = arith.muli %mul3A_1430, %scan3A_134 : i32
        %get3A_1432 = arith.index_cast %mul3A_1431 : i32 to index
        %get3A_1433 = arith.constant 976 : index
        %get3A_1434 = tpu.vector_load %arg11[%get3A_1432, %get3A_1433] {strides = array<i32>} : memref<32x1024xf32, #tpu.memory_space<vmem>>, vector<1x16xf32>,
        %get3A_1435 = vector.shape_cast %get3A_1434 : vector<1x16xf32> to vector<16xf32>
        %mul3A_1436 = arith.mulf %get3A_142, %get3A_1435 : vector<16xf32>
        %mul3A_1437 = arith.constant 2 : i32
        %mul3A_1438 = arith.muli %mul3A_1437, %scan3A_134 : i32
        %add3A_1439 = arith.constant 1 : i32
        %add3A_1440 = arith.addi %mul3A_1438, %add3A_1439 : i32
        %get3A_1441 = arith.index_cast %add3A_1440 : i32 to index
        %get3A_1442 = arith.constant 976 : index
        %get3A_1443 = tpu.vector_load %arg11[%get3A_1441, %get3A_1442] {strides = array<i32>} : memref<32x1024xf32, #tpu.memory_space<vmem>>, vector<1x16xf32>,
        %get3A_1444 = vector.shape_cast %get3A_1443 : vector<1x16xf32> to vector<16xf32>
        %mul3A_1445 = arith.mulf %get3A_152, %get3A_1444 : vector<16xf32>
        %add3A_1446 = arith.addf %mul3A_1436, %mul3A_1445 : vector<16xf32>
        %mul3A_1447 = arith.constant 2 : i32
        %mul3A_1448 = arith.muli %mul3A_1447, %scan3A_134 : i32
        %get3A_1449 = arith.index_cast %mul3A_1448 : i32 to index
        %get3A_1450 = arith.constant 992 : index
        %get3A_1451 = tpu.vector_load %arg11[%get3A_1449, %get3A_1450] {strides = array<i32>} : memref<32x1024xf32, #tpu.memory_space<vmem>>, vector<1x16xf32>,
        %get3A_1452 = vector.shape_cast %get3A_1451 : vector<1x16xf32> to vector<16xf32>
        %mul3A_1453 = arith.mulf %get3A_142, %get3A_1452 : vector<16xf32>
        %mul3A_1454 = arith.constant 2 : i32
        %mul3A_1455 = arith.muli %mul3A_1454, %scan3A_134 : i32
        %add3A_1456 = arith.constant 1 : i32
        %add3A_1457 = arith.addi %mul3A_1455, %add3A_1456 : i32
        %get3A_1458 = arith.index_cast %add3A_1457 : i32 to index
        %get3A_1459 = arith.constant 992 : index
        %get3A_1460 = tpu.vector_load %arg11[%get3A_1458, %get3A_1459] {strides = array<i32>} : memref<32x1024xf32, #tpu.memory_space<vmem>>, vector<1x16xf32>,
        %get3A_1461 = vector.shape_cast %get3A_1460 : vector<1x16xf32> to vector<16xf32>
        %mul3A_1462 = arith.mulf %get3A_152, %get3A_1461 : vector<16xf32>
        %add3A_1463 = arith.addf %mul3A_1453, %mul3A_1462 : vector<16xf32>
        %mul3A_1464 = arith.constant 2 : i32
        %mul3A_1465 = arith.muli %mul3A_1464, %scan3A_134 : i32
        %get3A_1466 = arith.index_cast %mul3A_1465 : i32 to index
        %get3A_1467 = arith.constant 1008 : index
        %get3A_1468 = tpu.vector_load %arg11[%get3A_1466, %get3A_1467] {strides = array<i32>} : memref<32x1024xf32, #tpu.memory_space<vmem>>, vector<1x16xf32>,
        %get3A_1469 = vector.shape_cast %get3A_1468 : vector<1x16xf32> to vector<16xf32>
        %mul3A_1470 = arith.mulf %get3A_142, %get3A_1469 : vector<16xf32>
        %mul3A_1471 = arith.constant 2 : i32
        %mul3A_1472 = arith.muli %mul3A_1471, %scan3A_134 : i32
        %add3A_1473 = arith.constant 1 : i32
        %add3A_1474 = arith.addi %mul3A_1472, %add3A_1473 : i32
        %get3A_1475 = arith.index_cast %add3A_1474 : i32 to index
        %get3A_1476 = arith.constant 1008 : index
        %get3A_1477 = tpu.vector_load %arg11[%get3A_1475, %get3A_1476] {strides = array<i32>} : memref<32x1024xf32, #tpu.memory_space<vmem>>, vector<1x16xf32>,
        %get3A_1478 = vector.shape_cast %get3A_1477 : vector<1x16xf32> to vector<16xf32>
        %mul3A_1479 = arith.mulf %get3A_152, %get3A_1478 : vector<16xf32>
        %add3A_1480 = arith.addf %mul3A_1470, %mul3A_1479 : vector<16xf32>
        %swap3A_1481 = arith.index_cast %scan3A_134 : i32 to index
        %swap3A_1482 = arith.constant 768 : index
        %swap3A_1483 = tpu.vector_load %arg13[%swap3A_1481, %swap3A_1482] {strides = array<i32>} : memref<16x1024xf32, #tpu.memory_space<vmem>>, vector<1x16xf32>,
        %swap3A_1484 = vector.shape_cast %swap3A_1483 : vector<1x16xf32> to vector<16xf32>
        %swap3A_1485 = vector.shape_cast %add3A_1225 : vector<16xf32> to vector<1x16xf32>
        tpu.vector_store %arg13[%swap3A_1481, %swap3A_1482], %swap3A_1485 {add = true, strides = array<i32>} : memref<16x1024xf32, #tpu.memory_space<vmem>>, vector<1x16xf32>,
        %swap3A_1486 = arith.index_cast %scan3A_134 : i32 to index
        %swap3A_1487 = arith.constant 784 : index
        %swap3A_1488 = tpu.vector_load %arg13[%swap3A_1486, %swap3A_1487] {strides = array<i32>} : memref<16x1024xf32, #tpu.memory_space<vmem>>, vector<1x16xf32>,
        %swap3A_1489 = vector.shape_cast %swap3A_1488 : vector<1x16xf32> to vector<16xf32>
        %swap3A_1490 = vector.shape_cast %add3A_1242 : vector<16xf32> to vector<1x16xf32>
        tpu.vector_store %arg13[%swap3A_1486, %swap3A_1487], %swap3A_1490 {add = true, strides = array<i32>} : memref<16x1024xf32, #tpu.memory_space<vmem>>, vector<1x16xf32>,
        %swap3A_1491 = arith.index_cast %scan3A_134 : i32 to index
        %swap3A_1492 = arith.constant 800 : index
        %swap3A_1493 = tpu.vector_load %arg13[%swap3A_1491, %swap3A_1492] {strides = array<i32>} : memref<16x1024xf32, #tpu.memory_space<vmem>>, vector<1x16xf32>,
        %swap3A_1494 = vector.shape_cast %swap3A_1493 : vector<1x16xf32> to vector<16xf32>
        %swap3A_1495 = vector.shape_cast %add3A_1259 : vector<16xf32> to vector<1x16xf32>
        tpu.vector_store %arg13[%swap3A_1491, %swap3A_1492], %swap3A_1495 {add = true, strides = array<i32>} : memref<16x1024xf32, #tpu.memory_space<vmem>>, vector<1x16xf32>,
        %swap3A_1496 = arith.index_cast %scan3A_134 : i32 to index
        %swap3A_1497 = arith.constant 816 : index
        %swap3A_1498 = tpu.vector_load %arg13[%swap3A_1496, %swap3A_1497] {strides = array<i32>} : memref<16x1024xf32, #tpu.memory_space<vmem>>, vector<1x16xf32>,
        %swap3A_1499 = vector.shape_cast %swap3A_1498 : vector<1x16xf32> to vector<16xf32>
        %swap3A_1500 = vector.shape_cast %add3A_1276 : vector<16xf32> to vector<1x16xf32>
        tpu.vector_store %arg13[%swap3A_1496, %swap3A_1497], %swap3A_1500 {add = true, strides = array<i32>} : memref<16x1024xf32, #tpu.memory_space<vmem>>, vector<1x16xf32>,
        %swap3A_1501 = arith.index_cast %scan3A_134 : i32 to index
        %swap3A_1502 = arith.constant 832 : index
        %swap3A_1503 = tpu.vector_load %arg13[%swap3A_1501, %swap3A_1502] {strides = array<i32>} : memref<16x1024xf32, #tpu.memory_space<vmem>>, vector<1x16xf32>,
        %swap3A_1504 = vector.shape_cast %swap3A_1503 : vector<1x16xf32> to vector<16xf32>
        %swap3A_1505 = vector.shape_cast %add3A_1293 : vector<16xf32> to vector<1x16xf32>
        tpu.vector_store %arg13[%swap3A_1501, %swap3A_1502], %swap3A_1505 {add = true, strides = array<i32>} : memref<16x1024xf32, #tpu.memory_space<vmem>>, vector<1x16xf32>,
        %swap3A_1506 = arith.index_cast %scan3A_134 : i32 to index
        %swap3A_1507 = arith.constant 848 : index
        %swap3A_1508 = tpu.vector_load %arg13[%swap3A_1506, %swap3A_1507] {strides = array<i32>} : memref<16x1024xf32, #tpu.memory_space<vmem>>, vector<1x16xf32>,
        %swap3A_1509 = vector.shape_cast %swap3A_1508 : vector<1x16xf32> to vector<16xf32>
        %swap3A_1510 = vector.shape_cast %add3A_1310 : vector<16xf32> to vector<1x16xf32>
        tpu.vector_store %arg13[%swap3A_1506, %swap3A_1507], %swap3A_1510 {add = true, strides = array<i32>} : memref<16x1024xf32, #tpu.memory_space<vmem>>, vector<1x16xf32>,
        %swap3A_1511 = arith.index_cast %scan3A_134 : i32 to index
        %swap3A_1512 = arith.constant 864 : index
        %swap3A_1513 = tpu.vector_load %arg13[%swap3A_1511, %swap3A_1512] {strides = array<i32>} : memref<16x1024xf32, #tpu.memory_space<vmem>>, vector<1x16xf32>,
        %swap3A_1514 = vector.shape_cast %swap3A_1513 : vector<1x16xf32> to vector<16xf32>
        %swap3A_1515 = vector.shape_cast %add3A_1327 : vector<16xf32> to vector<1x16xf32>
        tpu.vector_store %arg13[%swap3A_1511, %swap3A_1512], %swap3A_1515 {add = true, strides = array<i32>} : memref<16x1024xf32, #tpu.memory_space<vmem>>, vector<1x16xf32>,
        %swap3A_1516 = arith.index_cast %scan3A_134 : i32 to index
        %swap3A_1517 = arith.constant 880 : index
        %swap3A_1518 = tpu.vector_load %arg13[%swap3A_1516, %swap3A_1517] {strides = array<i32>} : memref<16x1024xf32, #tpu.memory_space<vmem>>, vector<1x16xf32>,
        %swap3A_1519 = vector.shape_cast %swap3A_1518 : vector<1x16xf32> to vector<16xf32>
        %swap3A_1520 = vector.shape_cast %add3A_1344 : vector<16xf32> to vector<1x16xf32>
        tpu.vector_store %arg13[%swap3A_1516, %swap3A_1517], %swap3A_1520 {add = true, strides = array<i32>} : memref<16x1024xf32, #tpu.memory_space<vmem>>, vector<1x16xf32>,
        %swap3A_1521 = arith.index_cast %scan3A_134 : i32 to index
        %swap3A_1522 = arith.constant 896 : index
        %swap3A_1523 = tpu.vector_load %arg13[%swap3A_1521, %swap3A_1522] {strides = array<i32>} : memref<16x1024xf32, #tpu.memory_space<vmem>>, vector<1x16xf32>,
        %swap3A_1524 = vector.shape_cast %swap3A_1523 : vector<1x16xf32> to vector<16xf32>
        %swap3A_1525 = vector.shape_cast %add3A_1361 : vector<16xf32> to vector<1x16xf32>
        tpu.vector_store %arg13[%swap3A_1521, %swap3A_1522], %swap3A_1525 {add = true, strides = array<i32>} : memref<16x1024xf32, #tpu.memory_space<vmem>>, vector<1x16xf32>,
        %swap3A_1526 = arith.index_cast %scan3A_134 : i32 to index
        %swap3A_1527 = arith.constant 912 : index
        %swap3A_1528 = tpu.vector_load %arg13[%swap3A_1526, %swap3A_1527] {strides = array<i32>} : memref<16x1024xf32, #tpu.memory_space<vmem>>, vector<1x16xf32>,
        %swap3A_1529 = vector.shape_cast %swap3A_1528 : vector<1x16xf32> to vector<16xf32>
        %swap3A_1530 = vector.shape_cast %add3A_1378 : vector<16xf32> to vector<1x16xf32>
        tpu.vector_store %arg13[%swap3A_1526, %swap3A_1527], %swap3A_1530 {add = true, strides = array<i32>} : memref<16x1024xf32, #tpu.memory_space<vmem>>, vector<1x16xf32>,
        %swap3A_1531 = arith.index_cast %scan3A_134 : i32 to index
        %swap3A_1532 = arith.constant 928 : index
        %swap3A_1533 = tpu.vector_load %arg13[%swap3A_1531, %swap3A_1532] {strides = array<i32>} : memref<16x1024xf32, #tpu.memory_space<vmem>>, vector<1x16xf32>,
        %swap3A_1534 = vector.shape_cast %swap3A_1533 : vector<1x16xf32> to vector<16xf32>
        %swap3A_1535 = vector.shape_cast %add3A_1395 : vector<16xf32> to vector<1x16xf32>
        tpu.vector_store %arg13[%swap3A_1531, %swap3A_1532], %swap3A_1535 {add = true, strides = array<i32>} : memref<16x1024xf32, #tpu.memory_space<vmem>>, vector<1x16xf32>,
        %swap3A_1536 = arith.index_cast %scan3A_134 : i32 to index
        %swap3A_1537 = arith.constant 944 : index
        %swap3A_1538 = tpu.vector_load %arg13[%swap3A_1536, %swap3A_1537] {strides = array<i32>} : memref<16x1024xf32, #tpu.memory_space<vmem>>, vector<1x16xf32>,
        %swap3A_1539 = vector.shape_cast %swap3A_1538 : vector<1x16xf32> to vector<16xf32>
        %swap3A_1540 = vector.shape_cast %add3A_1412 : vector<16xf32> to vector<1x16xf32>
        tpu.vector_store %arg13[%swap3A_1536, %swap3A_1537], %swap3A_1540 {add = true, strides = array<i32>} : memref<16x1024xf32, #tpu.memory_space<vmem>>, vector<1x16xf32>,
        %swap3A_1541 = arith.index_cast %scan3A_134 : i32 to index
        %swap3A_1542 = arith.constant 960 : index
        %swap3A_1543 = tpu.vector_load %arg13[%swap3A_1541, %swap3A_1542] {strides = array<i32>} : memref<16x1024xf32, #tpu.memory_space<vmem>>, vector<1x16xf32>,
        %swap3A_1544 = vector.shape_cast %swap3A_1543 : vector<1x16xf32> to vector<16xf32>
        %swap3A_1545 = vector.shape_cast %add3A_1429 : vector<16xf32> to vector<1x16xf32>
        tpu.vector_store %arg13[%swap3A_1541, %swap3A_1542], %swap3A_1545 {add = true, strides = array<i32>} : memref<16x1024xf32, #tpu.memory_space<vmem>>, vector<1x16xf32>,
        %swap3A_1546 = arith.index_cast %scan3A_134 : i32 to index
        %swap3A_1547 = arith.constant 976 : index
        %swap3A_1548 = tpu.vector_load %arg13[%swap3A_1546, %swap3A_1547] {strides = array<i32>} : memref<16x1024xf32, #tpu.memory_space<vmem>>, vector<1x16xf32>,
        %swap3A_1549 = vector.shape_cast %swap3A_1548 : vector<1x16xf32> to vector<16xf32>
        %swap3A_1550 = vector.shape_cast %add3A_1446 : vector<16xf32> to vector<1x16xf32>
        tpu.vector_store %arg13[%swap3A_1546, %swap3A_1547], %swap3A_1550 {add = true, strides = array<i32>} : memref<16x1024xf32, #tpu.memory_space<vmem>>, vector<1x16xf32>,
        %swap3A_1551 = arith.index_cast %scan3A_134 : i32 to index
        %swap3A_1552 = arith.constant 992 : index
        %swap3A_1553 = tpu.vector_load %arg13[%swap3A_1551, %swap3A_1552] {strides = array<i32>} : memref<16x1024xf32, #tpu.memory_space<vmem>>, vector<1x16xf32>,
        %swap3A_1554 = vector.shape_cast %swap3A_1553 : vector<1x16xf32> to vector<16xf32>
        %swap3A_1555 = vector.shape_cast %add3A_1463 : vector<16xf32> to vector<1x16xf32>
        tpu.vector_store %arg13[%swap3A_1551, %swap3A_1552], %swap3A_1555 {add = true, strides = array<i32>} : memref<16x1024xf32, #tpu.memory_space<vmem>>, vector<1x16xf32>,
        %swap3A_1556 = arith.index_cast %scan3A_134 : i32 to index
        %swap3A_1557 = arith.constant 1008 : index
        %swap3A_1558 = tpu.vector_load %arg13[%swap3A_1556, %swap3A_1557] {strides = array<i32>} : memref<16x1024xf32, #tpu.memory_space<vmem>>, vector<1x16xf32>,
        %swap3A_1559 = vector.shape_cast %swap3A_1558 : vector<1x16xf32> to vector<16xf32>
        %swap3A_1560 = vector.shape_cast %add3A_1480 : vector<16xf32> to vector<1x16xf32>
        tpu.vector_store %arg13[%swap3A_1556, %swap3A_1557], %swap3A_1560 {add = true, strides = array<i32>} : memref<16x1024xf32, #tpu.memory_space<vmem>>, vector<1x16xf32>,
      }
      %scan3A_95 = arith.constant 16 : i32
      %mul3A_96 = arith.constant 16 : i32
      %mul3A_97 = arith.muli %mul3A_45, %mul3A_96 : i32
      %add3A_98 = arith.addi %mul3A_2, %mul3A_97 : i32
      %dma_start3A_99 = arith.constant 0 : i32
      %dma_start3A_100 = tpu.memref_slice %arg6[%add3A_98, %dma_start3A_99] : memref<8192x1024xf32, #tpu.memory_space<hbm>> -> memref<16x1024xf32, #tpu.memory_space<hbm>>
      %dma_start3A_101 = arith.constant 0 : i32
      %dma_start3A_102 = tpu.memref_slice %arg6[%add3A_98, %dma_start3A_101] : memref<8192x1024xf32, #tpu.memory_space<hbm>> -> memref<16x1024xf32, #tpu.memory_space<hbm>>
      tpu.enqueue_dma source(%arg13 : memref<16x1024xf32, #tpu.memory_space<vmem>>) target(%dma_start3A_102 : memref<16x1024xf32, #tpu.memory_space<hbm>>) target_semaphore(%arg19 : memref<!tpu.dma_semaphore, #tpu.memory_space<semaphore_mem>>)
      %lt3A = arith.constant 7 : i32
      %lt3A_103 = arith.cmpi slt, %scan3A_43, %lt3A : i32
      %convert_element_type3A_104 = arith.extui %lt3A_103 : i1 to i32
      %cond3A_105 = arith.constant 0 : i32
      %cond3A_106 = arith.cmpi ne, %convert_element_type3A_104, %cond3A_105 : i32
      scf.if %cond3A_106 {
        %mul3A_134 = arith.constant 16 : i32
        %mul3A_135 = arith.muli %mul3A_45, %mul3A_134 : i32
        %add3A_136 = arith.addi %mul3A_2, %mul3A_135 : i32
        %dma_wait3A_137 = arith.constant 0 : i32
        %dma_wait3A_138 = tpu.memref_slice %arg6[%add3A_136, %dma_wait3A_137] : memref<8192x1024xf32, #tpu.memory_space<hbm>> -> memref<16x1024xf32, #tpu.memory_space<hbm>>
        %dma_wait3A_139 = arith.constant 0 : i32
        %dma_wait3A_140 = tpu.memref_slice %arg6[%add3A_136, %dma_wait3A_139] : memref<8192x1024xf32, #tpu.memory_space<hbm>> -> memref<16x1024xf32, #tpu.memory_space<hbm>>
        tpu.wait_dma2 semaphore(%arg19 : memref<!tpu.dma_semaphore, #tpu.memory_space<semaphore_mem>>) src(%arg13 : memref<16x1024xf32, #tpu.memory_space<vmem>>) dst(%dma_wait3A_140 : memref<16x1024xf32, #tpu.memory_space<hbm>>)
        %add3A_141 = arith.constant 2 : i32
        %add3A_142 = arith.addi %mul3A_45, %add3A_141 : i32
        %mul3A_143 = arith.constant 32 : i32
        %mul3A_144 = arith.muli %add3A_142, %mul3A_143 : i32
        %get3A_145 = arith.index_cast %mul3A_144 : i32 to index
        %get3A_146 = tpu.vector_load %arg8[%get3A_145] {strides = array<i32>} : memref<512xi32, #tpu.memory_space<vmem>>, vector<16xi32>,
        %get3A_147 = vector.shape_cast %get3A_146 : vector<16xi32> to vector<16xi32>
        %swap3A_148 = arith.constant 0 : index
        %swap3A_149 = tpu.vector_load %arg9[%swap3A_148] {strides = array<i32>} : memref<32xi32, #tpu.memory_space<vmem>>, vector<16xi32>,
        %swap3A_150 = vector.shape_cast %swap3A_149 : vector<16xi32> to vector<16xi32>
        %swap3A_151 = vector.shape_cast %get3A_147 : vector<16xi32> to vector<16xi32>
        tpu.vector_store %arg9[%swap3A_148], %swap3A_151 {strides = array<i32>} : memref<32xi32, #tpu.memory_space<vmem>>, vector<16xi32>,
        %mul3A_152 = arith.constant 32 : i32
        %mul3A_153 = arith.muli %add3A_142, %mul3A_152 : i32
        %add3A_154 = arith.constant 16 : i32
        %add3A_155 = arith.addi %mul3A_153, %add3A_154 : i32
        %get3A_156 = arith.index_cast %add3A_155 : i32 to index
        %get3A_157 = tpu.vector_load %arg8[%get3A_156] {strides = array<i32>} : memref<512xi32, #tpu.memory_space<vmem>>, vector<16xi32>,
        %get3A_158 = vector.shape_cast %get3A_157 : vector<16xi32> to vector<16xi32>
        %swap3A_159 = arith.constant 16 : index
        %swap3A_160 = tpu.vector_load %arg9[%swap3A_159] {strides = array<i32>} : memref<32xi32, #tpu.memory_space<vmem>>, vector<16xi32>,
        %swap3A_161 = vector.shape_cast %swap3A_160 : vector<16xi32> to vector<16xi32>
        %swap3A_162 = vector.shape_cast %get3A_158 : vector<16xi32> to vector<16xi32>
        tpu.vector_store %arg9[%swap3A_159], %swap3A_162 {strides = array<i32>} : memref<32xi32, #tpu.memory_space<vmem>>, vector<16xi32>,
        %dma_start3A_163 = arith.constant 0 : i32
        %dma_start3A_164 = arith.constant 0 : i32
        %dma_start3A_165 = tpu.memref_slice %arg5[%dma_start3A_163, %dma_start3A_164] : memref<1023x1024xf32, #tpu.memory_space<hbm>> -> memref<1023x1024xf32, #tpu.memory_space<hbm>>
        tpu.enqueue_indirect_dma source(%dma_start3A_165 : memref<1023x1024xf32, #tpu.memory_space<hbm>>) target(%arg11 : memref<32x1024xf32, #tpu.memory_space<vmem>>) offsets(%arg9 : memref<32xi32, #tpu.memory_space<vmem>>) semaphore(%arg15 : memref<!tpu.dma_semaphore, #tpu.memory_space<semaphore_mem>>)
        %mul3A_166 = arith.constant 16 : i32
        %mul3A_167 = arith.muli %add3A_142, %mul3A_166 : i32
        %add3A_168 = arith.addi %mul3A_2, %mul3A_167 : i32
        %dma_start3A_169 = arith.constant 0 : i32
        %dma_start3A_170 = tpu.memref_slice %arg2[%add3A_168, %dma_start3A_169] : memref<8192x1024xf32, #tpu.memory_space<hbm>> -> memref<16x1024xf32, #tpu.memory_space<hbm>>
        %dma_start3A_171 = arith.constant 0 : i32
        %dma_start3A_172 = tpu.memref_slice %arg2[%add3A_168, %dma_start3A_171] : memref<8192x1024xf32, #tpu.memory_space<hbm>> -> memref<16x1024xf32, #tpu.memory_space<hbm>>
        tpu.enqueue_dma source(%dma_start3A_172 : memref<16x1024xf32, #tpu.memory_space<hbm>>) target(%arg13 : memref<16x1024xf32, #tpu.memory_space<vmem>>) target_semaphore(%arg17 : memref<!tpu.dma_semaphore, #tpu.memory_space<semaphore_mem>>)
      } else {
      }
      %add3A_107 = arith.constant 1 : i32
      %add3A_108 = arith.addi %mul3A_45, %add3A_107 : i32
      %dma_wait3A_109 = arith.constant 0 : i32
      %dma_wait3A_110 = arith.constant 0 : i32
      %dma_wait3A_111 = tpu.memref_slice %arg5[%dma_wait3A_109, %dma_wait3A_110] : memref<1023x1024xf32, #tpu.memory_space<hbm>> -> memref<1023x1024xf32, #tpu.memory_space<hbm>>
      tpu.wait_indirect_dma semaphore(%arg16 : memref<!tpu.dma_semaphore, #tpu.memory_space<semaphore_mem>>) src(%dma_wait3A_111 : memref<1023x1024xf32, #tpu.memory_space<hbm>>) dst(%arg12 : memref<32x1024xf32, #tpu.memory_space<vmem>>)
      %mul3A_112 = arith.constant 16 : i32
      %mul3A_113 = arith.muli %add3A_108, %mul3A_112 : i32
      %add3A_114 = arith.addi %mul3A_2, %mul3A_113 : i32
      %dma_wait3A_115 = arith.constant 0 : i32
      %dma_wait3A_116 = tpu.memref_slice %arg2[%add3A_114, %dma_wait3A_115] : memref<8192x1024xf32, #tpu.memory_space<hbm>> -> memref<16x1024xf32, #tpu.memory_space<hbm>>
      %dma_wait3A_117 = arith.constant 0 : i32
      %dma_wait3A_118 = tpu.memref_slice %arg2[%add3A_114, %dma_wait3A_117] : memref<8192x1024xf32, #tpu.memory_space<hbm>> -> memref<16x1024xf32, #tpu.memory_space<hbm>>
      tpu.wait_dma2 semaphore(%arg18 : memref<!tpu.dma_semaphore, #tpu.memory_space<semaphore_mem>>) src(%dma_wait3A_118 : memref<16x1024xf32, #tpu.memory_space<hbm>>) dst(%arg14 : memref<16x1024xf32, #tpu.memory_space<vmem>>)
      %add3A_119 = arith.constant 1 : i32
      %add3A_120 = arith.addi %mul3A_45, %add3A_119 : i32
      %scan3A_121 = arith.constant 0 : i32
      %scan3A_122 = arith.constant 0 : i32
      %scan3A_123 = arith.constant 16 : i32
      %scan3A_124 = arith.addi %scan3A_122, %scan3A_123 : i32
      %scan3A_125 = arith.constant 1 : i32
      scf.for %scan3A_134 = %scan3A_122 to %scan3A_124 step %scan3A_125  : i32 {
        %mul3A_135 = arith.constant 16 : i32
        %mul3A_136 = arith.muli %add3A_120, %mul3A_135 : i32
        %add3A_137 = arith.addi %mul3A_136, %scan3A_134 : i32
        %mul3A_138 = arith.constant 32 : i32
        %mul3A_139 = arith.muli %add3A_137, %mul3A_138 : i32
        %get3A_140 = arith.index_cast %mul3A_139 : i32 to index
        %get3A_141 = tpu.vector_load %arg7[%get3A_140] {strides = array<i32>} : memref<8192xf32, #tpu.memory_space<vmem>>, vector<16xf32>,
        %get3A_142 = vector.shape_cast %get3A_141 : vector<16xf32> to vector<16xf32>
        %mul3A_143 = arith.constant 16 : i32
        %mul3A_144 = arith.muli %add3A_120, %mul3A_143 : i32
        %add3A_145 = arith.addi %mul3A_144, %scan3A_134 : i32
        %mul3A_146 = arith.constant 32 : i32
        %mul3A_147 = arith.muli %add3A_145, %mul3A_146 : i32
        %add3A_148 = arith.constant 16 : i32
        %add3A_149 = arith.addi %mul3A_147, %add3A_148 : i32
        %get3A_150 = arith.index_cast %add3A_149 : i32 to index
        %get3A_151 = tpu.vector_load %arg7[%get3A_150] {strides = array<i32>} : memref<8192xf32, #tpu.memory_space<vmem>>, vector<16xf32>,
        %get3A_152 = vector.shape_cast %get3A_151 : vector<16xf32> to vector<16xf32>
        %mul3A_153 = arith.constant 2 : i32
        %mul3A_154 = arith.muli %mul3A_153, %scan3A_134 : i32
        %get3A_155 = arith.index_cast %mul3A_154 : i32 to index
        %get3A_156 = arith.constant 0 : index
        %get3A_157 = tpu.vector_load %arg12[%get3A_155, %get3A_156] {strides = array<i32>} : memref<32x1024xf32, #tpu.memory_space<vmem>>, vector<1x16xf32>,
        %get3A_158 = vector.shape_cast %get3A_157 : vector<1x16xf32> to vector<16xf32>
        %mul3A_159 = arith.mulf %get3A_142, %get3A_158 : vector<16xf32>
        %mul3A_160 = arith.constant 2 : i32
        %mul3A_161 = arith.muli %mul3A_160, %scan3A_134 : i32
        %add3A_162 = arith.constant 1 : i32
        %add3A_163 = arith.addi %mul3A_161, %add3A_162 : i32
        %get3A_164 = arith.index_cast %add3A_163 : i32 to index
        %get3A_165 = arith.constant 0 : index
        %get3A_166 = tpu.vector_load %arg12[%get3A_164, %get3A_165] {strides = array<i32>} : memref<32x1024xf32, #tpu.memory_space<vmem>>, vector<1x16xf32>,
        %get3A_167 = vector.shape_cast %get3A_166 : vector<1x16xf32> to vector<16xf32>
        %mul3A_168 = arith.mulf %get3A_152, %get3A_167 : vector<16xf32>
        %add3A_169 = arith.addf %mul3A_159, %mul3A_168 : vector<16xf32>
        %mul3A_170 = arith.constant 2 : i32
        %mul3A_171 = arith.muli %mul3A_170, %scan3A_134 : i32
        %get3A_172 = arith.index_cast %mul3A_171 : i32 to index
        %get3A_173 = arith.constant 16 : index
        %get3A_174 = tpu.vector_load %arg12[%get3A_172, %get3A_173] {strides = array<i32>} : memref<32x1024xf32, #tpu.memory_space<vmem>>, vector<1x16xf32>,
        %get3A_175 = vector.shape_cast %get3A_174 : vector<1x16xf32> to vector<16xf32>
        %mul3A_176 = arith.mulf %get3A_142, %get3A_175 : vector<16xf32>
        %mul3A_177 = arith.constant 2 : i32
        %mul3A_178 = arith.muli %mul3A_177, %scan3A_134 : i32
        %add3A_179 = arith.constant 1 : i32
        %add3A_180 = arith.addi %mul3A_178, %add3A_179 : i32
        %get3A_181 = arith.index_cast %add3A_180 : i32 to index
        %get3A_182 = arith.constant 16 : index
        %get3A_183 = tpu.vector_load %arg12[%get3A_181, %get3A_182] {strides = array<i32>} : memref<32x1024xf32, #tpu.memory_space<vmem>>, vector<1x16xf32>,
        %get3A_184 = vector.shape_cast %get3A_183 : vector<1x16xf32> to vector<16xf32>
        %mul3A_185 = arith.mulf %get3A_152, %get3A_184 : vector<16xf32>
        %add3A_186 = arith.addf %mul3A_176, %mul3A_185 : vector<16xf32>
        %mul3A_187 = arith.constant 2 : i32
        %mul3A_188 = arith.muli %mul3A_187, %scan3A_134 : i32
        %get3A_189 = arith.index_cast %mul3A_188 : i32 to index
        %get3A_190 = arith.constant 32 : index
        %get3A_191 = tpu.vector_load %arg12[%get3A_189, %get3A_190] {strides = array<i32>} : memref<32x1024xf32, #tpu.memory_space<vmem>>, vector<1x16xf32>,
        %get3A_192 = vector.shape_cast %get3A_191 : vector<1x16xf32> to vector<16xf32>
        %mul3A_193 = arith.mulf %get3A_142, %get3A_192 : vector<16xf32>
        %mul3A_194 = arith.constant 2 : i32
        %mul3A_195 = arith.muli %mul3A_194, %scan3A_134 : i32
        %add3A_196 = arith.constant 1 : i32
        %add3A_197 = arith.addi %mul3A_195, %add3A_196 : i32
        %get3A_198 = arith.index_cast %add3A_197 : i32 to index
        %get3A_199 = arith.constant 32 : index
        %get3A_200 = tpu.vector_load %arg12[%get3A_198, %get3A_199] {strides = array<i32>} : memref<32x1024xf32, #tpu.memory_space<vmem>>, vector<1x16xf32>,
        %get3A_201 = vector.shape_cast %get3A_200 : vector<1x16xf32> to vector<16xf32>
        %mul3A_202 = arith.mulf %get3A_152, %get3A_201 : vector<16xf32>
        %add3A_203 = arith.addf %mul3A_193, %mul3A_202 : vector<16xf32>
        %mul3A_204 = arith.constant 2 : i32
        %mul3A_205 = arith.muli %mul3A_204, %scan3A_134 : i32
        %get3A_206 = arith.index_cast %mul3A_205 : i32 to index
        %get3A_207 = arith.constant 48 : index
        %get3A_208 = tpu.vector_load %arg12[%get3A_206, %get3A_207] {strides = array<i32>} : memref<32x1024xf32, #tpu.memory_space<vmem>>, vector<1x16xf32>,
        %get3A_209 = vector.shape_cast %get3A_208 : vector<1x16xf32> to vector<16xf32>
        %mul3A_210 = arith.mulf %get3A_142, %get3A_209 : vector<16xf32>
        %mul3A_211 = arith.constant 2 : i32
        %mul3A_212 = arith.muli %mul3A_211, %scan3A_134 : i32
        %add3A_213 = arith.constant 1 : i32
        %add3A_214 = arith.addi %mul3A_212, %add3A_213 : i32
        %get3A_215 = arith.index_cast %add3A_214 : i32 to index
        %get3A_216 = arith.constant 48 : index
        %get3A_217 = tpu.vector_load %arg12[%get3A_215, %get3A_216] {strides = array<i32>} : memref<32x1024xf32, #tpu.memory_space<vmem>>, vector<1x16xf32>,
        %get3A_218 = vector.shape_cast %get3A_217 : vector<1x16xf32> to vector<16xf32>
        %mul3A_219 = arith.mulf %get3A_152, %get3A_218 : vector<16xf32>
        %add3A_220 = arith.addf %mul3A_210, %mul3A_219 : vector<16xf32>
        %mul3A_221 = arith.constant 2 : i32
        %mul3A_222 = arith.muli %mul3A_221, %scan3A_134 : i32
        %get3A_223 = arith.index_cast %mul3A_222 : i32 to index
        %get3A_224 = arith.constant 64 : index
        %get3A_225 = tpu.vector_load %arg12[%get3A_223, %get3A_224] {strides = array<i32>} : memref<32x1024xf32, #tpu.memory_space<vmem>>, vector<1x16xf32>,
        %get3A_226 = vector.shape_cast %get3A_225 : vector<1x16xf32> to vector<16xf32>
        %mul3A_227 = arith.mulf %get3A_142, %get3A_226 : vector<16xf32>
        %mul3A_228 = arith.constant 2 : i32
        %mul3A_229 = arith.muli %mul3A_228, %scan3A_134 : i32
        %add3A_230 = arith.constant 1 : i32
        %add3A_231 = arith.addi %mul3A_229, %add3A_230 : i32
        %get3A_232 = arith.index_cast %add3A_231 : i32 to index
        %get3A_233 = arith.constant 64 : index
        %get3A_234 = tpu.vector_load %arg12[%get3A_232, %get3A_233] {strides = array<i32>} : memref<32x1024xf32, #tpu.memory_space<vmem>>, vector<1x16xf32>,
        %get3A_235 = vector.shape_cast %get3A_234 : vector<1x16xf32> to vector<16xf32>
        %mul3A_236 = arith.mulf %get3A_152, %get3A_235 : vector<16xf32>
        %add3A_237 = arith.addf %mul3A_227, %mul3A_236 : vector<16xf32>
        %mul3A_238 = arith.constant 2 : i32
        %mul3A_239 = arith.muli %mul3A_238, %scan3A_134 : i32
        %get3A_240 = arith.index_cast %mul3A_239 : i32 to index
        %get3A_241 = arith.constant 80 : index
        %get3A_242 = tpu.vector_load %arg12[%get3A_240, %get3A_241] {strides = array<i32>} : memref<32x1024xf32, #tpu.memory_space<vmem>>, vector<1x16xf32>,
        %get3A_243 = vector.shape_cast %get3A_242 : vector<1x16xf32> to vector<16xf32>
        %mul3A_244 = arith.mulf %get3A_142, %get3A_243 : vector<16xf32>
        %mul3A_245 = arith.constant 2 : i32
        %mul3A_246 = arith.muli %mul3A_245, %scan3A_134 : i32
        %add3A_247 = arith.constant 1 : i32
        %add3A_248 = arith.addi %mul3A_246, %add3A_247 : i32
        %get3A_249 = arith.index_cast %add3A_248 : i32 to index
        %get3A_250 = arith.constant 80 : index
        %get3A_251 = tpu.vector_load %arg12[%get3A_249, %get3A_250] {strides = array<i32>} : memref<32x1024xf32, #tpu.memory_space<vmem>>, vector<1x16xf32>,
        %get3A_252 = vector.shape_cast %get3A_251 : vector<1x16xf32> to vector<16xf32>
        %mul3A_253 = arith.mulf %get3A_152, %get3A_252 : vector<16xf32>
        %add3A_254 = arith.addf %mul3A_244, %mul3A_253 : vector<16xf32>
        %mul3A_255 = arith.constant 2 : i32
        %mul3A_256 = arith.muli %mul3A_255, %scan3A_134 : i32
        %get3A_257 = arith.index_cast %mul3A_256 : i32 to index
        %get3A_258 = arith.constant 96 : index
        %get3A_259 = tpu.vector_load %arg12[%get3A_257, %get3A_258] {strides = array<i32>} : memref<32x1024xf32, #tpu.memory_space<vmem>>, vector<1x16xf32>,
        %get3A_260 = vector.shape_cast %get3A_259 : vector<1x16xf32> to vector<16xf32>
        %mul3A_261 = arith.mulf %get3A_142, %get3A_260 : vector<16xf32>
        %mul3A_262 = arith.constant 2 : i32
        %mul3A_263 = arith.muli %mul3A_262, %scan3A_134 : i32
        %add3A_264 = arith.constant 1 : i32
        %add3A_265 = arith.addi %mul3A_263, %add3A_264 : i32
        %get3A_266 = arith.index_cast %add3A_265 : i32 to index
        %get3A_267 = arith.constant 96 : index
        %get3A_268 = tpu.vector_load %arg12[%get3A_266, %get3A_267] {strides = array<i32>} : memref<32x1024xf32, #tpu.memory_space<vmem>>, vector<1x16xf32>,
        %get3A_269 = vector.shape_cast %get3A_268 : vector<1x16xf32> to vector<16xf32>
        %mul3A_270 = arith.mulf %get3A_152, %get3A_269 : vector<16xf32>
        %add3A_271 = arith.addf %mul3A_261, %mul3A_270 : vector<16xf32>
        %mul3A_272 = arith.constant 2 : i32
        %mul3A_273 = arith.muli %mul3A_272, %scan3A_134 : i32
        %get3A_274 = arith.index_cast %mul3A_273 : i32 to index
        %get3A_275 = arith.constant 112 : index
        %get3A_276 = tpu.vector_load %arg12[%get3A_274, %get3A_275] {strides = array<i32>} : memref<32x1024xf32, #tpu.memory_space<vmem>>, vector<1x16xf32>,
        %get3A_277 = vector.shape_cast %get3A_276 : vector<1x16xf32> to vector<16xf32>
        %mul3A_278 = arith.mulf %get3A_142, %get3A_277 : vector<16xf32>
        %mul3A_279 = arith.constant 2 : i32
        %mul3A_280 = arith.muli %mul3A_279, %scan3A_134 : i32
        %add3A_281 = arith.constant 1 : i32
        %add3A_282 = arith.addi %mul3A_280, %add3A_281 : i32
        %get3A_283 = arith.index_cast %add3A_282 : i32 to index
        %get3A_284 = arith.constant 112 : index
        %get3A_285 = tpu.vector_load %arg12[%get3A_283, %get3A_284] {strides = array<i32>} : memref<32x1024xf32, #tpu.memory_space<vmem>>, vector<1x16xf32>,
        %get3A_286 = vector.shape_cast %get3A_285 : vector<1x16xf32> to vector<16xf32>
        %mul3A_287 = arith.mulf %get3A_152, %get3A_286 : vector<16xf32>
        %add3A_288 = arith.addf %mul3A_278, %mul3A_287 : vector<16xf32>
        %mul3A_289 = arith.constant 2 : i32
        %mul3A_290 = arith.muli %mul3A_289, %scan3A_134 : i32
        %get3A_291 = arith.index_cast %mul3A_290 : i32 to index
        %get3A_292 = arith.constant 128 : index
        %get3A_293 = tpu.vector_load %arg12[%get3A_291, %get3A_292] {strides = array<i32>} : memref<32x1024xf32, #tpu.memory_space<vmem>>, vector<1x16xf32>,
        %get3A_294 = vector.shape_cast %get3A_293 : vector<1x16xf32> to vector<16xf32>
        %mul3A_295 = arith.mulf %get3A_142, %get3A_294 : vector<16xf32>
        %mul3A_296 = arith.constant 2 : i32
        %mul3A_297 = arith.muli %mul3A_296, %scan3A_134 : i32
        %add3A_298 = arith.constant 1 : i32
        %add3A_299 = arith.addi %mul3A_297, %add3A_298 : i32
        %get3A_300 = arith.index_cast %add3A_299 : i32 to index
        %get3A_301 = arith.constant 128 : index
        %get3A_302 = tpu.vector_load %arg12[%get3A_300, %get3A_301] {strides = array<i32>} : memref<32x1024xf32, #tpu.memory_space<vmem>>, vector<1x16xf32>,
        %get3A_303 = vector.shape_cast %get3A_302 : vector<1x16xf32> to vector<16xf32>
        %mul3A_304 = arith.mulf %get3A_152, %get3A_303 : vector<16xf32>
        %add3A_305 = arith.addf %mul3A_295, %mul3A_304 : vector<16xf32>
        %mul3A_306 = arith.constant 2 : i32
        %mul3A_307 = arith.muli %mul3A_306, %scan3A_134 : i32
        %get3A_308 = arith.index_cast %mul3A_307 : i32 to index
        %get3A_309 = arith.constant 144 : index
        %get3A_310 = tpu.vector_load %arg12[%get3A_308, %get3A_309] {strides = array<i32>} : memref<32x1024xf32, #tpu.memory_space<vmem>>, vector<1x16xf32>,
        %get3A_311 = vector.shape_cast %get3A_310 : vector<1x16xf32> to vector<16xf32>
        %mul3A_312 = arith.mulf %get3A_142, %get3A_311 : vector<16xf32>
        %mul3A_313 = arith.constant 2 : i32
        %mul3A_314 = arith.muli %mul3A_313, %scan3A_134 : i32
        %add3A_315 = arith.constant 1 : i32
        %add3A_316 = arith.addi %mul3A_314, %add3A_315 : i32
        %get3A_317 = arith.index_cast %add3A_316 : i32 to index
        %get3A_318 = arith.constant 144 : index
        %get3A_319 = tpu.vector_load %arg12[%get3A_317, %get3A_318] {strides = array<i32>} : memref<32x1024xf32, #tpu.memory_space<vmem>>, vector<1x16xf32>,
        %get3A_320 = vector.shape_cast %get3A_319 : vector<1x16xf32> to vector<16xf32>
        %mul3A_321 = arith.mulf %get3A_152, %get3A_320 : vector<16xf32>
        %add3A_322 = arith.addf %mul3A_312, %mul3A_321 : vector<16xf32>
        %mul3A_323 = arith.constant 2 : i32
        %mul3A_324 = arith.muli %mul3A_323, %scan3A_134 : i32
        %get3A_325 = arith.index_cast %mul3A_324 : i32 to index
        %get3A_326 = arith.constant 160 : index
        %get3A_327 = tpu.vector_load %arg12[%get3A_325, %get3A_326] {strides = array<i32>} : memref<32x1024xf32, #tpu.memory_space<vmem>>, vector<1x16xf32>,
        %get3A_328 = vector.shape_cast %get3A_327 : vector<1x16xf32> to vector<16xf32>
        %mul3A_329 = arith.mulf %get3A_142, %get3A_328 : vector<16xf32>
        %mul3A_330 = arith.constant 2 : i32
        %mul3A_331 = arith.muli %mul3A_330, %scan3A_134 : i32
        %add3A_332 = arith.constant 1 : i32
        %add3A_333 = arith.addi %mul3A_331, %add3A_332 : i32
        %get3A_334 = arith.index_cast %add3A_333 : i32 to index
        %get3A_335 = arith.constant 160 : index
        %get3A_336 = tpu.vector_load %arg12[%get3A_334, %get3A_335] {strides = array<i32>} : memref<32x1024xf32, #tpu.memory_space<vmem>>, vector<1x16xf32>,
        %get3A_337 = vector.shape_cast %get3A_336 : vector<1x16xf32> to vector<16xf32>
        %mul3A_338 = arith.mulf %get3A_152, %get3A_337 : vector<16xf32>
        %add3A_339 = arith.addf %mul3A_329, %mul3A_338 : vector<16xf32>
        %mul3A_340 = arith.constant 2 : i32
        %mul3A_341 = arith.muli %mul3A_340, %scan3A_134 : i32
        %get3A_342 = arith.index_cast %mul3A_341 : i32 to index
        %get3A_343 = arith.constant 176 : index
        %get3A_344 = tpu.vector_load %arg12[%get3A_342, %get3A_343] {strides = array<i32>} : memref<32x1024xf32, #tpu.memory_space<vmem>>, vector<1x16xf32>,
        %get3A_345 = vector.shape_cast %get3A_344 : vector<1x16xf32> to vector<16xf32>
        %mul3A_346 = arith.mulf %get3A_142, %get3A_345 : vector<16xf32>
        %mul3A_347 = arith.constant 2 : i32
        %mul3A_348 = arith.muli %mul3A_347, %scan3A_134 : i32
        %add3A_349 = arith.constant 1 : i32
        %add3A_350 = arith.addi %mul3A_348, %add3A_349 : i32
        %get3A_351 = arith.index_cast %add3A_350 : i32 to index
        %get3A_352 = arith.constant 176 : index
        %get3A_353 = tpu.vector_load %arg12[%get3A_351, %get3A_352] {strides = array<i32>} : memref<32x1024xf32, #tpu.memory_space<vmem>>, vector<1x16xf32>,
        %get3A_354 = vector.shape_cast %get3A_353 : vector<1x16xf32> to vector<16xf32>
        %mul3A_355 = arith.mulf %get3A_152, %get3A_354 : vector<16xf32>
        %add3A_356 = arith.addf %mul3A_346, %mul3A_355 : vector<16xf32>
        %mul3A_357 = arith.constant 2 : i32
        %mul3A_358 = arith.muli %mul3A_357, %scan3A_134 : i32
        %get3A_359 = arith.index_cast %mul3A_358 : i32 to index
        %get3A_360 = arith.constant 192 : index
        %get3A_361 = tpu.vector_load %arg12[%get3A_359, %get3A_360] {strides = array<i32>} : memref<32x1024xf32, #tpu.memory_space<vmem>>, vector<1x16xf32>,
        %get3A_362 = vector.shape_cast %get3A_361 : vector<1x16xf32> to vector<16xf32>
        %mul3A_363 = arith.mulf %get3A_142, %get3A_362 : vector<16xf32>
        %mul3A_364 = arith.constant 2 : i32
        %mul3A_365 = arith.muli %mul3A_364, %scan3A_134 : i32
        %add3A_366 = arith.constant 1 : i32
        %add3A_367 = arith.addi %mul3A_365, %add3A_366 : i32
        %get3A_368 = arith.index_cast %add3A_367 : i32 to index
        %get3A_369 = arith.constant 192 : index
        %get3A_370 = tpu.vector_load %arg12[%get3A_368, %get3A_369] {strides = array<i32>} : memref<32x1024xf32, #tpu.memory_space<vmem>>, vector<1x16xf32>,
        %get3A_371 = vector.shape_cast %get3A_370 : vector<1x16xf32> to vector<16xf32>
        %mul3A_372 = arith.mulf %get3A_152, %get3A_371 : vector<16xf32>
        %add3A_373 = arith.addf %mul3A_363, %mul3A_372 : vector<16xf32>
        %mul3A_374 = arith.constant 2 : i32
        %mul3A_375 = arith.muli %mul3A_374, %scan3A_134 : i32
        %get3A_376 = arith.index_cast %mul3A_375 : i32 to index
        %get3A_377 = arith.constant 208 : index
        %get3A_378 = tpu.vector_load %arg12[%get3A_376, %get3A_377] {strides = array<i32>} : memref<32x1024xf32, #tpu.memory_space<vmem>>, vector<1x16xf32>,
        %get3A_379 = vector.shape_cast %get3A_378 : vector<1x16xf32> to vector<16xf32>
        %mul3A_380 = arith.mulf %get3A_142, %get3A_379 : vector<16xf32>
        %mul3A_381 = arith.constant 2 : i32
        %mul3A_382 = arith.muli %mul3A_381, %scan3A_134 : i32
        %add3A_383 = arith.constant 1 : i32
        %add3A_384 = arith.addi %mul3A_382, %add3A_383 : i32
        %get3A_385 = arith.index_cast %add3A_384 : i32 to index
        %get3A_386 = arith.constant 208 : index
        %get3A_387 = tpu.vector_load %arg12[%get3A_385, %get3A_386] {strides = array<i32>} : memref<32x1024xf32, #tpu.memory_space<vmem>>, vector<1x16xf32>,
        %get3A_388 = vector.shape_cast %get3A_387 : vector<1x16xf32> to vector<16xf32>
        %mul3A_389 = arith.mulf %get3A_152, %get3A_388 : vector<16xf32>
        %add3A_390 = arith.addf %mul3A_380, %mul3A_389 : vector<16xf32>
        %mul3A_391 = arith.constant 2 : i32
        %mul3A_392 = arith.muli %mul3A_391, %scan3A_134 : i32
        %get3A_393 = arith.index_cast %mul3A_392 : i32 to index
        %get3A_394 = arith.constant 224 : index
        %get3A_395 = tpu.vector_load %arg12[%get3A_393, %get3A_394] {strides = array<i32>} : memref<32x1024xf32, #tpu.memory_space<vmem>>, vector<1x16xf32>,
        %get3A_396 = vector.shape_cast %get3A_395 : vector<1x16xf32> to vector<16xf32>
        %mul3A_397 = arith.mulf %get3A_142, %get3A_396 : vector<16xf32>
        %mul3A_398 = arith.constant 2 : i32
        %mul3A_399 = arith.muli %mul3A_398, %scan3A_134 : i32
        %add3A_400 = arith.constant 1 : i32
        %add3A_401 = arith.addi %mul3A_399, %add3A_400 : i32
        %get3A_402 = arith.index_cast %add3A_401 : i32 to index
        %get3A_403 = arith.constant 224 : index
        %get3A_404 = tpu.vector_load %arg12[%get3A_402, %get3A_403] {strides = array<i32>} : memref<32x1024xf32, #tpu.memory_space<vmem>>, vector<1x16xf32>,
        %get3A_405 = vector.shape_cast %get3A_404 : vector<1x16xf32> to vector<16xf32>
        %mul3A_406 = arith.mulf %get3A_152, %get3A_405 : vector<16xf32>
        %add3A_407 = arith.addf %mul3A_397, %mul3A_406 : vector<16xf32>
        %mul3A_408 = arith.constant 2 : i32
        %mul3A_409 = arith.muli %mul3A_408, %scan3A_134 : i32
        %get3A_410 = arith.index_cast %mul3A_409 : i32 to index
        %get3A_411 = arith.constant 240 : index
        %get3A_412 = tpu.vector_load %arg12[%get3A_410, %get3A_411] {strides = array<i32>} : memref<32x1024xf32, #tpu.memory_space<vmem>>, vector<1x16xf32>,
        %get3A_413 = vector.shape_cast %get3A_412 : vector<1x16xf32> to vector<16xf32>
        %mul3A_414 = arith.mulf %get3A_142, %get3A_413 : vector<16xf32>
        %mul3A_415 = arith.constant 2 : i32
        %mul3A_416 = arith.muli %mul3A_415, %scan3A_134 : i32
        %add3A_417 = arith.constant 1 : i32
        %add3A_418 = arith.addi %mul3A_416, %add3A_417 : i32
        %get3A_419 = arith.index_cast %add3A_418 : i32 to index
        %get3A_420 = arith.constant 240 : index
        %get3A_421 = tpu.vector_load %arg12[%get3A_419, %get3A_420] {strides = array<i32>} : memref<32x1024xf32, #tpu.memory_space<vmem>>, vector<1x16xf32>,
        %get3A_422 = vector.shape_cast %get3A_421 : vector<1x16xf32> to vector<16xf32>
        %mul3A_423 = arith.mulf %get3A_152, %get3A_422 : vector<16xf32>
        %add3A_424 = arith.addf %mul3A_414, %mul3A_423 : vector<16xf32>
        %swap3A_425 = arith.index_cast %scan3A_134 : i32 to index
        %swap3A_426 = arith.constant 0 : index
        %swap3A_427 = tpu.vector_load %arg14[%swap3A_425, %swap3A_426] {strides = array<i32>} : memref<16x1024xf32, #tpu.memory_space<vmem>>, vector<1x16xf32>,
        %swap3A_428 = vector.shape_cast %swap3A_427 : vector<1x16xf32> to vector<16xf32>
        %swap3A_429 = vector.shape_cast %add3A_169 : vector<16xf32> to vector<1x16xf32>
        tpu.vector_store %arg14[%swap3A_425, %swap3A_426], %swap3A_429 {add = true, strides = array<i32>} : memref<16x1024xf32, #tpu.memory_space<vmem>>, vector<1x16xf32>,
        %swap3A_430 = arith.index_cast %scan3A_134 : i32 to index
        %swap3A_431 = arith.constant 16 : index
        %swap3A_432 = tpu.vector_load %arg14[%swap3A_430, %swap3A_431] {strides = array<i32>} : memref<16x1024xf32, #tpu.memory_space<vmem>>, vector<1x16xf32>,
        %swap3A_433 = vector.shape_cast %swap3A_432 : vector<1x16xf32> to vector<16xf32>
        %swap3A_434 = vector.shape_cast %add3A_186 : vector<16xf32> to vector<1x16xf32>
        tpu.vector_store %arg14[%swap3A_430, %swap3A_431], %swap3A_434 {add = true, strides = array<i32>} : memref<16x1024xf32, #tpu.memory_space<vmem>>, vector<1x16xf32>,
        %swap3A_435 = arith.index_cast %scan3A_134 : i32 to index
        %swap3A_436 = arith.constant 32 : index
        %swap3A_437 = tpu.vector_load %arg14[%swap3A_435, %swap3A_436] {strides = array<i32>} : memref<16x1024xf32, #tpu.memory_space<vmem>>, vector<1x16xf32>,
        %swap3A_438 = vector.shape_cast %swap3A_437 : vector<1x16xf32> to vector<16xf32>
        %swap3A_439 = vector.shape_cast %add3A_203 : vector<16xf32> to vector<1x16xf32>
        tpu.vector_store %arg14[%swap3A_435, %swap3A_436], %swap3A_439 {add = true, strides = array<i32>} : memref<16x1024xf32, #tpu.memory_space<vmem>>, vector<1x16xf32>,
        %swap3A_440 = arith.index_cast %scan3A_134 : i32 to index
        %swap3A_441 = arith.constant 48 : index
        %swap3A_442 = tpu.vector_load %arg14[%swap3A_440, %swap3A_441] {strides = array<i32>} : memref<16x1024xf32, #tpu.memory_space<vmem>>, vector<1x16xf32>,
        %swap3A_443 = vector.shape_cast %swap3A_442 : vector<1x16xf32> to vector<16xf32>
        %swap3A_444 = vector.shape_cast %add3A_220 : vector<16xf32> to vector<1x16xf32>
        tpu.vector_store %arg14[%swap3A_440, %swap3A_441], %swap3A_444 {add = true, strides = array<i32>} : memref<16x1024xf32, #tpu.memory_space<vmem>>, vector<1x16xf32>,
        %swap3A_445 = arith.index_cast %scan3A_134 : i32 to index
        %swap3A_446 = arith.constant 64 : index
        %swap3A_447 = tpu.vector_load %arg14[%swap3A_445, %swap3A_446] {strides = array<i32>} : memref<16x1024xf32, #tpu.memory_space<vmem>>, vector<1x16xf32>,
        %swap3A_448 = vector.shape_cast %swap3A_447 : vector<1x16xf32> to vector<16xf32>
        %swap3A_449 = vector.shape_cast %add3A_237 : vector<16xf32> to vector<1x16xf32>
        tpu.vector_store %arg14[%swap3A_445, %swap3A_446], %swap3A_449 {add = true, strides = array<i32>} : memref<16x1024xf32, #tpu.memory_space<vmem>>, vector<1x16xf32>,
        %swap3A_450 = arith.index_cast %scan3A_134 : i32 to index
        %swap3A_451 = arith.constant 80 : index
        %swap3A_452 = tpu.vector_load %arg14[%swap3A_450, %swap3A_451] {strides = array<i32>} : memref<16x1024xf32, #tpu.memory_space<vmem>>, vector<1x16xf32>,
        %swap3A_453 = vector.shape_cast %swap3A_452 : vector<1x16xf32> to vector<16xf32>
        %swap3A_454 = vector.shape_cast %add3A_254 : vector<16xf32> to vector<1x16xf32>
        tpu.vector_store %arg14[%swap3A_450, %swap3A_451], %swap3A_454 {add = true, strides = array<i32>} : memref<16x1024xf32, #tpu.memory_space<vmem>>, vector<1x16xf32>,
        %swap3A_455 = arith.index_cast %scan3A_134 : i32 to index
        %swap3A_456 = arith.constant 96 : index
        %swap3A_457 = tpu.vector_load %arg14[%swap3A_455, %swap3A_456] {strides = array<i32>} : memref<16x1024xf32, #tpu.memory_space<vmem>>, vector<1x16xf32>,
        %swap3A_458 = vector.shape_cast %swap3A_457 : vector<1x16xf32> to vector<16xf32>
        %swap3A_459 = vector.shape_cast %add3A_271 : vector<16xf32> to vector<1x16xf32>
        tpu.vector_store %arg14[%swap3A_455, %swap3A_456], %swap3A_459 {add = true, strides = array<i32>} : memref<16x1024xf32, #tpu.memory_space<vmem>>, vector<1x16xf32>,
        %swap3A_460 = arith.index_cast %scan3A_134 : i32 to index
        %swap3A_461 = arith.constant 112 : index
        %swap3A_462 = tpu.vector_load %arg14[%swap3A_460, %swap3A_461] {strides = array<i32>} : memref<16x1024xf32, #tpu.memory_space<vmem>>, vector<1x16xf32>,
        %swap3A_463 = vector.shape_cast %swap3A_462 : vector<1x16xf32> to vector<16xf32>
        %swap3A_464 = vector.shape_cast %add3A_288 : vector<16xf32> to vector<1x16xf32>
        tpu.vector_store %arg14[%swap3A_460, %swap3A_461], %swap3A_464 {add = true, strides = array<i32>} : memref<16x1024xf32, #tpu.memory_space<vmem>>, vector<1x16xf32>,
        %swap3A_465 = arith.index_cast %scan3A_134 : i32 to index
        %swap3A_466 = arith.constant 128 : index
        %swap3A_467 = tpu.vector_load %arg14[%swap3A_465, %swap3A_466] {strides = array<i32>} : memref<16x1024xf32, #tpu.memory_space<vmem>>, vector<1x16xf32>,
        %swap3A_468 = vector.shape_cast %swap3A_467 : vector<1x16xf32> to vector<16xf32>
        %swap3A_469 = vector.shape_cast %add3A_305 : vector<16xf32> to vector<1x16xf32>
        tpu.vector_store %arg14[%swap3A_465, %swap3A_466], %swap3A_469 {add = true, strides = array<i32>} : memref<16x1024xf32, #tpu.memory_space<vmem>>, vector<1x16xf32>,
        %swap3A_470 = arith.index_cast %scan3A_134 : i32 to index
        %swap3A_471 = arith.constant 144 : index
        %swap3A_472 = tpu.vector_load %arg14[%swap3A_470, %swap3A_471] {strides = array<i32>} : memref<16x1024xf32, #tpu.memory_space<vmem>>, vector<1x16xf32>,
        %swap3A_473 = vector.shape_cast %swap3A_472 : vector<1x16xf32> to vector<16xf32>
        %swap3A_474 = vector.shape_cast %add3A_322 : vector<16xf32> to vector<1x16xf32>
        tpu.vector_store %arg14[%swap3A_470, %swap3A_471], %swap3A_474 {add = true, strides = array<i32>} : memref<16x1024xf32, #tpu.memory_space<vmem>>, vector<1x16xf32>,
        %swap3A_475 = arith.index_cast %scan3A_134 : i32 to index
        %swap3A_476 = arith.constant 160 : index
        %swap3A_477 = tpu.vector_load %arg14[%swap3A_475, %swap3A_476] {strides = array<i32>} : memref<16x1024xf32, #tpu.memory_space<vmem>>, vector<1x16xf32>,
        %swap3A_478 = vector.shape_cast %swap3A_477 : vector<1x16xf32> to vector<16xf32>
        %swap3A_479 = vector.shape_cast %add3A_339 : vector<16xf32> to vector<1x16xf32>
        tpu.vector_store %arg14[%swap3A_475, %swap3A_476], %swap3A_479 {add = true, strides = array<i32>} : memref<16x1024xf32, #tpu.memory_space<vmem>>, vector<1x16xf32>,
        %swap3A_480 = arith.index_cast %scan3A_134 : i32 to index
        %swap3A_481 = arith.constant 176 : index
        %swap3A_482 = tpu.vector_load %arg14[%swap3A_480, %swap3A_481] {strides = array<i32>} : memref<16x1024xf32, #tpu.memory_space<vmem>>, vector<1x16xf32>,
        %swap3A_483 = vector.shape_cast %swap3A_482 : vector<1x16xf32> to vector<16xf32>
        %swap3A_484 = vector.shape_cast %add3A_356 : vector<16xf32> to vector<1x16xf32>
        tpu.vector_store %arg14[%swap3A_480, %swap3A_481], %swap3A_484 {add = true, strides = array<i32>} : memref<16x1024xf32, #tpu.memory_space<vmem>>, vector<1x16xf32>,
        %swap3A_485 = arith.index_cast %scan3A_134 : i32 to index
        %swap3A_486 = arith.constant 192 : index
        %swap3A_487 = tpu.vector_load %arg14[%swap3A_485, %swap3A_486] {strides = array<i32>} : memref<16x1024xf32, #tpu.memory_space<vmem>>, vector<1x16xf32>,
        %swap3A_488 = vector.shape_cast %swap3A_487 : vector<1x16xf32> to vector<16xf32>
        %swap3A_489 = vector.shape_cast %add3A_373 : vector<16xf32> to vector<1x16xf32>
        tpu.vector_store %arg14[%swap3A_485, %swap3A_486], %swap3A_489 {add = true, strides = array<i32>} : memref<16x1024xf32, #tpu.memory_space<vmem>>, vector<1x16xf32>,
        %swap3A_490 = arith.index_cast %scan3A_134 : i32 to index
        %swap3A_491 = arith.constant 208 : index
        %swap3A_492 = tpu.vector_load %arg14[%swap3A_490, %swap3A_491] {strides = array<i32>} : memref<16x1024xf32, #tpu.memory_space<vmem>>, vector<1x16xf32>,
        %swap3A_493 = vector.shape_cast %swap3A_492 : vector<1x16xf32> to vector<16xf32>
        %swap3A_494 = vector.shape_cast %add3A_390 : vector<16xf32> to vector<1x16xf32>
        tpu.vector_store %arg14[%swap3A_490, %swap3A_491], %swap3A_494 {add = true, strides = array<i32>} : memref<16x1024xf32, #tpu.memory_space<vmem>>, vector<1x16xf32>,
        %swap3A_495 = arith.index_cast %scan3A_134 : i32 to index
        %swap3A_496 = arith.constant 224 : index
        %swap3A_497 = tpu.vector_load %arg14[%swap3A_495, %swap3A_496] {strides = array<i32>} : memref<16x1024xf32, #tpu.memory_space<vmem>>, vector<1x16xf32>,
        %swap3A_498 = vector.shape_cast %swap3A_497 : vector<1x16xf32> to vector<16xf32>
        %swap3A_499 = vector.shape_cast %add3A_407 : vector<16xf32> to vector<1x16xf32>
        tpu.vector_store %arg14[%swap3A_495, %swap3A_496], %swap3A_499 {add = true, strides = array<i32>} : memref<16x1024xf32, #tpu.memory_space<vmem>>, vector<1x16xf32>,
        %swap3A_500 = arith.index_cast %scan3A_134 : i32 to index
        %swap3A_501 = arith.constant 240 : index
        %swap3A_502 = tpu.vector_load %arg14[%swap3A_500, %swap3A_501] {strides = array<i32>} : memref<16x1024xf32, #tpu.memory_space<vmem>>, vector<1x16xf32>,
        %swap3A_503 = vector.shape_cast %swap3A_502 : vector<1x16xf32> to vector<16xf32>
        %swap3A_504 = vector.shape_cast %add3A_424 : vector<16xf32> to vector<1x16xf32>
        tpu.vector_store %arg14[%swap3A_500, %swap3A_501], %swap3A_504 {add = true, strides = array<i32>} : memref<16x1024xf32, #tpu.memory_space<vmem>>, vector<1x16xf32>,
        %mul3A_505 = arith.constant 2 : i32
        %mul3A_506 = arith.muli %mul3A_505, %scan3A_134 : i32
        %get3A_507 = arith.index_cast %mul3A_506 : i32 to index
        %get3A_508 = arith.constant 256 : index
        %get3A_509 = tpu.vector_load %arg12[%get3A_507, %get3A_508] {strides = array<i32>} : memref<32x1024xf32, #tpu.memory_space<vmem>>, vector<1x16xf32>,
        %get3A_510 = vector.shape_cast %get3A_509 : vector<1x16xf32> to vector<16xf32>
        %mul3A_511 = arith.mulf %get3A_142, %get3A_510 : vector<16xf32>
        %mul3A_512 = arith.constant 2 : i32
        %mul3A_513 = arith.muli %mul3A_512, %scan3A_134 : i32
        %add3A_514 = arith.constant 1 : i32
        %add3A_515 = arith.addi %mul3A_513, %add3A_514 : i32
        %get3A_516 = arith.index_cast %add3A_515 : i32 to index
        %get3A_517 = arith.constant 256 : index
        %get3A_518 = tpu.vector_load %arg12[%get3A_516, %get3A_517] {strides = array<i32>} : memref<32x1024xf32, #tpu.memory_space<vmem>>, vector<1x16xf32>,
        %get3A_519 = vector.shape_cast %get3A_518 : vector<1x16xf32> to vector<16xf32>
        %mul3A_520 = arith.mulf %get3A_152, %get3A_519 : vector<16xf32>
        %add3A_521 = arith.addf %mul3A_511, %mul3A_520 : vector<16xf32>
        %mul3A_522 = arith.constant 2 : i32
        %mul3A_523 = arith.muli %mul3A_522, %scan3A_134 : i32
        %get3A_524 = arith.index_cast %mul3A_523 : i32 to index
        %get3A_525 = arith.constant 272 : index
        %get3A_526 = tpu.vector_load %arg12[%get3A_524, %get3A_525] {strides = array<i32>} : memref<32x1024xf32, #tpu.memory_space<vmem>>, vector<1x16xf32>,
        %get3A_527 = vector.shape_cast %get3A_526 : vector<1x16xf32> to vector<16xf32>
        %mul3A_528 = arith.mulf %get3A_142, %get3A_527 : vector<16xf32>
        %mul3A_529 = arith.constant 2 : i32
        %mul3A_530 = arith.muli %mul3A_529, %scan3A_134 : i32
        %add3A_531 = arith.constant 1 : i32
        %add3A_532 = arith.addi %mul3A_530, %add3A_531 : i32
        %get3A_533 = arith.index_cast %add3A_532 : i32 to index
        %get3A_534 = arith.constant 272 : index
        %get3A_535 = tpu.vector_load %arg12[%get3A_533, %get3A_534] {strides = array<i32>} : memref<32x1024xf32, #tpu.memory_space<vmem>>, vector<1x16xf32>,
        %get3A_536 = vector.shape_cast %get3A_535 : vector<1x16xf32> to vector<16xf32>
        %mul3A_537 = arith.mulf %get3A_152, %get3A_536 : vector<16xf32>
        %add3A_538 = arith.addf %mul3A_528, %mul3A_537 : vector<16xf32>
        %mul3A_539 = arith.constant 2 : i32
        %mul3A_540 = arith.muli %mul3A_539, %scan3A_134 : i32
        %get3A_541 = arith.index_cast %mul3A_540 : i32 to index
        %get3A_542 = arith.constant 288 : index
        %get3A_543 = tpu.vector_load %arg12[%get3A_541, %get3A_542] {strides = array<i32>} : memref<32x1024xf32, #tpu.memory_space<vmem>>, vector<1x16xf32>,
        %get3A_544 = vector.shape_cast %get3A_543 : vector<1x16xf32> to vector<16xf32>
        %mul3A_545 = arith.mulf %get3A_142, %get3A_544 : vector<16xf32>
        %mul3A_546 = arith.constant 2 : i32
        %mul3A_547 = arith.muli %mul3A_546, %scan3A_134 : i32
        %add3A_548 = arith.constant 1 : i32
        %add3A_549 = arith.addi %mul3A_547, %add3A_548 : i32
        %get3A_550 = arith.index_cast %add3A_549 : i32 to index
        %get3A_551 = arith.constant 288 : index
        %get3A_552 = tpu.vector_load %arg12[%get3A_550, %get3A_551] {strides = array<i32>} : memref<32x1024xf32, #tpu.memory_space<vmem>>, vector<1x16xf32>,
        %get3A_553 = vector.shape_cast %get3A_552 : vector<1x16xf32> to vector<16xf32>
        %mul3A_554 = arith.mulf %get3A_152, %get3A_553 : vector<16xf32>
        %add3A_555 = arith.addf %mul3A_545, %mul3A_554 : vector<16xf32>
        %mul3A_556 = arith.constant 2 : i32
        %mul3A_557 = arith.muli %mul3A_556, %scan3A_134 : i32
        %get3A_558 = arith.index_cast %mul3A_557 : i32 to index
        %get3A_559 = arith.constant 304 : index
        %get3A_560 = tpu.vector_load %arg12[%get3A_558, %get3A_559] {strides = array<i32>} : memref<32x1024xf32, #tpu.memory_space<vmem>>, vector<1x16xf32>,
        %get3A_561 = vector.shape_cast %get3A_560 : vector<1x16xf32> to vector<16xf32>
        %mul3A_562 = arith.mulf %get3A_142, %get3A_561 : vector<16xf32>
        %mul3A_563 = arith.constant 2 : i32
        %mul3A_564 = arith.muli %mul3A_563, %scan3A_134 : i32
        %add3A_565 = arith.constant 1 : i32
        %add3A_566 = arith.addi %mul3A_564, %add3A_565 : i32
        %get3A_567 = arith.index_cast %add3A_566 : i32 to index
        %get3A_568 = arith.constant 304 : index
        %get3A_569 = tpu.vector_load %arg12[%get3A_567, %get3A_568] {strides = array<i32>} : memref<32x1024xf32, #tpu.memory_space<vmem>>, vector<1x16xf32>,
        %get3A_570 = vector.shape_cast %get3A_569 : vector<1x16xf32> to vector<16xf32>
        %mul3A_571 = arith.mulf %get3A_152, %get3A_570 : vector<16xf32>
        %add3A_572 = arith.addf %mul3A_562, %mul3A_571 : vector<16xf32>
        %mul3A_573 = arith.constant 2 : i32
        %mul3A_574 = arith.muli %mul3A_573, %scan3A_134 : i32
        %get3A_575 = arith.index_cast %mul3A_574 : i32 to index
        %get3A_576 = arith.constant 320 : index
        %get3A_577 = tpu.vector_load %arg12[%get3A_575, %get3A_576] {strides = array<i32>} : memref<32x1024xf32, #tpu.memory_space<vmem>>, vector<1x16xf32>,
        %get3A_578 = vector.shape_cast %get3A_577 : vector<1x16xf32> to vector<16xf32>
        %mul3A_579 = arith.mulf %get3A_142, %get3A_578 : vector<16xf32>
        %mul3A_580 = arith.constant 2 : i32
        %mul3A_581 = arith.muli %mul3A_580, %scan3A_134 : i32
        %add3A_582 = arith.constant 1 : i32
        %add3A_583 = arith.addi %mul3A_581, %add3A_582 : i32
        %get3A_584 = arith.index_cast %add3A_583 : i32 to index
        %get3A_585 = arith.constant 320 : index
        %get3A_586 = tpu.vector_load %arg12[%get3A_584, %get3A_585] {strides = array<i32>} : memref<32x1024xf32, #tpu.memory_space<vmem>>, vector<1x16xf32>,
        %get3A_587 = vector.shape_cast %get3A_586 : vector<1x16xf32> to vector<16xf32>
        %mul3A_588 = arith.mulf %get3A_152, %get3A_587 : vector<16xf32>
        %add3A_589 = arith.addf %mul3A_579, %mul3A_588 : vector<16xf32>
        %mul3A_590 = arith.constant 2 : i32
        %mul3A_591 = arith.muli %mul3A_590, %scan3A_134 : i32
        %get3A_592 = arith.index_cast %mul3A_591 : i32 to index
        %get3A_593 = arith.constant 336 : index
        %get3A_594 = tpu.vector_load %arg12[%get3A_592, %get3A_593] {strides = array<i32>} : memref<32x1024xf32, #tpu.memory_space<vmem>>, vector<1x16xf32>,
        %get3A_595 = vector.shape_cast %get3A_594 : vector<1x16xf32> to vector<16xf32>
        %mul3A_596 = arith.mulf %get3A_142, %get3A_595 : vector<16xf32>
        %mul3A_597 = arith.constant 2 : i32
        %mul3A_598 = arith.muli %mul3A_597, %scan3A_134 : i32
        %add3A_599 = arith.constant 1 : i32
        %add3A_600 = arith.addi %mul3A_598, %add3A_599 : i32
        %get3A_601 = arith.index_cast %add3A_600 : i32 to index
        %get3A_602 = arith.constant 336 : index
        %get3A_603 = tpu.vector_load %arg12[%get3A_601, %get3A_602] {strides = array<i32>} : memref<32x1024xf32, #tpu.memory_space<vmem>>, vector<1x16xf32>,
        %get3A_604 = vector.shape_cast %get3A_603 : vector<1x16xf32> to vector<16xf32>
        %mul3A_605 = arith.mulf %get3A_152, %get3A_604 : vector<16xf32>
        %add3A_606 = arith.addf %mul3A_596, %mul3A_605 : vector<16xf32>
        %mul3A_607 = arith.constant 2 : i32
        %mul3A_608 = arith.muli %mul3A_607, %scan3A_134 : i32
        %get3A_609 = arith.index_cast %mul3A_608 : i32 to index
        %get3A_610 = arith.constant 352 : index
        %get3A_611 = tpu.vector_load %arg12[%get3A_609, %get3A_610] {strides = array<i32>} : memref<32x1024xf32, #tpu.memory_space<vmem>>, vector<1x16xf32>,
        %get3A_612 = vector.shape_cast %get3A_611 : vector<1x16xf32> to vector<16xf32>
        %mul3A_613 = arith.mulf %get3A_142, %get3A_612 : vector<16xf32>
        %mul3A_614 = arith.constant 2 : i32
        %mul3A_615 = arith.muli %mul3A_614, %scan3A_134 : i32
        %add3A_616 = arith.constant 1 : i32
        %add3A_617 = arith.addi %mul3A_615, %add3A_616 : i32
        %get3A_618 = arith.index_cast %add3A_617 : i32 to index
        %get3A_619 = arith.constant 352 : index
        %get3A_620 = tpu.vector_load %arg12[%get3A_618, %get3A_619] {strides = array<i32>} : memref<32x1024xf32, #tpu.memory_space<vmem>>, vector<1x16xf32>,
        %get3A_621 = vector.shape_cast %get3A_620 : vector<1x16xf32> to vector<16xf32>
        %mul3A_622 = arith.mulf %get3A_152, %get3A_621 : vector<16xf32>
        %add3A_623 = arith.addf %mul3A_613, %mul3A_622 : vector<16xf32>
        %mul3A_624 = arith.constant 2 : i32
        %mul3A_625 = arith.muli %mul3A_624, %scan3A_134 : i32
        %get3A_626 = arith.index_cast %mul3A_625 : i32 to index
        %get3A_627 = arith.constant 368 : index
        %get3A_628 = tpu.vector_load %arg12[%get3A_626, %get3A_627] {strides = array<i32>} : memref<32x1024xf32, #tpu.memory_space<vmem>>, vector<1x16xf32>,
        %get3A_629 = vector.shape_cast %get3A_628 : vector<1x16xf32> to vector<16xf32>
        %mul3A_630 = arith.mulf %get3A_142, %get3A_629 : vector<16xf32>
        %mul3A_631 = arith.constant 2 : i32
        %mul3A_632 = arith.muli %mul3A_631, %scan3A_134 : i32
        %add3A_633 = arith.constant 1 : i32
        %add3A_634 = arith.addi %mul3A_632, %add3A_633 : i32
        %get3A_635 = arith.index_cast %add3A_634 : i32 to index
        %get3A_636 = arith.constant 368 : index
        %get3A_637 = tpu.vector_load %arg12[%get3A_635, %get3A_636] {strides = array<i32>} : memref<32x1024xf32, #tpu.memory_space<vmem>>, vector<1x16xf32>,
        %get3A_638 = vector.shape_cast %get3A_637 : vector<1x16xf32> to vector<16xf32>
        %mul3A_639 = arith.mulf %get3A_152, %get3A_638 : vector<16xf32>
        %add3A_640 = arith.addf %mul3A_630, %mul3A_639 : vector<16xf32>
        %mul3A_641 = arith.constant 2 : i32
        %mul3A_642 = arith.muli %mul3A_641, %scan3A_134 : i32
        %get3A_643 = arith.index_cast %mul3A_642 : i32 to index
        %get3A_644 = arith.constant 384 : index
        %get3A_645 = tpu.vector_load %arg12[%get3A_643, %get3A_644] {strides = array<i32>} : memref<32x1024xf32, #tpu.memory_space<vmem>>, vector<1x16xf32>,
        %get3A_646 = vector.shape_cast %get3A_645 : vector<1x16xf32> to vector<16xf32>
        %mul3A_647 = arith.mulf %get3A_142, %get3A_646 : vector<16xf32>
        %mul3A_648 = arith.constant 2 : i32
        %mul3A_649 = arith.muli %mul3A_648, %scan3A_134 : i32
        %add3A_650 = arith.constant 1 : i32
        %add3A_651 = arith.addi %mul3A_649, %add3A_650 : i32
        %get3A_652 = arith.index_cast %add3A_651 : i32 to index
        %get3A_653 = arith.constant 384 : index
        %get3A_654 = tpu.vector_load %arg12[%get3A_652, %get3A_653] {strides = array<i32>} : memref<32x1024xf32, #tpu.memory_space<vmem>>, vector<1x16xf32>,
        %get3A_655 = vector.shape_cast %get3A_654 : vector<1x16xf32> to vector<16xf32>
        %mul3A_656 = arith.mulf %get3A_152, %get3A_655 : vector<16xf32>
        %add3A_657 = arith.addf %mul3A_647, %mul3A_656 : vector<16xf32>
        %mul3A_658 = arith.constant 2 : i32
        %mul3A_659 = arith.muli %mul3A_658, %scan3A_134 : i32
        %get3A_660 = arith.index_cast %mul3A_659 : i32 to index
        %get3A_661 = arith.constant 400 : index
        %get3A_662 = tpu.vector_load %arg12[%get3A_660, %get3A_661] {strides = array<i32>} : memref<32x1024xf32, #tpu.memory_space<vmem>>, vector<1x16xf32>,
        %get3A_663 = vector.shape_cast %get3A_662 : vector<1x16xf32> to vector<16xf32>
        %mul3A_664 = arith.mulf %get3A_142, %get3A_663 : vector<16xf32>
        %mul3A_665 = arith.constant 2 : i32
        %mul3A_666 = arith.muli %mul3A_665, %scan3A_134 : i32
        %add3A_667 = arith.constant 1 : i32
        %add3A_668 = arith.addi %mul3A_666, %add3A_667 : i32
        %get3A_669 = arith.index_cast %add3A_668 : i32 to index
        %get3A_670 = arith.constant 400 : index
        %get3A_671 = tpu.vector_load %arg12[%get3A_669, %get3A_670] {strides = array<i32>} : memref<32x1024xf32, #tpu.memory_space<vmem>>, vector<1x16xf32>,
        %get3A_672 = vector.shape_cast %get3A_671 : vector<1x16xf32> to vector<16xf32>
        %mul3A_673 = arith.mulf %get3A_152, %get3A_672 : vector<16xf32>
        %add3A_674 = arith.addf %mul3A_664, %mul3A_673 : vector<16xf32>
        %mul3A_675 = arith.constant 2 : i32
        %mul3A_676 = arith.muli %mul3A_675, %scan3A_134 : i32
        %get3A_677 = arith.index_cast %mul3A_676 : i32 to index
        %get3A_678 = arith.constant 416 : index
        %get3A_679 = tpu.vector_load %arg12[%get3A_677, %get3A_678] {strides = array<i32>} : memref<32x1024xf32, #tpu.memory_space<vmem>>, vector<1x16xf32>,
        %get3A_680 = vector.shape_cast %get3A_679 : vector<1x16xf32> to vector<16xf32>
        %mul3A_681 = arith.mulf %get3A_142, %get3A_680 : vector<16xf32>
        %mul3A_682 = arith.constant 2 : i32
        %mul3A_683 = arith.muli %mul3A_682, %scan3A_134 : i32
        %add3A_684 = arith.constant 1 : i32
        %add3A_685 = arith.addi %mul3A_683, %add3A_684 : i32
        %get3A_686 = arith.index_cast %add3A_685 : i32 to index
        %get3A_687 = arith.constant 416 : index
        %get3A_688 = tpu.vector_load %arg12[%get3A_686, %get3A_687] {strides = array<i32>} : memref<32x1024xf32, #tpu.memory_space<vmem>>, vector<1x16xf32>,
        %get3A_689 = vector.shape_cast %get3A_688 : vector<1x16xf32> to vector<16xf32>
        %mul3A_690 = arith.mulf %get3A_152, %get3A_689 : vector<16xf32>
        %add3A_691 = arith.addf %mul3A_681, %mul3A_690 : vector<16xf32>
        %mul3A_692 = arith.constant 2 : i32
        %mul3A_693 = arith.muli %mul3A_692, %scan3A_134 : i32
        %get3A_694 = arith.index_cast %mul3A_693 : i32 to index
        %get3A_695 = arith.constant 432 : index
        %get3A_696 = tpu.vector_load %arg12[%get3A_694, %get3A_695] {strides = array<i32>} : memref<32x1024xf32, #tpu.memory_space<vmem>>, vector<1x16xf32>,
        %get3A_697 = vector.shape_cast %get3A_696 : vector<1x16xf32> to vector<16xf32>
        %mul3A_698 = arith.mulf %get3A_142, %get3A_697 : vector<16xf32>
        %mul3A_699 = arith.constant 2 : i32
        %mul3A_700 = arith.muli %mul3A_699, %scan3A_134 : i32
        %add3A_701 = arith.constant 1 : i32
        %add3A_702 = arith.addi %mul3A_700, %add3A_701 : i32
        %get3A_703 = arith.index_cast %add3A_702 : i32 to index
        %get3A_704 = arith.constant 432 : index
        %get3A_705 = tpu.vector_load %arg12[%get3A_703, %get3A_704] {strides = array<i32>} : memref<32x1024xf32, #tpu.memory_space<vmem>>, vector<1x16xf32>,
        %get3A_706 = vector.shape_cast %get3A_705 : vector<1x16xf32> to vector<16xf32>
        %mul3A_707 = arith.mulf %get3A_152, %get3A_706 : vector<16xf32>
        %add3A_708 = arith.addf %mul3A_698, %mul3A_707 : vector<16xf32>
        %mul3A_709 = arith.constant 2 : i32
        %mul3A_710 = arith.muli %mul3A_709, %scan3A_134 : i32
        %get3A_711 = arith.index_cast %mul3A_710 : i32 to index
        %get3A_712 = arith.constant 448 : index
        %get3A_713 = tpu.vector_load %arg12[%get3A_711, %get3A_712] {strides = array<i32>} : memref<32x1024xf32, #tpu.memory_space<vmem>>, vector<1x16xf32>,
        %get3A_714 = vector.shape_cast %get3A_713 : vector<1x16xf32> to vector<16xf32>
        %mul3A_715 = arith.mulf %get3A_142, %get3A_714 : vector<16xf32>
        %mul3A_716 = arith.constant 2 : i32
        %mul3A_717 = arith.muli %mul3A_716, %scan3A_134 : i32
        %add3A_718 = arith.constant 1 : i32
        %add3A_719 = arith.addi %mul3A_717, %add3A_718 : i32
        %get3A_720 = arith.index_cast %add3A_719 : i32 to index
        %get3A_721 = arith.constant 448 : index
        %get3A_722 = tpu.vector_load %arg12[%get3A_720, %get3A_721] {strides = array<i32>} : memref<32x1024xf32, #tpu.memory_space<vmem>>, vector<1x16xf32>,
        %get3A_723 = vector.shape_cast %get3A_722 : vector<1x16xf32> to vector<16xf32>
        %mul3A_724 = arith.mulf %get3A_152, %get3A_723 : vector<16xf32>
        %add3A_725 = arith.addf %mul3A_715, %mul3A_724 : vector<16xf32>
        %mul3A_726 = arith.constant 2 : i32
        %mul3A_727 = arith.muli %mul3A_726, %scan3A_134 : i32
        %get3A_728 = arith.index_cast %mul3A_727 : i32 to index
        %get3A_729 = arith.constant 464 : index
        %get3A_730 = tpu.vector_load %arg12[%get3A_728, %get3A_729] {strides = array<i32>} : memref<32x1024xf32, #tpu.memory_space<vmem>>, vector<1x16xf32>,
        %get3A_731 = vector.shape_cast %get3A_730 : vector<1x16xf32> to vector<16xf32>
        %mul3A_732 = arith.mulf %get3A_142, %get3A_731 : vector<16xf32>
        %mul3A_733 = arith.constant 2 : i32
        %mul3A_734 = arith.muli %mul3A_733, %scan3A_134 : i32
        %add3A_735 = arith.constant 1 : i32
        %add3A_736 = arith.addi %mul3A_734, %add3A_735 : i32
        %get3A_737 = arith.index_cast %add3A_736 : i32 to index
        %get3A_738 = arith.constant 464 : index
        %get3A_739 = tpu.vector_load %arg12[%get3A_737, %get3A_738] {strides = array<i32>} : memref<32x1024xf32, #tpu.memory_space<vmem>>, vector<1x16xf32>,
        %get3A_740 = vector.shape_cast %get3A_739 : vector<1x16xf32> to vector<16xf32>
        %mul3A_741 = arith.mulf %get3A_152, %get3A_740 : vector<16xf32>
        %add3A_742 = arith.addf %mul3A_732, %mul3A_741 : vector<16xf32>
        %mul3A_743 = arith.constant 2 : i32
        %mul3A_744 = arith.muli %mul3A_743, %scan3A_134 : i32
        %get3A_745 = arith.index_cast %mul3A_744 : i32 to index
        %get3A_746 = arith.constant 480 : index
        %get3A_747 = tpu.vector_load %arg12[%get3A_745, %get3A_746] {strides = array<i32>} : memref<32x1024xf32, #tpu.memory_space<vmem>>, vector<1x16xf32>,
        %get3A_748 = vector.shape_cast %get3A_747 : vector<1x16xf32> to vector<16xf32>
        %mul3A_749 = arith.mulf %get3A_142, %get3A_748 : vector<16xf32>
        %mul3A_750 = arith.constant 2 : i32
        %mul3A_751 = arith.muli %mul3A_750, %scan3A_134 : i32
        %add3A_752 = arith.constant 1 : i32
        %add3A_753 = arith.addi %mul3A_751, %add3A_752 : i32
        %get3A_754 = arith.index_cast %add3A_753 : i32 to index
        %get3A_755 = arith.constant 480 : index
        %get3A_756 = tpu.vector_load %arg12[%get3A_754, %get3A_755] {strides = array<i32>} : memref<32x1024xf32, #tpu.memory_space<vmem>>, vector<1x16xf32>,
        %get3A_757 = vector.shape_cast %get3A_756 : vector<1x16xf32> to vector<16xf32>
        %mul3A_758 = arith.mulf %get3A_152, %get3A_757 : vector<16xf32>
        %add3A_759 = arith.addf %mul3A_749, %mul3A_758 : vector<16xf32>
        %mul3A_760 = arith.constant 2 : i32
        %mul3A_761 = arith.muli %mul3A_760, %scan3A_134 : i32
        %get3A_762 = arith.index_cast %mul3A_761 : i32 to index
        %get3A_763 = arith.constant 496 : index
        %get3A_764 = tpu.vector_load %arg12[%get3A_762, %get3A_763] {strides = array<i32>} : memref<32x1024xf32, #tpu.memory_space<vmem>>, vector<1x16xf32>,
        %get3A_765 = vector.shape_cast %get3A_764 : vector<1x16xf32> to vector<16xf32>
        %mul3A_766 = arith.mulf %get3A_142, %get3A_765 : vector<16xf32>
        %mul3A_767 = arith.constant 2 : i32
        %mul3A_768 = arith.muli %mul3A_767, %scan3A_134 : i32
        %add3A_769 = arith.constant 1 : i32
        %add3A_770 = arith.addi %mul3A_768, %add3A_769 : i32
        %get3A_771 = arith.index_cast %add3A_770 : i32 to index
        %get3A_772 = arith.constant 496 : index
        %get3A_773 = tpu.vector_load %arg12[%get3A_771, %get3A_772] {strides = array<i32>} : memref<32x1024xf32, #tpu.memory_space<vmem>>, vector<1x16xf32>,
        %get3A_774 = vector.shape_cast %get3A_773 : vector<1x16xf32> to vector<16xf32>
        %mul3A_775 = arith.mulf %get3A_152, %get3A_774 : vector<16xf32>
        %add3A_776 = arith.addf %mul3A_766, %mul3A_775 : vector<16xf32>
        %swap3A_777 = arith.index_cast %scan3A_134 : i32 to index
        %swap3A_778 = arith.constant 256 : index
        %swap3A_779 = tpu.vector_load %arg14[%swap3A_777, %swap3A_778] {strides = array<i32>} : memref<16x1024xf32, #tpu.memory_space<vmem>>, vector<1x16xf32>,
        %swap3A_780 = vector.shape_cast %swap3A_779 : vector<1x16xf32> to vector<16xf32>
        %swap3A_781 = vector.shape_cast %add3A_521 : vector<16xf32> to vector<1x16xf32>
        tpu.vector_store %arg14[%swap3A_777, %swap3A_778], %swap3A_781 {add = true, strides = array<i32>} : memref<16x1024xf32, #tpu.memory_space<vmem>>, vector<1x16xf32>,
        %swap3A_782 = arith.index_cast %scan3A_134 : i32 to index
        %swap3A_783 = arith.constant 272 : index
        %swap3A_784 = tpu.vector_load %arg14[%swap3A_782, %swap3A_783] {strides = array<i32>} : memref<16x1024xf32, #tpu.memory_space<vmem>>, vector<1x16xf32>,
        %swap3A_785 = vector.shape_cast %swap3A_784 : vector<1x16xf32> to vector<16xf32>
        %swap3A_786 = vector.shape_cast %add3A_538 : vector<16xf32> to vector<1x16xf32>
        tpu.vector_store %arg14[%swap3A_782, %swap3A_783], %swap3A_786 {add = true, strides = array<i32>} : memref<16x1024xf32, #tpu.memory_space<vmem>>, vector<1x16xf32>,
        %swap3A_787 = arith.index_cast %scan3A_134 : i32 to index
        %swap3A_788 = arith.constant 288 : index
        %swap3A_789 = tpu.vector_load %arg14[%swap3A_787, %swap3A_788] {strides = array<i32>} : memref<16x1024xf32, #tpu.memory_space<vmem>>, vector<1x16xf32>,
        %swap3A_790 = vector.shape_cast %swap3A_789 : vector<1x16xf32> to vector<16xf32>
        %swap3A_791 = vector.shape_cast %add3A_555 : vector<16xf32> to vector<1x16xf32>
        tpu.vector_store %arg14[%swap3A_787, %swap3A_788], %swap3A_791 {add = true, strides = array<i32>} : memref<16x1024xf32, #tpu.memory_space<vmem>>, vector<1x16xf32>,
        %swap3A_792 = arith.index_cast %scan3A_134 : i32 to index
        %swap3A_793 = arith.constant 304 : index
        %swap3A_794 = tpu.vector_load %arg14[%swap3A_792, %swap3A_793] {strides = array<i32>} : memref<16x1024xf32, #tpu.memory_space<vmem>>, vector<1x16xf32>,
        %swap3A_795 = vector.shape_cast %swap3A_794 : vector<1x16xf32> to vector<16xf32>
        %swap3A_796 = vector.shape_cast %add3A_572 : vector<16xf32> to vector<1x16xf32>
        tpu.vector_store %arg14[%swap3A_792, %swap3A_793], %swap3A_796 {add = true, strides = array<i32>} : memref<16x1024xf32, #tpu.memory_space<vmem>>, vector<1x16xf32>,
        %swap3A_797 = arith.index_cast %scan3A_134 : i32 to index
        %swap3A_798 = arith.constant 320 : index
        %swap3A_799 = tpu.vector_load %arg14[%swap3A_797, %swap3A_798] {strides = array<i32>} : memref<16x1024xf32, #tpu.memory_space<vmem>>, vector<1x16xf32>,
        %swap3A_800 = vector.shape_cast %swap3A_799 : vector<1x16xf32> to vector<16xf32>
        %swap3A_801 = vector.shape_cast %add3A_589 : vector<16xf32> to vector<1x16xf32>
        tpu.vector_store %arg14[%swap3A_797, %swap3A_798], %swap3A_801 {add = true, strides = array<i32>} : memref<16x1024xf32, #tpu.memory_space<vmem>>, vector<1x16xf32>,
        %swap3A_802 = arith.index_cast %scan3A_134 : i32 to index
        %swap3A_803 = arith.constant 336 : index
        %swap3A_804 = tpu.vector_load %arg14[%swap3A_802, %swap3A_803] {strides = array<i32>} : memref<16x1024xf32, #tpu.memory_space<vmem>>, vector<1x16xf32>,
        %swap3A_805 = vector.shape_cast %swap3A_804 : vector<1x16xf32> to vector<16xf32>
        %swap3A_806 = vector.shape_cast %add3A_606 : vector<16xf32> to vector<1x16xf32>
        tpu.vector_store %arg14[%swap3A_802, %swap3A_803], %swap3A_806 {add = true, strides = array<i32>} : memref<16x1024xf32, #tpu.memory_space<vmem>>, vector<1x16xf32>,
        %swap3A_807 = arith.index_cast %scan3A_134 : i32 to index
        %swap3A_808 = arith.constant 352 : index
        %swap3A_809 = tpu.vector_load %arg14[%swap3A_807, %swap3A_808] {strides = array<i32>} : memref<16x1024xf32, #tpu.memory_space<vmem>>, vector<1x16xf32>,
        %swap3A_810 = vector.shape_cast %swap3A_809 : vector<1x16xf32> to vector<16xf32>
        %swap3A_811 = vector.shape_cast %add3A_623 : vector<16xf32> to vector<1x16xf32>
        tpu.vector_store %arg14[%swap3A_807, %swap3A_808], %swap3A_811 {add = true, strides = array<i32>} : memref<16x1024xf32, #tpu.memory_space<vmem>>, vector<1x16xf32>,
        %swap3A_812 = arith.index_cast %scan3A_134 : i32 to index
        %swap3A_813 = arith.constant 368 : index
        %swap3A_814 = tpu.vector_load %arg14[%swap3A_812, %swap3A_813] {strides = array<i32>} : memref<16x1024xf32, #tpu.memory_space<vmem>>, vector<1x16xf32>,
        %swap3A_815 = vector.shape_cast %swap3A_814 : vector<1x16xf32> to vector<16xf32>
        %swap3A_816 = vector.shape_cast %add3A_640 : vector<16xf32> to vector<1x16xf32>
        tpu.vector_store %arg14[%swap3A_812, %swap3A_813], %swap3A_816 {add = true, strides = array<i32>} : memref<16x1024xf32, #tpu.memory_space<vmem>>, vector<1x16xf32>,
        %swap3A_817 = arith.index_cast %scan3A_134 : i32 to index
        %swap3A_818 = arith.constant 384 : index
        %swap3A_819 = tpu.vector_load %arg14[%swap3A_817, %swap3A_818] {strides = array<i32>} : memref<16x1024xf32, #tpu.memory_space<vmem>>, vector<1x16xf32>,
        %swap3A_820 = vector.shape_cast %swap3A_819 : vector<1x16xf32> to vector<16xf32>
        %swap3A_821 = vector.shape_cast %add3A_657 : vector<16xf32> to vector<1x16xf32>
        tpu.vector_store %arg14[%swap3A_817, %swap3A_818], %swap3A_821 {add = true, strides = array<i32>} : memref<16x1024xf32, #tpu.memory_space<vmem>>, vector<1x16xf32>,
        %swap3A_822 = arith.index_cast %scan3A_134 : i32 to index
        %swap3A_823 = arith.constant 400 : index
        %swap3A_824 = tpu.vector_load %arg14[%swap3A_822, %swap3A_823] {strides = array<i32>} : memref<16x1024xf32, #tpu.memory_space<vmem>>, vector<1x16xf32>,
        %swap3A_825 = vector.shape_cast %swap3A_824 : vector<1x16xf32> to vector<16xf32>
        %swap3A_826 = vector.shape_cast %add3A_674 : vector<16xf32> to vector<1x16xf32>
        tpu.vector_store %arg14[%swap3A_822, %swap3A_823], %swap3A_826 {add = true, strides = array<i32>} : memref<16x1024xf32, #tpu.memory_space<vmem>>, vector<1x16xf32>,
        %swap3A_827 = arith.index_cast %scan3A_134 : i32 to index
        %swap3A_828 = arith.constant 416 : index
        %swap3A_829 = tpu.vector_load %arg14[%swap3A_827, %swap3A_828] {strides = array<i32>} : memref<16x1024xf32, #tpu.memory_space<vmem>>, vector<1x16xf32>,
        %swap3A_830 = vector.shape_cast %swap3A_829 : vector<1x16xf32> to vector<16xf32>
        %swap3A_831 = vector.shape_cast %add3A_691 : vector<16xf32> to vector<1x16xf32>
        tpu.vector_store %arg14[%swap3A_827, %swap3A_828], %swap3A_831 {add = true, strides = array<i32>} : memref<16x1024xf32, #tpu.memory_space<vmem>>, vector<1x16xf32>,
        %swap3A_832 = arith.index_cast %scan3A_134 : i32 to index
        %swap3A_833 = arith.constant 432 : index
        %swap3A_834 = tpu.vector_load %arg14[%swap3A_832, %swap3A_833] {strides = array<i32>} : memref<16x1024xf32, #tpu.memory_space<vmem>>, vector<1x16xf32>,
        %swap3A_835 = vector.shape_cast %swap3A_834 : vector<1x16xf32> to vector<16xf32>
        %swap3A_836 = vector.shape_cast %add3A_708 : vector<16xf32> to vector<1x16xf32>
        tpu.vector_store %arg14[%swap3A_832, %swap3A_833], %swap3A_836 {add = true, strides = array<i32>} : memref<16x1024xf32, #tpu.memory_space<vmem>>, vector<1x16xf32>,
        %swap3A_837 = arith.index_cast %scan3A_134 : i32 to index
        %swap3A_838 = arith.constant 448 : index
        %swap3A_839 = tpu.vector_load %arg14[%swap3A_837, %swap3A_838] {strides = array<i32>} : memref<16x1024xf32, #tpu.memory_space<vmem>>, vector<1x16xf32>,
        %swap3A_840 = vector.shape_cast %swap3A_839 : vector<1x16xf32> to vector<16xf32>
        %swap3A_841 = vector.shape_cast %add3A_725 : vector<16xf32> to vector<1x16xf32>
        tpu.vector_store %arg14[%swap3A_837, %swap3A_838], %swap3A_841 {add = true, strides = array<i32>} : memref<16x1024xf32, #tpu.memory_space<vmem>>, vector<1x16xf32>,
        %swap3A_842 = arith.index_cast %scan3A_134 : i32 to index
        %swap3A_843 = arith.constant 464 : index
        %swap3A_844 = tpu.vector_load %arg14[%swap3A_842, %swap3A_843] {strides = array<i32>} : memref<16x1024xf32, #tpu.memory_space<vmem>>, vector<1x16xf32>,
        %swap3A_845 = vector.shape_cast %swap3A_844 : vector<1x16xf32> to vector<16xf32>
        %swap3A_846 = vector.shape_cast %add3A_742 : vector<16xf32> to vector<1x16xf32>
        tpu.vector_store %arg14[%swap3A_842, %swap3A_843], %swap3A_846 {add = true, strides = array<i32>} : memref<16x1024xf32, #tpu.memory_space<vmem>>, vector<1x16xf32>,
        %swap3A_847 = arith.index_cast %scan3A_134 : i32 to index
        %swap3A_848 = arith.constant 480 : index
        %swap3A_849 = tpu.vector_load %arg14[%swap3A_847, %swap3A_848] {strides = array<i32>} : memref<16x1024xf32, #tpu.memory_space<vmem>>, vector<1x16xf32>,
        %swap3A_850 = vector.shape_cast %swap3A_849 : vector<1x16xf32> to vector<16xf32>
        %swap3A_851 = vector.shape_cast %add3A_759 : vector<16xf32> to vector<1x16xf32>
        tpu.vector_store %arg14[%swap3A_847, %swap3A_848], %swap3A_851 {add = true, strides = array<i32>} : memref<16x1024xf32, #tpu.memory_space<vmem>>, vector<1x16xf32>,
        %swap3A_852 = arith.index_cast %scan3A_134 : i32 to index
        %swap3A_853 = arith.constant 496 : index
        %swap3A_854 = tpu.vector_load %arg14[%swap3A_852, %swap3A_853] {strides = array<i32>} : memref<16x1024xf32, #tpu.memory_space<vmem>>, vector<1x16xf32>,
        %swap3A_855 = vector.shape_cast %swap3A_854 : vector<1x16xf32> to vector<16xf32>
        %swap3A_856 = vector.shape_cast %add3A_776 : vector<16xf32> to vector<1x16xf32>
        tpu.vector_store %arg14[%swap3A_852, %swap3A_853], %swap3A_856 {add = true, strides = array<i32>} : memref<16x1024xf32, #tpu.memory_space<vmem>>, vector<1x16xf32>,
        %mul3A_857 = arith.constant 2 : i32
        %mul3A_858 = arith.muli %mul3A_857, %scan3A_134 : i32
        %get3A_859 = arith.index_cast %mul3A_858 : i32 to index
        %get3A_860 = arith.constant 512 : index
        %get3A_861 = tpu.vector_load %arg12[%get3A_859, %get3A_860] {strides = array<i32>} : memref<32x1024xf32, #tpu.memory_space<vmem>>, vector<1x16xf32>,
        %get3A_862 = vector.shape_cast %get3A_861 : vector<1x16xf32> to vector<16xf32>
        %mul3A_863 = arith.mulf %get3A_142, %get3A_862 : vector<16xf32>
        %mul3A_864 = arith.constant 2 : i32
        %mul3A_865 = arith.muli %mul3A_864, %scan3A_134 : i32
        %add3A_866 = arith.constant 1 : i32
        %add3A_867 = arith.addi %mul3A_865, %add3A_866 : i32
        %get3A_868 = arith.index_cast %add3A_867 : i32 to index
        %get3A_869 = arith.constant 512 : index
        %get3A_870 = tpu.vector_load %arg12[%get3A_868, %get3A_869] {strides = array<i32>} : memref<32x1024xf32, #tpu.memory_space<vmem>>, vector<1x16xf32>,
        %get3A_871 = vector.shape_cast %get3A_870 : vector<1x16xf32> to vector<16xf32>
        %mul3A_872 = arith.mulf %get3A_152, %get3A_871 : vector<16xf32>
        %add3A_873 = arith.addf %mul3A_863, %mul3A_872 : vector<16xf32>
        %mul3A_874 = arith.constant 2 : i32
        %mul3A_875 = arith.muli %mul3A_874, %scan3A_134 : i32
        %get3A_876 = arith.index_cast %mul3A_875 : i32 to index
        %get3A_877 = arith.constant 528 : index
        %get3A_878 = tpu.vector_load %arg12[%get3A_876, %get3A_877] {strides = array<i32>} : memref<32x1024xf32, #tpu.memory_space<vmem>>, vector<1x16xf32>,
        %get3A_879 = vector.shape_cast %get3A_878 : vector<1x16xf32> to vector<16xf32>
        %mul3A_880 = arith.mulf %get3A_142, %get3A_879 : vector<16xf32>
        %mul3A_881 = arith.constant 2 : i32
        %mul3A_882 = arith.muli %mul3A_881, %scan3A_134 : i32
        %add3A_883 = arith.constant 1 : i32
        %add3A_884 = arith.addi %mul3A_882, %add3A_883 : i32
        %get3A_885 = arith.index_cast %add3A_884 : i32 to index
        %get3A_886 = arith.constant 528 : index
        %get3A_887 = tpu.vector_load %arg12[%get3A_885, %get3A_886] {strides = array<i32>} : memref<32x1024xf32, #tpu.memory_space<vmem>>, vector<1x16xf32>,
        %get3A_888 = vector.shape_cast %get3A_887 : vector<1x16xf32> to vector<16xf32>
        %mul3A_889 = arith.mulf %get3A_152, %get3A_888 : vector<16xf32>
        %add3A_890 = arith.addf %mul3A_880, %mul3A_889 : vector<16xf32>
        %mul3A_891 = arith.constant 2 : i32
        %mul3A_892 = arith.muli %mul3A_891, %scan3A_134 : i32
        %get3A_893 = arith.index_cast %mul3A_892 : i32 to index
        %get3A_894 = arith.constant 544 : index
        %get3A_895 = tpu.vector_load %arg12[%get3A_893, %get3A_894] {strides = array<i32>} : memref<32x1024xf32, #tpu.memory_space<vmem>>, vector<1x16xf32>,
        %get3A_896 = vector.shape_cast %get3A_895 : vector<1x16xf32> to vector<16xf32>
        %mul3A_897 = arith.mulf %get3A_142, %get3A_896 : vector<16xf32>
        %mul3A_898 = arith.constant 2 : i32
        %mul3A_899 = arith.muli %mul3A_898, %scan3A_134 : i32
        %add3A_900 = arith.constant 1 : i32
        %add3A_901 = arith.addi %mul3A_899, %add3A_900 : i32
        %get3A_902 = arith.index_cast %add3A_901 : i32 to index
        %get3A_903 = arith.constant 544 : index
        %get3A_904 = tpu.vector_load %arg12[%get3A_902, %get3A_903] {strides = array<i32>} : memref<32x1024xf32, #tpu.memory_space<vmem>>, vector<1x16xf32>,
        %get3A_905 = vector.shape_cast %get3A_904 : vector<1x16xf32> to vector<16xf32>
        %mul3A_906 = arith.mulf %get3A_152, %get3A_905 : vector<16xf32>
        %add3A_907 = arith.addf %mul3A_897, %mul3A_906 : vector<16xf32>
        %mul3A_908 = arith.constant 2 : i32
        %mul3A_909 = arith.muli %mul3A_908, %scan3A_134 : i32
        %get3A_910 = arith.index_cast %mul3A_909 : i32 to index
        %get3A_911 = arith.constant 560 : index
        %get3A_912 = tpu.vector_load %arg12[%get3A_910, %get3A_911] {strides = array<i32>} : memref<32x1024xf32, #tpu.memory_space<vmem>>, vector<1x16xf32>,
        %get3A_913 = vector.shape_cast %get3A_912 : vector<1x16xf32> to vector<16xf32>
        %mul3A_914 = arith.mulf %get3A_142, %get3A_913 : vector<16xf32>
        %mul3A_915 = arith.constant 2 : i32
        %mul3A_916 = arith.muli %mul3A_915, %scan3A_134 : i32
        %add3A_917 = arith.constant 1 : i32
        %add3A_918 = arith.addi %mul3A_916, %add3A_917 : i32
        %get3A_919 = arith.index_cast %add3A_918 : i32 to index
        %get3A_920 = arith.constant 560 : index
        %get3A_921 = tpu.vector_load %arg12[%get3A_919, %get3A_920] {strides = array<i32>} : memref<32x1024xf32, #tpu.memory_space<vmem>>, vector<1x16xf32>,
        %get3A_922 = vector.shape_cast %get3A_921 : vector<1x16xf32> to vector<16xf32>
        %mul3A_923 = arith.mulf %get3A_152, %get3A_922 : vector<16xf32>
        %add3A_924 = arith.addf %mul3A_914, %mul3A_923 : vector<16xf32>
        %mul3A_925 = arith.constant 2 : i32
        %mul3A_926 = arith.muli %mul3A_925, %scan3A_134 : i32
        %get3A_927 = arith.index_cast %mul3A_926 : i32 to index
        %get3A_928 = arith.constant 576 : index
        %get3A_929 = tpu.vector_load %arg12[%get3A_927, %get3A_928] {strides = array<i32>} : memref<32x1024xf32, #tpu.memory_space<vmem>>, vector<1x16xf32>,
        %get3A_930 = vector.shape_cast %get3A_929 : vector<1x16xf32> to vector<16xf32>
        %mul3A_931 = arith.mulf %get3A_142, %get3A_930 : vector<16xf32>
        %mul3A_932 = arith.constant 2 : i32
        %mul3A_933 = arith.muli %mul3A_932, %scan3A_134 : i32
        %add3A_934 = arith.constant 1 : i32
        %add3A_935 = arith.addi %mul3A_933, %add3A_934 : i32
        %get3A_936 = arith.index_cast %add3A_935 : i32 to index
        %get3A_937 = arith.constant 576 : index
        %get3A_938 = tpu.vector_load %arg12[%get3A_936, %get3A_937] {strides = array<i32>} : memref<32x1024xf32, #tpu.memory_space<vmem>>, vector<1x16xf32>,
        %get3A_939 = vector.shape_cast %get3A_938 : vector<1x16xf32> to vector<16xf32>
        %mul3A_940 = arith.mulf %get3A_152, %get3A_939 : vector<16xf32>
        %add3A_941 = arith.addf %mul3A_931, %mul3A_940 : vector<16xf32>
        %mul3A_942 = arith.constant 2 : i32
        %mul3A_943 = arith.muli %mul3A_942, %scan3A_134 : i32
        %get3A_944 = arith.index_cast %mul3A_943 : i32 to index
        %get3A_945 = arith.constant 592 : index
        %get3A_946 = tpu.vector_load %arg12[%get3A_944, %get3A_945] {strides = array<i32>} : memref<32x1024xf32, #tpu.memory_space<vmem>>, vector<1x16xf32>,
        %get3A_947 = vector.shape_cast %get3A_946 : vector<1x16xf32> to vector<16xf32>
        %mul3A_948 = arith.mulf %get3A_142, %get3A_947 : vector<16xf32>
        %mul3A_949 = arith.constant 2 : i32
        %mul3A_950 = arith.muli %mul3A_949, %scan3A_134 : i32
        %add3A_951 = arith.constant 1 : i32
        %add3A_952 = arith.addi %mul3A_950, %add3A_951 : i32
        %get3A_953 = arith.index_cast %add3A_952 : i32 to index
        %get3A_954 = arith.constant 592 : index
        %get3A_955 = tpu.vector_load %arg12[%get3A_953, %get3A_954] {strides = array<i32>} : memref<32x1024xf32, #tpu.memory_space<vmem>>, vector<1x16xf32>,
        %get3A_956 = vector.shape_cast %get3A_955 : vector<1x16xf32> to vector<16xf32>
        %mul3A_957 = arith.mulf %get3A_152, %get3A_956 : vector<16xf32>
        %add3A_958 = arith.addf %mul3A_948, %mul3A_957 : vector<16xf32>
        %mul3A_959 = arith.constant 2 : i32
        %mul3A_960 = arith.muli %mul3A_959, %scan3A_134 : i32
        %get3A_961 = arith.index_cast %mul3A_960 : i32 to index
        %get3A_962 = arith.constant 608 : index
        %get3A_963 = tpu.vector_load %arg12[%get3A_961, %get3A_962] {strides = array<i32>} : memref<32x1024xf32, #tpu.memory_space<vmem>>, vector<1x16xf32>,
        %get3A_964 = vector.shape_cast %get3A_963 : vector<1x16xf32> to vector<16xf32>
        %mul3A_965 = arith.mulf %get3A_142, %get3A_964 : vector<16xf32>
        %mul3A_966 = arith.constant 2 : i32
        %mul3A_967 = arith.muli %mul3A_966, %scan3A_134 : i32
        %add3A_968 = arith.constant 1 : i32
        %add3A_969 = arith.addi %mul3A_967, %add3A_968 : i32
        %get3A_970 = arith.index_cast %add3A_969 : i32 to index
        %get3A_971 = arith.constant 608 : index
        %get3A_972 = tpu.vector_load %arg12[%get3A_970, %get3A_971] {strides = array<i32>} : memref<32x1024xf32, #tpu.memory_space<vmem>>, vector<1x16xf32>,
        %get3A_973 = vector.shape_cast %get3A_972 : vector<1x16xf32> to vector<16xf32>
        %mul3A_974 = arith.mulf %get3A_152, %get3A_973 : vector<16xf32>
        %add3A_975 = arith.addf %mul3A_965, %mul3A_974 : vector<16xf32>
        %mul3A_976 = arith.constant 2 : i32
        %mul3A_977 = arith.muli %mul3A_976, %scan3A_134 : i32
        %get3A_978 = arith.index_cast %mul3A_977 : i32 to index
        %get3A_979 = arith.constant 624 : index
        %get3A_980 = tpu.vector_load %arg12[%get3A_978, %get3A_979] {strides = array<i32>} : memref<32x1024xf32, #tpu.memory_space<vmem>>, vector<1x16xf32>,
        %get3A_981 = vector.shape_cast %get3A_980 : vector<1x16xf32> to vector<16xf32>
        %mul3A_982 = arith.mulf %get3A_142, %get3A_981 : vector<16xf32>
        %mul3A_983 = arith.constant 2 : i32
        %mul3A_984 = arith.muli %mul3A_983, %scan3A_134 : i32
        %add3A_985 = arith.constant 1 : i32
        %add3A_986 = arith.addi %mul3A_984, %add3A_985 : i32
        %get3A_987 = arith.index_cast %add3A_986 : i32 to index
        %get3A_988 = arith.constant 624 : index
        %get3A_989 = tpu.vector_load %arg12[%get3A_987, %get3A_988] {strides = array<i32>} : memref<32x1024xf32, #tpu.memory_space<vmem>>, vector<1x16xf32>,
        %get3A_990 = vector.shape_cast %get3A_989 : vector<1x16xf32> to vector<16xf32>
        %mul3A_991 = arith.mulf %get3A_152, %get3A_990 : vector<16xf32>
        %add3A_992 = arith.addf %mul3A_982, %mul3A_991 : vector<16xf32>
        %mul3A_993 = arith.constant 2 : i32
        %mul3A_994 = arith.muli %mul3A_993, %scan3A_134 : i32
        %get3A_995 = arith.index_cast %mul3A_994 : i32 to index
        %get3A_996 = arith.constant 640 : index
        %get3A_997 = tpu.vector_load %arg12[%get3A_995, %get3A_996] {strides = array<i32>} : memref<32x1024xf32, #tpu.memory_space<vmem>>, vector<1x16xf32>,
        %get3A_998 = vector.shape_cast %get3A_997 : vector<1x16xf32> to vector<16xf32>
        %mul3A_999 = arith.mulf %get3A_142, %get3A_998 : vector<16xf32>
        %mul3A_1000 = arith.constant 2 : i32
        %mul3A_1001 = arith.muli %mul3A_1000, %scan3A_134 : i32
        %add3A_1002 = arith.constant 1 : i32
        %add3A_1003 = arith.addi %mul3A_1001, %add3A_1002 : i32
        %get3A_1004 = arith.index_cast %add3A_1003 : i32 to index
        %get3A_1005 = arith.constant 640 : index
        %get3A_1006 = tpu.vector_load %arg12[%get3A_1004, %get3A_1005] {strides = array<i32>} : memref<32x1024xf32, #tpu.memory_space<vmem>>, vector<1x16xf32>,
        %get3A_1007 = vector.shape_cast %get3A_1006 : vector<1x16xf32> to vector<16xf32>
        %mul3A_1008 = arith.mulf %get3A_152, %get3A_1007 : vector<16xf32>
        %add3A_1009 = arith.addf %mul3A_999, %mul3A_1008 : vector<16xf32>
        %mul3A_1010 = arith.constant 2 : i32
        %mul3A_1011 = arith.muli %mul3A_1010, %scan3A_134 : i32
        %get3A_1012 = arith.index_cast %mul3A_1011 : i32 to index
        %get3A_1013 = arith.constant 656 : index
        %get3A_1014 = tpu.vector_load %arg12[%get3A_1012, %get3A_1013] {strides = array<i32>} : memref<32x1024xf32, #tpu.memory_space<vmem>>, vector<1x16xf32>,
        %get3A_1015 = vector.shape_cast %get3A_1014 : vector<1x16xf32> to vector<16xf32>
        %mul3A_1016 = arith.mulf %get3A_142, %get3A_1015 : vector<16xf32>
        %mul3A_1017 = arith.constant 2 : i32
        %mul3A_1018 = arith.muli %mul3A_1017, %scan3A_134 : i32
        %add3A_1019 = arith.constant 1 : i32
        %add3A_1020 = arith.addi %mul3A_1018, %add3A_1019 : i32
        %get3A_1021 = arith.index_cast %add3A_1020 : i32 to index
        %get3A_1022 = arith.constant 656 : index
        %get3A_1023 = tpu.vector_load %arg12[%get3A_1021, %get3A_1022] {strides = array<i32>} : memref<32x1024xf32, #tpu.memory_space<vmem>>, vector<1x16xf32>,
        %get3A_1024 = vector.shape_cast %get3A_1023 : vector<1x16xf32> to vector<16xf32>
        %mul3A_1025 = arith.mulf %get3A_152, %get3A_1024 : vector<16xf32>
        %add3A_1026 = arith.addf %mul3A_1016, %mul3A_1025 : vector<16xf32>
        %mul3A_1027 = arith.constant 2 : i32
        %mul3A_1028 = arith.muli %mul3A_1027, %scan3A_134 : i32
        %get3A_1029 = arith.index_cast %mul3A_1028 : i32 to index
        %get3A_1030 = arith.constant 672 : index
        %get3A_1031 = tpu.vector_load %arg12[%get3A_1029, %get3A_1030] {strides = array<i32>} : memref<32x1024xf32, #tpu.memory_space<vmem>>, vector<1x16xf32>,
        %get3A_1032 = vector.shape_cast %get3A_1031 : vector<1x16xf32> to vector<16xf32>
        %mul3A_1033 = arith.mulf %get3A_142, %get3A_1032 : vector<16xf32>
        %mul3A_1034 = arith.constant 2 : i32
        %mul3A_1035 = arith.muli %mul3A_1034, %scan3A_134 : i32
        %add3A_1036 = arith.constant 1 : i32
        %add3A_1037 = arith.addi %mul3A_1035, %add3A_1036 : i32
        %get3A_1038 = arith.index_cast %add3A_1037 : i32 to index
        %get3A_1039 = arith.constant 672 : index
        %get3A_1040 = tpu.vector_load %arg12[%get3A_1038, %get3A_1039] {strides = array<i32>} : memref<32x1024xf32, #tpu.memory_space<vmem>>, vector<1x16xf32>,
        %get3A_1041 = vector.shape_cast %get3A_1040 : vector<1x16xf32> to vector<16xf32>
        %mul3A_1042 = arith.mulf %get3A_152, %get3A_1041 : vector<16xf32>
        %add3A_1043 = arith.addf %mul3A_1033, %mul3A_1042 : vector<16xf32>
        %mul3A_1044 = arith.constant 2 : i32
        %mul3A_1045 = arith.muli %mul3A_1044, %scan3A_134 : i32
        %get3A_1046 = arith.index_cast %mul3A_1045 : i32 to index
        %get3A_1047 = arith.constant 688 : index
        %get3A_1048 = tpu.vector_load %arg12[%get3A_1046, %get3A_1047] {strides = array<i32>} : memref<32x1024xf32, #tpu.memory_space<vmem>>, vector<1x16xf32>,
        %get3A_1049 = vector.shape_cast %get3A_1048 : vector<1x16xf32> to vector<16xf32>
        %mul3A_1050 = arith.mulf %get3A_142, %get3A_1049 : vector<16xf32>
        %mul3A_1051 = arith.constant 2 : i32
        %mul3A_1052 = arith.muli %mul3A_1051, %scan3A_134 : i32
        %add3A_1053 = arith.constant 1 : i32
        %add3A_1054 = arith.addi %mul3A_1052, %add3A_1053 : i32
        %get3A_1055 = arith.index_cast %add3A_1054 : i32 to index
        %get3A_1056 = arith.constant 688 : index
        %get3A_1057 = tpu.vector_load %arg12[%get3A_1055, %get3A_1056] {strides = array<i32>} : memref<32x1024xf32, #tpu.memory_space<vmem>>, vector<1x16xf32>,
        %get3A_1058 = vector.shape_cast %get3A_1057 : vector<1x16xf32> to vector<16xf32>
        %mul3A_1059 = arith.mulf %get3A_152, %get3A_1058 : vector<16xf32>
        %add3A_1060 = arith.addf %mul3A_1050, %mul3A_1059 : vector<16xf32>
        %mul3A_1061 = arith.constant 2 : i32
        %mul3A_1062 = arith.muli %mul3A_1061, %scan3A_134 : i32
        %get3A_1063 = arith.index_cast %mul3A_1062 : i32 to index
        %get3A_1064 = arith.constant 704 : index
        %get3A_1065 = tpu.vector_load %arg12[%get3A_1063, %get3A_1064] {strides = array<i32>} : memref<32x1024xf32, #tpu.memory_space<vmem>>, vector<1x16xf32>,
        %get3A_1066 = vector.shape_cast %get3A_1065 : vector<1x16xf32> to vector<16xf32>
        %mul3A_1067 = arith.mulf %get3A_142, %get3A_1066 : vector<16xf32>
        %mul3A_1068 = arith.constant 2 : i32
        %mul3A_1069 = arith.muli %mul3A_1068, %scan3A_134 : i32
        %add3A_1070 = arith.constant 1 : i32
        %add3A_1071 = arith.addi %mul3A_1069, %add3A_1070 : i32
        %get3A_1072 = arith.index_cast %add3A_1071 : i32 to index
        %get3A_1073 = arith.constant 704 : index
        %get3A_1074 = tpu.vector_load %arg12[%get3A_1072, %get3A_1073] {strides = array<i32>} : memref<32x1024xf32, #tpu.memory_space<vmem>>, vector<1x16xf32>,
        %get3A_1075 = vector.shape_cast %get3A_1074 : vector<1x16xf32> to vector<16xf32>
        %mul3A_1076 = arith.mulf %get3A_152, %get3A_1075 : vector<16xf32>
        %add3A_1077 = arith.addf %mul3A_1067, %mul3A_1076 : vector<16xf32>
        %mul3A_1078 = arith.constant 2 : i32
        %mul3A_1079 = arith.muli %mul3A_1078, %scan3A_134 : i32
        %get3A_1080 = arith.index_cast %mul3A_1079 : i32 to index
        %get3A_1081 = arith.constant 720 : index
        %get3A_1082 = tpu.vector_load %arg12[%get3A_1080, %get3A_1081] {strides = array<i32>} : memref<32x1024xf32, #tpu.memory_space<vmem>>, vector<1x16xf32>,
        %get3A_1083 = vector.shape_cast %get3A_1082 : vector<1x16xf32> to vector<16xf32>
        %mul3A_1084 = arith.mulf %get3A_142, %get3A_1083 : vector<16xf32>
        %mul3A_1085 = arith.constant 2 : i32
        %mul3A_1086 = arith.muli %mul3A_1085, %scan3A_134 : i32
        %add3A_1087 = arith.constant 1 : i32
        %add3A_1088 = arith.addi %mul3A_1086, %add3A_1087 : i32
        %get3A_1089 = arith.index_cast %add3A_1088 : i32 to index
        %get3A_1090 = arith.constant 720 : index
        %get3A_1091 = tpu.vector_load %arg12[%get3A_1089, %get3A_1090] {strides = array<i32>} : memref<32x1024xf32, #tpu.memory_space<vmem>>, vector<1x16xf32>,
        %get3A_1092 = vector.shape_cast %get3A_1091 : vector<1x16xf32> to vector<16xf32>
        %mul3A_1093 = arith.mulf %get3A_152, %get3A_1092 : vector<16xf32>
        %add3A_1094 = arith.addf %mul3A_1084, %mul3A_1093 : vector<16xf32>
        %mul3A_1095 = arith.constant 2 : i32
        %mul3A_1096 = arith.muli %mul3A_1095, %scan3A_134 : i32
        %get3A_1097 = arith.index_cast %mul3A_1096 : i32 to index
        %get3A_1098 = arith.constant 736 : index
        %get3A_1099 = tpu.vector_load %arg12[%get3A_1097, %get3A_1098] {strides = array<i32>} : memref<32x1024xf32, #tpu.memory_space<vmem>>, vector<1x16xf32>,
        %get3A_1100 = vector.shape_cast %get3A_1099 : vector<1x16xf32> to vector<16xf32>
        %mul3A_1101 = arith.mulf %get3A_142, %get3A_1100 : vector<16xf32>
        %mul3A_1102 = arith.constant 2 : i32
        %mul3A_1103 = arith.muli %mul3A_1102, %scan3A_134 : i32
        %add3A_1104 = arith.constant 1 : i32
        %add3A_1105 = arith.addi %mul3A_1103, %add3A_1104 : i32
        %get3A_1106 = arith.index_cast %add3A_1105 : i32 to index
        %get3A_1107 = arith.constant 736 : index
        %get3A_1108 = tpu.vector_load %arg12[%get3A_1106, %get3A_1107] {strides = array<i32>} : memref<32x1024xf32, #tpu.memory_space<vmem>>, vector<1x16xf32>,
        %get3A_1109 = vector.shape_cast %get3A_1108 : vector<1x16xf32> to vector<16xf32>
        %mul3A_1110 = arith.mulf %get3A_152, %get3A_1109 : vector<16xf32>
        %add3A_1111 = arith.addf %mul3A_1101, %mul3A_1110 : vector<16xf32>
        %mul3A_1112 = arith.constant 2 : i32
        %mul3A_1113 = arith.muli %mul3A_1112, %scan3A_134 : i32
        %get3A_1114 = arith.index_cast %mul3A_1113 : i32 to index
        %get3A_1115 = arith.constant 752 : index
        %get3A_1116 = tpu.vector_load %arg12[%get3A_1114, %get3A_1115] {strides = array<i32>} : memref<32x1024xf32, #tpu.memory_space<vmem>>, vector<1x16xf32>,
        %get3A_1117 = vector.shape_cast %get3A_1116 : vector<1x16xf32> to vector<16xf32>
        %mul3A_1118 = arith.mulf %get3A_142, %get3A_1117 : vector<16xf32>
        %mul3A_1119 = arith.constant 2 : i32
        %mul3A_1120 = arith.muli %mul3A_1119, %scan3A_134 : i32
        %add3A_1121 = arith.constant 1 : i32
        %add3A_1122 = arith.addi %mul3A_1120, %add3A_1121 : i32
        %get3A_1123 = arith.index_cast %add3A_1122 : i32 to index
        %get3A_1124 = arith.constant 752 : index
        %get3A_1125 = tpu.vector_load %arg12[%get3A_1123, %get3A_1124] {strides = array<i32>} : memref<32x1024xf32, #tpu.memory_space<vmem>>, vector<1x16xf32>,
        %get3A_1126 = vector.shape_cast %get3A_1125 : vector<1x16xf32> to vector<16xf32>
        %mul3A_1127 = arith.mulf %get3A_152, %get3A_1126 : vector<16xf32>
        %add3A_1128 = arith.addf %mul3A_1118, %mul3A_1127 : vector<16xf32>
        %swap3A_1129 = arith.index_cast %scan3A_134 : i32 to index
        %swap3A_1130 = arith.constant 512 : index
        %swap3A_1131 = tpu.vector_load %arg14[%swap3A_1129, %swap3A_1130] {strides = array<i32>} : memref<16x1024xf32, #tpu.memory_space<vmem>>, vector<1x16xf32>,
        %swap3A_1132 = vector.shape_cast %swap3A_1131 : vector<1x16xf32> to vector<16xf32>
        %swap3A_1133 = vector.shape_cast %add3A_873 : vector<16xf32> to vector<1x16xf32>
        tpu.vector_store %arg14[%swap3A_1129, %swap3A_1130], %swap3A_1133 {add = true, strides = array<i32>} : memref<16x1024xf32, #tpu.memory_space<vmem>>, vector<1x16xf32>,
        %swap3A_1134 = arith.index_cast %scan3A_134 : i32 to index
        %swap3A_1135 = arith.constant 528 : index
        %swap3A_1136 = tpu.vector_load %arg14[%swap3A_1134, %swap3A_1135] {strides = array<i32>} : memref<16x1024xf32, #tpu.memory_space<vmem>>, vector<1x16xf32>,
        %swap3A_1137 = vector.shape_cast %swap3A_1136 : vector<1x16xf32> to vector<16xf32>
        %swap3A_1138 = vector.shape_cast %add3A_890 : vector<16xf32> to vector<1x16xf32>
        tpu.vector_store %arg14[%swap3A_1134, %swap3A_1135], %swap3A_1138 {add = true, strides = array<i32>} : memref<16x1024xf32, #tpu.memory_space<vmem>>, vector<1x16xf32>,
        %swap3A_1139 = arith.index_cast %scan3A_134 : i32 to index
        %swap3A_1140 = arith.constant 544 : index
        %swap3A_1141 = tpu.vector_load %arg14[%swap3A_1139, %swap3A_1140] {strides = array<i32>} : memref<16x1024xf32, #tpu.memory_space<vmem>>, vector<1x16xf32>,
        %swap3A_1142 = vector.shape_cast %swap3A_1141 : vector<1x16xf32> to vector<16xf32>
        %swap3A_1143 = vector.shape_cast %add3A_907 : vector<16xf32> to vector<1x16xf32>
        tpu.vector_store %arg14[%swap3A_1139, %swap3A_1140], %swap3A_1143 {add = true, strides = array<i32>} : memref<16x1024xf32, #tpu.memory_space<vmem>>, vector<1x16xf32>,
        %swap3A_1144 = arith.index_cast %scan3A_134 : i32 to index
        %swap3A_1145 = arith.constant 560 : index
        %swap3A_1146 = tpu.vector_load %arg14[%swap3A_1144, %swap3A_1145] {strides = array<i32>} : memref<16x1024xf32, #tpu.memory_space<vmem>>, vector<1x16xf32>,
        %swap3A_1147 = vector.shape_cast %swap3A_1146 : vector<1x16xf32> to vector<16xf32>
        %swap3A_1148 = vector.shape_cast %add3A_924 : vector<16xf32> to vector<1x16xf32>
        tpu.vector_store %arg14[%swap3A_1144, %swap3A_1145], %swap3A_1148 {add = true, strides = array<i32>} : memref<16x1024xf32, #tpu.memory_space<vmem>>, vector<1x16xf32>,
        %swap3A_1149 = arith.index_cast %scan3A_134 : i32 to index
        %swap3A_1150 = arith.constant 576 : index
        %swap3A_1151 = tpu.vector_load %arg14[%swap3A_1149, %swap3A_1150] {strides = array<i32>} : memref<16x1024xf32, #tpu.memory_space<vmem>>, vector<1x16xf32>,
        %swap3A_1152 = vector.shape_cast %swap3A_1151 : vector<1x16xf32> to vector<16xf32>
        %swap3A_1153 = vector.shape_cast %add3A_941 : vector<16xf32> to vector<1x16xf32>
        tpu.vector_store %arg14[%swap3A_1149, %swap3A_1150], %swap3A_1153 {add = true, strides = array<i32>} : memref<16x1024xf32, #tpu.memory_space<vmem>>, vector<1x16xf32>,
        %swap3A_1154 = arith.index_cast %scan3A_134 : i32 to index
        %swap3A_1155 = arith.constant 592 : index
        %swap3A_1156 = tpu.vector_load %arg14[%swap3A_1154, %swap3A_1155] {strides = array<i32>} : memref<16x1024xf32, #tpu.memory_space<vmem>>, vector<1x16xf32>,
        %swap3A_1157 = vector.shape_cast %swap3A_1156 : vector<1x16xf32> to vector<16xf32>
        %swap3A_1158 = vector.shape_cast %add3A_958 : vector<16xf32> to vector<1x16xf32>
        tpu.vector_store %arg14[%swap3A_1154, %swap3A_1155], %swap3A_1158 {add = true, strides = array<i32>} : memref<16x1024xf32, #tpu.memory_space<vmem>>, vector<1x16xf32>,
        %swap3A_1159 = arith.index_cast %scan3A_134 : i32 to index
        %swap3A_1160 = arith.constant 608 : index
        %swap3A_1161 = tpu.vector_load %arg14[%swap3A_1159, %swap3A_1160] {strides = array<i32>} : memref<16x1024xf32, #tpu.memory_space<vmem>>, vector<1x16xf32>,
        %swap3A_1162 = vector.shape_cast %swap3A_1161 : vector<1x16xf32> to vector<16xf32>
        %swap3A_1163 = vector.shape_cast %add3A_975 : vector<16xf32> to vector<1x16xf32>
        tpu.vector_store %arg14[%swap3A_1159, %swap3A_1160], %swap3A_1163 {add = true, strides = array<i32>} : memref<16x1024xf32, #tpu.memory_space<vmem>>, vector<1x16xf32>,
        %swap3A_1164 = arith.index_cast %scan3A_134 : i32 to index
        %swap3A_1165 = arith.constant 624 : index
        %swap3A_1166 = tpu.vector_load %arg14[%swap3A_1164, %swap3A_1165] {strides = array<i32>} : memref<16x1024xf32, #tpu.memory_space<vmem>>, vector<1x16xf32>,
        %swap3A_1167 = vector.shape_cast %swap3A_1166 : vector<1x16xf32> to vector<16xf32>
        %swap3A_1168 = vector.shape_cast %add3A_992 : vector<16xf32> to vector<1x16xf32>
        tpu.vector_store %arg14[%swap3A_1164, %swap3A_1165], %swap3A_1168 {add = true, strides = array<i32>} : memref<16x1024xf32, #tpu.memory_space<vmem>>, vector<1x16xf32>,
        %swap3A_1169 = arith.index_cast %scan3A_134 : i32 to index
        %swap3A_1170 = arith.constant 640 : index
        %swap3A_1171 = tpu.vector_load %arg14[%swap3A_1169, %swap3A_1170] {strides = array<i32>} : memref<16x1024xf32, #tpu.memory_space<vmem>>, vector<1x16xf32>,
        %swap3A_1172 = vector.shape_cast %swap3A_1171 : vector<1x16xf32> to vector<16xf32>
        %swap3A_1173 = vector.shape_cast %add3A_1009 : vector<16xf32> to vector<1x16xf32>
        tpu.vector_store %arg14[%swap3A_1169, %swap3A_1170], %swap3A_1173 {add = true, strides = array<i32>} : memref<16x1024xf32, #tpu.memory_space<vmem>>, vector<1x16xf32>,
        %swap3A_1174 = arith.index_cast %scan3A_134 : i32 to index
        %swap3A_1175 = arith.constant 656 : index
        %swap3A_1176 = tpu.vector_load %arg14[%swap3A_1174, %swap3A_1175] {strides = array<i32>} : memref<16x1024xf32, #tpu.memory_space<vmem>>, vector<1x16xf32>,
        %swap3A_1177 = vector.shape_cast %swap3A_1176 : vector<1x16xf32> to vector<16xf32>
        %swap3A_1178 = vector.shape_cast %add3A_1026 : vector<16xf32> to vector<1x16xf32>
        tpu.vector_store %arg14[%swap3A_1174, %swap3A_1175], %swap3A_1178 {add = true, strides = array<i32>} : memref<16x1024xf32, #tpu.memory_space<vmem>>, vector<1x16xf32>,
        %swap3A_1179 = arith.index_cast %scan3A_134 : i32 to index
        %swap3A_1180 = arith.constant 672 : index
        %swap3A_1181 = tpu.vector_load %arg14[%swap3A_1179, %swap3A_1180] {strides = array<i32>} : memref<16x1024xf32, #tpu.memory_space<vmem>>, vector<1x16xf32>,
        %swap3A_1182 = vector.shape_cast %swap3A_1181 : vector<1x16xf32> to vector<16xf32>
        %swap3A_1183 = vector.shape_cast %add3A_1043 : vector<16xf32> to vector<1x16xf32>
        tpu.vector_store %arg14[%swap3A_1179, %swap3A_1180], %swap3A_1183 {add = true, strides = array<i32>} : memref<16x1024xf32, #tpu.memory_space<vmem>>, vector<1x16xf32>,
        %swap3A_1184 = arith.index_cast %scan3A_134 : i32 to index
        %swap3A_1185 = arith.constant 688 : index
        %swap3A_1186 = tpu.vector_load %arg14[%swap3A_1184, %swap3A_1185] {strides = array<i32>} : memref<16x1024xf32, #tpu.memory_space<vmem>>, vector<1x16xf32>,
        %swap3A_1187 = vector.shape_cast %swap3A_1186 : vector<1x16xf32> to vector<16xf32>
        %swap3A_1188 = vector.shape_cast %add3A_1060 : vector<16xf32> to vector<1x16xf32>
        tpu.vector_store %arg14[%swap3A_1184, %swap3A_1185], %swap3A_1188 {add = true, strides = array<i32>} : memref<16x1024xf32, #tpu.memory_space<vmem>>, vector<1x16xf32>,
        %swap3A_1189 = arith.index_cast %scan3A_134 : i32 to index
        %swap3A_1190 = arith.constant 704 : index
        %swap3A_1191 = tpu.vector_load %arg14[%swap3A_1189, %swap3A_1190] {strides = array<i32>} : memref<16x1024xf32, #tpu.memory_space<vmem>>, vector<1x16xf32>,
        %swap3A_1192 = vector.shape_cast %swap3A_1191 : vector<1x16xf32> to vector<16xf32>
        %swap3A_1193 = vector.shape_cast %add3A_1077 : vector<16xf32> to vector<1x16xf32>
        tpu.vector_store %arg14[%swap3A_1189, %swap3A_1190], %swap3A_1193 {add = true, strides = array<i32>} : memref<16x1024xf32, #tpu.memory_space<vmem>>, vector<1x16xf32>,
        %swap3A_1194 = arith.index_cast %scan3A_134 : i32 to index
        %swap3A_1195 = arith.constant 720 : index
        %swap3A_1196 = tpu.vector_load %arg14[%swap3A_1194, %swap3A_1195] {strides = array<i32>} : memref<16x1024xf32, #tpu.memory_space<vmem>>, vector<1x16xf32>,
        %swap3A_1197 = vector.shape_cast %swap3A_1196 : vector<1x16xf32> to vector<16xf32>
        %swap3A_1198 = vector.shape_cast %add3A_1094 : vector<16xf32> to vector<1x16xf32>
        tpu.vector_store %arg14[%swap3A_1194, %swap3A_1195], %swap3A_1198 {add = true, strides = array<i32>} : memref<16x1024xf32, #tpu.memory_space<vmem>>, vector<1x16xf32>,
        %swap3A_1199 = arith.index_cast %scan3A_134 : i32 to index
        %swap3A_1200 = arith.constant 736 : index
        %swap3A_1201 = tpu.vector_load %arg14[%swap3A_1199, %swap3A_1200] {strides = array<i32>} : memref<16x1024xf32, #tpu.memory_space<vmem>>, vector<1x16xf32>,
        %swap3A_1202 = vector.shape_cast %swap3A_1201 : vector<1x16xf32> to vector<16xf32>
        %swap3A_1203 = vector.shape_cast %add3A_1111 : vector<16xf32> to vector<1x16xf32>
        tpu.vector_store %arg14[%swap3A_1199, %swap3A_1200], %swap3A_1203 {add = true, strides = array<i32>} : memref<16x1024xf32, #tpu.memory_space<vmem>>, vector<1x16xf32>,
        %swap3A_1204 = arith.index_cast %scan3A_134 : i32 to index
        %swap3A_1205 = arith.constant 752 : index
        %swap3A_1206 = tpu.vector_load %arg14[%swap3A_1204, %swap3A_1205] {strides = array<i32>} : memref<16x1024xf32, #tpu.memory_space<vmem>>, vector<1x16xf32>,
        %swap3A_1207 = vector.shape_cast %swap3A_1206 : vector<1x16xf32> to vector<16xf32>
        %swap3A_1208 = vector.shape_cast %add3A_1128 : vector<16xf32> to vector<1x16xf32>
        tpu.vector_store %arg14[%swap3A_1204, %swap3A_1205], %swap3A_1208 {add = true, strides = array<i32>} : memref<16x1024xf32, #tpu.memory_space<vmem>>, vector<1x16xf32>,
        %mul3A_1209 = arith.constant 2 : i32
        %mul3A_1210 = arith.muli %mul3A_1209, %scan3A_134 : i32
        %get3A_1211 = arith.index_cast %mul3A_1210 : i32 to index
        %get3A_1212 = arith.constant 768 : index
        %get3A_1213 = tpu.vector_load %arg12[%get3A_1211, %get3A_1212] {strides = array<i32>} : memref<32x1024xf32, #tpu.memory_space<vmem>>, vector<1x16xf32>,
        %get3A_1214 = vector.shape_cast %get3A_1213 : vector<1x16xf32> to vector<16xf32>
        %mul3A_1215 = arith.mulf %get3A_142, %get3A_1214 : vector<16xf32>
        %mul3A_1216 = arith.constant 2 : i32
        %mul3A_1217 = arith.muli %mul3A_1216, %scan3A_134 : i32
        %add3A_1218 = arith.constant 1 : i32
        %add3A_1219 = arith.addi %mul3A_1217, %add3A_1218 : i32
        %get3A_1220 = arith.index_cast %add3A_1219 : i32 to index
        %get3A_1221 = arith.constant 768 : index
        %get3A_1222 = tpu.vector_load %arg12[%get3A_1220, %get3A_1221] {strides = array<i32>} : memref<32x1024xf32, #tpu.memory_space<vmem>>, vector<1x16xf32>,
        %get3A_1223 = vector.shape_cast %get3A_1222 : vector<1x16xf32> to vector<16xf32>
        %mul3A_1224 = arith.mulf %get3A_152, %get3A_1223 : vector<16xf32>
        %add3A_1225 = arith.addf %mul3A_1215, %mul3A_1224 : vector<16xf32>
        %mul3A_1226 = arith.constant 2 : i32
        %mul3A_1227 = arith.muli %mul3A_1226, %scan3A_134 : i32
        %get3A_1228 = arith.index_cast %mul3A_1227 : i32 to index
        %get3A_1229 = arith.constant 784 : index
        %get3A_1230 = tpu.vector_load %arg12[%get3A_1228, %get3A_1229] {strides = array<i32>} : memref<32x1024xf32, #tpu.memory_space<vmem>>, vector<1x16xf32>,
        %get3A_1231 = vector.shape_cast %get3A_1230 : vector<1x16xf32> to vector<16xf32>
        %mul3A_1232 = arith.mulf %get3A_142, %get3A_1231 : vector<16xf32>
        %mul3A_1233 = arith.constant 2 : i32
        %mul3A_1234 = arith.muli %mul3A_1233, %scan3A_134 : i32
        %add3A_1235 = arith.constant 1 : i32
        %add3A_1236 = arith.addi %mul3A_1234, %add3A_1235 : i32
        %get3A_1237 = arith.index_cast %add3A_1236 : i32 to index
        %get3A_1238 = arith.constant 784 : index
        %get3A_1239 = tpu.vector_load %arg12[%get3A_1237, %get3A_1238] {strides = array<i32>} : memref<32x1024xf32, #tpu.memory_space<vmem>>, vector<1x16xf32>,
        %get3A_1240 = vector.shape_cast %get3A_1239 : vector<1x16xf32> to vector<16xf32>
        %mul3A_1241 = arith.mulf %get3A_152, %get3A_1240 : vector<16xf32>
        %add3A_1242 = arith.addf %mul3A_1232, %mul3A_1241 : vector<16xf32>
        %mul3A_1243 = arith.constant 2 : i32
        %mul3A_1244 = arith.muli %mul3A_1243, %scan3A_134 : i32
        %get3A_1245 = arith.index_cast %mul3A_1244 : i32 to index
        %get3A_1246 = arith.constant 800 : index
        %get3A_1247 = tpu.vector_load %arg12[%get3A_1245, %get3A_1246] {strides = array<i32>} : memref<32x1024xf32, #tpu.memory_space<vmem>>, vector<1x16xf32>,
        %get3A_1248 = vector.shape_cast %get3A_1247 : vector<1x16xf32> to vector<16xf32>
        %mul3A_1249 = arith.mulf %get3A_142, %get3A_1248 : vector<16xf32>
        %mul3A_1250 = arith.constant 2 : i32
        %mul3A_1251 = arith.muli %mul3A_1250, %scan3A_134 : i32
        %add3A_1252 = arith.constant 1 : i32
        %add3A_1253 = arith.addi %mul3A_1251, %add3A_1252 : i32
        %get3A_1254 = arith.index_cast %add3A_1253 : i32 to index
        %get3A_1255 = arith.constant 800 : index
        %get3A_1256 = tpu.vector_load %arg12[%get3A_1254, %get3A_1255] {strides = array<i32>} : memref<32x1024xf32, #tpu.memory_space<vmem>>, vector<1x16xf32>,
        %get3A_1257 = vector.shape_cast %get3A_1256 : vector<1x16xf32> to vector<16xf32>
        %mul3A_1258 = arith.mulf %get3A_152, %get3A_1257 : vector<16xf32>
        %add3A_1259 = arith.addf %mul3A_1249, %mul3A_1258 : vector<16xf32>
        %mul3A_1260 = arith.constant 2 : i32
        %mul3A_1261 = arith.muli %mul3A_1260, %scan3A_134 : i32
        %get3A_1262 = arith.index_cast %mul3A_1261 : i32 to index
        %get3A_1263 = arith.constant 816 : index
        %get3A_1264 = tpu.vector_load %arg12[%get3A_1262, %get3A_1263] {strides = array<i32>} : memref<32x1024xf32, #tpu.memory_space<vmem>>, vector<1x16xf32>,
        %get3A_1265 = vector.shape_cast %get3A_1264 : vector<1x16xf32> to vector<16xf32>
        %mul3A_1266 = arith.mulf %get3A_142, %get3A_1265 : vector<16xf32>
        %mul3A_1267 = arith.constant 2 : i32
        %mul3A_1268 = arith.muli %mul3A_1267, %scan3A_134 : i32
        %add3A_1269 = arith.constant 1 : i32
        %add3A_1270 = arith.addi %mul3A_1268, %add3A_1269 : i32
        %get3A_1271 = arith.index_cast %add3A_1270 : i32 to index
        %get3A_1272 = arith.constant 816 : index
        %get3A_1273 = tpu.vector_load %arg12[%get3A_1271, %get3A_1272] {strides = array<i32>} : memref<32x1024xf32, #tpu.memory_space<vmem>>, vector<1x16xf32>,
        %get3A_1274 = vector.shape_cast %get3A_1273 : vector<1x16xf32> to vector<16xf32>
        %mul3A_1275 = arith.mulf %get3A_152, %get3A_1274 : vector<16xf32>
        %add3A_1276 = arith.addf %mul3A_1266, %mul3A_1275 : vector<16xf32>
        %mul3A_1277 = arith.constant 2 : i32
        %mul3A_1278 = arith.muli %mul3A_1277, %scan3A_134 : i32
        %get3A_1279 = arith.index_cast %mul3A_1278 : i32 to index
        %get3A_1280 = arith.constant 832 : index
        %get3A_1281 = tpu.vector_load %arg12[%get3A_1279, %get3A_1280] {strides = array<i32>} : memref<32x1024xf32, #tpu.memory_space<vmem>>, vector<1x16xf32>,
        %get3A_1282 = vector.shape_cast %get3A_1281 : vector<1x16xf32> to vector<16xf32>
        %mul3A_1283 = arith.mulf %get3A_142, %get3A_1282 : vector<16xf32>
        %mul3A_1284 = arith.constant 2 : i32
        %mul3A_1285 = arith.muli %mul3A_1284, %scan3A_134 : i32
        %add3A_1286 = arith.constant 1 : i32
        %add3A_1287 = arith.addi %mul3A_1285, %add3A_1286 : i32
        %get3A_1288 = arith.index_cast %add3A_1287 : i32 to index
        %get3A_1289 = arith.constant 832 : index
        %get3A_1290 = tpu.vector_load %arg12[%get3A_1288, %get3A_1289] {strides = array<i32>} : memref<32x1024xf32, #tpu.memory_space<vmem>>, vector<1x16xf32>,
        %get3A_1291 = vector.shape_cast %get3A_1290 : vector<1x16xf32> to vector<16xf32>
        %mul3A_1292 = arith.mulf %get3A_152, %get3A_1291 : vector<16xf32>
        %add3A_1293 = arith.addf %mul3A_1283, %mul3A_1292 : vector<16xf32>
        %mul3A_1294 = arith.constant 2 : i32
        %mul3A_1295 = arith.muli %mul3A_1294, %scan3A_134 : i32
        %get3A_1296 = arith.index_cast %mul3A_1295 : i32 to index
        %get3A_1297 = arith.constant 848 : index
        %get3A_1298 = tpu.vector_load %arg12[%get3A_1296, %get3A_1297] {strides = array<i32>} : memref<32x1024xf32, #tpu.memory_space<vmem>>, vector<1x16xf32>,
        %get3A_1299 = vector.shape_cast %get3A_1298 : vector<1x16xf32> to vector<16xf32>
        %mul3A_1300 = arith.mulf %get3A_142, %get3A_1299 : vector<16xf32>
        %mul3A_1301 = arith.constant 2 : i32
        %mul3A_1302 = arith.muli %mul3A_1301, %scan3A_134 : i32
        %add3A_1303 = arith.constant 1 : i32
        %add3A_1304 = arith.addi %mul3A_1302, %add3A_1303 : i32
        %get3A_1305 = arith.index_cast %add3A_1304 : i32 to index
        %get3A_1306 = arith.constant 848 : index
        %get3A_1307 = tpu.vector_load %arg12[%get3A_1305, %get3A_1306] {strides = array<i32>} : memref<32x1024xf32, #tpu.memory_space<vmem>>, vector<1x16xf32>,
        %get3A_1308 = vector.shape_cast %get3A_1307 : vector<1x16xf32> to vector<16xf32>
        %mul3A_1309 = arith.mulf %get3A_152, %get3A_1308 : vector<16xf32>
        %add3A_1310 = arith.addf %mul3A_1300, %mul3A_1309 : vector<16xf32>
        %mul3A_1311 = arith.constant 2 : i32
        %mul3A_1312 = arith.muli %mul3A_1311, %scan3A_134 : i32
        %get3A_1313 = arith.index_cast %mul3A_1312 : i32 to index
        %get3A_1314 = arith.constant 864 : index
        %get3A_1315 = tpu.vector_load %arg12[%get3A_1313, %get3A_1314] {strides = array<i32>} : memref<32x1024xf32, #tpu.memory_space<vmem>>, vector<1x16xf32>,
        %get3A_1316 = vector.shape_cast %get3A_1315 : vector<1x16xf32> to vector<16xf32>
        %mul3A_1317 = arith.mulf %get3A_142, %get3A_1316 : vector<16xf32>
        %mul3A_1318 = arith.constant 2 : i32
        %mul3A_1319 = arith.muli %mul3A_1318, %scan3A_134 : i32
        %add3A_1320 = arith.constant 1 : i32
        %add3A_1321 = arith.addi %mul3A_1319, %add3A_1320 : i32
        %get3A_1322 = arith.index_cast %add3A_1321 : i32 to index
        %get3A_1323 = arith.constant 864 : index
        %get3A_1324 = tpu.vector_load %arg12[%get3A_1322, %get3A_1323] {strides = array<i32>} : memref<32x1024xf32, #tpu.memory_space<vmem>>, vector<1x16xf32>,
        %get3A_1325 = vector.shape_cast %get3A_1324 : vector<1x16xf32> to vector<16xf32>
        %mul3A_1326 = arith.mulf %get3A_152, %get3A_1325 : vector<16xf32>
        %add3A_1327 = arith.addf %mul3A_1317, %mul3A_1326 : vector<16xf32>
        %mul3A_1328 = arith.constant 2 : i32
        %mul3A_1329 = arith.muli %mul3A_1328, %scan3A_134 : i32
        %get3A_1330 = arith.index_cast %mul3A_1329 : i32 to index
        %get3A_1331 = arith.constant 880 : index
        %get3A_1332 = tpu.vector_load %arg12[%get3A_1330, %get3A_1331] {strides = array<i32>} : memref<32x1024xf32, #tpu.memory_space<vmem>>, vector<1x16xf32>,
        %get3A_1333 = vector.shape_cast %get3A_1332 : vector<1x16xf32> to vector<16xf32>
        %mul3A_1334 = arith.mulf %get3A_142, %get3A_1333 : vector<16xf32>
        %mul3A_1335 = arith.constant 2 : i32
        %mul3A_1336 = arith.muli %mul3A_1335, %scan3A_134 : i32
        %add3A_1337 = arith.constant 1 : i32
        %add3A_1338 = arith.addi %mul3A_1336, %add3A_1337 : i32
        %get3A_1339 = arith.index_cast %add3A_1338 : i32 to index
        %get3A_1340 = arith.constant 880 : index
        %get3A_1341 = tpu.vector_load %arg12[%get3A_1339, %get3A_1340] {strides = array<i32>} : memref<32x1024xf32, #tpu.memory_space<vmem>>, vector<1x16xf32>,
        %get3A_1342 = vector.shape_cast %get3A_1341 : vector<1x16xf32> to vector<16xf32>
        %mul3A_1343 = arith.mulf %get3A_152, %get3A_1342 : vector<16xf32>
        %add3A_1344 = arith.addf %mul3A_1334, %mul3A_1343 : vector<16xf32>
        %mul3A_1345 = arith.constant 2 : i32
        %mul3A_1346 = arith.muli %mul3A_1345, %scan3A_134 : i32
        %get3A_1347 = arith.index_cast %mul3A_1346 : i32 to index
        %get3A_1348 = arith.constant 896 : index
        %get3A_1349 = tpu.vector_load %arg12[%get3A_1347, %get3A_1348] {strides = array<i32>} : memref<32x1024xf32, #tpu.memory_space<vmem>>, vector<1x16xf32>,
        %get3A_1350 = vector.shape_cast %get3A_1349 : vector<1x16xf32> to vector<16xf32>
        %mul3A_1351 = arith.mulf %get3A_142, %get3A_1350 : vector<16xf32>
        %mul3A_1352 = arith.constant 2 : i32
        %mul3A_1353 = arith.muli %mul3A_1352, %scan3A_134 : i32
        %add3A_1354 = arith.constant 1 : i32
        %add3A_1355 = arith.addi %mul3A_1353, %add3A_1354 : i32
        %get3A_1356 = arith.index_cast %add3A_1355 : i32 to index
        %get3A_1357 = arith.constant 896 : index
        %get3A_1358 = tpu.vector_load %arg12[%get3A_1356, %get3A_1357] {strides = array<i32>} : memref<32x1024xf32, #tpu.memory_space<vmem>>, vector<1x16xf32>,
        %get3A_1359 = vector.shape_cast %get3A_1358 : vector<1x16xf32> to vector<16xf32>
        %mul3A_1360 = arith.mulf %get3A_152, %get3A_1359 : vector<16xf32>
        %add3A_1361 = arith.addf %mul3A_1351, %mul3A_1360 : vector<16xf32>
        %mul3A_1362 = arith.constant 2 : i32
        %mul3A_1363 = arith.muli %mul3A_1362, %scan3A_134 : i32
        %get3A_1364 = arith.index_cast %mul3A_1363 : i32 to index
        %get3A_1365 = arith.constant 912 : index
        %get3A_1366 = tpu.vector_load %arg12[%get3A_1364, %get3A_1365] {strides = array<i32>} : memref<32x1024xf32, #tpu.memory_space<vmem>>, vector<1x16xf32>,
        %get3A_1367 = vector.shape_cast %get3A_1366 : vector<1x16xf32> to vector<16xf32>
        %mul3A_1368 = arith.mulf %get3A_142, %get3A_1367 : vector<16xf32>
        %mul3A_1369 = arith.constant 2 : i32
        %mul3A_1370 = arith.muli %mul3A_1369, %scan3A_134 : i32
        %add3A_1371 = arith.constant 1 : i32
        %add3A_1372 = arith.addi %mul3A_1370, %add3A_1371 : i32
        %get3A_1373 = arith.index_cast %add3A_1372 : i32 to index
        %get3A_1374 = arith.constant 912 : index
        %get3A_1375 = tpu.vector_load %arg12[%get3A_1373, %get3A_1374] {strides = array<i32>} : memref<32x1024xf32, #tpu.memory_space<vmem>>, vector<1x16xf32>,
        %get3A_1376 = vector.shape_cast %get3A_1375 : vector<1x16xf32> to vector<16xf32>
        %mul3A_1377 = arith.mulf %get3A_152, %get3A_1376 : vector<16xf32>
        %add3A_1378 = arith.addf %mul3A_1368, %mul3A_1377 : vector<16xf32>
        %mul3A_1379 = arith.constant 2 : i32
        %mul3A_1380 = arith.muli %mul3A_1379, %scan3A_134 : i32
        %get3A_1381 = arith.index_cast %mul3A_1380 : i32 to index
        %get3A_1382 = arith.constant 928 : index
        %get3A_1383 = tpu.vector_load %arg12[%get3A_1381, %get3A_1382] {strides = array<i32>} : memref<32x1024xf32, #tpu.memory_space<vmem>>, vector<1x16xf32>,
        %get3A_1384 = vector.shape_cast %get3A_1383 : vector<1x16xf32> to vector<16xf32>
        %mul3A_1385 = arith.mulf %get3A_142, %get3A_1384 : vector<16xf32>
        %mul3A_1386 = arith.constant 2 : i32
        %mul3A_1387 = arith.muli %mul3A_1386, %scan3A_134 : i32
        %add3A_1388 = arith.constant 1 : i32
        %add3A_1389 = arith.addi %mul3A_1387, %add3A_1388 : i32
        %get3A_1390 = arith.index_cast %add3A_1389 : i32 to index
        %get3A_1391 = arith.constant 928 : index
        %get3A_1392 = tpu.vector_load %arg12[%get3A_1390, %get3A_1391] {strides = array<i32>} : memref<32x1024xf32, #tpu.memory_space<vmem>>, vector<1x16xf32>,
        %get3A_1393 = vector.shape_cast %get3A_1392 : vector<1x16xf32> to vector<16xf32>
        %mul3A_1394 = arith.mulf %get3A_152, %get3A_1393 : vector<16xf32>
        %add3A_1395 = arith.addf %mul3A_1385, %mul3A_1394 : vector<16xf32>
        %mul3A_1396 = arith.constant 2 : i32
        %mul3A_1397 = arith.muli %mul3A_1396, %scan3A_134 : i32
        %get3A_1398 = arith.index_cast %mul3A_1397 : i32 to index
        %get3A_1399 = arith.constant 944 : index
        %get3A_1400 = tpu.vector_load %arg12[%get3A_1398, %get3A_1399] {strides = array<i32>} : memref<32x1024xf32, #tpu.memory_space<vmem>>, vector<1x16xf32>,
        %get3A_1401 = vector.shape_cast %get3A_1400 : vector<1x16xf32> to vector<16xf32>
        %mul3A_1402 = arith.mulf %get3A_142, %get3A_1401 : vector<16xf32>
        %mul3A_1403 = arith.constant 2 : i32
        %mul3A_1404 = arith.muli %mul3A_1403, %scan3A_134 : i32
        %add3A_1405 = arith.constant 1 : i32
        %add3A_1406 = arith.addi %mul3A_1404, %add3A_1405 : i32
        %get3A_1407 = arith.index_cast %add3A_1406 : i32 to index
        %get3A_1408 = arith.constant 944 : index
        %get3A_1409 = tpu.vector_load %arg12[%get3A_1407, %get3A_1408] {strides = array<i32>} : memref<32x1024xf32, #tpu.memory_space<vmem>>, vector<1x16xf32>,
        %get3A_1410 = vector.shape_cast %get3A_1409 : vector<1x16xf32> to vector<16xf32>
        %mul3A_1411 = arith.mulf %get3A_152, %get3A_1410 : vector<16xf32>
        %add3A_1412 = arith.addf %mul3A_1402, %mul3A_1411 : vector<16xf32>
        %mul3A_1413 = arith.constant 2 : i32
        %mul3A_1414 = arith.muli %mul3A_1413, %scan3A_134 : i32
        %get3A_1415 = arith.index_cast %mul3A_1414 : i32 to index
        %get3A_1416 = arith.constant 960 : index
        %get3A_1417 = tpu.vector_load %arg12[%get3A_1415, %get3A_1416] {strides = array<i32>} : memref<32x1024xf32, #tpu.memory_space<vmem>>, vector<1x16xf32>,
        %get3A_1418 = vector.shape_cast %get3A_1417 : vector<1x16xf32> to vector<16xf32>
        %mul3A_1419 = arith.mulf %get3A_142, %get3A_1418 : vector<16xf32>
        %mul3A_1420 = arith.constant 2 : i32
        %mul3A_1421 = arith.muli %mul3A_1420, %scan3A_134 : i32
        %add3A_1422 = arith.constant 1 : i32
        %add3A_1423 = arith.addi %mul3A_1421, %add3A_1422 : i32
        %get3A_1424 = arith.index_cast %add3A_1423 : i32 to index
        %get3A_1425 = arith.constant 960 : index
        %get3A_1426 = tpu.vector_load %arg12[%get3A_1424, %get3A_1425] {strides = array<i32>} : memref<32x1024xf32, #tpu.memory_space<vmem>>, vector<1x16xf32>,
        %get3A_1427 = vector.shape_cast %get3A_1426 : vector<1x16xf32> to vector<16xf32>
        %mul3A_1428 = arith.mulf %get3A_152, %get3A_1427 : vector<16xf32>
        %add3A_1429 = arith.addf %mul3A_1419, %mul3A_1428 : vector<16xf32>
        %mul3A_1430 = arith.constant 2 : i32
        %mul3A_1431 = arith.muli %mul3A_1430, %scan3A_134 : i32
        %get3A_1432 = arith.index_cast %mul3A_1431 : i32 to index
        %get3A_1433 = arith.constant 976 : index
        %get3A_1434 = tpu.vector_load %arg12[%get3A_1432, %get3A_1433] {strides = array<i32>} : memref<32x1024xf32, #tpu.memory_space<vmem>>, vector<1x16xf32>,
        %get3A_1435 = vector.shape_cast %get3A_1434 : vector<1x16xf32> to vector<16xf32>
        %mul3A_1436 = arith.mulf %get3A_142, %get3A_1435 : vector<16xf32>
        %mul3A_1437 = arith.constant 2 : i32
        %mul3A_1438 = arith.muli %mul3A_1437, %scan3A_134 : i32
        %add3A_1439 = arith.constant 1 : i32
        %add3A_1440 = arith.addi %mul3A_1438, %add3A_1439 : i32
        %get3A_1441 = arith.index_cast %add3A_1440 : i32 to index
        %get3A_1442 = arith.constant 976 : index
        %get3A_1443 = tpu.vector_load %arg12[%get3A_1441, %get3A_1442] {strides = array<i32>} : memref<32x1024xf32, #tpu.memory_space<vmem>>, vector<1x16xf32>,
        %get3A_1444 = vector.shape_cast %get3A_1443 : vector<1x16xf32> to vector<16xf32>
        %mul3A_1445 = arith.mulf %get3A_152, %get3A_1444 : vector<16xf32>
        %add3A_1446 = arith.addf %mul3A_1436, %mul3A_1445 : vector<16xf32>
        %mul3A_1447 = arith.constant 2 : i32
        %mul3A_1448 = arith.muli %mul3A_1447, %scan3A_134 : i32
        %get3A_1449 = arith.index_cast %mul3A_1448 : i32 to index
        %get3A_1450 = arith.constant 992 : index
        %get3A_1451 = tpu.vector_load %arg12[%get3A_1449, %get3A_1450] {strides = array<i32>} : memref<32x1024xf32, #tpu.memory_space<vmem>>, vector<1x16xf32>,
        %get3A_1452 = vector.shape_cast %get3A_1451 : vector<1x16xf32> to vector<16xf32>
        %mul3A_1453 = arith.mulf %get3A_142, %get3A_1452 : vector<16xf32>
        %mul3A_1454 = arith.constant 2 : i32
        %mul3A_1455 = arith.muli %mul3A_1454, %scan3A_134 : i32
        %add3A_1456 = arith.constant 1 : i32
        %add3A_1457 = arith.addi %mul3A_1455, %add3A_1456 : i32
        %get3A_1458 = arith.index_cast %add3A_1457 : i32 to index
        %get3A_1459 = arith.constant 992 : index
        %get3A_1460 = tpu.vector_load %arg12[%get3A_1458, %get3A_1459] {strides = array<i32>} : memref<32x1024xf32, #tpu.memory_space<vmem>>, vector<1x16xf32>,
        %get3A_1461 = vector.shape_cast %get3A_1460 : vector<1x16xf32> to vector<16xf32>
        %mul3A_1462 = arith.mulf %get3A_152, %get3A_1461 : vector<16xf32>
        %add3A_1463 = arith.addf %mul3A_1453, %mul3A_1462 : vector<16xf32>
        %mul3A_1464 = arith.constant 2 : i32
        %mul3A_1465 = arith.muli %mul3A_1464, %scan3A_134 : i32
        %get3A_1466 = arith.index_cast %mul3A_1465 : i32 to index
        %get3A_1467 = arith.constant 1008 : index
        %get3A_1468 = tpu.vector_load %arg12[%get3A_1466, %get3A_1467] {strides = array<i32>} : memref<32x1024xf32, #tpu.memory_space<vmem>>, vector<1x16xf32>,
        %get3A_1469 = vector.shape_cast %get3A_1468 : vector<1x16xf32> to vector<16xf32>
        %mul3A_1470 = arith.mulf %get3A_142, %get3A_1469 : vector<16xf32>
        %mul3A_1471 = arith.constant 2 : i32
        %mul3A_1472 = arith.muli %mul3A_1471, %scan3A_134 : i32
        %add3A_1473 = arith.constant 1 : i32
        %add3A_1474 = arith.addi %mul3A_1472, %add3A_1473 : i32
        %get3A_1475 = arith.index_cast %add3A_1474 : i32 to index
        %get3A_1476 = arith.constant 1008 : index
        %get3A_1477 = tpu.vector_load %arg12[%get3A_1475, %get3A_1476] {strides = array<i32>} : memref<32x1024xf32, #tpu.memory_space<vmem>>, vector<1x16xf32>,
        %get3A_1478 = vector.shape_cast %get3A_1477 : vector<1x16xf32> to vector<16xf32>
        %mul3A_1479 = arith.mulf %get3A_152, %get3A_1478 : vector<16xf32>
        %add3A_1480 = arith.addf %mul3A_1470, %mul3A_1479 : vector<16xf32>
        %swap3A_1481 = arith.index_cast %scan3A_134 : i32 to index
        %swap3A_1482 = arith.constant 768 : index
        %swap3A_1483 = tpu.vector_load %arg14[%swap3A_1481, %swap3A_1482] {strides = array<i32>} : memref<16x1024xf32, #tpu.memory_space<vmem>>, vector<1x16xf32>,
        %swap3A_1484 = vector.shape_cast %swap3A_1483 : vector<1x16xf32> to vector<16xf32>
        %swap3A_1485 = vector.shape_cast %add3A_1225 : vector<16xf32> to vector<1x16xf32>
        tpu.vector_store %arg14[%swap3A_1481, %swap3A_1482], %swap3A_1485 {add = true, strides = array<i32>} : memref<16x1024xf32, #tpu.memory_space<vmem>>, vector<1x16xf32>,
        %swap3A_1486 = arith.index_cast %scan3A_134 : i32 to index
        %swap3A_1487 = arith.constant 784 : index
        %swap3A_1488 = tpu.vector_load %arg14[%swap3A_1486, %swap3A_1487] {strides = array<i32>} : memref<16x1024xf32, #tpu.memory_space<vmem>>, vector<1x16xf32>,
        %swap3A_1489 = vector.shape_cast %swap3A_1488 : vector<1x16xf32> to vector<16xf32>
        %swap3A_1490 = vector.shape_cast %add3A_1242 : vector<16xf32> to vector<1x16xf32>
        tpu.vector_store %arg14[%swap3A_1486, %swap3A_1487], %swap3A_1490 {add = true, strides = array<i32>} : memref<16x1024xf32, #tpu.memory_space<vmem>>, vector<1x16xf32>,
        %swap3A_1491 = arith.index_cast %scan3A_134 : i32 to index
        %swap3A_1492 = arith.constant 800 : index
        %swap3A_1493 = tpu.vector_load %arg14[%swap3A_1491, %swap3A_1492] {strides = array<i32>} : memref<16x1024xf32, #tpu.memory_space<vmem>>, vector<1x16xf32>,
        %swap3A_1494 = vector.shape_cast %swap3A_1493 : vector<1x16xf32> to vector<16xf32>
        %swap3A_1495 = vector.shape_cast %add3A_1259 : vector<16xf32> to vector<1x16xf32>
        tpu.vector_store %arg14[%swap3A_1491, %swap3A_1492], %swap3A_1495 {add = true, strides = array<i32>} : memref<16x1024xf32, #tpu.memory_space<vmem>>, vector<1x16xf32>,
        %swap3A_1496 = arith.index_cast %scan3A_134 : i32 to index
        %swap3A_1497 = arith.constant 816 : index
        %swap3A_1498 = tpu.vector_load %arg14[%swap3A_1496, %swap3A_1497] {strides = array<i32>} : memref<16x1024xf32, #tpu.memory_space<vmem>>, vector<1x16xf32>,
        %swap3A_1499 = vector.shape_cast %swap3A_1498 : vector<1x16xf32> to vector<16xf32>
        %swap3A_1500 = vector.shape_cast %add3A_1276 : vector<16xf32> to vector<1x16xf32>
        tpu.vector_store %arg14[%swap3A_1496, %swap3A_1497], %swap3A_1500 {add = true, strides = array<i32>} : memref<16x1024xf32, #tpu.memory_space<vmem>>, vector<1x16xf32>,
        %swap3A_1501 = arith.index_cast %scan3A_134 : i32 to index
        %swap3A_1502 = arith.constant 832 : index
        %swap3A_1503 = tpu.vector_load %arg14[%swap3A_1501, %swap3A_1502] {strides = array<i32>} : memref<16x1024xf32, #tpu.memory_space<vmem>>, vector<1x16xf32>,
        %swap3A_1504 = vector.shape_cast %swap3A_1503 : vector<1x16xf32> to vector<16xf32>
        %swap3A_1505 = vector.shape_cast %add3A_1293 : vector<16xf32> to vector<1x16xf32>
        tpu.vector_store %arg14[%swap3A_1501, %swap3A_1502], %swap3A_1505 {add = true, strides = array<i32>} : memref<16x1024xf32, #tpu.memory_space<vmem>>, vector<1x16xf32>,
        %swap3A_1506 = arith.index_cast %scan3A_134 : i32 to index
        %swap3A_1507 = arith.constant 848 : index
        %swap3A_1508 = tpu.vector_load %arg14[%swap3A_1506, %swap3A_1507] {strides = array<i32>} : memref<16x1024xf32, #tpu.memory_space<vmem>>, vector<1x16xf32>,
        %swap3A_1509 = vector.shape_cast %swap3A_1508 : vector<1x16xf32> to vector<16xf32>
        %swap3A_1510 = vector.shape_cast %add3A_1310 : vector<16xf32> to vector<1x16xf32>
        tpu.vector_store %arg14[%swap3A_1506, %swap3A_1507], %swap3A_1510 {add = true, strides = array<i32>} : memref<16x1024xf32, #tpu.memory_space<vmem>>, vector<1x16xf32>,
        %swap3A_1511 = arith.index_cast %scan3A_134 : i32 to index
        %swap3A_1512 = arith.constant 864 : index
        %swap3A_1513 = tpu.vector_load %arg14[%swap3A_1511, %swap3A_1512] {strides = array<i32>} : memref<16x1024xf32, #tpu.memory_space<vmem>>, vector<1x16xf32>,
        %swap3A_1514 = vector.shape_cast %swap3A_1513 : vector<1x16xf32> to vector<16xf32>
        %swap3A_1515 = vector.shape_cast %add3A_1327 : vector<16xf32> to vector<1x16xf32>
        tpu.vector_store %arg14[%swap3A_1511, %swap3A_1512], %swap3A_1515 {add = true, strides = array<i32>} : memref<16x1024xf32, #tpu.memory_space<vmem>>, vector<1x16xf32>,
        %swap3A_1516 = arith.index_cast %scan3A_134 : i32 to index
        %swap3A_1517 = arith.constant 880 : index
        %swap3A_1518 = tpu.vector_load %arg14[%swap3A_1516, %swap3A_1517] {strides = array<i32>} : memref<16x1024xf32, #tpu.memory_space<vmem>>, vector<1x16xf32>,
        %swap3A_1519 = vector.shape_cast %swap3A_1518 : vector<1x16xf32> to vector<16xf32>
        %swap3A_1520 = vector.shape_cast %add3A_1344 : vector<16xf32> to vector<1x16xf32>
        tpu.vector_store %arg14[%swap3A_1516, %swap3A_1517], %swap3A_1520 {add = true, strides = array<i32>} : memref<16x1024xf32, #tpu.memory_space<vmem>>, vector<1x16xf32>,
        %swap3A_1521 = arith.index_cast %scan3A_134 : i32 to index
        %swap3A_1522 = arith.constant 896 : index
        %swap3A_1523 = tpu.vector_load %arg14[%swap3A_1521, %swap3A_1522] {strides = array<i32>} : memref<16x1024xf32, #tpu.memory_space<vmem>>, vector<1x16xf32>,
        %swap3A_1524 = vector.shape_cast %swap3A_1523 : vector<1x16xf32> to vector<16xf32>
        %swap3A_1525 = vector.shape_cast %add3A_1361 : vector<16xf32> to vector<1x16xf32>
        tpu.vector_store %arg14[%swap3A_1521, %swap3A_1522], %swap3A_1525 {add = true, strides = array<i32>} : memref<16x1024xf32, #tpu.memory_space<vmem>>, vector<1x16xf32>,
        %swap3A_1526 = arith.index_cast %scan3A_134 : i32 to index
        %swap3A_1527 = arith.constant 912 : index
        %swap3A_1528 = tpu.vector_load %arg14[%swap3A_1526, %swap3A_1527] {strides = array<i32>} : memref<16x1024xf32, #tpu.memory_space<vmem>>, vector<1x16xf32>,
        %swap3A_1529 = vector.shape_cast %swap3A_1528 : vector<1x16xf32> to vector<16xf32>
        %swap3A_1530 = vector.shape_cast %add3A_1378 : vector<16xf32> to vector<1x16xf32>
        tpu.vector_store %arg14[%swap3A_1526, %swap3A_1527], %swap3A_1530 {add = true, strides = array<i32>} : memref<16x1024xf32, #tpu.memory_space<vmem>>, vector<1x16xf32>,
        %swap3A_1531 = arith.index_cast %scan3A_134 : i32 to index
        %swap3A_1532 = arith.constant 928 : index
        %swap3A_1533 = tpu.vector_load %arg14[%swap3A_1531, %swap3A_1532] {strides = array<i32>} : memref<16x1024xf32, #tpu.memory_space<vmem>>, vector<1x16xf32>,
        %swap3A_1534 = vector.shape_cast %swap3A_1533 : vector<1x16xf32> to vector<16xf32>
        %swap3A_1535 = vector.shape_cast %add3A_1395 : vector<16xf32> to vector<1x16xf32>
        tpu.vector_store %arg14[%swap3A_1531, %swap3A_1532], %swap3A_1535 {add = true, strides = array<i32>} : memref<16x1024xf32, #tpu.memory_space<vmem>>, vector<1x16xf32>,
        %swap3A_1536 = arith.index_cast %scan3A_134 : i32 to index
        %swap3A_1537 = arith.constant 944 : index
        %swap3A_1538 = tpu.vector_load %arg14[%swap3A_1536, %swap3A_1537] {strides = array<i32>} : memref<16x1024xf32, #tpu.memory_space<vmem>>, vector<1x16xf32>,
        %swap3A_1539 = vector.shape_cast %swap3A_1538 : vector<1x16xf32> to vector<16xf32>
        %swap3A_1540 = vector.shape_cast %add3A_1412 : vector<16xf32> to vector<1x16xf32>
        tpu.vector_store %arg14[%swap3A_1536, %swap3A_1537], %swap3A_1540 {add = true, strides = array<i32>} : memref<16x1024xf32, #tpu.memory_space<vmem>>, vector<1x16xf32>,
        %swap3A_1541 = arith.index_cast %scan3A_134 : i32 to index
        %swap3A_1542 = arith.constant 960 : index
        %swap3A_1543 = tpu.vector_load %arg14[%swap3A_1541, %swap3A_1542] {strides = array<i32>} : memref<16x1024xf32, #tpu.memory_space<vmem>>, vector<1x16xf32>,
        %swap3A_1544 = vector.shape_cast %swap3A_1543 : vector<1x16xf32> to vector<16xf32>
        %swap3A_1545 = vector.shape_cast %add3A_1429 : vector<16xf32> to vector<1x16xf32>
        tpu.vector_store %arg14[%swap3A_1541, %swap3A_1542], %swap3A_1545 {add = true, strides = array<i32>} : memref<16x1024xf32, #tpu.memory_space<vmem>>, vector<1x16xf32>,
        %swap3A_1546 = arith.index_cast %scan3A_134 : i32 to index
        %swap3A_1547 = arith.constant 976 : index
        %swap3A_1548 = tpu.vector_load %arg14[%swap3A_1546, %swap3A_1547] {strides = array<i32>} : memref<16x1024xf32, #tpu.memory_space<vmem>>, vector<1x16xf32>,
        %swap3A_1549 = vector.shape_cast %swap3A_1548 : vector<1x16xf32> to vector<16xf32>
        %swap3A_1550 = vector.shape_cast %add3A_1446 : vector<16xf32> to vector<1x16xf32>
        tpu.vector_store %arg14[%swap3A_1546, %swap3A_1547], %swap3A_1550 {add = true, strides = array<i32>} : memref<16x1024xf32, #tpu.memory_space<vmem>>, vector<1x16xf32>,
        %swap3A_1551 = arith.index_cast %scan3A_134 : i32 to index
        %swap3A_1552 = arith.constant 992 : index
        %swap3A_1553 = tpu.vector_load %arg14[%swap3A_1551, %swap3A_1552] {strides = array<i32>} : memref<16x1024xf32, #tpu.memory_space<vmem>>, vector<1x16xf32>,
        %swap3A_1554 = vector.shape_cast %swap3A_1553 : vector<1x16xf32> to vector<16xf32>
        %swap3A_1555 = vector.shape_cast %add3A_1463 : vector<16xf32> to vector<1x16xf32>
        tpu.vector_store %arg14[%swap3A_1551, %swap3A_1552], %swap3A_1555 {add = true, strides = array<i32>} : memref<16x1024xf32, #tpu.memory_space<vmem>>, vector<1x16xf32>,
        %swap3A_1556 = arith.index_cast %scan3A_134 : i32 to index
        %swap3A_1557 = arith.constant 1008 : index
        %swap3A_1558 = tpu.vector_load %arg14[%swap3A_1556, %swap3A_1557] {strides = array<i32>} : memref<16x1024xf32, #tpu.memory_space<vmem>>, vector<1x16xf32>,
        %swap3A_1559 = vector.shape_cast %swap3A_1558 : vector<1x16xf32> to vector<16xf32>
        %swap3A_1560 = vector.shape_cast %add3A_1480 : vector<16xf32> to vector<1x16xf32>
        tpu.vector_store %arg14[%swap3A_1556, %swap3A_1557], %swap3A_1560 {add = true, strides = array<i32>} : memref<16x1024xf32, #tpu.memory_space<vmem>>, vector<1x16xf32>,
      }
      %scan3A_126 = arith.constant 16 : i32
      %mul3A_127 = arith.constant 16 : i32
      %mul3A_128 = arith.muli %add3A_120, %mul3A_127 : i32
      %add3A_129 = arith.addi %mul3A_2, %mul3A_128 : i32
      %dma_start3A_130 = arith.constant 0 : i32
      %dma_start3A_131 = tpu.memref_slice %arg6[%add3A_129, %dma_start3A_130] : memref<8192x1024xf32, #tpu.memory_space<hbm>> -> memref<16x1024xf32, #tpu.memory_space<hbm>>
      %dma_start3A_132 = arith.constant 0 : i32
      %dma_start3A_133 = tpu.memref_slice %arg6[%add3A_129, %dma_start3A_132] : memref<8192x1024xf32, #tpu.memory_space<hbm>> -> memref<16x1024xf32, #tpu.memory_space<hbm>>
      tpu.enqueue_dma source(%arg14 : memref<16x1024xf32, #tpu.memory_space<vmem>>) target(%dma_start3A_133 : memref<16x1024xf32, #tpu.memory_space<hbm>>) target_semaphore(%arg20 : memref<!tpu.dma_semaphore, #tpu.memory_space<semaphore_mem>>)
    }
    %scan3A_31 = arith.constant 8 : i32
    %add3A_32 = arith.constant 224 : i32
    %add3A_33 = arith.addi %mul3A_2, %add3A_32 : i32
    %dma_wait3A = arith.constant 0 : i32
    %dma_wait3A_34 = tpu.memref_slice %arg6[%add3A_33, %dma_wait3A] : memref<8192x1024xf32, #tpu.memory_space<hbm>> -> memref<16x1024xf32, #tpu.memory_space<hbm>>
    %dma_wait3A_35 = arith.constant 0 : i32
    %dma_wait3A_36 = tpu.memref_slice %arg6[%add3A_33, %dma_wait3A_35] : memref<8192x1024xf32, #tpu.memory_space<hbm>> -> memref<16x1024xf32, #tpu.memory_space<hbm>>
    tpu.wait_dma2 semaphore(%arg19 : memref<!tpu.dma_semaphore, #tpu.memory_space<semaphore_mem>>) src(%arg13 : memref<16x1024xf32, #tpu.memory_space<vmem>>) dst(%dma_wait3A_36 : memref<16x1024xf32, #tpu.memory_space<hbm>>)
    %add3A_37 = arith.constant 240 : i32
    %add3A_38 = arith.addi %mul3A_2, %add3A_37 : i32
    %dma_wait3A_39 = arith.constant 0 : i32
    %dma_wait3A_40 = tpu.memref_slice %arg6[%add3A_38, %dma_wait3A_39] : memref<8192x1024xf32, #tpu.memory_space<hbm>> -> memref<16x1024xf32, #tpu.memory_space<hbm>>
    %dma_wait3A_41 = arith.constant 0 : i32
    %dma_wait3A_42 = tpu.memref_slice %arg6[%add3A_38, %dma_wait3A_41] : memref<8192x1024xf32, #tpu.memory_space<hbm>> -> memref<16x1024xf32, #tpu.memory_space<hbm>>
    tpu.wait_dma2 semaphore(%arg20 : memref<!tpu.dma_semaphore, #tpu.memory_space<semaphore_mem>>) src(%arg14 : memref<16x1024xf32, #tpu.memory_space<vmem>>) dst(%dma_wait3A_42 : memref<16x1024xf32, #tpu.memory_space<hbm>>)
    return
  }
}

module attributes {stable_mosaic.version = 14 : i64} {
  func.func @_tc_body(%arg0: i32, %arg1: memref<1024x1024xf32, #tpu.memory_space<vmem>>, %arg2: memref<1024x16xf32, #tpu.memory_space<vmem>>, %arg3: memref<16x256xf32, #tpu.memory_space<vmem>>, %arg4: memref<1x256xi32, #tpu.memory_space<vmem>>, %arg5: memref<1x256xi32, #tpu.memory_space<vmem>>, %arg6: memref<256x1024xbf16, #tpu.memory_space<vmem>>, %arg7: memref<1024x1024xf32, #tpu.memory_space<vmem>>, %arg8: memref<1024x32xf32, #tpu.memory_space<vmem>>, %arg9: memref<1024x2xi32, #tpu.memory_space<vmem>>) attributes {dimension_semantics = [#tpu.dimension_semantics<arbitrary>], iteration_bounds = array<i64: 8>, scalar_prefetch = 0 : i64, scratch_operands = 0 : i64, tpu.core_type = #tpu.core_type<tc>, window_params = [{transform_indices = @transform_0, window_bounds = array<i64: 1024, 1024>}, {pipeline_mode = #tpu.pipeline_mode<synchronous>, transform_indices = @transform_1, window_bounds = array<i64: 1024, 16>}, {pipeline_mode = #tpu.pipeline_mode<synchronous>, transform_indices = @transform_2, window_bounds = array<i64: 16, 256>}, {pipeline_mode = #tpu.pipeline_mode<synchronous>, transform_indices = @transform_3, window_bounds = array<i64: 1, 256>}, {pipeline_mode = #tpu.pipeline_mode<synchronous>, transform_indices = @transform_4, window_bounds = array<i64: 1, 256>}, {pipeline_mode = #tpu.pipeline_mode<synchronous>, transform_indices = @transform_5, window_bounds = array<i64: 256, 1024>}, {transform_indices = @transform_6, window_bounds = array<i64: 1024, 1024>}, {transform_indices = @transform_7, window_bounds = array<i64: 1024, 32>}, {transform_indices = @transform_8, window_bounds = array<i64: 1024, 2>}]} {
    %get3A = arith.constant 0 : index
    %get3A_0 = arith.constant 0 : index
    %get3A_1 = vector.load %arg1[%get3A, %get3A_0] : memref<1024x1024xf32, #tpu.memory_space<vmem>>, vector<1024x1024xf32>
    %get3A_2 = arith.constant 0 : index
    %get3A_3 = arith.constant 0 : index
    %get3A_4 = vector.load %arg2[%get3A_2, %get3A_3] : memref<1024x16xf32, #tpu.memory_space<vmem>>, vector<1024x16xf32>
    %dot_general3A = arith.constant dense<0.000000e+00> : vector<1024x16xf32>
    %dot_general3A_5 = tpu.matmul %get3A_1, %get3A_4, %dot_general3A {dimension_numbers = #tpu.dot_dimension_numbers<[1], [0], [0], [1], [0, 0, 1, 1], [], []>, transpose_lhs_hint = false} : vector<1024x1024xf32>, vector<1024x16xf32>, vector<1024x16xf32> -> vector<1024x16xf32>
    %gt3A = arith.constant 0.000000e+00 : f32
    %gt3A_6 = vector.broadcast %gt3A : f32 to vector<1024x16xf32>
    %gt3A_7 = arith.cmpf ogt, %dot_general3A_5, %gt3A_6 : vector<1024x16xf32>
    %convert_element_type3A = arith.extui %gt3A_7 : vector<1024x16xi1> to vector<1024x16xi32>
    %iota3A = tpu.iota {dimensions = array<i32: 1>} : vector<1x16xi32>
    %lt3A = arith.constant 10 : i32
    %lt3A_8 = vector.broadcast %lt3A : i32 to vector<1x16xi32>
    %lt3A_9 = arith.cmpi slt, %iota3A, %lt3A_8 : vector<1x16xi32>
    %shift_right_logical3A = arith.constant 512 : i32
    %shift_right_logical3A_10 = vector.broadcast %shift_right_logical3A : i32 to vector<1x16xi32>
    %shift_right_logical3A_11 = arith.shrui %shift_right_logical3A_10, %iota3A : vector<1x16xi32>
    %jit3A = arith.constant 0 : i32
    %broadcast_in_dim3A = vector.broadcast %jit3A : i32 to vector<1x16xi32>
    %select_n3A = arith.select %lt3A_9, %shift_right_logical3A_11, %broadcast_in_dim3A : vector<1x16xi1>, vector<1x16xi32>
    %mul3A = vector.broadcast %select_n3A : vector<1x16xi32> to vector<1024x16xi32>
    %mul3A_12 = arith.muli %convert_element_type3A, %mul3A : vector<1024x16xi32>
    %reduce_sum3A = arith.constant dense<0> : vector<1024xi32>
    %reduce_sum3A_13 = vector.multi_reduction <add>, %mul3A_12, %reduce_sum3A [1] : vector<1024x16xi32> to vector<1024xi32>
    %broadcast_in_dim3A_14 = vector.shape_cast %reduce_sum3A_13 : vector<1024xi32> to vector<1024x1xi32>
    %get3A_15 = arith.constant 0 : index
    %get3A_16 = arith.constant 0 : index
    %get3A_17 = vector.load %arg3[%get3A_15, %get3A_16] : memref<16x256xf32, #tpu.memory_space<vmem>>, vector<16x256xf32>
    %dot_general3A_18 = arith.constant dense<0.000000e+00> : vector<1024x256xf32>
    %dot_general3A_19 = tpu.matmul %dot_general3A_5, %get3A_17, %dot_general3A_18 {dimension_numbers = #tpu.dot_dimension_numbers<[1], [0], [0], [1], [0, 0, 1, 1], [], []>, transpose_lhs_hint = false} : vector<1024x16xf32>, vector<16x256xf32>, vector<1024x256xf32> -> vector<1024x256xf32>
    %get3A_20 = arith.constant 0 : index
    %get3A_21 = arith.constant 0 : index
    %get3A_22 = vector.load %arg4[%get3A_20, %get3A_21] : memref<1x256xi32, #tpu.memory_space<vmem>>, vector<1x256xi32>
    %shift_right_logical3A_23 = vector.broadcast %broadcast_in_dim3A_14 : vector<1024x1xi32> to vector<1024x256xi32>
    %shift_right_logical3A_24 = vector.broadcast %get3A_22 : vector<1x256xi32> to vector<1024x256xi32>
    %shift_right_logical3A_25 = arith.shrui %shift_right_logical3A_23, %shift_right_logical3A_24 : vector<1024x256xi32>
    %get3A_26 = arith.constant 0 : index
    %get3A_27 = arith.constant 0 : index
    %get3A_28 = vector.load %arg5[%get3A_26, %get3A_27] : memref<1x256xi32, #tpu.memory_space<vmem>>, vector<1x256xi32>
    %eq3A = vector.broadcast %get3A_28 : vector<1x256xi32> to vector<1024x256xi32>
    %eq3A_29 = arith.cmpi eq, %shift_right_logical3A_25, %eq3A : vector<1024x256xi32>
    %jit3A_30 = arith.constant 0.000000e+00 : f32
    %broadcast_in_dim3A_31 = vector.broadcast %jit3A_30 : f32 to vector<1024x256xf32>
    %select_n3A_32 = arith.select %eq3A_29, %dot_general3A_19, %broadcast_in_dim3A_31 : vector<1024x256xi1>, vector<1024x256xf32>
    %convert_element_type3A_33 = arith.truncf %select_n3A_32 : vector<1024x256xf32> to vector<1024x256xbf16>
    %get3A_34 = arith.constant 0 : index
    %get3A_35 = arith.constant 0 : index
    %get3A_36 = vector.load %arg6[%get3A_34, %get3A_35] : memref<256x1024xbf16, #tpu.memory_space<vmem>>, vector<256x1024xbf16>
    %dot_general3A_37 = arith.constant dense<0.000000e+00> : vector<1024x1024xf32>
    %dot_general3A_38 = tpu.matmul %convert_element_type3A_33, %get3A_36, %dot_general3A_37 {dimension_numbers = #tpu.dot_dimension_numbers<[1], [0], [0], [1], [0, 0, 1, 1], [], []>, transpose_lhs_hint = false} : vector<1024x256xbf16>, vector<256x1024xbf16>, vector<1024x1024xf32> -> vector<1024x1024xf32>
    %swap3A = arith.constant 0 : index
    %swap3A_39 = arith.constant 0 : index
    %swap3A_40 = vector.load %arg7[%swap3A, %swap3A_39] : memref<1024x1024xf32, #tpu.memory_space<vmem>>, vector<1024x1024xf32>
    tpu.vector_store %arg7[%swap3A, %swap3A_39], %dot_general3A_38 {strides = array<i32>} : memref<1024x1024xf32, #tpu.memory_space<vmem>>, vector<1024x1024xf32>,
    %iota3A_41 = tpu.iota {dimensions = array<i32: 1>} : vector<1x32xi32>
    %lt3A_42 = arith.constant 16 : i32
    %lt3A_43 = vector.broadcast %lt3A_42 : i32 to vector<1x32xi32>
    %lt3A_44 = arith.cmpi slt, %iota3A_41, %lt3A_43 : vector<1x32xi32>
    %slice3A = vector.extract_strided_slice %dot_general3A_5 {offsets = [0, 8], sizes = [1024, 1], strides = [1, 1]} : vector<1024x16xf32> to vector<1024x1xf32>
    %slice3A_45 = vector.extract_strided_slice %dot_general3A_5 {offsets = [0, 9], sizes = [1024, 1], strides = [1, 1]} : vector<1024x16xf32> to vector<1024x1xf32>
    %broadcast_in_dim3A_46 = vector.shape_cast %lt3A_44 : vector<1x32xi1> to vector<1x32xi1>
    %broadcast_in_dim3A_47 = vector.broadcast %broadcast_in_dim3A_46 : vector<1x32xi1> to vector<1024x32xi1>
    %broadcast_in_dim3A_48 = vector.shape_cast %slice3A : vector<1024x1xf32> to vector<1024x1xf32>
    %broadcast_in_dim3A_49 = vector.broadcast %broadcast_in_dim3A_48 : vector<1024x1xf32> to vector<1024x32xf32>
    %broadcast_in_dim3A_50 = vector.shape_cast %slice3A_45 : vector<1024x1xf32> to vector<1024x1xf32>
    %broadcast_in_dim3A_51 = vector.broadcast %broadcast_in_dim3A_50 : vector<1024x1xf32> to vector<1024x32xf32>
    %select_n3A_52 = arith.select %broadcast_in_dim3A_47, %broadcast_in_dim3A_49, %broadcast_in_dim3A_51 : vector<1024x32xi1>, vector<1024x32xf32>
    %swap3A_53 = arith.constant 0 : index
    %swap3A_54 = arith.constant 0 : index
    %swap3A_55 = vector.load %arg8[%swap3A_53, %swap3A_54] : memref<1024x32xf32, #tpu.memory_space<vmem>>, vector<1024x32xf32>
    tpu.vector_store %arg8[%swap3A_53, %swap3A_54], %select_n3A_52 {strides = array<i32>} : memref<1024x32xf32, #tpu.memory_space<vmem>>, vector<1024x32xf32>,
    %shift_right_logical3A_56 = arith.constant 2 : i32
    %shift_right_logical3A_57 = vector.broadcast %shift_right_logical3A_56 : i32 to vector<1024x1xi32>
    %shift_right_logical3A_58 = arith.shrui %broadcast_in_dim3A_14, %shift_right_logical3A_57 : vector<1024x1xi32>
    %add3A = arith.constant 255 : i32
    %add3A_59 = vector.broadcast %add3A : i32 to vector<1024x1xi32>
    %add3A_60 = arith.addi %shift_right_logical3A_58, %add3A_59 : vector<1024x1xi32>
    %shift_right_logical3A_61 = arith.constant 1 : i32
    %shift_right_logical3A_62 = vector.broadcast %shift_right_logical3A_61 : i32 to vector<1024x1xi32>
    %shift_right_logical3A_63 = arith.shrui %broadcast_in_dim3A_14, %shift_right_logical3A_62 : vector<1024x1xi32>
    %add3A_64 = arith.constant 511 : i32
    %add3A_65 = vector.broadcast %add3A_64 : i32 to vector<1024x1xi32>
    %add3A_66 = arith.addi %shift_right_logical3A_63, %add3A_65 : vector<1024x1xi32>
    %iota3A_67 = tpu.iota {dimensions = array<i32: 1>} : vector<1x2xi32>
    %eq3A_68 = arith.constant 0 : i32
    %eq3A_69 = vector.broadcast %eq3A_68 : i32 to vector<1x2xi32>
    %eq3A_70 = arith.cmpi eq, %iota3A_67, %eq3A_69 : vector<1x2xi32>
    %broadcast_in_dim3A_71 = vector.shape_cast %eq3A_70 : vector<1x2xi1> to vector<1x2xi1>
    %broadcast_in_dim3A_72 = vector.broadcast %broadcast_in_dim3A_71 : vector<1x2xi1> to vector<1024x2xi1>
    %broadcast_in_dim3A_73 = vector.shape_cast %add3A_60 : vector<1024x1xi32> to vector<1024x1xi32>
    %broadcast_in_dim3A_74 = vector.broadcast %broadcast_in_dim3A_73 : vector<1024x1xi32> to vector<1024x2xi32>
    %broadcast_in_dim3A_75 = vector.shape_cast %add3A_66 : vector<1024x1xi32> to vector<1024x1xi32>
    %broadcast_in_dim3A_76 = vector.broadcast %broadcast_in_dim3A_75 : vector<1024x1xi32> to vector<1024x2xi32>
    %select_n3A_77 = arith.select %broadcast_in_dim3A_72, %broadcast_in_dim3A_74, %broadcast_in_dim3A_76 : vector<1024x2xi1>, vector<1024x2xi32>
    %swap3A_78 = arith.constant 0 : index
    %swap3A_79 = arith.constant 0 : index
    %swap3A_80 = vector.load %arg9[%swap3A_78, %swap3A_79] : memref<1024x2xi32, #tpu.memory_space<vmem>>, vector<1024x2xi32>
    tpu.vector_store %arg9[%swap3A_78, %swap3A_79], %select_n3A_77 {strides = array<i32>} : memref<1024x2xi32, #tpu.memory_space<vmem>>, vector<1024x2xi32>,
    return
  }
  func.func @transform_0(%arg0: i32) -> (i32, i32) {
    %c0_i32 = arith.constant 0 : i32
    %c0_i32_0 = arith.constant 0 : i32
    return %arg0, %c0_i32 : i32, i32
  }
  func.func @transform_1(%arg0: i32) -> (i32, i32) {
    %c0_i32 = arith.constant 0 : i32
    %c0_i32_0 = arith.constant 0 : i32
    %c0_i32_1 = arith.constant 0 : i32
    return %c0_i32, %c0_i32_0 : i32, i32
  }
  func.func @transform_2(%arg0: i32) -> (i32, i32) {
    %c0_i32 = arith.constant 0 : i32
    %c0_i32_0 = arith.constant 0 : i32
    %c0_i32_1 = arith.constant 0 : i32
    return %c0_i32, %c0_i32_0 : i32, i32
  }
  func.func @transform_3(%arg0: i32) -> (i32, i32) {
    %c0_i32 = arith.constant 0 : i32
    %c0_i32_0 = arith.constant 0 : i32
    %c0_i32_1 = arith.constant 0 : i32
    return %c0_i32, %c0_i32_0 : i32, i32
  }
  func.func @transform_4(%arg0: i32) -> (i32, i32) {
    %c0_i32 = arith.constant 0 : i32
    %c0_i32_0 = arith.constant 0 : i32
    %c0_i32_1 = arith.constant 0 : i32
    return %c0_i32, %c0_i32_0 : i32, i32
  }
  func.func @transform_5(%arg0: i32) -> (i32, i32) {
    %c0_i32 = arith.constant 0 : i32
    %c0_i32_0 = arith.constant 0 : i32
    %c0_i32_1 = arith.constant 0 : i32
    return %c0_i32, %c0_i32_0 : i32, i32
  }
  func.func @transform_6(%arg0: i32) -> (i32, i32) {
    %c0_i32 = arith.constant 0 : i32
    %c0_i32_0 = arith.constant 0 : i32
    return %arg0, %c0_i32 : i32, i32
  }
  func.func @transform_7(%arg0: i32) -> (i32, i32) {
    %c0_i32 = arith.constant 0 : i32
    %c0_i32_0 = arith.constant 0 : i32
    return %arg0, %c0_i32 : i32, i32
  }
  func.func @transform_8(%arg0: i32) -> (i32, i32) {
    %c0_i32 = arith.constant 0 : i32
    %c0_i32_0 = arith.constant 0 : i32
    return %arg0, %c0_i32 : i32, i32
  }
}

</mosaic_0001>

<sc_bundles>
// kernel: kernel.4.cloned.1.call-start
scs
__scs_entry_jumppad:
0x0: {  	(pc) =	sbr.rel $0x88, $3  }
0x1: {  	(tag) =	ssettag $0x0;
	lr =	simm.s32 $0x1  }
0x2: {  	[smem:$0x3F9E] =	sst lr;
	_ =	strace $0xD0000000  }
0x3: {  	_ = 	snop  }
0x4: {  	_ = 	snop  }
0x5: {  	_ = 	snop  }
0x6: {  	_ = 	snop  }
0x7: {  	_ = 	snop  }
__scs_overlays_trampoline_lowered:
0x8: {  	[smem:$0x3FAD] =	sst s0  }
0x9: {  	[smem:$0x3FAE] =	sst s1  }
0xa: {  	[smem:$0x3FAF] =	sst s2  }
0xb: {  	[smem:$0x3FB0] =	sst s3  }
0xc: {  	[smem:$0x3FB1] =	sst s4  }
0xd: {  	[smem:$0x3FB2] =	sst s5  }
0xe: {  	[smem:$0x3FB3] =	sst s6  }
0xf: {  	[smem:$0x3FB4] =	sst s7  }
0x10: {  	[smem:$0x3FB5] =	sst s8  }
0x11: {  	[smem:$0x3FB6] =	sst s9;
	s0 =	simm.s32 @!p0 $0x0  }
0x12: {  	s1 =	sld [smem:$0x3F9C];
	s0 =	simm.s32 @p0 $0x1  }
0x13: {  	[smem:$0x3FB7] =	sst s0;
	s0 =	simm.s32 @!p1 $0x0  }
0x14: {  	s2 =	sld [smem:$0x3F9B];
	s0 =	simm.s32 @p1 $0x1  }
0x15: {  	[smem:$0x3FB8] =	sst s0;
	s0 =	simm.s32 @!p2 $0x0  }
0x16: {  	s3 =	sld [smem:$0x3FDB];
	s0 =	simm.s32 @p2 $0x1  }
0x17: {  	s4 =	simm.s32 $0x1BF5;
	[smem:$0x3FBA] =	sst s0  }
0x18: {  	s0 =	sld [smem:$0x3F9D];
	_ =	swait.ge [sflag:s4], $0x0  }
0x19: {  	s7 =	sld [smem:$0x3F9E]  }
0x1a: {  	s8 =	sadd.s32 $0xFFFFE003, lr  }
0x1b: {  	s9 =	sadd.s32 $0xFFFFFEF7, lr;
	s5 =	simm.s32 $0xFFFFFFFF;
	p2 =	slt.u32 s8, $0xFFFFF086  }
0x1c: {  	p1 =	slt.u32 s9, $0xF7A;
	s5 =	simm.s32 @!p2 $0x0  }
0x1d: {  	s5 =	simm.s32 @p1 $0x1;
	p0 =	seq.s32 s7, s2  }
0x1e: {  	s7 =	smul.u32 @!p0 $0xF7A, s2;
	p2 =	seq.s32 @!p0 s5, $0x0  }
0x1f: {  	s9 =	smul.u32 $0xF7A, s1;
	s8 =	simm.s32 @!p0 $0x1BF5;
	p2 =	por !p2, p0  }
0x20: {  	[sflag:s8] =	ssyncset.s32 @!p0 $0xFFFFF086;
	s6 =	sadd.s32 @!p0 s3, s7;
	s7 =	simm.s32 @!p0 $0x108  }
0x21: {  	s3 =	sadd.s32 s3, s9;
	s6 =	sadd.s32 @!p0 $0x88, s6;
	s7 =	simm.s32 @p2 $0x1082  }
0x22: {  	[simem:s7], [sflag:s8] =	dma.local @!p0 [hbm:s6], $0xF7A  }
0x23: {  	s9 =	sor.u32 $0xD0000000, s2;
	s6 =	simm.s32 $0x108;
	_ =	swait.ge @!p0 [sflag:s8], $0x0  }
0x24: {  	s3 =	sadd.s32 $0x88, s3;
	s6 =	simm.s32 @!p1 $0x1082;
	[sflag:s4] =	ssyncset.s32 $0xFFFFF086  }
0x25: {  	[simem:s6], [sflag:s4] =	dma.local [hbm:s3], $0xF7A  }
0x26: {  	[smem:$0x3F9E] =	sst s1;
	(tag) =	ssettag s2;
	_ =	strace s9  }
0x27: {  	s1 =	sld [smem:$0x3FAE]  }
0x28: {  	s2 =	sld [smem:$0x3FAF]  }
0x29: {  	s4 =	sld [smem:$0x3FB1]  }
0x2a: {  	p0 =	seq.s32 s5, $0x0;
	s5 =	sld [smem:$0x3FB2]  }
0x2b: {  	s6 =	sld [smem:$0x3FB3]  }
0x2c: {  	s7 =	sld [smem:$0x3FB4]  }
0x2d: {  	s3 =	simm.s32 $0x108;
	s8 =	sld [smem:$0x3FB5]  }
0x2e: {  	s3 =	simm.s32 @!p0 $0x1082;
	s9 =	sld [smem:$0x3FB6]  }
0x2f: {  	lr =	sadd.s32 s0, s3;
	s0 =	sld [smem:$0x3FAD]  }
0x30: {  	s3 =	sld [smem:$0x3FB0]  }
0x31: {  	[smem:$0x3FB9] =	sst s10  }
0x32: {  	s10 =	sld [smem:$0x3FB7];
	_ =	sdelay $0x3  }
0x33: {  	p0 =	seq.s32 s10, $0x1;
	s10 =	sld [smem:$0x3FB9];
	_ =	sdelay $0x3  }
0x34: {  	[smem:$0x3FB9] =	sst s10  }
0x35: {  	s10 =	sld [smem:$0x3FB8];
	_ =	sdelay $0x3  }
0x36: {  	p1 =	seq.s32 s10, $0x1;
	s10 =	sld [smem:$0x3FB9];
	_ =	sdelay $0x3  }
0x37: {  	[smem:$0x3FB9] =	sst s10  }
0x38: {  	s10 =	sld [smem:$0x3FBA]  }
0x39: {  	_ = 	snop;
	(pc) =	sbr.ind lr, $3  }
0x3a: {  	_ = 	snop  }
0x3b: {  	_ = 	snop  }
0x3c: {  	p2 =	seq.s32 s10, $0x1;
	s10 =	sld [smem:$0x3FB9]  }
0x3d: {  	_ =	shalt  }
0x3e: {  	_ =	shalt  }
0x3f: {  	_ =	shalt  }
0x40: {  	_ =	shalt  }
0x41: {  	_ =	shalt  }
0x42: {  	_ =	shalt  }
0x43: {  	_ =	shalt  }
0x44: {  	_ =	shalt  }
0x45: {  	_ =	shalt  }
0x46: {  	_ =	shalt  }
0x47: {  	_ =	shalt  }
0x48: {  	_ =	shalt  }
0x49: {  	_ =	shalt  }
0x4a: {  	_ =	shalt  }
0x4b: {  	_ =	shalt  }
0x4c: {  	_ =	shalt  }
0x4d: {  	_ =	shalt  }
0x4e: {  	_ =	shalt  }
0x4f: {  	_ =	shalt  }
0x50: {  	_ =	shalt  }
0x51: {  	_ =	shalt  }
0x52: {  	_ =	shalt  }
0x53: {  	_ =	shalt  }
0x54: {  	_ =	shalt  }
0x55: {  	_ =	shalt  }
0x56: {  	_ =	shalt  }
0x57: {  	_ =	shalt  }
0x58: {  	_ =	shalt  }
0x59: {  	_ =	shalt  }
0x5a: {  	_ =	shalt  }
0x5b: {  	_ =	shalt  }
0x5c: {  	_ =	shalt  }
0x5d: {  	_ =	shalt  }
0x5e: {  	_ =	shalt  }
0x5f: {  	_ =	shalt  }
0x60: {  	_ =	shalt  }
0x61: {  	_ =	shalt  }
0x62: {  	_ =	shalt  }
0x63: {  	_ =	shalt  }
0x64: {  	_ =	shalt  }
0x65: {  	_ =	shalt  }
0x66: {  	_ =	shalt  }
0x67: {  	_ =	shalt  }
0x68: {  	_ =	shalt  }
0x69: {  	_ =	shalt  }
0x6a: {  	_ =	shalt  }
0x6b: {  	_ =	shalt  }
0x6c: {  	_ =	shalt  }
0x6d: {  	_ =	shalt  }
0x6e: {  	_ =	shalt  }
0x6f: {  	_ =	shalt  }
0x70: {  	_ =	shalt  }
0x71: {  	_ =	shalt  }
0x72: {  	_ =	shalt  }
0x73: {  	_ =	shalt  }
0x74: {  	_ =	shalt  }
0x75: {  	_ =	shalt  }
0x76: {  	_ =	shalt  }
0x77: {  	_ =	shalt  }
0x78: {  	_ =	shalt  }
0x79: {  	_ =	shalt  }
0x7a: {  	_ =	shalt  }
0x7b: {  	_ =	shalt  }
0x7c: {  	_ =	shalt  }
0x7d: {  	_ =	shalt  }
0x7e: {  	_ =	shalt  }
0x7f: {  	_ =	shalt  }
0x80: {  	_ =	shalt  }
0x81: {  	_ =	shalt  }
0x82: {  	_ =	shalt  }
0x83: {  	_ =	shalt  }
0x84: {  	_ =	shalt  }
0x85: {  	_ =	shalt  }
0x86: {  	_ =	shalt  }
0x87: {  	_ =	shalt  }
.Lfunc_end0:
.L_simem_size_0:
called_computation_lowered:
.L_overlay_start_0:
0x88: {  	s2 =	sld [smem:$0x3FD9]  }
0x89: {  	s3 =	sld [smem:$0x3FFE];
	_ =	sdelay $0x1  }
0x8a: {  	s1 =	srdreg.scid  }
0x8b: {  	s0 =	sand.u32 $0x1, s1  }
0x8c: {  	s17 =	sshll.u32 s0, $0xA;
	s2 =	sadd.s32 s3, s2  }
0x8d: {  	s2 =	sadd.s32 s2, s17  }
0x8e: {  	[smem:$0x3FC5] =	sst s2  }
0x8f: {  	_ = 	snop  }
0x90: {  	s2 =	sld [smem:$0x3FC7]  }
0x91: {  	s18 =	sld [smem:$0x3FD0];
	(tm) =	ssettm $0x1  }
0x92: {  	s4 =	sld [smem:$0x3FFB];
	_ =	sdelay $0x3  }
0x93: {  	_ =	strace s4  }
0x94: {  	s4 =	sld [smem:$0x3FFC];
	_ =	sdelay $0x3  }
0x95: {  	_ =	strace s4  }
0x96: {  	s4 =	sld [smem:$0x3FFD];
	_ =	sdelay $0x3  }
0x97: {  	_ =	strace s4  }
0x98: {  	_ =	strace $0x8FFFFFFF  }
0x99: {  	s19 =	sld [smem:$0x3FDB];
	_ =	sdelay $0x1  }
0x9a: {  	s5 =	simm.s32 $_scs_section_size  }
0x9b: {  	s6 =	simm.s32 $_size__tile_overlayer_lowered;
	s7 =	simm.s32 $_tile_overlayer_lowered  }
0x9c: {  	s22 =	simm.s32 $0x1BFF;
	s21 =	sshll.u32 s7, $0x1;
	s4 =	sadd.s32 s5, s19  }
0x9d: {  	s8 =	simm.s32 $0x0;
	s20 =	sshll.u32 s6, $0x1;
	s6 =	sadd.s32 s21, s4  }
0x9e: {  	[timem:s8], [sflag:s22] =	dma.local [hbm:s6], s20  }
0x9f: {  	_ =	swait.ge [sflag:s22], s20  }
0xa0: {  	s5 =	ssub.s32 $0x0, s20;
	[sflag:s22] =	ssyncset.done $0x0  }
0xa1: {  	[sflag:s22] =	ssyncadd.s32 s5;
	_ =	sdelay $0x1  }
0xa2: {  	s23 =	simm.s32 $0x1B8B  }
0xa3: {  	_ =	swait.ge [sflag:s23], $0x1  }
0xa4: {  	[sflag:s23] =	ssyncset.done $0x0  }
0xa5: {  	s25 =	simm.s32 $0x1B8E;
	s24 =	sld [smem:$0x3FFE];
	[sflag:s23] =	ssyncadd.s32 $0xFFFFFFFF  }
0xa6: {  	s26 =	simm.s32 $execute0_lowered;
	[smem:$0x3FD2] =	sst s25  }
0xa7: {  	s6 =	sshll.u32 s26, $0x1;
	_ =	strace $0x80000046;
	[dreg:$0x1] =	wrdreg $0xFFFFFFFF  }
0xa8: {  	s28 =	simm.s32 $_size_execute0_lowered;
	s4 =	sadd.s32 s4, s6;
	[dreg:$0x0] =	wrdreg $0x0  }
0xa9: {  	s6 =	sshll.u32 s28, $0x1;
	[dreg:$0x2] =	wrdreg s4  }
0xaa: {  	[dreg:$0x3] =	wrdreg s6  }
0xab: {  	[dreg:$0x4] =	wrdreg $0xC0  }
0xac: {  	_ =	task [dreg:s8], $0x5FFFF  }
0xad: {  	[dreg:$0x1] =	wrdreg $0xFFFFFFFF  }
0xae: {  	[dreg:$0x0] =	wrdreg $0x60  }
0xaf: {  	[dreg:$0x2] =	wrdreg s24  }
0xb0: {  	[dreg:$0x3] =	wrdreg s2  }
0xb1: {  	[dreg:$0x4] =	wrdreg s18  }
0xb2: {  	[dreg:$0x5] =	wrdreg $0x9  }
0xb3: {  	_ =	task.clear_ibuf [dreg:s8], $0x6FFFF;
	_ =	strace $0x90000046  }
0xb4: {  	s29 =	simm.s32 $0x9;
	_ =	strace $0x80000048  }
0xb5: {  	_ =	swait.ge [sflag:s29], $0x1  }
0xb6: {  	[sflag:s29] =	ssyncadd.s32 $0xFFFFFFFF  }
0xb7: {  	_ =	strace $0x90000048  }
0xb8: {  	_ =	sfence  }
0xb9: {  	s30 =	sld [smem:$0x0];
	_ =	sdelay $0x2  }
0xba: {  	s31 =	sshll.u32 s1, $0xD;
	s1 =	sshrl.u32 s1, $0x2  }
0xbb: {  	s3 =	sand.u32 $0x4000, s31;
	s1 =	sadd.s32 s1, s30  }
0xbc: {  	s0 =	sor.u32 s3, s0;
	s1 =	sshll.u32 s1, $0x11  }
0xbd: {  	s0 =	sor.u32 s1, s0  }
0xbe: {  	s0 =	sadd.s32 $0x8F2B, s0  }
0xbf: {  	[sflag:s0] =	ssyncadd.remote.s32 $0x1  }
0xc0: {  	_ =	sfence.sel $0xFFFF  }
0xc1: {  	[dreg:$0x0] =	wrdreg $0xFFFFFFFF;
	(pc) =	sbr.abs _section_cstart, $3  }
0xc2: {  	[dreg:$0x1] =	wrdreg $0xFFFFFFFF  }
0xc3: {  	_ =	task.clear_ibuf [dreg:s8], $0x2FFFF;
	_ =	strace $0x9FFFFFFF  }
0xc4: {  	(tm) =	ssettm $0x7FFFFFFF  }
0xc5: {  	_ =	shalt  }
tec
execute0_lowered:
.L_overlay_start_1:
0x0: {  	(tag) =	ssettag $0x1  }
0x1: {  	s0 =	rddreg [dreg:$0x0]  }
0x2: {  	s1 =	rddreg [dreg:$0x1]  }
0x3: {  	s3 =	rddreg [dreg:$0x2];
	s4 =	simm.s32 $0x0  }
0x4: {  	s2 =	srdreg.scid;
	s5 =	stileid.u32;
	s28 =	simm.s32 $0x16300  }
0x5: {  	s29 =	simm.s32 $0x1;
	s30 =	simm.s32 $0x3;
	s31 =	simm.s32 $0x2  }
0x6: {  	s15 =	simm.s32 $0x5;
	s12 =	simm.s32 $0x0;
	[smem:$0x7FF] =	sst s4  }
0x7: {  	s2 =	sand.u32 $0x1, s2;
	s5 =	sshll.u32 s5, $0x1;
	s10 =	sadd.s32 $0x200, s1  }
0x8: {  	s11 =	sadd.s32 $0x300, s1;
	_ =	strace $0x80000047;
	s7 =	sor.u32 s2, s5  }
0x9: {  	s5 =	sadd.s32 $0x800, s0;
	s2 =	ssub.s32 $0x2, s2;
	s6 =	sshll.u32 s7, $0xA  }
0xa: {  	s24 =	sshll.u32 s7, $0x6;
	s9 =	sshrl.u32 s2, $0x1;
	s8 =	sadd.s32 s6, s0  }
0xb: {  	s25 =	sshll.u32 s7, $0xF;
	s0 =	sadd.s32 s24, s0;
	s8 =	sadd.s32 $0x101000, s8  }
0xc: {  	s2 =	ssub.s32 s2, s9;
	s0 =	sadd.s32 $0x100800, s0;
	[dreg:$0x4] =	wrdreg s8  }
0xd: {  	v2 =	vlaneseq.u32;
	s6 =	sshll.u32 s7, $0x8;
	s26 =	smax.u32 s2, $0x1;
	[dreg:$0x5] =	wrdreg s0  }
0xe: {  	vm0 =	vmmov $0xffff;
	v1 =	vshrl.u32 v2, $0x3;
	s9 =	sadd.s32 $0x100, s1;
	s0 =	sadd.s32 s5, s25;
	[dreg:$0x7] =	wrdreg s26  }
0xf: {  	v0 =	vand.u32 $0x7, v2;
	v2 =	vor.u32 $0x8, v2;
	v1 =	vmul.u32 $0x8, v1;
	s2 =	simm.s32 $0x12300;
	[dreg:$0x6] =	wrdreg s0;
	s0 =	simm.s32 $0x4  }
.LBB2_1:
0x10: {  	[dreg:$0x8] =	wrdreg s12  }
0x11: {  	s7 =	rddreg [dreg:$0x4];
	s8 =	simm.s32 $0x7  }
0x12: {  	[tilespmem:s4], [sflag:$0x7] =	stream.linear.gather [hbm4b:s7+s4], $0x2000, $0x38;
	[tilespmem:$0x1A300] =	vst v63  }
0x13: {  	_ =	swait.ge [sflag:s8], $0x2000  }
0x14: {  	[sflag:s8] =	ssyncset.done $0x0  }
0x15: {  	s24 =	simm.s32 $0x2000;
	s23 =	rddreg [dreg:$0x5];
	[sflag:s8] =	ssyncadd.s32 $0xFFFFE000  }
0x16: {  	[tilespmem:s24], [sflag:$0x7] =	stream.linear.gather [hbm4b:s23+s4], $0x200, $0x38;
	[tilespmem:$0x1A300] =	vst v63  }
0x17: {  	_ =	swait.ge [sflag:s8], $0x200  }
0x18: {  	[sflag:s8] =	ssyncset.done $0x0  }
0x19: {  	[sflag:s8] =	ssyncadd.s32 $0xFFFFFE00  }
0x1a: {  	v3 =	vld [tilespmem:$0x2000];
	_ =	sdelay $0x4  }
0x1b: {  	v4 =	vshll.u32 v3, $0x3  }
0x1c: {  	v5 =	vand.u32 $0x7, v3;
	v4 =	vand.u32 $0xFFFFFFC0, v4  }
0x1d: {  	v4 =	vor.u32 v5, v4  }
0x1e: {  	v5 =	vperm.xlane v4, v0  }
0x1f: {  	v6 =	vld [tilespmem:$0x2010]  }
0x20: {  	v5 =	vadd.s32 v1, v5;
	_ =	sdelay $0x2  }
0x21: {  	[tilespmem:$0x2200] =	vst v3  }
0x22: {  	s25 =	simm.s32 $0x2300;
	[tilespmem:$0x2210] =	vst v6  }
0x23: {  	[tilespmem:s25], [sflag:$0x1] =	stream.indirect_vreg.gather [hbm4b:s1+s4], $0x80, v5, vm0, $0xb8;
	[tilespmem:$0x1A300] =	vst v63  }
0x24: {  	s26 =	simm.s32 $0x2B00;
	v3 =	vperm.xlane v4, v2  }
0x25: {  	[tilespmem:s26], [sflag:$0x1] =	stream.indirect_vreg.gather [hbm4b:s9+s4], $0x80, v5, vm0, $0xb8;
	[tilespmem:$0x1A300] =	vst v63  }
0x26: {  	s8 =	simm.s32 $0x3300;
	v3 =	vadd.s32 v1, v3  }
0x27: {  	[tilespmem:s8], [sflag:$0x1] =	stream.indirect_vreg.gather [hbm4b:s10+s4], $0x80, v5, vm0, $0xb8;
	[tilespmem:$0x1A300] =	vst v63  }
0x28: {  	s12 =	simm.s32 $0x3B00  }
0x29: {  	[tilespmem:s12], [sflag:$0x1] =	stream.indirect_vreg.gather [hbm4b:s11+s4], $0x80, v5, vm0, $0xb8;
	[tilespmem:$0x1A300] =	vst v63  }
0x2a: {  	s13 =	simm.s32 $0x4300  }
0x2b: {  	[tilespmem:s13], [sflag:$0x1] =	stream.indirect_vreg.gather [hbm4b:s1+s4], $0x80, v3, vm0, $0xb8;
	[tilespmem:$0x1A300] =	vst v63  }
0x2c: {  	s14 =	simm.s32 $0x4B00  }
0x2d: {  	[tilespmem:s14], [sflag:$0x1] =	stream.indirect_vreg.gather [hbm4b:s9+s4], $0x80, v3, vm0, $0xb8;
	[tilespmem:$0x1A300] =	vst v63  }
0x2e: {  	s16 =	simm.s32 $0x5300  }
0x2f: {  	[tilespmem:s16], [sflag:$0x1] =	stream.indirect_vreg.gather [hbm4b:s10+s4], $0x80, v3, vm0, $0xb8;
	[tilespmem:$0x1A300] =	vst v63  }
0x30: {  	s17 =	simm.s32 $0x5B00  }
0x31: {  	[tilespmem:s17], [sflag:$0x1] =	stream.indirect_vreg.gather [hbm4b:s11+s4], $0x80, v3, vm0, $0xb8;
	[tilespmem:$0x1A300] =	vst v63  }
0x32: {  	v3 =	vld [tilespmem:$0x2210];
	_ =	sdelay $0x4  }
0x33: {  	v63 =	vshll.u32 v3, $0x3  }
0x34: {  	v3 =	vand.u32 $0x7, v3;
	v4 =	vand.u32 $0xFFFFFFC0, v63  }
0x35: {  	v3 =	vor.u32 v3, v4  }
0x36: {  	v4 =	vperm.xlane v3, v0;
	_ =	sdelay $0x1  }
0x37: {  	v4 =	vadd.s32 v1, v4;
	_ =	sdelay $0x3  }
0x38: {  	s18 =	simm.s32 $0x6300  }
0x39: {  	[tilespmem:s18], [sflag:$0x1] =	stream.indirect_vreg.gather [hbm4b:s1+s4], $0x80, v4, vm0, $0xb8;
	[tilespmem:$0x1A300] =	vst v63  }
0x3a: {  	s19 =	simm.s32 $0x6B00;
	v3 =	vperm.xlane v3, v2  }
0x3b: {  	[tilespmem:s19], [sflag:$0x1] =	stream.indirect_vreg.gather [hbm4b:s9+s4], $0x80, v4, vm0, $0xb8;
	[tilespmem:$0x1A300] =	vst v63  }
0x3c: {  	s20 =	simm.s32 $0x7300;
	v3 =	vadd.s32 v1, v3  }
0x3d: {  	[tilespmem:s20], [sflag:$0x1] =	stream.indirect_vreg.gather [hbm4b:s10+s4], $0x80, v4, vm0, $0xb8;
	[tilespmem:$0x1A300] =	vst v63  }
0x3e: {  	s21 =	simm.s32 $0x7B00  }
0x3f: {  	[tilespmem:s21], [sflag:$0x1] =	stream.indirect_vreg.gather [hbm4b:s11+s4], $0x80, v4, vm0, $0xb8;
	[tilespmem:$0x1A300] =	vst v63  }
0x40: {  	s22 =	simm.s32 $0x8300  }
0x41: {  	[tilespmem:s22], [sflag:$0x1] =	stream.indirect_vreg.gather [hbm4b:s1+s4], $0x80, v3, vm0, $0xb8;
	[tilespmem:$0x1A300] =	vst v63  }
0x42: {  	s23 =	simm.s32 $0x8B00  }
0x43: {  	[tilespmem:s23], [sflag:$0x1] =	stream.indirect_vreg.gather [hbm4b:s9+s4], $0x80, v3, vm0, $0xb8;
	[tilespmem:$0x1A300] =	vst v63  }
0x44: {  	s24 =	simm.s32 $0x9300  }
0x45: {  	[tilespmem:s24], [sflag:$0x1] =	stream.indirect_vreg.gather [hbm4b:s10+s4], $0x80, v3, vm0, $0xb8;
	[tilespmem:$0x1A300] =	vst v63  }
0x46: {  	s7 =	simm.s32 $0x10;
	s25 =	simm.s32 $0x9B00  }
0x47: {  	[tilespmem:s25], [sflag:$0x1] =	stream.indirect_vreg.gather [hbm4b:s11+s4], $0x80, v3, vm0, $0xb8;
	[tilespmem:$0x1A300] =	vst v63  }
0x48: {  	s26 =	rddreg [dreg:$0x6];
	s8 =	simm.s32 $0x0;
	s13 =	simm.s32 $0x0  }
0x49: {  	[tilespmem:s2], [sflag:$0x3] =	stream.linear.gather [hbm4b:s26+s4], $0x4000, $0x38;
	[tilespmem:$0x1A300] =	vst v63  }
.LBB2_2:
0x4a: {  	p0 =	seq.s32 s13, $0x0  }
0x4b: {  	s16 =	sshll.u32 s13, $0x1;
	s14 =	simm.s32 @!p0 $0x6  }
0x4c: {  	s18 =	sor.u32 $0x1, s16;
	_ =	swait.ge @!p0 [sflag:s14], $0x4000  }
0x4d: {  	s17 =	sshll.u32 s18, $0x5;
	[sflag:s14] =	ssyncset.done @!p0 $0x0  }
0x4e: {  	s19 =	sand.u32 $0x3FFFFFE0, s17;
	[sflag:s14] =	ssyncadd.s32 @!p0 $0xFFFFC000  }
0x4f: {  	v3 =	vld [tilespmem:s19+$0x2000];
	_ =	sdelay $0x4  }
0x50: {  	v4 =	vshll.u32 v3, $0x3  }
0x51: {  	v5 =	vand.u32 $0x7, v3;
	v4 =	vand.u32 $0xFFFFFFC0, v4  }
0x52: {  	v4 =	vor.u32 v5, v4  }
0x53: {  	[tilespmem:$0x2280] =	vst v3;
	v3 =	vperm.xlane v4, v0  }
0x54: {  	v5 =	vld [tilespmem:s19+$0x2010]  }
0x55: {  	v3 =	vadd.s32 v1, v3;
	_ =	sdelay $0x3  }
0x56: {  	s12 =	simm.s32 $0xA300;
	s17 =	simm.s32 $0x0;
	[tilespmem:$0x2290] =	vst v5  }
0x57: {  	[tilespmem:s12], [sflag:$0x2] =	stream.indirect_vreg.gather [hbm4b:s1+s17], $0x80, v3, vm0, $0xb8;
	[tilespmem:$0x1A300] =	vst v63  }
0x58: {  	s20 =	simm.s32 $0xAB00;
	v4 =	vperm.xlane v4, v2  }
0x59: {  	[tilespmem:s20], [sflag:$0x2] =	stream.indirect_vreg.gather [hbm4b:s9+s17], $0x80, v3, vm0, $0xb8;
	[tilespmem:$0x1A300] =	vst v63  }
0x5a: {  	s21 =	simm.s32 $0xB300;
	v4 =	vadd.s32 v1, v4  }
0x5b: {  	[tilespmem:s21], [sflag:$0x2] =	stream.indirect_vreg.gather [hbm4b:s10+s17], $0x80, v3, vm0, $0xb8;
	[tilespmem:$0x1A300] =	vst v63  }
0x5c: {  	s22 =	simm.s32 $0xBB00  }
0x5d: {  	[tilespmem:s22], [sflag:$0x2] =	stream.indirect_vreg.gather [hbm4b:s11+s17], $0x80, v3, vm0, $0xb8;
	[tilespmem:$0x1A300] =	vst v63  }
0x5e: {  	s23 =	simm.s32 $0xC300  }
0x5f: {  	[tilespmem:s23], [sflag:$0x2] =	stream.indirect_vreg.gather [hbm4b:s1+s17], $0x80, v4, vm0, $0xb8;
	[tilespmem:$0x1A300] =	vst v63  }
0x60: {  	s24 =	simm.s32 $0xCB00  }
0x61: {  	[tilespmem:s24], [sflag:$0x2] =	stream.indirect_vreg.gather [hbm4b:s9+s17], $0x80, v4, vm0, $0xb8;
	[tilespmem:$0x1A300] =	vst v63  }
0x62: {  	s25 =	simm.s32 $0xD300  }
0x63: {  	[tilespmem:s25], [sflag:$0x2] =	stream.indirect_vreg.gather [hbm4b:s10+s17], $0x80, v4, vm0, $0xb8;
	[tilespmem:$0x1A300] =	vst v63  }
0x64: {  	s26 =	simm.s32 $0xDB00  }
0x65: {  	[tilespmem:s26], [sflag:$0x2] =	stream.indirect_vreg.gather [hbm4b:s11+s17], $0x80, v4, vm0, $0xb8;
	[tilespmem:$0x1A300] =	vst v63  }
0x66: {  	v3 =	vld [tilespmem:$0x2290];
	_ =	sdelay $0x4  }
0x67: {  	v4 =	vshll.u32 v3, $0x3  }
0x68: {  	v3 =	vand.u32 $0x7, v3;
	v4 =	vand.u32 $0xFFFFFFC0, v4  }
0x69: {  	v3 =	vor.u32 v3, v4  }
0x6a: {  	v4 =	vperm.xlane v3, v0;
	_ =	sdelay $0x1  }
0x6b: {  	v4 =	vadd.s32 v1, v4;
	_ =	sdelay $0x3  }
0x6c: {  	s14 =	simm.s32 $0xE300  }
0x6d: {  	[tilespmem:s14], [sflag:$0x2] =	stream.indirect_vreg.gather [hbm4b:s1+s17], $0x80, v4, vm0, $0xb8;
	[tilespmem:$0x1A300] =	vst v63  }
0x6e: {  	s19 =	simm.s32 $0xEB00;
	v3 =	vperm.xlane v3, v2  }
0x6f: {  	[tilespmem:s19], [sflag:$0x2] =	stream.indirect_vreg.gather [hbm4b:s9+s17], $0x80, v4, vm0, $0xb8;
	[tilespmem:$0x1A300] =	vst v63  }
0x70: {  	s20 =	simm.s32 $0xF300;
	v3 =	vadd.s32 v1, v3  }
0x71: {  	[tilespmem:s20], [sflag:$0x2] =	stream.indirect_vreg.gather [hbm4b:s10+s17], $0x80, v4, vm0, $0xb8;
	[tilespmem:$0x1A300] =	vst v63  }
0x72: {  	s21 =	simm.s32 $0xFB00  }
0x73: {  	[tilespmem:s21], [sflag:$0x2] =	stream.indirect_vreg.gather [hbm4b:s11+s17], $0x80, v4, vm0, $0xb8;
	[tilespmem:$0x1A300] =	vst v63  }
0x74: {  	s22 =	simm.s32 $0x10300  }
0x75: {  	[tilespmem:s22], [sflag:$0x2] =	stream.indirect_vreg.gather [hbm4b:s1+s17], $0x80, v3, vm0, $0xb8;
	[tilespmem:$0x1A300] =	vst v63  }
0x76: {  	s23 =	simm.s32 $0x10B00  }
0x77: {  	[tilespmem:s23], [sflag:$0x2] =	stream.indirect_vreg.gather [hbm4b:s9+s17], $0x80, v3, vm0, $0xb8;
	[tilespmem:$0x1A300] =	vst v63  }
0x78: {  	s18 =	sshll.u32 s18, $0xB;
	s24 =	simm.s32 $0x11300;
	s26 =	sshll.u32 s6, $0x7  }
0x79: {  	[tilespmem:s24], [sflag:$0x2] =	stream.indirect_vreg.gather [hbm4b:s10+s17], $0x80, v3, vm0, $0xb8;
	[tilespmem:$0x1A300] =	vst v63  }
0x7a: {  	s25 =	simm.s32 $0x11B00;
	s14 =	sor.u32 s26, s18  }
0x7b: {  	[tilespmem:s25], [sflag:$0x2] =	stream.indirect_vreg.gather [hbm4b:s11+s17], $0x80, v3, vm0, $0xb8;
	[tilespmem:$0x1A300] =	vst v63  }
0x7c: {  	s18 =	sadd.s32 s5, s14  }
0x7d: {  	[tilespmem:s28], [sflag:$0x4] =	stream.linear.gather [hbm4b:s18+s17], $0x4000, $0x38;
	[tilespmem:$0x1A300] =	vst v63  }
0x7e: {  	_ =	swait.ge [sflag:s29], $0x8000  }
0x7f: {  	[sflag:s29] =	ssyncset.done $0x0  }
0x80: {  	v3 =	vmov s7;
	[sflag:s29] =	ssyncadd.s32 $0xFFFF8000  }
0x81: {  	s19 =	simm.s32 $0x0;
	s20 =	simm.s32 $0x0;
	_ =	swait.ge [sflag:s30], $0x4000  }
0x82: {  	s21 =	simm.s32 $0x0;
	s22 =	simm.s32 $0x0;
	[sflag:s30] =	ssyncset.done $0x0  }
0x83: {  	s23 =	simm.s32 $0x0;
	s18 =	sshll.u32 s13, $0x5;
	[sflag:s30] =	ssyncadd.s32 $0xFFFFC000  }
.LBB2_3:
0x84: {  	s24 =	sshra.s32 s22, $0x2  }
0x85: {  	s25 =	sand.u32 $0x6000, s19;
	s26 =	sand.u32 $0x300, s23;
	v4 =	vld.idx.msk [tilespmem:v3+s24+$0xFFFFFFF0 ss:$0x1], $0xffff  }
0x86: {  	v5 =	vld.idx.msk [tilespmem:v3+s24+$0x0 ss:$0x1], $0xffff;
	s25 =	sor.u32 s26, s25  }
0x87: {  	v6 =	vld [tilespmem:s25+$0x2300]  }
0x88: {  	v7 =	vld [tilespmem:s25+$0x2380]  }
0x89: {  	v8 =	vld [tilespmem:s25+$0x2310]  }
0x8a: {  	v9 =	vld [tilespmem:s25+$0x2390]  }
0x8b: {  	v10 =	vld [tilespmem:s25+$0x2320]  }
0x8c: {  	v11 =	vld [tilespmem:s25+$0x23A0]  }
0x8d: {  	v12 =	vld [tilespmem:s25+$0x2330]  }
0x8e: {  	v13 =	vld [tilespmem:s25+$0x23B0]  }
0x8f: {  	v14 =	vld [tilespmem:s25+$0x2340]  }
0x90: {  	v15 =	vld [tilespmem:s25+$0x23C0]  }
0x91: {  	v16 =	vld [tilespmem:s25+$0x2350]  }
0x92: {  	v17 =	vld [tilespmem:s25+$0x23D0]  }
0x93: {  	v18 =	vld [tilespmem:s25+$0x2360]  }
0x94: {  	v19 =	vld [tilespmem:s25+$0x23E0]  }
0x95: {  	v20 =	vld [tilespmem:s25+$0x2370]  }
0x96: {  	v21 =	vld [tilespmem:s25+$0x23F0]  }
0x97: {  	v22 =	vld [tilespmem:s25+$0x2700]  }
0x98: {  	v23 =	vld [tilespmem:s25+$0x2780]  }
0x99: {  	v24 =	vld [tilespmem:s25+$0x2710]  }
0x9a: {  	v25 =	vld [tilespmem:s25+$0x2790]  }
0x9b: {  	v26 =	vld [tilespmem:s25+$0x2720]  }
0x9c: {  	v27 =	vld [tilespmem:s25+$0x27A0]  }
0x9d: {  	v28 =	vld [tilespmem:s25+$0x2730]  }
0x9e: {  	v29 =	vld [tilespmem:s25+$0x27B0]  }
0x9f: {  	v30 =	vld [tilespmem:s25+$0x2740]  }
0xa0: {  	v31 =	vld [tilespmem:s25+$0x27C0]  }
0xa1: {  	v32 =	vld [tilespmem:s25+$0x2750]  }
0xa2: {  	v33 =	vld [tilespmem:s25+$0x27D0]  }
0xa3: {  	v34 =	vld [tilespmem:s25+$0x2760];
	v6 =	vmul.f32 v6, v4;
	v7 =	vmul.f32 v7, v5  }
0xa4: {  	s12 =	sand.u32 $0x380, s22;
	s26 =	sand.u32 $0x2000, s21;
	v35 =	vld [tilespmem:s25+$0x27E0];
	v8 =	vmul.f32 v8, v4;
	v9 =	vmul.f32 v9, v5  }
0xa5: {  	v52 =	vld [tilespmem:s25+$0x2770];
	s26 =	sor.u32 s12, s26;
	v50 =	vmul.f32 v10, v4;
	v51 =	vmul.f32 v11, v5;
	v6 =	vadd.f32 v7, v6  }
0xa6: {  	v55 =	vld [tilespmem:s25+$0x27F0];
	s24 =	sadd.s32 $0x12300, s26;
	v53 =	vmul.f32 v12, v4;
	v54 =	vmul.f32 v13, v5;
	v8 =	vadd.f32 v9, v8  }
0xa7: {  	s12 =	sor.u32 $0x10, s24;
	v56 =	vmul.f32 v14, v4;
	v57 =	vmul.f32 v15, v5;
	v7 =	vadd.f32 v51, v50;
	[tilespmem:s26+$0x12300] =	vst.add.f32.msk $0xffff, v6  }
0xa8: {  	v59 =	vmul.f32 v16, v4;
	v60 =	vmul.f32 v17, v5;
	v58 =	vadd.f32 v54, v53;
	[tilespmem:s12+$0x0] =	vst.add.f32.msk $0xffff, v8;
	s12 =	sor.u32 $0x20, s24  }
0xa9: {  	v62 =	vmul.f32 v18, v4;
	v63 =	vmul.f32 v19, v5;
	v61 =	vadd.f32 v57, v56;
	[tilespmem:s12+$0x0] =	vst.add.f32.msk $0xffff, v7;
	s12 =	sor.u32 $0x30, s24  }
0xaa: {  	v17 =	vmul.f32 v20, v4;
	v18 =	vmul.f32 v21, v5;
	v16 =	vadd.f32 v60, v59;
	[tilespmem:s12+$0x0] =	vst.add.f32.msk $0xffff, v58;
	s12 =	sor.u32 $0x40, s24  }
0xab: {  	v20 =	vmul.f32 v22, v4;
	v21 =	vmul.f32 v23, v5;
	v19 =	vadd.f32 v63, v62;
	[tilespmem:s12+$0x0] =	vst.add.f32.msk $0xffff, v61;
	s12 =	sor.u32 $0x50, s24  }
0xac: {  	v23 =	vmul.f32 v24, v4;
	v24 =	vmul.f32 v25, v5;
	v22 =	vadd.f32 v18, v17;
	[tilespmem:s12+$0x0] =	vst.add.f32.msk $0xffff, v16;
	s12 =	sor.u32 $0x60, s24  }
0xad: {  	v26 =	vmul.f32 v26, v4;
	v36 =	vmul.f32 v27, v5;
	v25 =	vadd.f32 v21, v20;
	[tilespmem:s12+$0x0] =	vst.add.f32.msk $0xffff, v19;
	s12 =	sor.u32 $0x70, s24  }
0xae: {  	v38 =	vmul.f32 v28, v4;
	v39 =	vmul.f32 v29, v5;
	v37 =	vadd.f32 v24, v23;
	[tilespmem:s12+$0x0] =	vst.add.f32.msk $0xffff, v22  }
0xaf: {  	v41 =	vmul.f32 v30, v4;
	v42 =	vmul.f32 v31, v5;
	v40 =	vadd.f32 v36, v26;
	[tilespmem:s24+$0x400] =	vst.add.f32.msk $0xffff, v25  }
0xb0: {  	v44 =	vmul.f32 v32, v4;
	v45 =	vmul.f32 v33, v5;
	v43 =	vadd.f32 v39, v38;
	[tilespmem:s24+$0x410] =	vst.add.f32.msk $0xffff, v37  }
0xb1: {  	v47 =	vmul.f32 v34, v4;
	v48 =	vmul.f32 v35, v5;
	v46 =	vadd.f32 v42, v41;
	[tilespmem:s24+$0x420] =	vst.add.f32.msk $0xffff, v40  }
0xb2: {  	v49 =	vadd.f32 v45, v44;
	v50 =	vmul.f32 v52, v4;
	v51 =	vmul.f32 v55, v5;
	[tilespmem:s24+$0x430] =	vst.add.f32.msk $0xffff, v43  }
0xb3: {  	v52 =	vadd.f32 v48, v47;
	[tilespmem:s24+$0x440] =	vst.add.f32.msk $0xffff, v46  }
0xb4: {  	v53 =	vadd.f32 v51, v50;
	[tilespmem:s24+$0x450] =	vst.add.f32.msk $0xffff, v49  }
0xb5: {  	[tilespmem:s24+$0x460] =	vst.add.f32.msk $0xffff, v52  }
0xb6: {  	[tilespmem:s24+$0x470] =	vst.add.f32.msk $0xffff, v53  }
0xb7: {  	v6 =	vld [tilespmem:s25+$0x2B00]  }
0xb8: {  	v7 =	vld [tilespmem:s25+$0x2B80]  }
0xb9: {  	v8 =	vld [tilespmem:s25+$0x2B10]  }
0xba: {  	v54 =	vld [tilespmem:s25+$0x2B90]  }
0xbb: {  	v55 =	vld [tilespmem:s25+$0x2B20]  }
0xbc: {  	v56 =	vld [tilespmem:s25+$0x2BA0]  }
0xbd: {  	v57 =	vld [tilespmem:s25+$0x2B30]  }
0xbe: {  	v58 =	vld [tilespmem:s25+$0x2BB0]  }
0xbf: {  	v59 =	vld [tilespmem:s25+$0x2B40]  }
0xc0: {  	v60 =	vld [tilespmem:s25+$0x2BC0]  }
0xc1: {  	v61 =	vld [tilespmem:s25+$0x2B50]  }
0xc2: {  	v62 =	vld [tilespmem:s25+$0x2BD0]  }
0xc3: {  	v63 =	vld [tilespmem:s25+$0x2B60]  }
0xc4: {  	v36 =	vld [tilespmem:s25+$0x2BE0]  }
0xc5: {  	v37 =	vld [tilespmem:s25+$0x2B70]  }
0xc6: {  	v38 =	vld [tilespmem:s25+$0x2BF0]  }
0xc7: {  	v39 =	vld [tilespmem:s25+$0x2F00]  }
0xc8: {  	v40 =	vld [tilespmem:s25+$0x2F80]  }
0xc9: {  	v41 =	vld [tilespmem:s25+$0x2F10]  }
0xca: {  	v42 =	vld [tilespmem:s25+$0x2F90]  }
0xcb: {  	v43 =	vld [tilespmem:s25+$0x2F20]  }
0xcc: {  	v44 =	vld [tilespmem:s25+$0x2FA0]  }
0xcd: {  	v45 =	vld [tilespmem:s25+$0x2F30]  }
0xce: {  	v46 =	vld [tilespmem:s25+$0x2FB0]  }
0xcf: {  	v47 =	vld [tilespmem:s25+$0x2F40]  }
0xd0: {  	v48 =	vld [tilespmem:s25+$0x2FC0]  }
0xd1: {  	v49 =	vld [tilespmem:s25+$0x2F50]  }
0xd2: {  	v50 =	vld [tilespmem:s25+$0x2FD0]  }
0xd3: {  	v51 =	vld [tilespmem:s25+$0x2F60];
	v6 =	vmul.f32 v6, v4;
	v7 =	vmul.f32 v7, v5  }
0xd4: {  	v35 =	vld [tilespmem:s25+$0x2FE0];
	v8 =	vmul.f32 v8, v4;
	v9 =	vmul.f32 v54, v5  }
0xd5: {  	v11 =	vld [tilespmem:s25+$0x2F70];
	v52 =	vmul.f32 v55, v4;
	v53 =	vmul.f32 v56, v5;
	v6 =	vadd.f32 v7, v6  }
0xd6: {  	s12 =	sor.u32 $0x800, s24;
	v54 =	vmul.f32 v57, v4;
	v55 =	vmul.f32 v58, v5;
	v56 =	vld [tilespmem:s25+$0x2FF0];
	v8 =	vadd.f32 v9, v8  }
0xd7: {  	v57 =	vmul.f32 v59, v4;
	v58 =	vmul.f32 v60, v5;
	v7 =	vadd.f32 v53, v52;
	[tilespmem:s12+$0x0] =	vst.add.f32.msk $0xffff, v6;
	s12 =	sor.u32 $0x810, s24  }
0xd8: {  	v60 =	vmul.f32 v61, v4;
	v61 =	vmul.f32 v62, v5;
	v59 =	vadd.f32 v55, v54;
	[tilespmem:s12+$0x0] =	vst.add.f32.msk $0xffff, v8;
	s12 =	sor.u32 $0x820, s24  }
0xd9: {  	v63 =	vmul.f32 v63, v4;
	v16 =	vmul.f32 v36, v5;
	v62 =	vadd.f32 v58, v57;
	[tilespmem:s12+$0x0] =	vst.add.f32.msk $0xffff, v7;
	s12 =	sor.u32 $0x830, s24  }
0xda: {  	v18 =	vmul.f32 v37, v4;
	v19 =	vmul.f32 v38, v5;
	v17 =	vadd.f32 v61, v60;
	[tilespmem:s12+$0x0] =	vst.add.f32.msk $0xffff, v59;
	s12 =	sor.u32 $0x840, s24  }
0xdb: {  	v21 =	vmul.f32 v39, v4;
	v22 =	vmul.f32 v40, v5;
	v20 =	vadd.f32 v16, v63;
	[tilespmem:s12+$0x0] =	vst.add.f32.msk $0xffff, v62;
	s12 =	sor.u32 $0x850, s24  }
0xdc: {  	v36 =	vmul.f32 v41, v4;
	v37 =	vmul.f32 v42, v5;
	v23 =	vadd.f32 v19, v18;
	[tilespmem:s12+$0x0] =	vst.add.f32.msk $0xffff, v17;
	s12 =	sor.u32 $0x860, s24  }
0xdd: {  	v39 =	vmul.f32 v43, v4;
	v40 =	vmul.f32 v44, v5;
	v38 =	vadd.f32 v22, v21;
	[tilespmem:s12+$0x0] =	vst.add.f32.msk $0xffff, v20;
	s12 =	sor.u32 $0x870, s24  }
0xde: {  	v42 =	vmul.f32 v45, v4;
	v43 =	vmul.f32 v46, v5;
	v41 =	vadd.f32 v37, v36;
	[tilespmem:s12+$0x0] =	vst.add.f32.msk $0xffff, v23  }
0xdf: {  	v45 =	vmul.f32 v47, v4;
	v46 =	vmul.f32 v48, v5;
	v44 =	vadd.f32 v40, v39;
	[tilespmem:s24+$0xC00] =	vst.add.f32.msk $0xffff, v38  }
0xe0: {  	v48 =	vmul.f32 v49, v4;
	v49 =	vmul.f32 v50, v5;
	v47 =	vadd.f32 v43, v42;
	[tilespmem:s24+$0xC10] =	vst.add.f32.msk $0xffff, v41  }
0xe1: {  	v51 =	vmul.f32 v51, v4;
	v50 =	vadd.f32 v46, v45;
	v52 =	vmul.f32 v35, v5;
	[tilespmem:s24+$0xC20] =	vst.add.f32.msk $0xffff, v44  }
0xe2: {  	v53 =	vadd.f32 v49, v48;
	v54 =	vmul.f32 v11, v4;
	v55 =	vmul.f32 v56, v5;
	[tilespmem:s24+$0xC30] =	vst.add.f32.msk $0xffff, v47  }
0xe3: {  	v56 =	vadd.f32 v52, v51;
	[tilespmem:s24+$0xC40] =	vst.add.f32.msk $0xffff, v50  }
0xe4: {  	v57 =	vadd.f32 v55, v54;
	[tilespmem:s24+$0xC50] =	vst.add.f32.msk $0xffff, v53  }
0xe5: {  	[tilespmem:s24+$0xC60] =	vst.add.f32.msk $0xffff, v56  }
0xe6: {  	[tilespmem:s24+$0xC70] =	vst.add.f32.msk $0xffff, v57  }
0xe7: {  	v6 =	vld [tilespmem:s25+$0x3300]  }
0xe8: {  	v7 =	vld [tilespmem:s25+$0x3380]  }
0xe9: {  	v8 =	vld [tilespmem:s25+$0x3310]  }
0xea: {  	v58 =	vld [tilespmem:s25+$0x3390]  }
0xeb: {  	v59 =	vld [tilespmem:s25+$0x3320]  }
0xec: {  	v60 =	vld [tilespmem:s25+$0x33A0]  }
0xed: {  	v61 =	vld [tilespmem:s25+$0x3330]  }
0xee: {  	v62 =	vld [tilespmem:s25+$0x33B0]  }
0xef: {  	v63 =	vld [tilespmem:s25+$0x3340]  }
0xf0: {  	v36 =	vld [tilespmem:s25+$0x33C0]  }
0xf1: {  	v37 =	vld [tilespmem:s25+$0x3350]  }
0xf2: {  	v38 =	vld [tilespmem:s25+$0x33D0]  }
0xf3: {  	v39 =	vld [tilespmem:s25+$0x3360]  }
0xf4: {  	v40 =	vld [tilespmem:s25+$0x33E0]  }
0xf5: {  	v41 =	vld [tilespmem:s25+$0x3370]  }
0xf6: {  	v42 =	vld [tilespmem:s25+$0x33F0]  }
0xf7: {  	v43 =	vld [tilespmem:s25+$0x3700]  }
0xf8: {  	v44 =	vld [tilespmem:s25+$0x3780]  }
0xf9: {  	v45 =	vld [tilespmem:s25+$0x3710]  }
0xfa: {  	v46 =	vld [tilespmem:s25+$0x3790]  }
0xfb: {  	v47 =	vld [tilespmem:s25+$0x3720]  }
0xfc: {  	v48 =	vld [tilespmem:s25+$0x37A0]  }
0xfd: {  	v49 =	vld [tilespmem:s25+$0x3730]  }
0xfe: {  	v50 =	vld [tilespmem:s25+$0x37B0]  }
0xff: {  	v51 =	vld [tilespmem:s25+$0x3740]  }
0x100: {  	v52 =	vld [tilespmem:s25+$0x37C0]  }
0x101: {  	v53 =	vld [tilespmem:s25+$0x3750]  }
0x102: {  	v54 =	vld [tilespmem:s25+$0x37D0]  }
0x103: {  	v34 =	vld [tilespmem:s25+$0x3760];
	v6 =	vmul.f32 v6, v4;
	v7 =	vmul.f32 v7, v5  }
0x104: {  	v35 =	vld [tilespmem:s25+$0x37E0];
	v8 =	vmul.f32 v8, v4;
	v9 =	vmul.f32 v58, v5  }
0x105: {  	v11 =	vld [tilespmem:s25+$0x3770];
	v55 =	vmul.f32 v59, v4;
	v56 =	vmul.f32 v60, v5;
	v6 =	vadd.f32 v7, v6  }
0x106: {  	s12 =	sor.u32 $0x1000, s24;
	v13 =	vld [tilespmem:s25+$0x37F0];
	v57 =	vmul.f32 v61, v4;
	v58 =	vmul.f32 v62, v5;
	v8 =	vadd.f32 v9, v8  }
0x107: {  	s26 =	sor.u32 $0x1010, s24;
	v59 =	vmul.f32 v63, v4;
	v60 =	vmul.f32 v36, v5;
	v7 =	vadd.f32 v56, v55;
	[tilespmem:s12+$0x0] =	vst.add.f32.msk $0xffff, v6  }
0x108: {  	v62 =	vmul.f32 v37, v4;
	v63 =	vmul.f32 v38, v5;
	v61 =	vadd.f32 v58, v57;
	s12 =	sor.u32 $0x1020, s24;
	[tilespmem:s26+$0x0] =	vst.add.f32.msk $0xffff, v8  }
0x109: {  	v17 =	vmul.f32 v39, v4;
	v18 =	vmul.f32 v40, v5;
	v16 =	vadd.f32 v60, v59;
	s26 =	sor.u32 $0x1030, s24;
	[tilespmem:s12+$0x0] =	vst.add.f32.msk $0xffff, v7  }
0x10a: {  	v20 =	vmul.f32 v41, v4;
	v36 =	vmul.f32 v42, v5;
	v19 =	vadd.f32 v63, v62;
	s12 =	sor.u32 $0x1040, s24;
	[tilespmem:s26+$0x0] =	vst.add.f32.msk $0xffff, v61  }
0x10b: {  	v38 =	vmul.f32 v43, v4;
	v39 =	vmul.f32 v44, v5;
	v37 =	vadd.f32 v18, v17;
	s26 =	sor.u32 $0x1050, s24;
	[tilespmem:s12+$0x0] =	vst.add.f32.msk $0xffff, v16  }
0x10c: {  	v41 =	vmul.f32 v45, v4;
	v42 =	vmul.f32 v46, v5;
	v40 =	vadd.f32 v36, v20;
	s12 =	sor.u32 $0x1060, s24;
	[tilespmem:s26+$0x0] =	vst.add.f32.msk $0xffff, v19  }
0x10d: {  	v44 =	vmul.f32 v47, v4;
	v45 =	vmul.f32 v48, v5;
	v43 =	vadd.f32 v39, v38;
	s26 =	sor.u32 $0x1070, s24;
	[tilespmem:s12+$0x0] =	vst.add.f32.msk $0xffff, v37  }
0x10e: {  	v47 =	vmul.f32 v49, v4;
	v48 =	vmul.f32 v50, v5;
	v46 =	vadd.f32 v42, v41;
	[tilespmem:s26+$0x0] =	vst.add.f32.msk $0xffff, v40  }
0x10f: {  	v50 =	vmul.f32 v51, v4;
	v51 =	vmul.f32 v52, v5;
	v49 =	vadd.f32 v45, v44;
	[tilespmem:s24+$0x1400] =	vst.add.f32.msk $0xffff, v43  }
0x110: {  	v53 =	vmul.f32 v53, v4;
	v54 =	vmul.f32 v54, v5;
	v52 =	vadd.f32 v48, v47;
	[tilespmem:s24+$0x1410] =	vst.add.f32.msk $0xffff, v46  }
0x111: {  	v55 =	vadd.f32 v51, v50;
	v56 =	vmul.f32 v34, v4;
	v57 =	vmul.f32 v35, v5;
	[tilespmem:s24+$0x1420] =	vst.add.f32.msk $0xffff, v49  }
0x112: {  	v58 =	vadd.f32 v54, v53;
	v59 =	vmul.f32 v11, v4;
	v60 =	vmul.f32 v13, v5;
	[tilespmem:s24+$0x1430] =	vst.add.f32.msk $0xffff, v52  }
0x113: {  	v61 =	vadd.f32 v57, v56;
	s12 =	sand.u32 $0x3, s17;
	[tilespmem:s24+$0x1440] =	vst.add.f32.msk $0xffff, v55  }
0x114: {  	v62 =	vadd.f32 v60, v59;
	s25 =	sshll.u32 s12, $0x8;
	[tilespmem:s24+$0x1450] =	vst.add.f32.msk $0xffff, v58  }
0x115: {  	s26 =	sadd.s32 s25, s19;
	[tilespmem:s24+$0x1460] =	vst.add.f32.msk $0xffff, v61  }
0x116: {  	[tilespmem:s24+$0x1470] =	vst.add.f32.msk $0xffff, v62;
	s12 =	sor.u32 $0x1800, s26;
	s25 =	sadd.s32 $0x80, s26  }
0x117: {  	v6 =	vld [tilespmem:s12+$0x2300];
	s12 =	sor.u32 $0x1800, s25  }
0x118: {  	v7 =	vld [tilespmem:s12+$0x2300];
	s12 =	sor.u32 $0x1810, s26  }
0x119: {  	v8 =	vld [tilespmem:s12+$0x2300];
	s12 =	sor.u32 $0x1810, s25  }
0x11a: {  	v63 =	vld [tilespmem:s12+$0x2300];
	s12 =	sor.u32 $0x1820, s26  }
0x11b: {  	v36 =	vld [tilespmem:s12+$0x2300];
	s12 =	sor.u32 $0x1820, s25  }
0x11c: {  	v37 =	vld [tilespmem:s12+$0x2300];
	s12 =	sor.u32 $0x1830, s26  }
0x11d: {  	v38 =	vld [tilespmem:s12+$0x2300];
	s12 =	sor.u32 $0x1830, s25  }
0x11e: {  	v39 =	vld [tilespmem:s12+$0x2300];
	s12 =	sor.u32 $0x1840, s26  }
0x11f: {  	v40 =	vld [tilespmem:s12+$0x2300];
	s12 =	sor.u32 $0x1840, s25  }
0x120: {  	v41 =	vld [tilespmem:s12+$0x2300];
	s12 =	sor.u32 $0x1850, s26  }
0x121: {  	v42 =	vld [tilespmem:s12+$0x2300];
	s12 =	sor.u32 $0x1850, s25  }
0x122: {  	v43 =	vld [tilespmem:s12+$0x2300];
	s12 =	sor.u32 $0x1860, s26  }
0x123: {  	v44 =	vld [tilespmem:s12+$0x2300];
	s12 =	sor.u32 $0x1860, s25  }
0x124: {  	v45 =	vld [tilespmem:s12+$0x2300];
	s12 =	sor.u32 $0x1870, s26  }
0x125: {  	v46 =	vld [tilespmem:s12+$0x2300];
	s12 =	sor.u32 $0x1870, s25  }
0x126: {  	v47 =	vld [tilespmem:s12+$0x2300];
	s12 =	sor.u32 $0x1C00, s26  }
0x127: {  	v48 =	vld [tilespmem:s12+$0x2300];
	s12 =	sor.u32 $0x1C00, s25  }
0x128: {  	v49 =	vld [tilespmem:s12+$0x2300];
	s12 =	sor.u32 $0x1C10, s26  }
0x129: {  	v50 =	vld [tilespmem:s12+$0x2300];
	s12 =	sor.u32 $0x1C10, s25  }
0x12a: {  	v51 =	vld [tilespmem:s12+$0x2300];
	s12 =	sor.u32 $0x1C20, s26  }
0x12b: {  	v52 =	vld [tilespmem:s12+$0x2300];
	s12 =	sor.u32 $0x1C20, s25  }
0x12c: {  	v53 =	vld [tilespmem:s12+$0x2300];
	s12 =	sor.u32 $0x1C30, s26  }
0x12d: {  	v54 =	vld [tilespmem:s12+$0x2300];
	s12 =	sor.u32 $0x1C30, s25  }
0x12e: {  	v55 =	vld [tilespmem:s12+$0x2300];
	s12 =	sor.u32 $0x1C40, s26  }
0x12f: {  	v56 =	vld [tilespmem:s12+$0x2300];
	s12 =	sor.u32 $0x1C40, s25  }
0x130: {  	v57 =	vld [tilespmem:s12+$0x2300];
	s12 =	sor.u32 $0x1C50, s26  }
0x131: {  	v58 =	vld [tilespmem:s12+$0x2300];
	s12 =	sor.u32 $0x1C50, s25  }
0x132: {  	v59 =	vld [tilespmem:s12+$0x2300];
	s12 =	sor.u32 $0x1C60, s26  }
0x133: {  	v6 =	vmul.f32 v6, v4;
	v7 =	vmul.f32 v7, v5;
	s26 =	sor.u32 $0x1C70, s26;
	v34 =	vld [tilespmem:s12+$0x2300]  }
0x134: {  	v8 =	vmul.f32 v8, v4;
	v9 =	vmul.f32 v63, v5;
	s12 =	sor.u32 $0x1C60, s25;
	v11 =	vld [tilespmem:s26+$0x2300]  }
0x135: {  	v6 =	vadd.f32 v7, v6;
	v60 =	vmul.f32 v36, v4;
	v61 =	vmul.f32 v37, v5;
	s26 =	sor.u32 $0x1C70, s25;
	v35 =	vld [tilespmem:s12+$0x2300]  }
0x136: {  	v8 =	vadd.f32 v9, v8;
	v62 =	vmul.f32 v38, v4;
	v63 =	vmul.f32 v39, v5;
	s25 =	sor.u32 $0x1800, s24;
	v36 =	vld [tilespmem:s26+$0x2300]  }
0x137: {  	v7 =	vadd.f32 v61, v60;
	v37 =	vmul.f32 v40, v4;
	v38 =	vmul.f32 v41, v5;
	[tilespmem:s25+$0x0] =	vst.add.f32.msk $0xffff, v6;
	s26 =	sor.u32 $0x1810, s24  }
0x138: {  	v9 =	vadd.f32 v63, v62;
	v39 =	vmul.f32 v42, v4;
	v40 =	vmul.f32 v43, v5;
	s25 =	sor.u32 $0x1820, s24;
	[tilespmem:s26+$0x0] =	vst.add.f32.msk $0xffff, v8  }
0x139: {  	v41 =	vmul.f32 v44, v4;
	v42 =	vmul.f32 v45, v5;
	v6 =	vadd.f32 v38, v37;
	s26 =	sor.u32 $0x1830, s24;
	[tilespmem:s25+$0x0] =	vst.add.f32.msk $0xffff, v7  }
0x13a: {  	v43 =	vmul.f32 v46, v4;
	v44 =	vmul.f32 v47, v5;
	v8 =	vadd.f32 v40, v39;
	s25 =	sor.u32 $0x1840, s24;
	[tilespmem:s26+$0x0] =	vst.add.f32.msk $0xffff, v9  }
0x13b: {  	v45 =	vmul.f32 v48, v4;
	v46 =	vmul.f32 v49, v5;
	s12 =	sand.u32 $0x7, s20;
	v7 =	vadd.f32 v42, v41;
	s26 =	sor.u32 $0x1850, s24;
	[tilespmem:s25+$0x0] =	vst.add.f32.msk $0xffff, v6  }
0x13c: {  	v47 =	vmul.f32 v50, v4;
	v48 =	vmul.f32 v51, v5;
	s12 =	sshll.u32 s12, $0x7;
	v9 =	vadd.f32 v44, v43;
	[tilespmem:s26+$0x0] =	vst.add.f32.msk $0xffff, v8;
	s26 =	sor.u32 $0x1860, s24  }
0x13d: {  	v49 =	vmul.f32 v52, v4;
	v50 =	vmul.f32 v53, v5;
	s12 =	sadd.s32 s12, s21;
	v6 =	vadd.f32 v46, v45;
	s24 =	sor.u32 $0x1870, s24;
	[tilespmem:s26+$0x0] =	vst.add.f32.msk $0xffff, v7  }
0x13e: {  	v51 =	vadd.f32 v48, v47;
	v52 =	vmul.f32 v54, v4;
	v53 =	vmul.f32 v55, v5;
	s26 =	sor.u32 $0x1C00, s12;
	[tilespmem:s24+$0x0] =	vst.add.f32.msk $0xffff, v9  }
0x13f: {  	v54 =	vadd.f32 v50, v49;
	v55 =	vmul.f32 v56, v4;
	v56 =	vmul.f32 v57, v5;
	s25 =	sor.u32 $0x1C10, s12;
	[tilespmem:s26+$0x12300] =	vst.add.f32.msk $0xffff, v6  }
0x140: {  	v57 =	vadd.f32 v53, v52;
	v58 =	vmul.f32 v58, v4;
	v59 =	vmul.f32 v59, v5;
	s26 =	sor.u32 $0x1C20, s12;
	[tilespmem:s25+$0x12300] =	vst.add.f32.msk $0xffff, v51  }
0x141: {  	p0 =	sne.s32 s23, $0xF00;
	v60 =	vadd.f32 v56, v55;
	v61 =	vmul.f32 v34, v4;
	v62 =	vmul.f32 v35, v5;
	s25 =	sor.u32 $0x1C30, s12;
	[tilespmem:s26+$0x12300] =	vst.add.f32.msk $0xffff, v54  }
.Ltmp0:
0x142: {  	v4 =	vmul.f32 v11, v4;
	v8 =	vadd.f32 v59, v58;
	v5 =	vmul.f32 v36, v5;
	s26 =	sor.u32 $0x1C40, s12;
	[tilespmem:s25+$0x12300] =	vst.add.f32.msk $0xffff, v57;
	(pc) =	sbr.rel @p0 .LBB2_3-.Ltmp0, $4  }
0x143: {  	v63 =	vadd.f32 v62, v61;
	s25 =	sor.u32 $0x1C50, s12;
	[tilespmem:s26+$0x12300] =	vst.add.f32.msk $0xffff, v60  }
0x144: {  	s22 =	sadd.s32 $0x80, s22;
	v4 =	vadd.f32 v5, v4;
	s26 =	sor.u32 $0x1C60, s12;
	[tilespmem:s25+$0x12300] =	vst.add.f32.msk $0xffff, v8  }
0x145: {  	s23 =	sadd.s32 $0x100, s23;
	s17 =	sadd.s32 $0x1, s17;
	s12 =	sor.u32 $0x1C70, s12;
	[tilespmem:s26+$0x12300] =	vst.add.f32.msk $0xffff, v63  }
0x146: {  	s19 =	sadd.s32 $0x800, s19;
	s20 =	sadd.s32 $0x1, s20;
	s21 =	sadd.s32 $0x400, s21;
	[tilespmem:s12+$0x12300] =	vst.add.f32.msk $0xffff, v4  }
0x147: {  	p0 =	seq.s32 s13, $0x7  }
.Ltmp1:
0x148: {  	_ = 	snop;
	(pc) =	sbr.rel @p0 .LBB2_6-.Ltmp1, $4  }
0x149: {  	s12 =	sadd.s32 s6, s18  }
0x14a: {  	s12 =	sshll.u32 s12, $0x7  }
0x14b: {  	s12 =	sadd.s32 s3, s12  }
0x14c: {  	[hbm4b:s12+s4] =	stream.linear.scatter [tilespmem:s2], [sflag:$0x5], $0x4000, $0x38;
	[tilespmem:$0x1A300] =	vst v63  }
0x14d: {  	_ =	swait.ge [sflag:s15], $0x4000;
	s12 =	sadd.s32 $0x2, s16  }
0x14e: {  	[sflag:s15] =	ssyncset.done $0x0;
	s16 =	sshll.u32 s12, $0x5  }
0x14f: {  	[sflag:s15] =	ssyncadd.s32 $0xFFFFC000;
	s16 =	sand.u32 $0x3FFFFFE0, s16  }
0x150: {  	v3 =	vld [tilespmem:s16+$0x2000];
	_ =	sdelay $0x4  }
0x151: {  	v4 =	vshll.u32 v3, $0x3  }
0x152: {  	v5 =	vand.u32 $0x7, v3;
	v4 =	vand.u32 $0xFFFFFFC0, v4  }
0x153: {  	v4 =	vor.u32 v5, v4  }
0x154: {  	[tilespmem:$0x2200] =	vst v3;
	v3 =	vperm.xlane v4, v0  }
0x155: {  	v62 =	vld [tilespmem:s16+$0x2010]  }
0x156: {  	v3 =	vadd.s32 v1, v3;
	_ =	sdelay $0x3  }
0x157: {  	s20 =	simm.s32 $0x2300;
	[tilespmem:$0x2210] =	vst v62  }
0x158: {  	[tilespmem:s20], [sflag:$0x1] =	stream.indirect_vreg.gather [hbm4b:s1+s4], $0x80, v3, vm0, $0xb8;
	[tilespmem:$0x1A300] =	vst v63  }
0x159: {  	s21 =	simm.s32 $0x2B00;
	v4 =	vperm.xlane v4, v2  }
0x15a: {  	[tilespmem:s21], [sflag:$0x1] =	stream.indirect_vreg.gather [hbm4b:s9+s4], $0x80, v3, vm0, $0xb8;
	[tilespmem:$0x1A300] =	vst v63  }
0x15b: {  	s22 =	simm.s32 $0x3300;
	v4 =	vadd.s32 v1, v4  }
0x15c: {  	[tilespmem:s22], [sflag:$0x1] =	stream.indirect_vreg.gather [hbm4b:s10+s4], $0x80, v3, vm0, $0xb8;
	[tilespmem:$0x1A300] =	vst v63  }
0x15d: {  	s23 =	simm.s32 $0x3B00  }
0x15e: {  	[tilespmem:s23], [sflag:$0x1] =	stream.indirect_vreg.gather [hbm4b:s11+s4], $0x80, v3, vm0, $0xb8;
	[tilespmem:$0x1A300] =	vst v63  }
0x15f: {  	s24 =	simm.s32 $0x4300  }
0x160: {  	[tilespmem:s24], [sflag:$0x1] =	stream.indirect_vreg.gather [hbm4b:s1+s4], $0x80, v4, vm0, $0xb8;
	[tilespmem:$0x1A300] =	vst v63  }
0x161: {  	s25 =	simm.s32 $0x4B00  }
0x162: {  	[tilespmem:s25], [sflag:$0x1] =	stream.indirect_vreg.gather [hbm4b:s9+s4], $0x80, v4, vm0, $0xb8;
	[tilespmem:$0x1A300] =	vst v63  }
0x163: {  	s26 =	simm.s32 $0x5300  }
0x164: {  	[tilespmem:s26], [sflag:$0x1] =	stream.indirect_vreg.gather [hbm4b:s10+s4], $0x80, v4, vm0, $0xb8;
	[tilespmem:$0x1A300] =	vst v63  }
0x165: {  	s17 =	simm.s32 $0x5B00  }
0x166: {  	[tilespmem:s17], [sflag:$0x1] =	stream.indirect_vreg.gather [hbm4b:s11+s4], $0x80, v4, vm0, $0xb8;
	[tilespmem:$0x1A300] =	vst v63  }
0x167: {  	v3 =	vld [tilespmem:$0x2210];
	_ =	sdelay $0x4  }
0x168: {  	v63 =	vshll.u32 v3, $0x3  }
0x169: {  	v3 =	vand.u32 $0x7, v3;
	v4 =	vand.u32 $0xFFFFFFC0, v63  }
0x16a: {  	v3 =	vor.u32 v3, v4  }
0x16b: {  	v4 =	vperm.xlane v3, v0;
	_ =	sdelay $0x1  }
0x16c: {  	v4 =	vadd.s32 v1, v4;
	_ =	sdelay $0x3  }
0x16d: {  	s18 =	simm.s32 $0x6300  }
0x16e: {  	[tilespmem:s18], [sflag:$0x1] =	stream.indirect_vreg.gather [hbm4b:s1+s4], $0x80, v4, vm0, $0xb8;
	[tilespmem:$0x1A300] =	vst v63  }
0x16f: {  	s19 =	simm.s32 $0x6B00;
	v3 =	vperm.xlane v3, v2  }
0x170: {  	[tilespmem:s19], [sflag:$0x1] =	stream.indirect_vreg.gather [hbm4b:s9+s4], $0x80, v4, vm0, $0xb8;
	[tilespmem:$0x1A300] =	vst v63  }
0x171: {  	s20 =	simm.s32 $0x7300;
	v3 =	vadd.s32 v1, v3  }
0x172: {  	[tilespmem:s20], [sflag:$0x1] =	stream.indirect_vreg.gather [hbm4b:s10+s4], $0x80, v4, vm0, $0xb8;
	[tilespmem:$0x1A300] =	vst v63  }
0x173: {  	s21 =	simm.s32 $0x7B00  }
0x174: {  	[tilespmem:s21], [sflag:$0x1] =	stream.indirect_vreg.gather [hbm4b:s11+s4], $0x80, v4, vm0, $0xb8;
	[tilespmem:$0x1A300] =	vst v63  }
0x175: {  	s22 =	simm.s32 $0x8300  }
0x176: {  	[tilespmem:s22], [sflag:$0x1] =	stream.indirect_vreg.gather [hbm4b:s1+s4], $0x80, v3, vm0, $0xb8;
	[tilespmem:$0x1A300] =	vst v63  }
0x177: {  	s23 =	simm.s32 $0x8B00  }
0x178: {  	[tilespmem:s23], [sflag:$0x1] =	stream.indirect_vreg.gather [hbm4b:s9+s4], $0x80, v3, vm0, $0xb8;
	[tilespmem:$0x1A300] =	vst v63  }
0x179: {  	s24 =	simm.s32 $0x9300  }
0x17a: {  	[tilespmem:s24], [sflag:$0x1] =	stream.indirect_vreg.gather [hbm4b:s10+s4], $0x80, v3, vm0, $0xb8;
	[tilespmem:$0x1A300] =	vst v63  }
0x17b: {  	s12 =	sshll.u32 s12, $0xB;
	s25 =	simm.s32 $0x9B00;
	s26 =	rddreg [dreg:$0x6]  }
0x17c: {  	[tilespmem:s25], [sflag:$0x1] =	stream.indirect_vreg.gather [hbm4b:s11+s4], $0x80, v3, vm0, $0xb8;
	[tilespmem:$0x1A300] =	vst v63  }
0x17d: {  	s12 =	sadd.s32 s12, s26  }
0x17e: {  	[tilespmem:s2], [sflag:$0x3] =	stream.linear.gather [hbm4b:s12+s4], $0x4000, $0x38;
	[tilespmem:$0x1A300] =	vst v63  }
.LBB2_6:
0x17f: {  	_ =	swait.ge [sflag:s31], $0x8000  }
0x180: {  	[sflag:s31] =	ssyncset.done $0x0  }
0x181: {  	v3 =	vmov s8;
	[sflag:s31] =	ssyncadd.s32 $0xFFFF8000  }
0x182: {  	s16 =	simm.s32 $0x0;
	s17 =	simm.s32 $0x0;
	_ =	swait.ge [sflag:s0], $0x4000  }
0x183: {  	s18 =	simm.s32 $0x0;
	s19 =	simm.s32 $0x0;
	[sflag:s0] =	ssyncset.done $0x0  }
0x184: {  	s20 =	simm.s32 $0x0;
	s21 =	simm.s32 $0x0;
	[sflag:s0] =	ssyncadd.s32 $0xFFFFC000  }
.LBB2_7:
0x185: {  	s12 =	sshra.s32 s21, $0x2  }
0x186: {  	s22 =	sand.u32 $0x6000, s18;
	s23 =	sand.u32 $0x300, s16;
	v4 =	vld.idx.msk [tilespmem:v3+s12+$0x200 ss:$0x1], $0xffff  }
0x187: {  	v5 =	vld.idx.msk [tilespmem:v3+s12+$0x210 ss:$0x1], $0xffff;
	s23 =	sor.u32 s23, s22  }
0x188: {  	v6 =	vld [tilespmem:s23+$0xA300]  }
0x189: {  	v7 =	vld [tilespmem:s23+$0xA380]  }
0x18a: {  	v8 =	vld [tilespmem:s23+$0xA310]  }
0x18b: {  	v9 =	vld [tilespmem:s23+$0xA390]  }
0x18c: {  	v10 =	vld [tilespmem:s23+$0xA320]  }
0x18d: {  	v11 =	vld [tilespmem:s23+$0xA3A0]  }
0x18e: {  	v12 =	vld [tilespmem:s23+$0xA330]  }
0x18f: {  	v13 =	vld [tilespmem:s23+$0xA3B0]  }
0x190: {  	v14 =	vld [tilespmem:s23+$0xA340]  }
0x191: {  	v15 =	vld [tilespmem:s23+$0xA3C0]  }
0x192: {  	v16 =	vld [tilespmem:s23+$0xA350]  }
0x193: {  	v17 =	vld [tilespmem:s23+$0xA3D0]  }
0x194: {  	v18 =	vld [tilespmem:s23+$0xA360]  }
0x195: {  	v19 =	vld [tilespmem:s23+$0xA3E0]  }
0x196: {  	v20 =	vld [tilespmem:s23+$0xA370]  }
0x197: {  	v21 =	vld [tilespmem:s23+$0xA3F0]  }
0x198: {  	v22 =	vld [tilespmem:s23+$0xA700]  }
0x199: {  	v23 =	vld [tilespmem:s23+$0xA780]  }
0x19a: {  	v24 =	vld [tilespmem:s23+$0xA710]  }
0x19b: {  	v25 =	vld [tilespmem:s23+$0xA790]  }
0x19c: {  	v26 =	vld [tilespmem:s23+$0xA720]  }
0x19d: {  	v27 =	vld [tilespmem:s23+$0xA7A0]  }
0x19e: {  	v28 =	vld [tilespmem:s23+$0xA730]  }
0x19f: {  	v29 =	vld [tilespmem:s23+$0xA7B0]  }
0x1a0: {  	v30 =	vld [tilespmem:s23+$0xA740]  }
0x1a1: {  	v31 =	vld [tilespmem:s23+$0xA7C0]  }
0x1a2: {  	v32 =	vld [tilespmem:s23+$0xA750]  }
0x1a3: {  	v33 =	vld [tilespmem:s23+$0xA7D0]  }
0x1a4: {  	v34 =	vld [tilespmem:s23+$0xA760];
	v6 =	vmul.f32 v6, v4;
	v7 =	vmul.f32 v7, v5  }
0x1a5: {  	s24 =	sand.u32 $0x380, s21;
	s22 =	sand.u32 $0x2000, s20;
	v35 =	vld [tilespmem:s23+$0xA7E0];
	v8 =	vmul.f32 v8, v4;
	v9 =	vmul.f32 v9, v5  }
0x1a6: {  	v52 =	vld [tilespmem:s23+$0xA770];
	s12 =	sor.u32 s24, s22;
	v50 =	vmul.f32 v10, v4;
	v51 =	vmul.f32 v11, v5;
	v6 =	vadd.f32 v7, v6  }
0x1a7: {  	v55 =	vld [tilespmem:s23+$0xA7F0];
	s22 =	sadd.s32 $0x16300, s12;
	v53 =	vmul.f32 v12, v4;
	v54 =	vmul.f32 v13, v5;
	v8 =	vadd.f32 v9, v8  }
0x1a8: {  	s25 =	sor.u32 $0x10, s22;
	v56 =	vmul.f32 v14, v4;
	v57 =	vmul.f32 v15, v5;
	v7 =	vadd.f32 v51, v50;
	[tilespmem:s12+$0x16300] =	vst.add.f32.msk $0xffff, v6  }
0x1a9: {  	s26 =	sor.u32 $0x20, s22;
	v59 =	vmul.f32 v16, v4;
	v60 =	vmul.f32 v17, v5;
	v58 =	vadd.f32 v54, v53;
	[tilespmem:s25+$0x0] =	vst.add.f32.msk $0xffff, v8  }
0x1aa: {  	s24 =	sor.u32 $0x30, s22;
	v62 =	vmul.f32 v18, v4;
	v63 =	vmul.f32 v19, v5;
	v61 =	vadd.f32 v57, v56;
	[tilespmem:s26+$0x0] =	vst.add.f32.msk $0xffff, v7  }
0x1ab: {  	v17 =	vmul.f32 v20, v4;
	v18 =	vmul.f32 v21, v5;
	v16 =	vadd.f32 v60, v59;
	s25 =	sor.u32 $0x40, s22;
	[tilespmem:s24+$0x0] =	vst.add.f32.msk $0xffff, v58  }
0x1ac: {  	v20 =	vmul.f32 v22, v4;
	v21 =	vmul.f32 v23, v5;
	v19 =	vadd.f32 v63, v62;
	s26 =	sor.u32 $0x50, s22;
	[tilespmem:s25+$0x0] =	vst.add.f32.msk $0xffff, v61  }
0x1ad: {  	v23 =	vmul.f32 v24, v4;
	v24 =	vmul.f32 v25, v5;
	v22 =	vadd.f32 v18, v17;
	s24 =	sor.u32 $0x60, s22;
	[tilespmem:s26+$0x0] =	vst.add.f32.msk $0xffff, v16  }
0x1ae: {  	v26 =	vmul.f32 v26, v4;
	v36 =	vmul.f32 v27, v5;
	v25 =	vadd.f32 v21, v20;
	s25 =	sor.u32 $0x70, s22;
	[tilespmem:s24+$0x0] =	vst.add.f32.msk $0xffff, v19  }
0x1af: {  	v38 =	vmul.f32 v28, v4;
	v39 =	vmul.f32 v29, v5;
	v37 =	vadd.f32 v24, v23;
	[tilespmem:s25+$0x0] =	vst.add.f32.msk $0xffff, v22  }
0x1b0: {  	v41 =	vmul.f32 v30, v4;
	v42 =	vmul.f32 v31, v5;
	v40 =	vadd.f32 v36, v26;
	[tilespmem:s22+$0x400] =	vst.add.f32.msk $0xffff, v25  }
0x1b1: {  	v44 =	vmul.f32 v32, v4;
	v45 =	vmul.f32 v33, v5;
	v43 =	vadd.f32 v39, v38;
	[tilespmem:s22+$0x410] =	vst.add.f32.msk $0xffff, v37  }
0x1b2: {  	v47 =	vmul.f32 v34, v4;
	v48 =	vmul.f32 v35, v5;
	v46 =	vadd.f32 v42, v41;
	[tilespmem:s22+$0x420] =	vst.add.f32.msk $0xffff, v40  }
0x1b3: {  	v49 =	vadd.f32 v45, v44;
	v50 =	vmul.f32 v52, v4;
	v51 =	vmul.f32 v55, v5;
	[tilespmem:s22+$0x430] =	vst.add.f32.msk $0xffff, v43  }
0x1b4: {  	v52 =	vadd.f32 v48, v47;
	[tilespmem:s22+$0x440] =	vst.add.f32.msk $0xffff, v46  }
0x1b5: {  	v53 =	vadd.f32 v51, v50;
	[tilespmem:s22+$0x450] =	vst.add.f32.msk $0xffff, v49  }
0x1b6: {  	[tilespmem:s22+$0x460] =	vst.add.f32.msk $0xffff, v52  }
0x1b7: {  	[tilespmem:s22+$0x470] =	vst.add.f32.msk $0xffff, v53  }
0x1b8: {  	v6 =	vld [tilespmem:s23+$0xAB00]  }
0x1b9: {  	v7 =	vld [tilespmem:s23+$0xAB80]  }
0x1ba: {  	v8 =	vld [tilespmem:s23+$0xAB10]  }
0x1bb: {  	v54 =	vld [tilespmem:s23+$0xAB90]  }
0x1bc: {  	v55 =	vld [tilespmem:s23+$0xAB20]  }
0x1bd: {  	v56 =	vld [tilespmem:s23+$0xABA0]  }
0x1be: {  	v57 =	vld [tilespmem:s23+$0xAB30]  }
0x1bf: {  	v58 =	vld [tilespmem:s23+$0xABB0]  }
0x1c0: {  	v59 =	vld [tilespmem:s23+$0xAB40]  }
0x1c1: {  	v60 =	vld [tilespmem:s23+$0xABC0]  }
0x1c2: {  	v61 =	vld [tilespmem:s23+$0xAB50]  }
0x1c3: {  	v62 =	vld [tilespmem:s23+$0xABD0]  }
0x1c4: {  	v63 =	vld [tilespmem:s23+$0xAB60]  }
0x1c5: {  	v36 =	vld [tilespmem:s23+$0xABE0]  }
0x1c6: {  	v37 =	vld [tilespmem:s23+$0xAB70]  }
0x1c7: {  	v38 =	vld [tilespmem:s23+$0xABF0]  }
0x1c8: {  	v39 =	vld [tilespmem:s23+$0xAF00]  }
0x1c9: {  	v40 =	vld [tilespmem:s23+$0xAF80]  }
0x1ca: {  	v41 =	vld [tilespmem:s23+$0xAF10]  }
0x1cb: {  	v42 =	vld [tilespmem:s23+$0xAF90]  }
0x1cc: {  	v43 =	vld [tilespmem:s23+$0xAF20]  }
0x1cd: {  	v44 =	vld [tilespmem:s23+$0xAFA0]  }
0x1ce: {  	v45 =	vld [tilespmem:s23+$0xAF30]  }
0x1cf: {  	v46 =	vld [tilespmem:s23+$0xAFB0]  }
0x1d0: {  	v47 =	vld [tilespmem:s23+$0xAF40]  }
0x1d1: {  	v48 =	vld [tilespmem:s23+$0xAFC0]  }
0x1d2: {  	v49 =	vld [tilespmem:s23+$0xAF50]  }
0x1d3: {  	v50 =	vld [tilespmem:s23+$0xAFD0]  }
0x1d4: {  	v51 =	vld [tilespmem:s23+$0xAF60];
	v6 =	vmul.f32 v6, v4;
	v7 =	vmul.f32 v7, v5  }
0x1d5: {  	v35 =	vld [tilespmem:s23+$0xAFE0];
	v8 =	vmul.f32 v8, v4;
	v9 =	vmul.f32 v54, v5  }
0x1d6: {  	v11 =	vld [tilespmem:s23+$0xAF70];
	v52 =	vmul.f32 v55, v4;
	v53 =	vmul.f32 v56, v5;
	v6 =	vadd.f32 v7, v6  }
0x1d7: {  	s26 =	sor.u32 $0x800, s22;
	v54 =	vmul.f32 v57, v4;
	v55 =	vmul.f32 v58, v5;
	v56 =	vld [tilespmem:s23+$0xAFF0];
	v8 =	vadd.f32 v9, v8  }
0x1d8: {  	s24 =	sor.u32 $0x810, s22;
	v57 =	vmul.f32 v59, v4;
	v58 =	vmul.f32 v60, v5;
	v7 =	vadd.f32 v53, v52;
	[tilespmem:s26+$0x0] =	vst.add.f32.msk $0xffff, v6  }
0x1d9: {  	s25 =	sor.u32 $0x820, s22;
	v60 =	vmul.f32 v61, v4;
	v61 =	vmul.f32 v62, v5;
	v59 =	vadd.f32 v55, v54;
	[tilespmem:s24+$0x0] =	vst.add.f32.msk $0xffff, v8  }
0x1da: {  	v63 =	vmul.f32 v63, v4;
	v16 =	vmul.f32 v36, v5;
	v62 =	vadd.f32 v58, v57;
	s26 =	sor.u32 $0x830, s22;
	[tilespmem:s25+$0x0] =	vst.add.f32.msk $0xffff, v7  }
0x1db: {  	v18 =	vmul.f32 v37, v4;
	v19 =	vmul.f32 v38, v5;
	v17 =	vadd.f32 v61, v60;
	s24 =	sor.u32 $0x840, s22;
	[tilespmem:s26+$0x0] =	vst.add.f32.msk $0xffff, v59  }
0x1dc: {  	v21 =	vmul.f32 v39, v4;
	v22 =	vmul.f32 v40, v5;
	v20 =	vadd.f32 v16, v63;
	s25 =	sor.u32 $0x850, s22;
	[tilespmem:s24+$0x0] =	vst.add.f32.msk $0xffff, v62  }
0x1dd: {  	v36 =	vmul.f32 v41, v4;
	v37 =	vmul.f32 v42, v5;
	v23 =	vadd.f32 v19, v18;
	s26 =	sor.u32 $0x860, s22;
	[tilespmem:s25+$0x0] =	vst.add.f32.msk $0xffff, v17  }
0x1de: {  	v39 =	vmul.f32 v43, v4;
	v40 =	vmul.f32 v44, v5;
	v38 =	vadd.f32 v22, v21;
	s24 =	sor.u32 $0x870, s22;
	[tilespmem:s26+$0x0] =	vst.add.f32.msk $0xffff, v20  }
0x1df: {  	v42 =	vmul.f32 v45, v4;
	v43 =	vmul.f32 v46, v5;
	v41 =	vadd.f32 v37, v36;
	[tilespmem:s24+$0x0] =	vst.add.f32.msk $0xffff, v23  }
0x1e0: {  	v45 =	vmul.f32 v47, v4;
	v46 =	vmul.f32 v48, v5;
	v44 =	vadd.f32 v40, v39;
	[tilespmem:s22+$0xC00] =	vst.add.f32.msk $0xffff, v38  }
0x1e1: {  	v48 =	vmul.f32 v49, v4;
	v49 =	vmul.f32 v50, v5;
	v47 =	vadd.f32 v43, v42;
	[tilespmem:s22+$0xC10] =	vst.add.f32.msk $0xffff, v41  }
0x1e2: {  	v51 =	vmul.f32 v51, v4;
	v50 =	vadd.f32 v46, v45;
	v52 =	vmul.f32 v35, v5;
	[tilespmem:s22+$0xC20] =	vst.add.f32.msk $0xffff, v44  }
0x1e3: {  	v53 =	vadd.f32 v49, v48;
	v54 =	vmul.f32 v11, v4;
	v55 =	vmul.f32 v56, v5;
	[tilespmem:s22+$0xC30] =	vst.add.f32.msk $0xffff, v47  }
0x1e4: {  	v56 =	vadd.f32 v52, v51;
	[tilespmem:s22+$0xC40] =	vst.add.f32.msk $0xffff, v50  }
0x1e5: {  	v57 =	vadd.f32 v55, v54;
	[tilespmem:s22+$0xC50] =	vst.add.f32.msk $0xffff, v53  }
0x1e6: {  	[tilespmem:s22+$0xC60] =	vst.add.f32.msk $0xffff, v56  }
0x1e7: {  	[tilespmem:s22+$0xC70] =	vst.add.f32.msk $0xffff, v57  }
0x1e8: {  	v6 =	vld [tilespmem:s23+$0xB300]  }
0x1e9: {  	v7 =	vld [tilespmem:s23+$0xB380]  }
0x1ea: {  	v8 =	vld [tilespmem:s23+$0xB310]  }
0x1eb: {  	v58 =	vld [tilespmem:s23+$0xB390]  }
0x1ec: {  	v59 =	vld [tilespmem:s23+$0xB320]  }
0x1ed: {  	v60 =	vld [tilespmem:s23+$0xB3A0]  }
0x1ee: {  	v61 =	vld [tilespmem:s23+$0xB330]  }
0x1ef: {  	v62 =	vld [tilespmem:s23+$0xB3B0]  }
0x1f0: {  	v63 =	vld [tilespmem:s23+$0xB340]  }
0x1f1: {  	v36 =	vld [tilespmem:s23+$0xB3C0]  }
0x1f2: {  	v37 =	vld [tilespmem:s23+$0xB350]  }
0x1f3: {  	v38 =	vld [tilespmem:s23+$0xB3D0]  }
0x1f4: {  	v39 =	vld [tilespmem:s23+$0xB360]  }
0x1f5: {  	v40 =	vld [tilespmem:s23+$0xB3E0]  }
0x1f6: {  	v41 =	vld [tilespmem:s23+$0xB370]  }
0x1f7: {  	v42 =	vld [tilespmem:s23+$0xB3F0]  }
0x1f8: {  	v43 =	vld [tilespmem:s23+$0xB700]  }
0x1f9: {  	v44 =	vld [tilespmem:s23+$0xB780]  }
0x1fa: {  	v45 =	vld [tilespmem:s23+$0xB710]  }
0x1fb: {  	v46 =	vld [tilespmem:s23+$0xB790]  }
0x1fc: {  	v47 =	vld [tilespmem:s23+$0xB720]  }
0x1fd: {  	v48 =	vld [tilespmem:s23+$0xB7A0]  }
0x1fe: {  	v49 =	vld [tilespmem:s23+$0xB730]  }
0x1ff: {  	v50 =	vld [tilespmem:s23+$0xB7B0]  }
0x200: {  	v51 =	vld [tilespmem:s23+$0xB740]  }
0x201: {  	v52 =	vld [tilespmem:s23+$0xB7C0]  }
0x202: {  	v53 =	vld [tilespmem:s23+$0xB750]  }
0x203: {  	v54 =	vld [tilespmem:s23+$0xB7D0]  }
0x204: {  	v34 =	vld [tilespmem:s23+$0xB760];
	v6 =	vmul.f32 v6, v4;
	v7 =	vmul.f32 v7, v5  }
0x205: {  	v35 =	vld [tilespmem:s23+$0xB7E0];
	v8 =	vmul.f32 v8, v4;
	v9 =	vmul.f32 v58, v5  }
0x206: {  	v11 =	vld [tilespmem:s23+$0xB770];
	v55 =	vmul.f32 v59, v4;
	v56 =	vmul.f32 v60, v5;
	v6 =	vadd.f32 v7, v6  }
0x207: {  	s25 =	sor.u32 $0x1000, s22;
	v13 =	vld [tilespmem:s23+$0xB7F0];
	v57 =	vmul.f32 v61, v4;
	v58 =	vmul.f32 v62, v5;
	v8 =	vadd.f32 v9, v8  }
0x208: {  	s26 =	sor.u32 $0x1010, s22;
	v59 =	vmul.f32 v63, v4;
	v60 =	vmul.f32 v36, v5;
	v7 =	vadd.f32 v56, v55;
	[tilespmem:s25+$0x0] =	vst.add.f32.msk $0xffff, v6  }
0x209: {  	s23 =	sor.u32 $0x1020, s22;
	v62 =	vmul.f32 v37, v4;
	v63 =	vmul.f32 v38, v5;
	v61 =	vadd.f32 v58, v57;
	[tilespmem:s26+$0x0] =	vst.add.f32.msk $0xffff, v8  }
0x20a: {  	s24 =	sor.u32 $0x1030, s22;
	v17 =	vmul.f32 v39, v4;
	v18 =	vmul.f32 v40, v5;
	v16 =	vadd.f32 v60, v59;
	[tilespmem:s23+$0x0] =	vst.add.f32.msk $0xffff, v7  }
0x20b: {  	v20 =	vmul.f32 v41, v4;
	v36 =	vmul.f32 v42, v5;
	v19 =	vadd.f32 v63, v62;
	s25 =	sor.u32 $0x1040, s22;
	[tilespmem:s24+$0x0] =	vst.add.f32.msk $0xffff, v61  }
0x20c: {  	v38 =	vmul.f32 v43, v4;
	v39 =	vmul.f32 v44, v5;
	v37 =	vadd.f32 v18, v17;
	s26 =	sor.u32 $0x1050, s22;
	[tilespmem:s25+$0x0] =	vst.add.f32.msk $0xffff, v16  }
0x20d: {  	v41 =	vmul.f32 v45, v4;
	v42 =	vmul.f32 v46, v5;
	v40 =	vadd.f32 v36, v20;
	s23 =	sor.u32 $0x1060, s22;
	[tilespmem:s26+$0x0] =	vst.add.f32.msk $0xffff, v19  }
0x20e: {  	v44 =	vmul.f32 v47, v4;
	v45 =	vmul.f32 v48, v5;
	v43 =	vadd.f32 v39, v38;
	s24 =	sor.u32 $0x1070, s22;
	[tilespmem:s23+$0x0] =	vst.add.f32.msk $0xffff, v37  }
0x20f: {  	v47 =	vmul.f32 v49, v4;
	v48 =	vmul.f32 v50, v5;
	v46 =	vadd.f32 v42, v41;
	[tilespmem:s24+$0x0] =	vst.add.f32.msk $0xffff, v40  }
0x210: {  	v50 =	vmul.f32 v51, v4;
	v51 =	vmul.f32 v52, v5;
	v49 =	vadd.f32 v45, v44;
	[tilespmem:s22+$0x1400] =	vst.add.f32.msk $0xffff, v43  }
0x211: {  	v53 =	vmul.f32 v53, v4;
	v54 =	vmul.f32 v54, v5;
	v52 =	vadd.f32 v48, v47;
	[tilespmem:s22+$0x1410] =	vst.add.f32.msk $0xffff, v46  }
0x212: {  	v55 =	vadd.f32 v51, v50;
	v56 =	vmul.f32 v34, v4;
	v57 =	vmul.f32 v35, v5;
	[tilespmem:s22+$0x1420] =	vst.add.f32.msk $0xffff, v49  }
0x213: {  	v58 =	vadd.f32 v54, v53;
	v59 =	vmul.f32 v11, v4;
	v60 =	vmul.f32 v13, v5;
	[tilespmem:s22+$0x1430] =	vst.add.f32.msk $0xffff, v52  }
0x214: {  	v61 =	vadd.f32 v57, v56;
	s25 =	sand.u32 $0x3, s17;
	[tilespmem:s22+$0x1440] =	vst.add.f32.msk $0xffff, v55  }
0x215: {  	v62 =	vadd.f32 v60, v59;
	s12 =	sshll.u32 s25, $0x8;
	[tilespmem:s22+$0x1450] =	vst.add.f32.msk $0xffff, v58  }
0x216: {  	s24 =	sadd.s32 s12, s18;
	[tilespmem:s22+$0x1460] =	vst.add.f32.msk $0xffff, v61  }
0x217: {  	[tilespmem:s22+$0x1470] =	vst.add.f32.msk $0xffff, v62;
	s12 =	sor.u32 $0x1800, s24  }
0x218: {  	s23 =	sadd.s32 $0x80, s24;
	s25 =	sor.u32 $0x1810, s24;
	v6 =	vld [tilespmem:s12+$0xA300]  }
0x219: {  	s26 =	sor.u32 $0x1800, s23;
	v8 =	vld [tilespmem:s25+$0xA300]  }
0x21a: {  	s25 =	sor.u32 $0x1820, s24;
	v7 =	vld [tilespmem:s26+$0xA300]  }
0x21b: {  	s26 =	sor.u32 $0x1810, s23;
	v36 =	vld [tilespmem:s25+$0xA300]  }
0x21c: {  	s25 =	sor.u32 $0x1830, s24;
	v63 =	vld [tilespmem:s26+$0xA300]  }
0x21d: {  	s26 =	sor.u32 $0x1820, s23;
	v38 =	vld [tilespmem:s25+$0xA300]  }
0x21e: {  	s25 =	sor.u32 $0x1840, s24;
	v37 =	vld [tilespmem:s26+$0xA300]  }
0x21f: {  	s26 =	sor.u32 $0x1830, s23;
	v40 =	vld [tilespmem:s25+$0xA300]  }
0x220: {  	s25 =	sor.u32 $0x1850, s24;
	v39 =	vld [tilespmem:s26+$0xA300]  }
0x221: {  	s26 =	sor.u32 $0x1840, s23;
	v42 =	vld [tilespmem:s25+$0xA300]  }
0x222: {  	s25 =	sor.u32 $0x1860, s24;
	v41 =	vld [tilespmem:s26+$0xA300]  }
0x223: {  	s26 =	sor.u32 $0x1850, s23;
	v44 =	vld [tilespmem:s25+$0xA300]  }
0x224: {  	s25 =	sor.u32 $0x1870, s24;
	v43 =	vld [tilespmem:s26+$0xA300]  }
0x225: {  	s26 =	sor.u32 $0x1860, s23;
	v46 =	vld [tilespmem:s25+$0xA300]  }
0x226: {  	s25 =	sor.u32 $0x1C00, s24;
	v45 =	vld [tilespmem:s26+$0xA300]  }
0x227: {  	s26 =	sor.u32 $0x1870, s23;
	v48 =	vld [tilespmem:s25+$0xA300]  }
0x228: {  	s25 =	sor.u32 $0x1C10, s24;
	v47 =	vld [tilespmem:s26+$0xA300]  }
0x229: {  	s26 =	sor.u32 $0x1C00, s23;
	v50 =	vld [tilespmem:s25+$0xA300]  }
0x22a: {  	s25 =	sor.u32 $0x1C20, s24;
	v49 =	vld [tilespmem:s26+$0xA300]  }
0x22b: {  	s26 =	sor.u32 $0x1C10, s23;
	v52 =	vld [tilespmem:s25+$0xA300]  }
0x22c: {  	s25 =	sor.u32 $0x1C30, s24;
	v51 =	vld [tilespmem:s26+$0xA300]  }
0x22d: {  	s26 =	sor.u32 $0x1C20, s23;
	v54 =	vld [tilespmem:s25+$0xA300]  }
0x22e: {  	s25 =	sor.u32 $0x1C40, s24;
	v53 =	vld [tilespmem:s26+$0xA300]  }
0x22f: {  	s26 =	sor.u32 $0x1C30, s23;
	v56 =	vld [tilespmem:s25+$0xA300]  }
0x230: {  	s25 =	sor.u32 $0x1C50, s24;
	v55 =	vld [tilespmem:s26+$0xA300]  }
0x231: {  	s26 =	sor.u32 $0x1C40, s23;
	v58 =	vld [tilespmem:s25+$0xA300]  }
0x232: {  	s25 =	sor.u32 $0x1C60, s24;
	v57 =	vld [tilespmem:s26+$0xA300]  }
0x233: {  	s26 =	sor.u32 $0x1C50, s23;
	v34 =	vld [tilespmem:s25+$0xA300]  }
0x234: {  	v6 =	vmul.f32 v6, v4;
	v7 =	vmul.f32 v7, v5;
	s25 =	sor.u32 $0x1C70, s24;
	v59 =	vld [tilespmem:s26+$0xA300]  }
0x235: {  	v8 =	vmul.f32 v8, v4;
	v9 =	vmul.f32 v63, v5;
	s26 =	sor.u32 $0x1C60, s23;
	v11 =	vld [tilespmem:s25+$0xA300]  }
0x236: {  	v60 =	vmul.f32 v36, v4;
	v6 =	vadd.f32 v7, v6;
	v61 =	vmul.f32 v37, v5;
	v35 =	vld [tilespmem:s26+$0xA300];
	s26 =	sor.u32 $0x1C70, s23  }
0x237: {  	v62 =	vmul.f32 v38, v4;
	v8 =	vadd.f32 v9, v8;
	v63 =	vmul.f32 v39, v5;
	s23 =	sor.u32 $0x1800, s22;
	v36 =	vld [tilespmem:s26+$0xA300]  }
0x238: {  	v37 =	vmul.f32 v40, v4;
	v7 =	vadd.f32 v61, v60;
	v38 =	vmul.f32 v41, v5;
	s24 =	sor.u32 $0x1810, s22;
	[tilespmem:s23+$0x0] =	vst.add.f32.msk $0xffff, v6  }
0x239: {  	v39 =	vmul.f32 v42, v4;
	v9 =	vadd.f32 v63, v62;
	v40 =	vmul.f32 v43, v5;
	s25 =	sor.u32 $0x1820, s22;
	[tilespmem:s24+$0x0] =	vst.add.f32.msk $0xffff, v8  }
0x23a: {  	v41 =	vmul.f32 v44, v4;
	v42 =	vmul.f32 v45, v5;
	v6 =	vadd.f32 v38, v37;
	s26 =	sor.u32 $0x1830, s22;
	[tilespmem:s25+$0x0] =	vst.add.f32.msk $0xffff, v7  }
0x23b: {  	v43 =	vmul.f32 v46, v4;
	v44 =	vmul.f32 v47, v5;
	s23 =	sor.u32 $0x1840, s22;
	v8 =	vadd.f32 v40, v39;
	[tilespmem:s26+$0x0] =	vst.add.f32.msk $0xffff, v9  }
0x23c: {  	v45 =	vmul.f32 v48, v4;
	v46 =	vmul.f32 v49, v5;
	s24 =	sand.u32 $0x7, s19;
	v7 =	vadd.f32 v42, v41;
	s25 =	sor.u32 $0x1850, s22;
	[tilespmem:s23+$0x0] =	vst.add.f32.msk $0xffff, v6  }
0x23d: {  	v47 =	vmul.f32 v50, v4;
	v48 =	vmul.f32 v51, v5;
	s12 =	sshll.u32 s24, $0x7;
	v9 =	vadd.f32 v44, v43;
	s26 =	sor.u32 $0x1860, s22;
	[tilespmem:s25+$0x0] =	vst.add.f32.msk $0xffff, v8  }
0x23e: {  	v49 =	vmul.f32 v52, v4;
	v50 =	vmul.f32 v53, v5;
	s12 =	sadd.s32 s12, s20;
	s22 =	sor.u32 $0x1870, s22;
	v6 =	vadd.f32 v46, v45;
	[tilespmem:s26+$0x0] =	vst.add.f32.msk $0xffff, v7  }
0x23f: {  	v52 =	vmul.f32 v54, v4;
	v51 =	vadd.f32 v48, v47;
	v53 =	vmul.f32 v55, v5;
	s24 =	sor.u32 $0x1C00, s12;
	[tilespmem:s22+$0x0] =	vst.add.f32.msk $0xffff, v9  }
0x240: {  	v55 =	vmul.f32 v56, v4;
	v54 =	vadd.f32 v50, v49;
	v56 =	vmul.f32 v57, v5;
	s25 =	sor.u32 $0x1C10, s12;
	[tilespmem:s24+$0x16300] =	vst.add.f32.msk $0xffff, v6  }
0x241: {  	v58 =	vmul.f32 v58, v4;
	v57 =	vadd.f32 v53, v52;
	v59 =	vmul.f32 v59, v5;
	s26 =	sor.u32 $0x1C20, s12;
	[tilespmem:s25+$0x16300] =	vst.add.f32.msk $0xffff, v51  }
0x242: {  	p0 =	sne.s32 s21, $0x780;
	v61 =	vmul.f32 v34, v4;
	v60 =	vadd.f32 v56, v55;
	v62 =	vmul.f32 v35, v5;
	s23 =	sor.u32 $0x1C30, s12;
	[tilespmem:s26+$0x16300] =	vst.add.f32.msk $0xffff, v54  }
.Ltmp2:
0x243: {  	v4 =	vmul.f32 v11, v4;
	v8 =	vadd.f32 v59, v58;
	v5 =	vmul.f32 v36, v5;
	s24 =	sor.u32 $0x1C40, s12;
	[tilespmem:s23+$0x16300] =	vst.add.f32.msk $0xffff, v57;
	(pc) =	sbr.rel @p0 .LBB2_7-.Ltmp2, $4  }
0x244: {  	v63 =	vadd.f32 v62, v61;
	s25 =	sor.u32 $0x1C50, s12;
	[tilespmem:s24+$0x16300] =	vst.add.f32.msk $0xffff, v60  }
0x245: {  	s16 =	sadd.s32 $0x100, s16;
	v4 =	vadd.f32 v5, v4;
	s26 =	sor.u32 $0x1C60, s12;
	[tilespmem:s25+$0x16300] =	vst.add.f32.msk $0xffff, v8  }
0x246: {  	s21 =	sadd.s32 $0x80, s21;
	s17 =	sadd.s32 $0x1, s17;
	s12 =	sor.u32 $0x1C70, s12;
	[tilespmem:s26+$0x16300] =	vst.add.f32.msk $0xffff, v63  }
0x247: {  	s18 =	sadd.s32 $0x800, s18;
	s19 =	sadd.s32 $0x1, s19;
	s20 =	sadd.s32 $0x400, s20;
	[tilespmem:s12+$0x16300] =	vst.add.f32.msk $0xffff, v4  }
0x248: {  	s13 =	sadd.s32 $0x1, s13  }
0x249: {  	p0 =	sne.s32 s13, $0x8  }
.Ltmp3:
0x24a: {  	_ = 	snop;
	(pc) =	sbr.rel @p0 .LBB2_2-.Ltmp3, $3  }
0x24b: {  	_ =	sdelay $0x1  }
0x24c: {  	s12 =	sadd.s32 s3, s14;
	s7 =	sadd.s32 $0x400, s7;
	s8 =	sadd.s32 $0x400, s8  }
0x24d: {  	[hbm4b:s12+s4] =	stream.linear.scatter [tilespmem:s28], [sflag:$0x6], $0x4000, $0x38;
	[tilespmem:$0x1A300] =	vst v63  }
0x24e: {  	_ =	swait.ge [sflag:s15], $0x4000  }
0x24f: {  	[sflag:s15] =	ssyncset.done $0x0  }
0x250: {  	s8 =	simm.s32 $0x6;
	[sflag:s15] =	ssyncadd.s32 $0xFFFFC000  }
0x251: {  	_ =	swait.ge [sflag:s8], $0x4000  }
0x252: {  	s12 =	rddreg [dreg:$0x8]  }
0x253: {  	s7 =	rddreg [dreg:$0x7];
	s12 =	sadd.s32 $0x1, s12  }
0x254: {  	p0 =	sne.s32 s12, s7  }
.Ltmp4:
0x255: {  	_ = 	snop;
	(pc) =	sbr.rel @p0 .LBB2_1-.Ltmp4, $3  }
0x256: {  	_ =	sdelay $0x1  }
0x257: {  	[sflag:s8] =	ssyncset.done $0x0  }
0x258: {  	[sflag:s8] =	ssyncadd.s32 $0xFFFFC000  }
0x259: {  	_ =	sfence.sel $0x180000  }
0x25a: {  	[bflag:$0x0] =	sbarrier.arrive $0xFFFF  }
0x25b: {  	_ =	strace $0x90000047  }
0x25c: {  	s0 =	stileid.u32;
	[bflag:$0x2] =	sbarrier.arrive $0xFFFF  }
0x25d: {  	p0 =	sne.s32 s0, $0x0;
	s0 =	rddreg [dreg:$0x3]  }
0x25e: {  	s0 =	sadd.s32 @!p0 $0x100000, s0  }
0x25f: {  	[sflag:s0] =	ssyncadd.tile.s32 @!p0 $0x1;
	_ =	shalt  }
.Lfunc_end2:
_tile_overlayer_lowered:
.L_overlay_start_2:
0x260: {  	(tag) =	ssettag $0x2  }
0x261: {  	s0 =	rddreg [dreg:$0x0];
	s2 =	stileid.u32  }
0x262: {  	s1 =	rddreg [dreg:$0x1];
	p0 =	sne.s32 s2, $0x0  }
0x263: {  	s3 =	rddreg [dreg:$0x2];
	[bflag:$0x3] =	sbarrier.arrive $0xFFFF;
	s2 =	simm.s32 @!p0 $0x1C07  }
0x264: {  	[timem:s3], [sflag:s2] =	dma.local @!p0 [hbm:s0], s1  }
0x265: {  	s0 =	simm.s32 @!p0 $0x7  }
0x266: {  	_ =	swait.ge @!p0 [sflag:s0], s1  }
0x267: {  	s1 =	ssub.s32 @!p0 $0x0, s1;
	[sflag:s0] =	ssyncset.done @!p0 $0x0  }
0x268: {  	[sflag:s0] =	ssyncadd.s32 @!p0 s1  }
0x269: {  	[bflag:$0x3] =	sbarrier.arrive $0xFFFF  }
0x26a: {  	_ =	shalt  }

</sc_bundles>
